<compile_context>
chip_gen: v7x
topology: tpu7x:2x2x1
jax: 0.10.2.dev20260603
libtpu: 0.0.44.dev20260713+nightly
codegen_flags: <defaults>
</compile_context>

<pallas_src>
import functools

import jax
import jax.numpy as jnp
from jax import lax
from jax.experimental import pallas as pl
from jax.experimental.pallas import tpu as pltpu
from jax.experimental.pallas import tpu_sc as plsc

_D = 64
_DP = 128
_B = 16384

_info = plsc.get_sparse_core_info()
_NC, _NS, _L = _info.num_cores, _info.num_subcores, _info.num_lanes
_NW = _NC * _NS
_KU = 524288
_KM = 65536
_BPW = _B // _NW
_C = 64
_NCHUNK = _BPW // _C
_GRP = _C // _L


def _padt_body(lo_ref, hi_ref, out_ref):
    ident = jnp.eye(_D, dtype=jnp.bfloat16)

    def trp(x):
        xt = jax.lax.dot_general(
            x.astype(jnp.bfloat16), ident, (((0,), (0,)), ((), ())),
            preferred_element_type=jnp.float32)
        return pltpu.bitcast(xt.astype(jnp.bfloat16), jnp.int32)

    out_ref[:, 0:_D] = trp(lo_ref[...])
    out_ref[:, _D:_DP] = trp(hi_ref[...])


def _padt_table(table_t, k, block_cols):
    nb = k // block_cols
    nlast = pl.cdiv(table_t.shape[1], block_cols) - 1
    return pl.pallas_call(
        _padt_body,
        grid=(nb,),
        in_specs=[pl.BlockSpec((_D, block_cols), lambda i: (0, i)),
                  pl.BlockSpec(
                      (_D, block_cols),
                      lambda i, _nb=nb, _nl=nlast: (0, jnp.minimum(i + _nb, _nl)))],
        out_specs=pl.BlockSpec((block_cols // 2, _DP), lambda i: (i, 0)),
        out_shape=jax.ShapeDtypeStruct((k // 2, _DP), jnp.int32),
        compiler_params=pltpu.CompilerParams(
            dimension_semantics=("arbitrary",),
            vmem_limit_bytes=55 * 1024 * 1024),
    )(table_t, table_t)


def _bias_body(in_ref, out_ref):
    out_ref[...] = in_ref[...].reshape(out_ref.shape)


def _bias_lin(bias_t, block_cols):
    n = bias_t.shape[1]
    return pl.pallas_call(
        _bias_body,
        grid=(pl.cdiv(n, block_cols),),
        in_specs=[pl.BlockSpec((1, block_cols), lambda i: (0, i))],
        out_specs=pl.BlockSpec((block_cols,), lambda i: (i,)),
        out_shape=jax.ShapeDtypeStruct((n,), jnp.float32),
        compiler_params=pltpu.CompilerParams(
            dimension_semantics=("arbitrary",)),
    )(bias_t)


def _mf_kernel(user_hbm, mission_hbm, utab_hbm, mtab_hbm, ubias_hbm,
               mbias_hbm, out_hbm,
               uidx_v, midx_v, ublk_v, mblk_v, ubufA, mbufA, ubufB, mbufB,
               biasu_v, biasm_v, outv, semA, semB, semC):
    wid = lax.axis_index("s") * _NC + lax.axis_index("c")
    base = wid * _BPW

    pltpu.sync_copy(user_hbm.at[pl.ds(base, _BPW)], uidx_v)
    pltpu.sync_copy(mission_hbm.at[pl.ds(base, _BPW)], midx_v)

    bias_cps = [
        pltpu.async_copy(ubias_hbm.at[uidx_v], biasu_v, semC),
        pltpu.async_copy(mbias_hbm.at[midx_v], biasm_v, semC),
    ]

    def blk_body(i, carry):
        sl = pl.ds(i * _L, _L)
        u = uidx_v[sl]
        m = midx_v[sl]
        ublk_v[sl] = lax.shift_right_logical(lax.bitwise_and(u, _KU - 1), 1)
        mblk_v[sl] = lax.shift_right_logical(lax.bitwise_and(m, _KM - 1), 1)
        return carry

    lax.fori_loop(0, _BPW // _L, blk_body, 0)

    def start(c, ubuf, mbuf, sem):
        sl = pl.ds(c * _C, _C)
        pltpu.async_copy(utab_hbm.at[ublk_v.at[sl]], ubuf, sem)
        pltpu.async_copy(mtab_hbm.at[mblk_v.at[sl]], mbuf, sem)

    def wait(ubuf, mbuf, sem):
        pltpu.make_async_copy(utab_hbm.at[pl.ds(0, _C)], ubuf, sem).wait()
        pltpu.make_async_copy(mtab_hbm.at[pl.ds(0, _C)], mbuf, sem).wait()

    lane = jnp.arange(_L, dtype=jnp.int32)

    def compute(c, ubuf, mbuf):
        def grp_body(g, carry):
            sl = pl.ds(c * _C + g * _L, _L)
            acc = biasu_v[sl] + biasm_v[sl]
            row = g * _L + lane
            u = uidx_v[sl]
            m = midx_v[sl]
            ucol0 = lax.shift_right_logical(u, 19) * _D
            mcol0 = lax.shift_right_logical(m, 16) * _D
            usel = lax.bitwise_and(u, 1) == 1
            msel = lax.bitwise_and(m, 1) == 1
            for d in range(_D):
                up = plsc.load_gather(ubuf, [row, ucol0 + d])
                mp = plsc.load_gather(mbuf, [row, mcol0 + d])
                ua, ub = plsc.unpack(plsc.bitcast(up, jnp.bfloat16),
                                     format=plsc.PackFormat.INTERLEAVED)
                ma, mb2 = plsc.unpack(plsc.bitcast(mp, jnp.bfloat16),
                                      format=plsc.PackFormat.INTERLEAVED)
                uu = jnp.where(usel, ub, ua)
                mm = jnp.where(msel, mb2, ma)
                acc = acc + uu * mm
            outv[sl] = acc
            return carry

        lax.fori_loop(0, _GRP, grp_body, 0)

    start(0, ubufA, mbufA, semA)
    for cp in bias_cps:
        cp.wait()

    def pipe_body(g, carry):
        cA = 2 * g
        cB = cA + 1
        start(cB, ubufB, mbufB, semB)
        wait(ubufA, mbufA, semA)
        compute(cA, ubufA, mbufA)

        @pl.when(cA + 2 < _NCHUNK)
        def _():
            start(cA + 2, ubufA, mbufA, semA)

        wait(ubufB, mbufB, semB)
        compute(cB, ubufB, mbufB)
        return carry

    lax.fori_loop(0, _NCHUNK // 2, pipe_body, 0)

    pltpu.sync_copy(outv, out_hbm.at[pl.ds(base, _BPW)])


@jax.jit
def _mf(user, mission, user_table, mission_table, user_bias, mission_bias):
    utab = _padt_table(user_table.T, _KU, 16384)
    mtab = _padt_table(mission_table.T, _KM, 16384)
    user_bias = _bias_lin(user_bias.T, 65536)
    mission_bias = _bias_lin(mission_bias.T, 65536)
    mesh = plsc.VectorSubcoreMesh(core_axis_name="c", subcore_axis_name="s")
    run = functools.partial(
        pl.kernel,
        mesh=mesh,
        compiler_params=pltpu.CompilerParams(
            needs_layout_passes=False, use_tc_tiling_on_sc=False),
        out_type=jax.ShapeDtypeStruct((_B,), jnp.float32),
        scratch_types=[
            pltpu.VMEM((_BPW,), jnp.int32),
            pltpu.VMEM((_BPW,), jnp.int32),
            pltpu.VMEM((_BPW,), jnp.int32),
            pltpu.VMEM((_BPW,), jnp.int32),
            pltpu.VMEM((_C, _DP), jnp.int32),
            pltpu.VMEM((_C, _DP), jnp.int32),
            pltpu.VMEM((_C, _DP), jnp.int32),
            pltpu.VMEM((_C, _DP), jnp.int32),
            pltpu.VMEM((_BPW,), jnp.float32),
            pltpu.VMEM((_BPW,), jnp.float32),
            pltpu.VMEM((_BPW,), jnp.float32),
            pltpu.SemaphoreType.DMA,
            pltpu.SemaphoreType.DMA,
            pltpu.SemaphoreType.DMA,
        ],
    )(_mf_kernel)
    return run(user, mission, utab, mtab, user_bias, mission_bias)


def kernel(user, mission, user_table, mission_table, user_bias, mission_bias):
    return _mf(user.astype(jnp.int32), mission.astype(jnp.int32),
               user_table, mission_table, user_bias, mission_bias)

# --- scband reference (transcript-rebuilt; emitter-appended) ---
"""Pipeline reference for scband-mf-11682311045647 (READ-ONLY COPY).

The authoritative reference and input builder live on the scoring server;
editing this copy changes nothing except your own understanding.
"""

import jax, jax.numpy as jnp
import numpy as np

NUM_USERS = 1000000
NUM_MISSIONS = 100000
EMBED_DIM = 64
BATCH = 16384


def setup_inputs(seed: int = 0) -> dict:
    key = jax.random.key(seed)
    k1, k2, k3, k4, k5, k6 = jax.random.split(key, 6)
    # xavier_uniform bounds for embedding weights
    bound_u = float(np.sqrt(6.0 / (NUM_USERS + EMBED_DIM)))
    bound_m = float(np.sqrt(6.0 / (NUM_MISSIONS + EMBED_DIM)))
    user_table = jax.random.uniform(k1, (NUM_USERS, EMBED_DIM), minval=-bound_u, maxval=bound_u, dtype=jnp.float32)
    mission_table = jax.random.uniform(k2, (NUM_MISSIONS, EMBED_DIM), minval=-bound_m, maxval=bound_m, dtype=jnp.float32)
    user_bias = jnp.zeros((NUM_USERS, 1), dtype=jnp.float32)
    mission_bias = jnp.zeros((NUM_MISSIONS, 1), dtype=jnp.float32)
    user = jax.random.randint(k3, (BATCH,), 0, NUM_USERS, dtype=jnp.int64 if jax.config.jax_enable_x64 else jnp.int32)
    mission = jax.random.randint(k4, (BATCH,), 0, NUM_MISSIONS, dtype=jnp.int64 if jax.config.jax_enable_x64 else jnp.int32)
    return {
        "user": user,
        "mission": mission,
        "user_table": user_table,
        "mission_table": mission_table,
        "user_bias": user_bias,
        "mission_bias": mission_bias,
    }


def reference(user, mission, user_table, mission_table, user_bias, mission_bias):
    # MF.forward in training mode (module default after __init__): raw dot, no relu
    user_emb = jnp.take(user_table, user, axis=0)          # [B, D]
    mission_emb = jnp.take(mission_table, mission, axis=0)  # [B, D]
    ub = jnp.take(user_bias, user, axis=0)                  # [B, 1]
    mb = jnp.take(mission_bias, mission, axis=0)            # [B, 1]
    dot = jnp.sum(user_emb * mission_emb, axis=1, keepdims=True) + ub + mb
    return dot.reshape(-1)

if __name__ == "__main__":
    import jax
    _d = setup_inputs()
    print(jax.jit(kernel)(*tuple(_d.values())))

</pallas_src>

<mosaic_0001>
#map = affine_map<(d0, d1) -> (0)>
#map1 = affine_map<(d0, d1) -> (0, 0)>
module attributes {stable_mosaic.version = 14 : i64} {
  func.func @_mf_kernel(%arg0: i32, %arg1: i32, %arg2: memref<16384xi32, #tpu.memory_space<hbm>>, %arg3: memref<16384xi32, #tpu.memory_space<hbm>>, %arg4: memref<262144x128xi32, #tpu.memory_space<hbm>>, %arg5: memref<32768x128xi32, #tpu.memory_space<hbm>>, %arg6: memref<1000000xf32, #tpu.memory_space<hbm>>, %arg7: memref<100000xf32, #tpu.memory_space<hbm>>, %arg8: memref<16384xf32, #tpu.memory_space<hbm>>, %arg9: memref<512xi32, #tpu.memory_space<vmem>>, %arg10: memref<512xi32, #tpu.memory_space<vmem>>, %arg11: memref<512xi32, #tpu.memory_space<vmem>>, %arg12: memref<512xi32, #tpu.memory_space<vmem>>, %arg13: memref<64x128xi32, #tpu.memory_space<vmem>>, %arg14: memref<64x128xi32, #tpu.memory_space<vmem>>, %arg15: memref<64x128xi32, #tpu.memory_space<vmem>>, %arg16: memref<64x128xi32, #tpu.memory_space<vmem>>, %arg17: memref<512xf32, #tpu.memory_space<vmem>>, %arg18: memref<512xf32, #tpu.memory_space<vmem>>, %arg19: memref<512xf32, #tpu.memory_space<vmem>>, %arg20: memref<!tpu.dma_semaphore, #tpu.memory_space<semaphore_mem>>, %arg21: memref<!tpu.dma_semaphore, #tpu.memory_space<semaphore_mem>>, %arg22: memref<!tpu.dma_semaphore, #tpu.memory_space<semaphore_mem>>) attributes {dimension_semantics = [#tpu.dimension_semantics<core_parallel>, #tpu.dimension_semantics<subcore_parallel>], iteration_bounds = array<i64: 2, 16>, scalar_prefetch = 0 : i64, scratch_operands = 14 : i64, tpu.core_type = #tpu.core_type<sc_vector_subcore>, window_params = [{transform_indices = #map}, {transform_indices = #map}, {transform_indices = #map1}, {transform_indices = #map1}, {transform_indices = #map}, {transform_indices = #map}, {transform_indices = #map}]} {
    %mul3A = arith.constant 2 : i32
    %mul3A_0 = arith.muli %arg1, %mul3A : i32
    %add3A = arith.addi %mul3A_0, %arg0 : i32
    %mul3A_1 = arith.constant 512 : i32
    %mul3A_2 = arith.muli %add3A, %mul3A_1 : i32
    "tpu.region"() ({
      %run_scoped3A = tpu.sem_alloc : memref<!tpu.dma_semaphore, #tpu.memory_space<semaphore_mem>>
      %dma_start3A_30 = tpu.memref_slice %arg2[%mul3A_2] : memref<16384xi32, #tpu.memory_space<hbm>> -> memref<512xi32, #tpu.memory_space<hbm>>
      %dma_start3A_31 = tpu.memref_slice %arg2[%mul3A_2] : memref<16384xi32, #tpu.memory_space<hbm>> -> memref<512xi32, #tpu.memory_space<hbm>>
      tpu.enqueue_dma source(%dma_start3A_31 : memref<512xi32, #tpu.memory_space<hbm>>) target(%arg9 : memref<512xi32, #tpu.memory_space<vmem>>) target_semaphore(%run_scoped3A : memref<!tpu.dma_semaphore, #tpu.memory_space<semaphore_mem>>)
      %dma_wait3A_32 = tpu.memref_slice %arg2[%mul3A_2] : memref<16384xi32, #tpu.memory_space<hbm>> -> memref<512xi32, #tpu.memory_space<hbm>>
      %dma_wait3A_33 = tpu.memref_slice %arg2[%mul3A_2] : memref<16384xi32, #tpu.memory_space<hbm>> -> memref<512xi32, #tpu.memory_space<hbm>>
      tpu.wait_dma2 semaphore(%run_scoped3A : memref<!tpu.dma_semaphore, #tpu.memory_space<semaphore_mem>>) src(%dma_wait3A_33 : memref<512xi32, #tpu.memory_space<hbm>>) dst(%arg9 : memref<512xi32, #tpu.memory_space<vmem>>)
      tpu.yield
    }) : () -> ()
    "tpu.region"() ({
      %run_scoped3A = tpu.sem_alloc : memref<!tpu.dma_semaphore, #tpu.memory_space<semaphore_mem>>
      %dma_start3A_30 = tpu.memref_slice %arg3[%mul3A_2] : memref<16384xi32, #tpu.memory_space<hbm>> -> memref<512xi32, #tpu.memory_space<hbm>>
      %dma_start3A_31 = tpu.memref_slice %arg3[%mul3A_2] : memref<16384xi32, #tpu.memory_space<hbm>> -> memref<512xi32, #tpu.memory_space<hbm>>
      tpu.enqueue_dma source(%dma_start3A_31 : memref<512xi32, #tpu.memory_space<hbm>>) target(%arg10 : memref<512xi32, #tpu.memory_space<vmem>>) target_semaphore(%run_scoped3A : memref<!tpu.dma_semaphore, #tpu.memory_space<semaphore_mem>>)
      %dma_wait3A_32 = tpu.memref_slice %arg3[%mul3A_2] : memref<16384xi32, #tpu.memory_space<hbm>> -> memref<512xi32, #tpu.memory_space<hbm>>
      %dma_wait3A_33 = tpu.memref_slice %arg3[%mul3A_2] : memref<16384xi32, #tpu.memory_space<hbm>> -> memref<512xi32, #tpu.memory_space<hbm>>
      tpu.wait_dma2 semaphore(%run_scoped3A : memref<!tpu.dma_semaphore, #tpu.memory_space<semaphore_mem>>) src(%dma_wait3A_33 : memref<512xi32, #tpu.memory_space<hbm>>) dst(%arg10 : memref<512xi32, #tpu.memory_space<vmem>>)
      tpu.yield
    }) : () -> ()
    %dma_start3A = arith.constant 0 : i32
    %dma_start3A_3 = tpu.memref_slice %arg6[%dma_start3A] : memref<1000000xf32, #tpu.memory_space<hbm>> -> memref<1000000xf32, #tpu.memory_space<hbm>>
    tpu.enqueue_indirect_dma source(%dma_start3A_3 : memref<1000000xf32, #tpu.memory_space<hbm>>) target(%arg17 : memref<512xf32, #tpu.memory_space<vmem>>) offsets(%arg9 : memref<512xi32, #tpu.memory_space<vmem>>) semaphore(%arg22 : memref<!tpu.dma_semaphore, #tpu.memory_space<semaphore_mem>>)
    %dma_start3A_4 = arith.constant 0 : i32
    %dma_start3A_5 = tpu.memref_slice %arg7[%dma_start3A_4] : memref<100000xf32, #tpu.memory_space<hbm>> -> memref<100000xf32, #tpu.memory_space<hbm>>
    tpu.enqueue_indirect_dma source(%dma_start3A_5 : memref<100000xf32, #tpu.memory_space<hbm>>) target(%arg18 : memref<512xf32, #tpu.memory_space<vmem>>) offsets(%arg10 : memref<512xi32, #tpu.memory_space<vmem>>) semaphore(%arg22 : memref<!tpu.dma_semaphore, #tpu.memory_space<semaphore_mem>>)
    %scan3A = arith.constant 0 : i32
    %scan3A_6 = arith.constant 0 : i32
    %scan3A_7 = arith.constant 32 : i32
    %scan3A_8 = arith.addi %scan3A_6, %scan3A_7 : i32
    %scan3A_9 = arith.constant 1 : i32
    scf.for %scan3A_30 = %scan3A_6 to %scan3A_8 step %scan3A_9  : i32 {
      %mul3A_31 = arith.constant 16 : i32
      %mul3A_32 = arith.muli %scan3A_30, %mul3A_31 : i32
      %get3A = arith.index_cast %mul3A_32 : i32 to index
      %get3A_33 = tpu.vector_load %arg9[%get3A] {strides = array<i32>} : memref<512xi32, #tpu.memory_space<vmem>>, vector<16xi32>,
      %get3A_34 = arith.index_cast %mul3A_32 : i32 to index
      %get3A_35 = tpu.vector_load %arg10[%get3A_34] {strides = array<i32>} : memref<512xi32, #tpu.memory_space<vmem>>, vector<16xi32>,
      %and3A = arith.constant 524287 : i32
      %and3A_36 = vector.broadcast %and3A : i32 to vector<16xi32>
      %and3A_37 = arith.andi %get3A_33, %and3A_36 : vector<16xi32>
      %shift_right_logical3A = arith.constant 1 : i32
      %shift_right_logical3A_38 = vector.broadcast %shift_right_logical3A : i32 to vector<16xi32>
      %shift_right_logical3A_39 = arith.shrui %and3A_37, %shift_right_logical3A_38 : vector<16xi32>
      %swap3A = arith.index_cast %mul3A_32 : i32 to index
      %swap3A_40 = tpu.vector_load %arg11[%swap3A] {strides = array<i32>} : memref<512xi32, #tpu.memory_space<vmem>>, vector<16xi32>,
      tpu.vector_store %arg11[%swap3A], %shift_right_logical3A_39 {strides = array<i32>} : memref<512xi32, #tpu.memory_space<vmem>>, vector<16xi32>,
      %and3A_41 = arith.constant 65535 : i32
      %and3A_42 = vector.broadcast %and3A_41 : i32 to vector<16xi32>
      %and3A_43 = arith.andi %get3A_35, %and3A_42 : vector<16xi32>
      %shift_right_logical3A_44 = arith.constant 1 : i32
      %shift_right_logical3A_45 = vector.broadcast %shift_right_logical3A_44 : i32 to vector<16xi32>
      %shift_right_logical3A_46 = arith.shrui %and3A_43, %shift_right_logical3A_45 : vector<16xi32>
      %swap3A_47 = arith.index_cast %mul3A_32 : i32 to index
      %swap3A_48 = tpu.vector_load %arg12[%swap3A_47] {strides = array<i32>} : memref<512xi32, #tpu.memory_space<vmem>>, vector<16xi32>,
      tpu.vector_store %arg12[%swap3A_47], %shift_right_logical3A_46 {strides = array<i32>} : memref<512xi32, #tpu.memory_space<vmem>>, vector<16xi32>,
    }
    %scan3A_10 = arith.constant 32 : i32
    %iota3A = tpu.iota {dimensions = array<i32: 0>} : vector<16xi32>
    %dma_start3A_11 = arith.constant 0 : i32
    %dma_start3A_12 = tpu.memref_slice %arg11[%dma_start3A_11] : memref<512xi32, #tpu.memory_space<vmem>> -> memref<64xi32, #tpu.memory_space<vmem>>
    %dma_start3A_13 = arith.constant 0 : i32
    %dma_start3A_14 = arith.constant 0 : i32
    %dma_start3A_15 = tpu.memref_slice %arg4[%dma_start3A_13, %dma_start3A_14] : memref<262144x128xi32, #tpu.memory_space<hbm>> -> memref<262144x128xi32, #tpu.memory_space<hbm>>
    tpu.enqueue_indirect_dma source(%dma_start3A_15 : memref<262144x128xi32, #tpu.memory_space<hbm>>) target(%arg13 : memref<64x128xi32, #tpu.memory_space<vmem>>) offsets(%dma_start3A_12 : memref<64xi32, #tpu.memory_space<vmem>>) semaphore(%arg20 : memref<!tpu.dma_semaphore, #tpu.memory_space<semaphore_mem>>)
    %dma_start3A_16 = arith.constant 0 : i32
    %dma_start3A_17 = tpu.memref_slice %arg12[%dma_start3A_16] : memref<512xi32, #tpu.memory_space<vmem>> -> memref<64xi32, #tpu.memory_space<vmem>>
    %dma_start3A_18 = arith.constant 0 : i32
    %dma_start3A_19 = arith.constant 0 : i32
    %dma_start3A_20 = tpu.memref_slice %arg5[%dma_start3A_18, %dma_start3A_19] : memref<32768x128xi32, #tpu.memory_space<hbm>> -> memref<32768x128xi32, #tpu.memory_space<hbm>>
    tpu.enqueue_indirect_dma source(%dma_start3A_20 : memref<32768x128xi32, #tpu.memory_space<hbm>>) target(%arg14 : memref<64x128xi32, #tpu.memory_space<vmem>>) offsets(%dma_start3A_17 : memref<64xi32, #tpu.memory_space<vmem>>) semaphore(%arg20 : memref<!tpu.dma_semaphore, #tpu.memory_space<semaphore_mem>>)
    %dma_wait3A = arith.constant 0 : i32
    %dma_wait3A_21 = tpu.memref_slice %arg6[%dma_wait3A] : memref<1000000xf32, #tpu.memory_space<hbm>> -> memref<1000000xf32, #tpu.memory_space<hbm>>
    tpu.wait_indirect_dma semaphore(%arg22 : memref<!tpu.dma_semaphore, #tpu.memory_space<semaphore_mem>>) src(%dma_wait3A_21 : memref<1000000xf32, #tpu.memory_space<hbm>>) dst(%arg17 : memref<512xf32, #tpu.memory_space<vmem>>)
    %dma_wait3A_22 = arith.constant 0 : i32
    %dma_wait3A_23 = tpu.memref_slice %arg7[%dma_wait3A_22] : memref<100000xf32, #tpu.memory_space<hbm>> -> memref<100000xf32, #tpu.memory_space<hbm>>
    tpu.wait_indirect_dma semaphore(%arg22 : memref<!tpu.dma_semaphore, #tpu.memory_space<semaphore_mem>>) src(%dma_wait3A_23 : memref<100000xf32, #tpu.memory_space<hbm>>) dst(%arg18 : memref<512xf32, #tpu.memory_space<vmem>>)
    %scan3A_24 = arith.constant 0 : i32
    %scan3A_25 = arith.constant 0 : i32
    %scan3A_26 = arith.constant 4 : i32
    %scan3A_27 = arith.addi %scan3A_25, %scan3A_26 : i32
    %scan3A_28 = arith.constant 1 : i32
    scf.for %scan3A_30 = %scan3A_25 to %scan3A_27 step %scan3A_28  : i32 {
      %mul3A_31 = arith.constant 2 : i32
      %mul3A_32 = arith.muli %mul3A_31, %scan3A_30 : i32
      %add3A_33 = arith.constant 1 : i32
      %add3A_34 = arith.addi %mul3A_32, %add3A_33 : i32
      %mul3A_35 = arith.constant 64 : i32
      %mul3A_36 = arith.muli %add3A_34, %mul3A_35 : i32
      %dma_start3A_37 = tpu.memref_slice %arg11[%mul3A_36] : memref<512xi32, #tpu.memory_space<vmem>> -> memref<64xi32, #tpu.memory_space<vmem>>
      %dma_start3A_38 = arith.constant 0 : i32
      %dma_start3A_39 = arith.constant 0 : i32
      %dma_start3A_40 = tpu.memref_slice %arg4[%dma_start3A_38, %dma_start3A_39] : memref<262144x128xi32, #tpu.memory_space<hbm>> -> memref<262144x128xi32, #tpu.memory_space<hbm>>
      tpu.enqueue_indirect_dma source(%dma_start3A_40 : memref<262144x128xi32, #tpu.memory_space<hbm>>) target(%arg15 : memref<64x128xi32, #tpu.memory_space<vmem>>) offsets(%dma_start3A_37 : memref<64xi32, #tpu.memory_space<vmem>>) semaphore(%arg21 : memref<!tpu.dma_semaphore, #tpu.memory_space<semaphore_mem>>)
      %dma_start3A_41 = tpu.memref_slice %arg12[%mul3A_36] : memref<512xi32, #tpu.memory_space<vmem>> -> memref<64xi32, #tpu.memory_space<vmem>>
      %dma_start3A_42 = arith.constant 0 : i32
      %dma_start3A_43 = arith.constant 0 : i32
      %dma_start3A_44 = tpu.memref_slice %arg5[%dma_start3A_42, %dma_start3A_43] : memref<32768x128xi32, #tpu.memory_space<hbm>> -> memref<32768x128xi32, #tpu.memory_space<hbm>>
      tpu.enqueue_indirect_dma source(%dma_start3A_44 : memref<32768x128xi32, #tpu.memory_space<hbm>>) target(%arg16 : memref<64x128xi32, #tpu.memory_space<vmem>>) offsets(%dma_start3A_41 : memref<64xi32, #tpu.memory_space<vmem>>) semaphore(%arg21 : memref<!tpu.dma_semaphore, #tpu.memory_space<semaphore_mem>>)
      %dma_wait3A_45 = arith.constant 0 : i32
      %dma_wait3A_46 = arith.constant 0 : i32
      %dma_wait3A_47 = tpu.memref_slice %arg4[%dma_wait3A_45, %dma_wait3A_46] : memref<262144x128xi32, #tpu.memory_space<hbm>> -> memref<64x128xi32, #tpu.memory_space<hbm>>
      %dma_wait3A_48 = arith.constant 0 : i32
      %dma_wait3A_49 = arith.constant 0 : i32
      %dma_wait3A_50 = tpu.memref_slice %arg4[%dma_wait3A_48, %dma_wait3A_49] : memref<262144x128xi32, #tpu.memory_space<hbm>> -> memref<64x128xi32, #tpu.memory_space<hbm>>
      tpu.wait_dma2 semaphore(%arg20 : memref<!tpu.dma_semaphore, #tpu.memory_space<semaphore_mem>>) src(%dma_wait3A_50 : memref<64x128xi32, #tpu.memory_space<hbm>>) dst(%arg13 : memref<64x128xi32, #tpu.memory_space<vmem>>)
      %dma_wait3A_51 = arith.constant 0 : i32
      %dma_wait3A_52 = arith.constant 0 : i32
      %dma_wait3A_53 = tpu.memref_slice %arg5[%dma_wait3A_51, %dma_wait3A_52] : memref<32768x128xi32, #tpu.memory_space<hbm>> -> memref<64x128xi32, #tpu.memory_space<hbm>>
      %dma_wait3A_54 = arith.constant 0 : i32
      %dma_wait3A_55 = arith.constant 0 : i32
      %dma_wait3A_56 = tpu.memref_slice %arg5[%dma_wait3A_54, %dma_wait3A_55] : memref<32768x128xi32, #tpu.memory_space<hbm>> -> memref<64x128xi32, #tpu.memory_space<hbm>>
      tpu.wait_dma2 semaphore(%arg20 : memref<!tpu.dma_semaphore, #tpu.memory_space<semaphore_mem>>) src(%dma_wait3A_56 : memref<64x128xi32, #tpu.memory_space<hbm>>) dst(%arg14 : memref<64x128xi32, #tpu.memory_space<vmem>>)
      %scan3A_57 = arith.constant 0 : i32
      %scan3A_58 = arith.constant 0 : i32
      %scan3A_59 = arith.constant 4 : i32
      %scan3A_60 = arith.addi %scan3A_58, %scan3A_59 : i32
      %scan3A_61 = arith.constant 1 : i32
      scf.for %scan3A_85 = %scan3A_58 to %scan3A_60 step %scan3A_61  : i32 {
        %mul3A_86 = arith.constant 64 : i32
        %mul3A_87 = arith.muli %mul3A_32, %mul3A_86 : i32
        %mul3A_88 = arith.constant 16 : i32
        %mul3A_89 = arith.muli %scan3A_85, %mul3A_88 : i32
        %add3A_90 = arith.addi %mul3A_87, %mul3A_89 : i32
        %get3A = arith.index_cast %add3A_90 : i32 to index
        %get3A_91 = tpu.vector_load %arg17[%get3A] {strides = array<i32>} : memref<512xf32, #tpu.memory_space<vmem>>, vector<16xf32>,
        %get3A_92 = arith.index_cast %add3A_90 : i32 to index
        %get3A_93 = tpu.vector_load %arg18[%get3A_92] {strides = array<i32>} : memref<512xf32, #tpu.memory_space<vmem>>, vector<16xf32>,
        %add3A_94 = arith.addf %get3A_91, %get3A_93 : vector<16xf32>
        %mul3A_95 = arith.constant 16 : i32
        %mul3A_96 = arith.muli %scan3A_85, %mul3A_95 : i32
        %add3A_97 = vector.broadcast %mul3A_96 : i32 to vector<16xi32>
        %add3A_98 = arith.addi %add3A_97, %iota3A : vector<16xi32>
        %get3A_99 = arith.index_cast %add3A_90 : i32 to index
        %get3A_100 = tpu.vector_load %arg9[%get3A_99] {strides = array<i32>} : memref<512xi32, #tpu.memory_space<vmem>>, vector<16xi32>,
        %get3A_101 = arith.index_cast %add3A_90 : i32 to index
        %get3A_102 = tpu.vector_load %arg10[%get3A_101] {strides = array<i32>} : memref<512xi32, #tpu.memory_space<vmem>>, vector<16xi32>,
        %shift_right_logical3A = arith.constant 19 : i32
        %shift_right_logical3A_103 = vector.broadcast %shift_right_logical3A : i32 to vector<16xi32>
        %shift_right_logical3A_104 = arith.shrui %get3A_100, %shift_right_logical3A_103 : vector<16xi32>
        %mul3A_105 = arith.constant 64 : i32
        %mul3A_106 = vector.broadcast %mul3A_105 : i32 to vector<16xi32>
        %mul3A_107 = arith.muli %shift_right_logical3A_104, %mul3A_106 : vector<16xi32>
        %shift_right_logical3A_108 = arith.constant 16 : i32
        %shift_right_logical3A_109 = vector.broadcast %shift_right_logical3A_108 : i32 to vector<16xi32>
        %shift_right_logical3A_110 = arith.shrui %get3A_102, %shift_right_logical3A_109 : vector<16xi32>
        %mul3A_111 = arith.constant 64 : i32
        %mul3A_112 = vector.broadcast %mul3A_111 : i32 to vector<16xi32>
        %mul3A_113 = arith.muli %shift_right_logical3A_110, %mul3A_112 : vector<16xi32>
        %and3A = arith.constant 1 : i32
        %and3A_114 = vector.broadcast %and3A : i32 to vector<16xi32>
        %and3A_115 = arith.andi %get3A_100, %and3A_114 : vector<16xi32>
        %eq3A = arith.constant 1 : i32
        %eq3A_116 = vector.broadcast %eq3A : i32 to vector<16xi32>
        %eq3A_117 = arith.cmpi eq, %and3A_115, %eq3A_116 : vector<16xi32>
        %and3A_118 = arith.constant 1 : i32
        %and3A_119 = vector.broadcast %and3A_118 : i32 to vector<16xi32>
        %and3A_120 = arith.andi %get3A_102, %and3A_119 : vector<16xi32>
        %eq3A_121 = arith.constant 1 : i32
        %eq3A_122 = vector.broadcast %eq3A_121 : i32 to vector<16xi32>
        %eq3A_123 = arith.cmpi eq, %and3A_120, %eq3A_122 : vector<16xi32>
        %add3A_124 = arith.constant 0 : i32
        %add3A_125 = vector.broadcast %add3A_124 : i32 to vector<16xi32>
        %add3A_126 = arith.addi %mul3A_107, %add3A_125 : vector<16xi32>
        %gather3A = tpu.vector_load_idx %arg13[%add3A_98, %add3A_126] : memref<64x128xi32, #tpu.memory_space<vmem>>[vector<16xi32>, vector<16xi32>], vector<16xi32>,
        %add3A_127 = arith.constant 0 : i32
        %add3A_128 = vector.broadcast %add3A_127 : i32 to vector<16xi32>
        %add3A_129 = arith.addi %mul3A_113, %add3A_128 : vector<16xi32>
        %gather3A_130 = tpu.vector_load_idx %arg14[%add3A_98, %add3A_129] : memref<64x128xi32, #tpu.memory_space<vmem>>[vector<16xi32>, vector<16xi32>], vector<16xi32>,
        %bitcast3A = vector.bitcast %gather3A : vector<16xi32> to vector<32xbf16>
        %unpack3A = tpu.unpack_subelements %bitcast3A, 0 {pack_format = #tpu.pack_format<interleaved>} : vector<32xbf16> -> vector<16xf32>
        %unpack3A_131 = tpu.unpack_subelements %bitcast3A, 1 {pack_format = #tpu.pack_format<interleaved>} : vector<32xbf16> -> vector<16xf32>
        %bitcast3A_132 = vector.bitcast %gather3A_130 : vector<16xi32> to vector<32xbf16>
        %unpack3A_133 = tpu.unpack_subelements %bitcast3A_132, 0 {pack_format = #tpu.pack_format<interleaved>} : vector<32xbf16> -> vector<16xf32>
        %unpack3A_134 = tpu.unpack_subelements %bitcast3A_132, 1 {pack_format = #tpu.pack_format<interleaved>} : vector<32xbf16> -> vector<16xf32>
        %select_n3A = arith.select %eq3A_117, %unpack3A_131, %unpack3A : vector<16xi1>, vector<16xf32>
        %select_n3A_135 = arith.select %eq3A_123, %unpack3A_134, %unpack3A_133 : vector<16xi1>, vector<16xf32>
        %mul3A_136 = arith.mulf %select_n3A, %select_n3A_135 : vector<16xf32>
        %add3A_137 = arith.addf %add3A_94, %mul3A_136 : vector<16xf32>
        %add3A_138 = arith.constant 1 : i32
        %add3A_139 = vector.broadcast %add3A_138 : i32 to vector<16xi32>
        %add3A_140 = arith.addi %mul3A_107, %add3A_139 : vector<16xi32>
        %gather3A_141 = tpu.vector_load_idx %arg13[%add3A_98, %add3A_140] : memref<64x128xi32, #tpu.memory_space<vmem>>[vector<16xi32>, vector<16xi32>], vector<16xi32>,
        %add3A_142 = arith.constant 1 : i32
        %add3A_143 = vector.broadcast %add3A_142 : i32 to vector<16xi32>
        %add3A_144 = arith.addi %mul3A_113, %add3A_143 : vector<16xi32>
        %gather3A_145 = tpu.vector_load_idx %arg14[%add3A_98, %add3A_144] : memref<64x128xi32, #tpu.memory_space<vmem>>[vector<16xi32>, vector<16xi32>], vector<16xi32>,
        %bitcast3A_146 = vector.bitcast %gather3A_141 : vector<16xi32> to vector<32xbf16>
        %unpack3A_147 = tpu.unpack_subelements %bitcast3A_146, 0 {pack_format = #tpu.pack_format<interleaved>} : vector<32xbf16> -> vector<16xf32>
        %unpack3A_148 = tpu.unpack_subelements %bitcast3A_146, 1 {pack_format = #tpu.pack_format<interleaved>} : vector<32xbf16> -> vector<16xf32>
        %bitcast3A_149 = vector.bitcast %gather3A_145 : vector<16xi32> to vector<32xbf16>
        %unpack3A_150 = tpu.unpack_subelements %bitcast3A_149, 0 {pack_format = #tpu.pack_format<interleaved>} : vector<32xbf16> -> vector<16xf32>
        %unpack3A_151 = tpu.unpack_subelements %bitcast3A_149, 1 {pack_format = #tpu.pack_format<interleaved>} : vector<32xbf16> -> vector<16xf32>
        %select_n3A_152 = arith.select %eq3A_117, %unpack3A_148, %unpack3A_147 : vector<16xi1>, vector<16xf32>
        %select_n3A_153 = arith.select %eq3A_123, %unpack3A_151, %unpack3A_150 : vector<16xi1>, vector<16xf32>
        %mul3A_154 = arith.mulf %select_n3A_152, %select_n3A_153 : vector<16xf32>
        %add3A_155 = arith.addf %add3A_137, %mul3A_154 : vector<16xf32>
        %add3A_156 = arith.constant 2 : i32
        %add3A_157 = vector.broadcast %add3A_156 : i32 to vector<16xi32>
        %add3A_158 = arith.addi %mul3A_107, %add3A_157 : vector<16xi32>
        %gather3A_159 = tpu.vector_load_idx %arg13[%add3A_98, %add3A_158] : memref<64x128xi32, #tpu.memory_space<vmem>>[vector<16xi32>, vector<16xi32>], vector<16xi32>,
        %add3A_160 = arith.constant 2 : i32
        %add3A_161 = vector.broadcast %add3A_160 : i32 to vector<16xi32>
        %add3A_162 = arith.addi %mul3A_113, %add3A_161 : vector<16xi32>
        %gather3A_163 = tpu.vector_load_idx %arg14[%add3A_98, %add3A_162] : memref<64x128xi32, #tpu.memory_space<vmem>>[vector<16xi32>, vector<16xi32>], vector<16xi32>,
        %bitcast3A_164 = vector.bitcast %gather3A_159 : vector<16xi32> to vector<32xbf16>
        %unpack3A_165 = tpu.unpack_subelements %bitcast3A_164, 0 {pack_format = #tpu.pack_format<interleaved>} : vector<32xbf16> -> vector<16xf32>
        %unpack3A_166 = tpu.unpack_subelements %bitcast3A_164, 1 {pack_format = #tpu.pack_format<interleaved>} : vector<32xbf16> -> vector<16xf32>
        %bitcast3A_167 = vector.bitcast %gather3A_163 : vector<16xi32> to vector<32xbf16>
        %unpack3A_168 = tpu.unpack_subelements %bitcast3A_167, 0 {pack_format = #tpu.pack_format<interleaved>} : vector<32xbf16> -> vector<16xf32>
        %unpack3A_169 = tpu.unpack_subelements %bitcast3A_167, 1 {pack_format = #tpu.pack_format<interleaved>} : vector<32xbf16> -> vector<16xf32>
        %select_n3A_170 = arith.select %eq3A_117, %unpack3A_166, %unpack3A_165 : vector<16xi1>, vector<16xf32>
        %select_n3A_171 = arith.select %eq3A_123, %unpack3A_169, %unpack3A_168 : vector<16xi1>, vector<16xf32>
        %mul3A_172 = arith.mulf %select_n3A_170, %select_n3A_171 : vector<16xf32>
        %add3A_173 = arith.addf %add3A_155, %mul3A_172 : vector<16xf32>
        %add3A_174 = arith.constant 3 : i32
        %add3A_175 = vector.broadcast %add3A_174 : i32 to vector<16xi32>
        %add3A_176 = arith.addi %mul3A_107, %add3A_175 : vector<16xi32>
        %gather3A_177 = tpu.vector_load_idx %arg13[%add3A_98, %add3A_176] : memref<64x128xi32, #tpu.memory_space<vmem>>[vector<16xi32>, vector<16xi32>], vector<16xi32>,
        %add3A_178 = arith.constant 3 : i32
        %add3A_179 = vector.broadcast %add3A_178 : i32 to vector<16xi32>
        %add3A_180 = arith.addi %mul3A_113, %add3A_179 : vector<16xi32>
        %gather3A_181 = tpu.vector_load_idx %arg14[%add3A_98, %add3A_180] : memref<64x128xi32, #tpu.memory_space<vmem>>[vector<16xi32>, vector<16xi32>], vector<16xi32>,
        %bitcast3A_182 = vector.bitcast %gather3A_177 : vector<16xi32> to vector<32xbf16>
        %unpack3A_183 = tpu.unpack_subelements %bitcast3A_182, 0 {pack_format = #tpu.pack_format<interleaved>} : vector<32xbf16> -> vector<16xf32>
        %unpack3A_184 = tpu.unpack_subelements %bitcast3A_182, 1 {pack_format = #tpu.pack_format<interleaved>} : vector<32xbf16> -> vector<16xf32>
        %bitcast3A_185 = vector.bitcast %gather3A_181 : vector<16xi32> to vector<32xbf16>
        %unpack3A_186 = tpu.unpack_subelements %bitcast3A_185, 0 {pack_format = #tpu.pack_format<interleaved>} : vector<32xbf16> -> vector<16xf32>
        %unpack3A_187 = tpu.unpack_subelements %bitcast3A_185, 1 {pack_format = #tpu.pack_format<interleaved>} : vector<32xbf16> -> vector<16xf32>
        %select_n3A_188 = arith.select %eq3A_117, %unpack3A_184, %unpack3A_183 : vector<16xi1>, vector<16xf32>
        %select_n3A_189 = arith.select %eq3A_123, %unpack3A_187, %unpack3A_186 : vector<16xi1>, vector<16xf32>
        %mul3A_190 = arith.mulf %select_n3A_188, %select_n3A_189 : vector<16xf32>
        %add3A_191 = arith.addf %add3A_173, %mul3A_190 : vector<16xf32>
        %add3A_192 = arith.constant 4 : i32
        %add3A_193 = vector.broadcast %add3A_192 : i32 to vector<16xi32>
        %add3A_194 = arith.addi %mul3A_107, %add3A_193 : vector<16xi32>
        %gather3A_195 = tpu.vector_load_idx %arg13[%add3A_98, %add3A_194] : memref<64x128xi32, #tpu.memory_space<vmem>>[vector<16xi32>, vector<16xi32>], vector<16xi32>,
        %add3A_196 = arith.constant 4 : i32
        %add3A_197 = vector.broadcast %add3A_196 : i32 to vector<16xi32>
        %add3A_198 = arith.addi %mul3A_113, %add3A_197 : vector<16xi32>
        %gather3A_199 = tpu.vector_load_idx %arg14[%add3A_98, %add3A_198] : memref<64x128xi32, #tpu.memory_space<vmem>>[vector<16xi32>, vector<16xi32>], vector<16xi32>,
        %bitcast3A_200 = vector.bitcast %gather3A_195 : vector<16xi32> to vector<32xbf16>
        %unpack3A_201 = tpu.unpack_subelements %bitcast3A_200, 0 {pack_format = #tpu.pack_format<interleaved>} : vector<32xbf16> -> vector<16xf32>
        %unpack3A_202 = tpu.unpack_subelements %bitcast3A_200, 1 {pack_format = #tpu.pack_format<interleaved>} : vector<32xbf16> -> vector<16xf32>
        %bitcast3A_203 = vector.bitcast %gather3A_199 : vector<16xi32> to vector<32xbf16>
        %unpack3A_204 = tpu.unpack_subelements %bitcast3A_203, 0 {pack_format = #tpu.pack_format<interleaved>} : vector<32xbf16> -> vector<16xf32>
        %unpack3A_205 = tpu.unpack_subelements %bitcast3A_203, 1 {pack_format = #tpu.pack_format<interleaved>} : vector<32xbf16> -> vector<16xf32>
        %select_n3A_206 = arith.select %eq3A_117, %unpack3A_202, %unpack3A_201 : vector<16xi1>, vector<16xf32>
        %select_n3A_207 = arith.select %eq3A_123, %unpack3A_205, %unpack3A_204 : vector<16xi1>, vector<16xf32>
        %mul3A_208 = arith.mulf %select_n3A_206, %select_n3A_207 : vector<16xf32>
        %add3A_209 = arith.addf %add3A_191, %mul3A_208 : vector<16xf32>
        %add3A_210 = arith.constant 5 : i32
        %add3A_211 = vector.broadcast %add3A_210 : i32 to vector<16xi32>
        %add3A_212 = arith.addi %mul3A_107, %add3A_211 : vector<16xi32>
        %gather3A_213 = tpu.vector_load_idx %arg13[%add3A_98, %add3A_212] : memref<64x128xi32, #tpu.memory_space<vmem>>[vector<16xi32>, vector<16xi32>], vector<16xi32>,
        %add3A_214 = arith.constant 5 : i32
        %add3A_215 = vector.broadcast %add3A_214 : i32 to vector<16xi32>
        %add3A_216 = arith.addi %mul3A_113, %add3A_215 : vector<16xi32>
        %gather3A_217 = tpu.vector_load_idx %arg14[%add3A_98, %add3A_216] : memref<64x128xi32, #tpu.memory_space<vmem>>[vector<16xi32>, vector<16xi32>], vector<16xi32>,
        %bitcast3A_218 = vector.bitcast %gather3A_213 : vector<16xi32> to vector<32xbf16>
        %unpack3A_219 = tpu.unpack_subelements %bitcast3A_218, 0 {pack_format = #tpu.pack_format<interleaved>} : vector<32xbf16> -> vector<16xf32>
        %unpack3A_220 = tpu.unpack_subelements %bitcast3A_218, 1 {pack_format = #tpu.pack_format<interleaved>} : vector<32xbf16> -> vector<16xf32>
        %bitcast3A_221 = vector.bitcast %gather3A_217 : vector<16xi32> to vector<32xbf16>
        %unpack3A_222 = tpu.unpack_subelements %bitcast3A_221, 0 {pack_format = #tpu.pack_format<interleaved>} : vector<32xbf16> -> vector<16xf32>
        %unpack3A_223 = tpu.unpack_subelements %bitcast3A_221, 1 {pack_format = #tpu.pack_format<interleaved>} : vector<32xbf16> -> vector<16xf32>
        %select_n3A_224 = arith.select %eq3A_117, %unpack3A_220, %unpack3A_219 : vector<16xi1>, vector<16xf32>
        %select_n3A_225 = arith.select %eq3A_123, %unpack3A_223, %unpack3A_222 : vector<16xi1>, vector<16xf32>
        %mul3A_226 = arith.mulf %select_n3A_224, %select_n3A_225 : vector<16xf32>
        %add3A_227 = arith.addf %add3A_209, %mul3A_226 : vector<16xf32>
        %add3A_228 = arith.constant 6 : i32
        %add3A_229 = vector.broadcast %add3A_228 : i32 to vector<16xi32>
        %add3A_230 = arith.addi %mul3A_107, %add3A_229 : vector<16xi32>
        %gather3A_231 = tpu.vector_load_idx %arg13[%add3A_98, %add3A_230] : memref<64x128xi32, #tpu.memory_space<vmem>>[vector<16xi32>, vector<16xi32>], vector<16xi32>,
        %add3A_232 = arith.constant 6 : i32
        %add3A_233 = vector.broadcast %add3A_232 : i32 to vector<16xi32>
        %add3A_234 = arith.addi %mul3A_113, %add3A_233 : vector<16xi32>
        %gather3A_235 = tpu.vector_load_idx %arg14[%add3A_98, %add3A_234] : memref<64x128xi32, #tpu.memory_space<vmem>>[vector<16xi32>, vector<16xi32>], vector<16xi32>,
        %bitcast3A_236 = vector.bitcast %gather3A_231 : vector<16xi32> to vector<32xbf16>
        %unpack3A_237 = tpu.unpack_subelements %bitcast3A_236, 0 {pack_format = #tpu.pack_format<interleaved>} : vector<32xbf16> -> vector<16xf32>
        %unpack3A_238 = tpu.unpack_subelements %bitcast3A_236, 1 {pack_format = #tpu.pack_format<interleaved>} : vector<32xbf16> -> vector<16xf32>
        %bitcast3A_239 = vector.bitcast %gather3A_235 : vector<16xi32> to vector<32xbf16>
        %unpack3A_240 = tpu.unpack_subelements %bitcast3A_239, 0 {pack_format = #tpu.pack_format<interleaved>} : vector<32xbf16> -> vector<16xf32>
        %unpack3A_241 = tpu.unpack_subelements %bitcast3A_239, 1 {pack_format = #tpu.pack_format<interleaved>} : vector<32xbf16> -> vector<16xf32>
        %select_n3A_242 = arith.select %eq3A_117, %unpack3A_238, %unpack3A_237 : vector<16xi1>, vector<16xf32>
        %select_n3A_243 = arith.select %eq3A_123, %unpack3A_241, %unpack3A_240 : vector<16xi1>, vector<16xf32>
        %mul3A_244 = arith.mulf %select_n3A_242, %select_n3A_243 : vector<16xf32>
        %add3A_245 = arith.addf %add3A_227, %mul3A_244 : vector<16xf32>
        %add3A_246 = arith.constant 7 : i32
        %add3A_247 = vector.broadcast %add3A_246 : i32 to vector<16xi32>
        %add3A_248 = arith.addi %mul3A_107, %add3A_247 : vector<16xi32>
        %gather3A_249 = tpu.vector_load_idx %arg13[%add3A_98, %add3A_248] : memref<64x128xi32, #tpu.memory_space<vmem>>[vector<16xi32>, vector<16xi32>], vector<16xi32>,
        %add3A_250 = arith.constant 7 : i32
        %add3A_251 = vector.broadcast %add3A_250 : i32 to vector<16xi32>
        %add3A_252 = arith.addi %mul3A_113, %add3A_251 : vector<16xi32>
        %gather3A_253 = tpu.vector_load_idx %arg14[%add3A_98, %add3A_252] : memref<64x128xi32, #tpu.memory_space<vmem>>[vector<16xi32>, vector<16xi32>], vector<16xi32>,
        %bitcast3A_254 = vector.bitcast %gather3A_249 : vector<16xi32> to vector<32xbf16>
        %unpack3A_255 = tpu.unpack_subelements %bitcast3A_254, 0 {pack_format = #tpu.pack_format<interleaved>} : vector<32xbf16> -> vector<16xf32>
        %unpack3A_256 = tpu.unpack_subelements %bitcast3A_254, 1 {pack_format = #tpu.pack_format<interleaved>} : vector<32xbf16> -> vector<16xf32>
        %bitcast3A_257 = vector.bitcast %gather3A_253 : vector<16xi32> to vector<32xbf16>
        %unpack3A_258 = tpu.unpack_subelements %bitcast3A_257, 0 {pack_format = #tpu.pack_format<interleaved>} : vector<32xbf16> -> vector<16xf32>
        %unpack3A_259 = tpu.unpack_subelements %bitcast3A_257, 1 {pack_format = #tpu.pack_format<interleaved>} : vector<32xbf16> -> vector<16xf32>
        %select_n3A_260 = arith.select %eq3A_117, %unpack3A_256, %unpack3A_255 : vector<16xi1>, vector<16xf32>
        %select_n3A_261 = arith.select %eq3A_123, %unpack3A_259, %unpack3A_258 : vector<16xi1>, vector<16xf32>
        %mul3A_262 = arith.mulf %select_n3A_260, %select_n3A_261 : vector<16xf32>
        %add3A_263 = arith.addf %add3A_245, %mul3A_262 : vector<16xf32>
        %add3A_264 = arith.constant 8 : i32
        %add3A_265 = vector.broadcast %add3A_264 : i32 to vector<16xi32>
        %add3A_266 = arith.addi %mul3A_107, %add3A_265 : vector<16xi32>
        %gather3A_267 = tpu.vector_load_idx %arg13[%add3A_98, %add3A_266] : memref<64x128xi32, #tpu.memory_space<vmem>>[vector<16xi32>, vector<16xi32>], vector<16xi32>,
        %add3A_268 = arith.constant 8 : i32
        %add3A_269 = vector.broadcast %add3A_268 : i32 to vector<16xi32>
        %add3A_270 = arith.addi %mul3A_113, %add3A_269 : vector<16xi32>
        %gather3A_271 = tpu.vector_load_idx %arg14[%add3A_98, %add3A_270] : memref<64x128xi32, #tpu.memory_space<vmem>>[vector<16xi32>, vector<16xi32>], vector<16xi32>,
        %bitcast3A_272 = vector.bitcast %gather3A_267 : vector<16xi32> to vector<32xbf16>
        %unpack3A_273 = tpu.unpack_subelements %bitcast3A_272, 0 {pack_format = #tpu.pack_format<interleaved>} : vector<32xbf16> -> vector<16xf32>
        %unpack3A_274 = tpu.unpack_subelements %bitcast3A_272, 1 {pack_format = #tpu.pack_format<interleaved>} : vector<32xbf16> -> vector<16xf32>
        %bitcast3A_275 = vector.bitcast %gather3A_271 : vector<16xi32> to vector<32xbf16>
        %unpack3A_276 = tpu.unpack_subelements %bitcast3A_275, 0 {pack_format = #tpu.pack_format<interleaved>} : vector<32xbf16> -> vector<16xf32>
        %unpack3A_277 = tpu.unpack_subelements %bitcast3A_275, 1 {pack_format = #tpu.pack_format<interleaved>} : vector<32xbf16> -> vector<16xf32>
        %select_n3A_278 = arith.select %eq3A_117, %unpack3A_274, %unpack3A_273 : vector<16xi1>, vector<16xf32>
        %select_n3A_279 = arith.select %eq3A_123, %unpack3A_277, %unpack3A_276 : vector<16xi1>, vector<16xf32>
        %mul3A_280 = arith.mulf %select_n3A_278, %select_n3A_279 : vector<16xf32>
        %add3A_281 = arith.addf %add3A_263, %mul3A_280 : vector<16xf32>
        %add3A_282 = arith.constant 9 : i32
        %add3A_283 = vector.broadcast %add3A_282 : i32 to vector<16xi32>
        %add3A_284 = arith.addi %mul3A_107, %add3A_283 : vector<16xi32>
        %gather3A_285 = tpu.vector_load_idx %arg13[%add3A_98, %add3A_284] : memref<64x128xi32, #tpu.memory_space<vmem>>[vector<16xi32>, vector<16xi32>], vector<16xi32>,
        %add3A_286 = arith.constant 9 : i32
        %add3A_287 = vector.broadcast %add3A_286 : i32 to vector<16xi32>
        %add3A_288 = arith.addi %mul3A_113, %add3A_287 : vector<16xi32>
        %gather3A_289 = tpu.vector_load_idx %arg14[%add3A_98, %add3A_288] : memref<64x128xi32, #tpu.memory_space<vmem>>[vector<16xi32>, vector<16xi32>], vector<16xi32>,
        %bitcast3A_290 = vector.bitcast %gather3A_285 : vector<16xi32> to vector<32xbf16>
        %unpack3A_291 = tpu.unpack_subelements %bitcast3A_290, 0 {pack_format = #tpu.pack_format<interleaved>} : vector<32xbf16> -> vector<16xf32>
        %unpack3A_292 = tpu.unpack_subelements %bitcast3A_290, 1 {pack_format = #tpu.pack_format<interleaved>} : vector<32xbf16> -> vector<16xf32>
        %bitcast3A_293 = vector.bitcast %gather3A_289 : vector<16xi32> to vector<32xbf16>
        %unpack3A_294 = tpu.unpack_subelements %bitcast3A_293, 0 {pack_format = #tpu.pack_format<interleaved>} : vector<32xbf16> -> vector<16xf32>
        %unpack3A_295 = tpu.unpack_subelements %bitcast3A_293, 1 {pack_format = #tpu.pack_format<interleaved>} : vector<32xbf16> -> vector<16xf32>
        %select_n3A_296 = arith.select %eq3A_117, %unpack3A_292, %unpack3A_291 : vector<16xi1>, vector<16xf32>
        %select_n3A_297 = arith.select %eq3A_123, %unpack3A_295, %unpack3A_294 : vector<16xi1>, vector<16xf32>
        %mul3A_298 = arith.mulf %select_n3A_296, %select_n3A_297 : vector<16xf32>
        %add3A_299 = arith.addf %add3A_281, %mul3A_298 : vector<16xf32>
        %add3A_300 = arith.constant 10 : i32
        %add3A_301 = vector.broadcast %add3A_300 : i32 to vector<16xi32>
        %add3A_302 = arith.addi %mul3A_107, %add3A_301 : vector<16xi32>
        %gather3A_303 = tpu.vector_load_idx %arg13[%add3A_98, %add3A_302] : memref<64x128xi32, #tpu.memory_space<vmem>>[vector<16xi32>, vector<16xi32>], vector<16xi32>,
        %add3A_304 = arith.constant 10 : i32
        %add3A_305 = vector.broadcast %add3A_304 : i32 to vector<16xi32>
        %add3A_306 = arith.addi %mul3A_113, %add3A_305 : vector<16xi32>
        %gather3A_307 = tpu.vector_load_idx %arg14[%add3A_98, %add3A_306] : memref<64x128xi32, #tpu.memory_space<vmem>>[vector<16xi32>, vector<16xi32>], vector<16xi32>,
        %bitcast3A_308 = vector.bitcast %gather3A_303 : vector<16xi32> to vector<32xbf16>
        %unpack3A_309 = tpu.unpack_subelements %bitcast3A_308, 0 {pack_format = #tpu.pack_format<interleaved>} : vector<32xbf16> -> vector<16xf32>
        %unpack3A_310 = tpu.unpack_subelements %bitcast3A_308, 1 {pack_format = #tpu.pack_format<interleaved>} : vector<32xbf16> -> vector<16xf32>
        %bitcast3A_311 = vector.bitcast %gather3A_307 : vector<16xi32> to vector<32xbf16>
        %unpack3A_312 = tpu.unpack_subelements %bitcast3A_311, 0 {pack_format = #tpu.pack_format<interleaved>} : vector<32xbf16> -> vector<16xf32>
        %unpack3A_313 = tpu.unpack_subelements %bitcast3A_311, 1 {pack_format = #tpu.pack_format<interleaved>} : vector<32xbf16> -> vector<16xf32>
        %select_n3A_314 = arith.select %eq3A_117, %unpack3A_310, %unpack3A_309 : vector<16xi1>, vector<16xf32>
        %select_n3A_315 = arith.select %eq3A_123, %unpack3A_313, %unpack3A_312 : vector<16xi1>, vector<16xf32>
        %mul3A_316 = arith.mulf %select_n3A_314, %select_n3A_315 : vector<16xf32>
        %add3A_317 = arith.addf %add3A_299, %mul3A_316 : vector<16xf32>
        %add3A_318 = arith.constant 11 : i32
        %add3A_319 = vector.broadcast %add3A_318 : i32 to vector<16xi32>
        %add3A_320 = arith.addi %mul3A_107, %add3A_319 : vector<16xi32>
        %gather3A_321 = tpu.vector_load_idx %arg13[%add3A_98, %add3A_320] : memref<64x128xi32, #tpu.memory_space<vmem>>[vector<16xi32>, vector<16xi32>], vector<16xi32>,
        %add3A_322 = arith.constant 11 : i32
        %add3A_323 = vector.broadcast %add3A_322 : i32 to vector<16xi32>
        %add3A_324 = arith.addi %mul3A_113, %add3A_323 : vector<16xi32>
        %gather3A_325 = tpu.vector_load_idx %arg14[%add3A_98, %add3A_324] : memref<64x128xi32, #tpu.memory_space<vmem>>[vector<16xi32>, vector<16xi32>], vector<16xi32>,
        %bitcast3A_326 = vector.bitcast %gather3A_321 : vector<16xi32> to vector<32xbf16>
        %unpack3A_327 = tpu.unpack_subelements %bitcast3A_326, 0 {pack_format = #tpu.pack_format<interleaved>} : vector<32xbf16> -> vector<16xf32>
        %unpack3A_328 = tpu.unpack_subelements %bitcast3A_326, 1 {pack_format = #tpu.pack_format<interleaved>} : vector<32xbf16> -> vector<16xf32>
        %bitcast3A_329 = vector.bitcast %gather3A_325 : vector<16xi32> to vector<32xbf16>
        %unpack3A_330 = tpu.unpack_subelements %bitcast3A_329, 0 {pack_format = #tpu.pack_format<interleaved>} : vector<32xbf16> -> vector<16xf32>
        %unpack3A_331 = tpu.unpack_subelements %bitcast3A_329, 1 {pack_format = #tpu.pack_format<interleaved>} : vector<32xbf16> -> vector<16xf32>
        %select_n3A_332 = arith.select %eq3A_117, %unpack3A_328, %unpack3A_327 : vector<16xi1>, vector<16xf32>
        %select_n3A_333 = arith.select %eq3A_123, %unpack3A_331, %unpack3A_330 : vector<16xi1>, vector<16xf32>
        %mul3A_334 = arith.mulf %select_n3A_332, %select_n3A_333 : vector<16xf32>
        %add3A_335 = arith.addf %add3A_317, %mul3A_334 : vector<16xf32>
        %add3A_336 = arith.constant 12 : i32
        %add3A_337 = vector.broadcast %add3A_336 : i32 to vector<16xi32>
        %add3A_338 = arith.addi %mul3A_107, %add3A_337 : vector<16xi32>
        %gather3A_339 = tpu.vector_load_idx %arg13[%add3A_98, %add3A_338] : memref<64x128xi32, #tpu.memory_space<vmem>>[vector<16xi32>, vector<16xi32>], vector<16xi32>,
        %add3A_340 = arith.constant 12 : i32
        %add3A_341 = vector.broadcast %add3A_340 : i32 to vector<16xi32>
        %add3A_342 = arith.addi %mul3A_113, %add3A_341 : vector<16xi32>
        %gather3A_343 = tpu.vector_load_idx %arg14[%add3A_98, %add3A_342] : memref<64x128xi32, #tpu.memory_space<vmem>>[vector<16xi32>, vector<16xi32>], vector<16xi32>,
        %bitcast3A_344 = vector.bitcast %gather3A_339 : vector<16xi32> to vector<32xbf16>
        %unpack3A_345 = tpu.unpack_subelements %bitcast3A_344, 0 {pack_format = #tpu.pack_format<interleaved>} : vector<32xbf16> -> vector<16xf32>
        %unpack3A_346 = tpu.unpack_subelements %bitcast3A_344, 1 {pack_format = #tpu.pack_format<interleaved>} : vector<32xbf16> -> vector<16xf32>
        %bitcast3A_347 = vector.bitcast %gather3A_343 : vector<16xi32> to vector<32xbf16>
        %unpack3A_348 = tpu.unpack_subelements %bitcast3A_347, 0 {pack_format = #tpu.pack_format<interleaved>} : vector<32xbf16> -> vector<16xf32>
        %unpack3A_349 = tpu.unpack_subelements %bitcast3A_347, 1 {pack_format = #tpu.pack_format<interleaved>} : vector<32xbf16> -> vector<16xf32>
        %select_n3A_350 = arith.select %eq3A_117, %unpack3A_346, %unpack3A_345 : vector<16xi1>, vector<16xf32>
        %select_n3A_351 = arith.select %eq3A_123, %unpack3A_349, %unpack3A_348 : vector<16xi1>, vector<16xf32>
        %mul3A_352 = arith.mulf %select_n3A_350, %select_n3A_351 : vector<16xf32>
        %add3A_353 = arith.addf %add3A_335, %mul3A_352 : vector<16xf32>
        %add3A_354 = arith.constant 13 : i32
        %add3A_355 = vector.broadcast %add3A_354 : i32 to vector<16xi32>
        %add3A_356 = arith.addi %mul3A_107, %add3A_355 : vector<16xi32>
        %gather3A_357 = tpu.vector_load_idx %arg13[%add3A_98, %add3A_356] : memref<64x128xi32, #tpu.memory_space<vmem>>[vector<16xi32>, vector<16xi32>], vector<16xi32>,
        %add3A_358 = arith.constant 13 : i32
        %add3A_359 = vector.broadcast %add3A_358 : i32 to vector<16xi32>
        %add3A_360 = arith.addi %mul3A_113, %add3A_359 : vector<16xi32>
        %gather3A_361 = tpu.vector_load_idx %arg14[%add3A_98, %add3A_360] : memref<64x128xi32, #tpu.memory_space<vmem>>[vector<16xi32>, vector<16xi32>], vector<16xi32>,
        %bitcast3A_362 = vector.bitcast %gather3A_357 : vector<16xi32> to vector<32xbf16>
        %unpack3A_363 = tpu.unpack_subelements %bitcast3A_362, 0 {pack_format = #tpu.pack_format<interleaved>} : vector<32xbf16> -> vector<16xf32>
        %unpack3A_364 = tpu.unpack_subelements %bitcast3A_362, 1 {pack_format = #tpu.pack_format<interleaved>} : vector<32xbf16> -> vector<16xf32>
        %bitcast3A_365 = vector.bitcast %gather3A_361 : vector<16xi32> to vector<32xbf16>
        %unpack3A_366 = tpu.unpack_subelements %bitcast3A_365, 0 {pack_format = #tpu.pack_format<interleaved>} : vector<32xbf16> -> vector<16xf32>
        %unpack3A_367 = tpu.unpack_subelements %bitcast3A_365, 1 {pack_format = #tpu.pack_format<interleaved>} : vector<32xbf16> -> vector<16xf32>
        %select_n3A_368 = arith.select %eq3A_117, %unpack3A_364, %unpack3A_363 : vector<16xi1>, vector<16xf32>
        %select_n3A_369 = arith.select %eq3A_123, %unpack3A_367, %unpack3A_366 : vector<16xi1>, vector<16xf32>
        %mul3A_370 = arith.mulf %select_n3A_368, %select_n3A_369 : vector<16xf32>
        %add3A_371 = arith.addf %add3A_353, %mul3A_370 : vector<16xf32>
        %add3A_372 = arith.constant 14 : i32
        %add3A_373 = vector.broadcast %add3A_372 : i32 to vector<16xi32>
        %add3A_374 = arith.addi %mul3A_107, %add3A_373 : vector<16xi32>
        %gather3A_375 = tpu.vector_load_idx %arg13[%add3A_98, %add3A_374] : memref<64x128xi32, #tpu.memory_space<vmem>>[vector<16xi32>, vector<16xi32>], vector<16xi32>,
        %add3A_376 = arith.constant 14 : i32
        %add3A_377 = vector.broadcast %add3A_376 : i32 to vector<16xi32>
        %add3A_378 = arith.addi %mul3A_113, %add3A_377 : vector<16xi32>
        %gather3A_379 = tpu.vector_load_idx %arg14[%add3A_98, %add3A_378] : memref<64x128xi32, #tpu.memory_space<vmem>>[vector<16xi32>, vector<16xi32>], vector<16xi32>,
        %bitcast3A_380 = vector.bitcast %gather3A_375 : vector<16xi32> to vector<32xbf16>
        %unpack3A_381 = tpu.unpack_subelements %bitcast3A_380, 0 {pack_format = #tpu.pack_format<interleaved>} : vector<32xbf16> -> vector<16xf32>
        %unpack3A_382 = tpu.unpack_subelements %bitcast3A_380, 1 {pack_format = #tpu.pack_format<interleaved>} : vector<32xbf16> -> vector<16xf32>
        %bitcast3A_383 = vector.bitcast %gather3A_379 : vector<16xi32> to vector<32xbf16>
        %unpack3A_384 = tpu.unpack_subelements %bitcast3A_383, 0 {pack_format = #tpu.pack_format<interleaved>} : vector<32xbf16> -> vector<16xf32>
        %unpack3A_385 = tpu.unpack_subelements %bitcast3A_383, 1 {pack_format = #tpu.pack_format<interleaved>} : vector<32xbf16> -> vector<16xf32>
        %select_n3A_386 = arith.select %eq3A_117, %unpack3A_382, %unpack3A_381 : vector<16xi1>, vector<16xf32>
        %select_n3A_387 = arith.select %eq3A_123, %unpack3A_385, %unpack3A_384 : vector<16xi1>, vector<16xf32>
        %mul3A_388 = arith.mulf %select_n3A_386, %select_n3A_387 : vector<16xf32>
        %add3A_389 = arith.addf %add3A_371, %mul3A_388 : vector<16xf32>
        %add3A_390 = arith.constant 15 : i32
        %add3A_391 = vector.broadcast %add3A_390 : i32 to vector<16xi32>
        %add3A_392 = arith.addi %mul3A_107, %add3A_391 : vector<16xi32>
        %gather3A_393 = tpu.vector_load_idx %arg13[%add3A_98, %add3A_392] : memref<64x128xi32, #tpu.memory_space<vmem>>[vector<16xi32>, vector<16xi32>], vector<16xi32>,
        %add3A_394 = arith.constant 15 : i32
        %add3A_395 = vector.broadcast %add3A_394 : i32 to vector<16xi32>
        %add3A_396 = arith.addi %mul3A_113, %add3A_395 : vector<16xi32>
        %gather3A_397 = tpu.vector_load_idx %arg14[%add3A_98, %add3A_396] : memref<64x128xi32, #tpu.memory_space<vmem>>[vector<16xi32>, vector<16xi32>], vector<16xi32>,
        %bitcast3A_398 = vector.bitcast %gather3A_393 : vector<16xi32> to vector<32xbf16>
        %unpack3A_399 = tpu.unpack_subelements %bitcast3A_398, 0 {pack_format = #tpu.pack_format<interleaved>} : vector<32xbf16> -> vector<16xf32>
        %unpack3A_400 = tpu.unpack_subelements %bitcast3A_398, 1 {pack_format = #tpu.pack_format<interleaved>} : vector<32xbf16> -> vector<16xf32>
        %bitcast3A_401 = vector.bitcast %gather3A_397 : vector<16xi32> to vector<32xbf16>
        %unpack3A_402 = tpu.unpack_subelements %bitcast3A_401, 0 {pack_format = #tpu.pack_format<interleaved>} : vector<32xbf16> -> vector<16xf32>
        %unpack3A_403 = tpu.unpack_subelements %bitcast3A_401, 1 {pack_format = #tpu.pack_format<interleaved>} : vector<32xbf16> -> vector<16xf32>
        %select_n3A_404 = arith.select %eq3A_117, %unpack3A_400, %unpack3A_399 : vector<16xi1>, vector<16xf32>
        %select_n3A_405 = arith.select %eq3A_123, %unpack3A_403, %unpack3A_402 : vector<16xi1>, vector<16xf32>
        %mul3A_406 = arith.mulf %select_n3A_404, %select_n3A_405 : vector<16xf32>
        %add3A_407 = arith.addf %add3A_389, %mul3A_406 : vector<16xf32>
        %add3A_408 = arith.constant 16 : i32
        %add3A_409 = vector.broadcast %add3A_408 : i32 to vector<16xi32>
        %add3A_410 = arith.addi %mul3A_107, %add3A_409 : vector<16xi32>
        %gather3A_411 = tpu.vector_load_idx %arg13[%add3A_98, %add3A_410] : memref<64x128xi32, #tpu.memory_space<vmem>>[vector<16xi32>, vector<16xi32>], vector<16xi32>,
        %add3A_412 = arith.constant 16 : i32
        %add3A_413 = vector.broadcast %add3A_412 : i32 to vector<16xi32>
        %add3A_414 = arith.addi %mul3A_113, %add3A_413 : vector<16xi32>
        %gather3A_415 = tpu.vector_load_idx %arg14[%add3A_98, %add3A_414] : memref<64x128xi32, #tpu.memory_space<vmem>>[vector<16xi32>, vector<16xi32>], vector<16xi32>,
        %bitcast3A_416 = vector.bitcast %gather3A_411 : vector<16xi32> to vector<32xbf16>
        %unpack3A_417 = tpu.unpack_subelements %bitcast3A_416, 0 {pack_format = #tpu.pack_format<interleaved>} : vector<32xbf16> -> vector<16xf32>
        %unpack3A_418 = tpu.unpack_subelements %bitcast3A_416, 1 {pack_format = #tpu.pack_format<interleaved>} : vector<32xbf16> -> vector<16xf32>
        %bitcast3A_419 = vector.bitcast %gather3A_415 : vector<16xi32> to vector<32xbf16>
        %unpack3A_420 = tpu.unpack_subelements %bitcast3A_419, 0 {pack_format = #tpu.pack_format<interleaved>} : vector<32xbf16> -> vector<16xf32>
        %unpack3A_421 = tpu.unpack_subelements %bitcast3A_419, 1 {pack_format = #tpu.pack_format<interleaved>} : vector<32xbf16> -> vector<16xf32>
        %select_n3A_422 = arith.select %eq3A_117, %unpack3A_418, %unpack3A_417 : vector<16xi1>, vector<16xf32>
        %select_n3A_423 = arith.select %eq3A_123, %unpack3A_421, %unpack3A_420 : vector<16xi1>, vector<16xf32>
        %mul3A_424 = arith.mulf %select_n3A_422, %select_n3A_423 : vector<16xf32>
        %add3A_425 = arith.addf %add3A_407, %mul3A_424 : vector<16xf32>
        %add3A_426 = arith.constant 17 : i32
        %add3A_427 = vector.broadcast %add3A_426 : i32 to vector<16xi32>
        %add3A_428 = arith.addi %mul3A_107, %add3A_427 : vector<16xi32>
        %gather3A_429 = tpu.vector_load_idx %arg13[%add3A_98, %add3A_428] : memref<64x128xi32, #tpu.memory_space<vmem>>[vector<16xi32>, vector<16xi32>], vector<16xi32>,
        %add3A_430 = arith.constant 17 : i32
        %add3A_431 = vector.broadcast %add3A_430 : i32 to vector<16xi32>
        %add3A_432 = arith.addi %mul3A_113, %add3A_431 : vector<16xi32>
        %gather3A_433 = tpu.vector_load_idx %arg14[%add3A_98, %add3A_432] : memref<64x128xi32, #tpu.memory_space<vmem>>[vector<16xi32>, vector<16xi32>], vector<16xi32>,
        %bitcast3A_434 = vector.bitcast %gather3A_429 : vector<16xi32> to vector<32xbf16>
        %unpack3A_435 = tpu.unpack_subelements %bitcast3A_434, 0 {pack_format = #tpu.pack_format<interleaved>} : vector<32xbf16> -> vector<16xf32>
        %unpack3A_436 = tpu.unpack_subelements %bitcast3A_434, 1 {pack_format = #tpu.pack_format<interleaved>} : vector<32xbf16> -> vector<16xf32>
        %bitcast3A_437 = vector.bitcast %gather3A_433 : vector<16xi32> to vector<32xbf16>
        %unpack3A_438 = tpu.unpack_subelements %bitcast3A_437, 0 {pack_format = #tpu.pack_format<interleaved>} : vector<32xbf16> -> vector<16xf32>
        %unpack3A_439 = tpu.unpack_subelements %bitcast3A_437, 1 {pack_format = #tpu.pack_format<interleaved>} : vector<32xbf16> -> vector<16xf32>
        %select_n3A_440 = arith.select %eq3A_117, %unpack3A_436, %unpack3A_435 : vector<16xi1>, vector<16xf32>
        %select_n3A_441 = arith.select %eq3A_123, %unpack3A_439, %unpack3A_438 : vector<16xi1>, vector<16xf32>
        %mul3A_442 = arith.mulf %select_n3A_440, %select_n3A_441 : vector<16xf32>
        %add3A_443 = arith.addf %add3A_425, %mul3A_442 : vector<16xf32>
        %add3A_444 = arith.constant 18 : i32
        %add3A_445 = vector.broadcast %add3A_444 : i32 to vector<16xi32>
        %add3A_446 = arith.addi %mul3A_107, %add3A_445 : vector<16xi32>
        %gather3A_447 = tpu.vector_load_idx %arg13[%add3A_98, %add3A_446] : memref<64x128xi32, #tpu.memory_space<vmem>>[vector<16xi32>, vector<16xi32>], vector<16xi32>,
        %add3A_448 = arith.constant 18 : i32
        %add3A_449 = vector.broadcast %add3A_448 : i32 to vector<16xi32>
        %add3A_450 = arith.addi %mul3A_113, %add3A_449 : vector<16xi32>
        %gather3A_451 = tpu.vector_load_idx %arg14[%add3A_98, %add3A_450] : memref<64x128xi32, #tpu.memory_space<vmem>>[vector<16xi32>, vector<16xi32>], vector<16xi32>,
        %bitcast3A_452 = vector.bitcast %gather3A_447 : vector<16xi32> to vector<32xbf16>
        %unpack3A_453 = tpu.unpack_subelements %bitcast3A_452, 0 {pack_format = #tpu.pack_format<interleaved>} : vector<32xbf16> -> vector<16xf32>
        %unpack3A_454 = tpu.unpack_subelements %bitcast3A_452, 1 {pack_format = #tpu.pack_format<interleaved>} : vector<32xbf16> -> vector<16xf32>
        %bitcast3A_455 = vector.bitcast %gather3A_451 : vector<16xi32> to vector<32xbf16>
        %unpack3A_456 = tpu.unpack_subelements %bitcast3A_455, 0 {pack_format = #tpu.pack_format<interleaved>} : vector<32xbf16> -> vector<16xf32>
        %unpack3A_457 = tpu.unpack_subelements %bitcast3A_455, 1 {pack_format = #tpu.pack_format<interleaved>} : vector<32xbf16> -> vector<16xf32>
        %select_n3A_458 = arith.select %eq3A_117, %unpack3A_454, %unpack3A_453 : vector<16xi1>, vector<16xf32>
        %select_n3A_459 = arith.select %eq3A_123, %unpack3A_457, %unpack3A_456 : vector<16xi1>, vector<16xf32>
        %mul3A_460 = arith.mulf %select_n3A_458, %select_n3A_459 : vector<16xf32>
        %add3A_461 = arith.addf %add3A_443, %mul3A_460 : vector<16xf32>
        %add3A_462 = arith.constant 19 : i32
        %add3A_463 = vector.broadcast %add3A_462 : i32 to vector<16xi32>
        %add3A_464 = arith.addi %mul3A_107, %add3A_463 : vector<16xi32>
        %gather3A_465 = tpu.vector_load_idx %arg13[%add3A_98, %add3A_464] : memref<64x128xi32, #tpu.memory_space<vmem>>[vector<16xi32>, vector<16xi32>], vector<16xi32>,
        %add3A_466 = arith.constant 19 : i32
        %add3A_467 = vector.broadcast %add3A_466 : i32 to vector<16xi32>
        %add3A_468 = arith.addi %mul3A_113, %add3A_467 : vector<16xi32>
        %gather3A_469 = tpu.vector_load_idx %arg14[%add3A_98, %add3A_468] : memref<64x128xi32, #tpu.memory_space<vmem>>[vector<16xi32>, vector<16xi32>], vector<16xi32>,
        %bitcast3A_470 = vector.bitcast %gather3A_465 : vector<16xi32> to vector<32xbf16>
        %unpack3A_471 = tpu.unpack_subelements %bitcast3A_470, 0 {pack_format = #tpu.pack_format<interleaved>} : vector<32xbf16> -> vector<16xf32>
        %unpack3A_472 = tpu.unpack_subelements %bitcast3A_470, 1 {pack_format = #tpu.pack_format<interleaved>} : vector<32xbf16> -> vector<16xf32>
        %bitcast3A_473 = vector.bitcast %gather3A_469 : vector<16xi32> to vector<32xbf16>
        %unpack3A_474 = tpu.unpack_subelements %bitcast3A_473, 0 {pack_format = #tpu.pack_format<interleaved>} : vector<32xbf16> -> vector<16xf32>
        %unpack3A_475 = tpu.unpack_subelements %bitcast3A_473, 1 {pack_format = #tpu.pack_format<interleaved>} : vector<32xbf16> -> vector<16xf32>
        %select_n3A_476 = arith.select %eq3A_117, %unpack3A_472, %unpack3A_471 : vector<16xi1>, vector<16xf32>
        %select_n3A_477 = arith.select %eq3A_123, %unpack3A_475, %unpack3A_474 : vector<16xi1>, vector<16xf32>
        %mul3A_478 = arith.mulf %select_n3A_476, %select_n3A_477 : vector<16xf32>
        %add3A_479 = arith.addf %add3A_461, %mul3A_478 : vector<16xf32>
        %add3A_480 = arith.constant 20 : i32
        %add3A_481 = vector.broadcast %add3A_480 : i32 to vector<16xi32>
        %add3A_482 = arith.addi %mul3A_107, %add3A_481 : vector<16xi32>
        %gather3A_483 = tpu.vector_load_idx %arg13[%add3A_98, %add3A_482] : memref<64x128xi32, #tpu.memory_space<vmem>>[vector<16xi32>, vector<16xi32>], vector<16xi32>,
        %add3A_484 = arith.constant 20 : i32
        %add3A_485 = vector.broadcast %add3A_484 : i32 to vector<16xi32>
        %add3A_486 = arith.addi %mul3A_113, %add3A_485 : vector<16xi32>
        %gather3A_487 = tpu.vector_load_idx %arg14[%add3A_98, %add3A_486] : memref<64x128xi32, #tpu.memory_space<vmem>>[vector<16xi32>, vector<16xi32>], vector<16xi32>,
        %bitcast3A_488 = vector.bitcast %gather3A_483 : vector<16xi32> to vector<32xbf16>
        %unpack3A_489 = tpu.unpack_subelements %bitcast3A_488, 0 {pack_format = #tpu.pack_format<interleaved>} : vector<32xbf16> -> vector<16xf32>
        %unpack3A_490 = tpu.unpack_subelements %bitcast3A_488, 1 {pack_format = #tpu.pack_format<interleaved>} : vector<32xbf16> -> vector<16xf32>
        %bitcast3A_491 = vector.bitcast %gather3A_487 : vector<16xi32> to vector<32xbf16>
        %unpack3A_492 = tpu.unpack_subelements %bitcast3A_491, 0 {pack_format = #tpu.pack_format<interleaved>} : vector<32xbf16> -> vector<16xf32>
        %unpack3A_493 = tpu.unpack_subelements %bitcast3A_491, 1 {pack_format = #tpu.pack_format<interleaved>} : vector<32xbf16> -> vector<16xf32>
        %select_n3A_494 = arith.select %eq3A_117, %unpack3A_490, %unpack3A_489 : vector<16xi1>, vector<16xf32>
        %select_n3A_495 = arith.select %eq3A_123, %unpack3A_493, %unpack3A_492 : vector<16xi1>, vector<16xf32>
        %mul3A_496 = arith.mulf %select_n3A_494, %select_n3A_495 : vector<16xf32>
        %add3A_497 = arith.addf %add3A_479, %mul3A_496 : vector<16xf32>
        %add3A_498 = arith.constant 21 : i32
        %add3A_499 = vector.broadcast %add3A_498 : i32 to vector<16xi32>
        %add3A_500 = arith.addi %mul3A_107, %add3A_499 : vector<16xi32>
        %gather3A_501 = tpu.vector_load_idx %arg13[%add3A_98, %add3A_500] : memref<64x128xi32, #tpu.memory_space<vmem>>[vector<16xi32>, vector<16xi32>], vector<16xi32>,
        %add3A_502 = arith.constant 21 : i32
        %add3A_503 = vector.broadcast %add3A_502 : i32 to vector<16xi32>
        %add3A_504 = arith.addi %mul3A_113, %add3A_503 : vector<16xi32>
        %gather3A_505 = tpu.vector_load_idx %arg14[%add3A_98, %add3A_504] : memref<64x128xi32, #tpu.memory_space<vmem>>[vector<16xi32>, vector<16xi32>], vector<16xi32>,
        %bitcast3A_506 = vector.bitcast %gather3A_501 : vector<16xi32> to vector<32xbf16>
        %unpack3A_507 = tpu.unpack_subelements %bitcast3A_506, 0 {pack_format = #tpu.pack_format<interleaved>} : vector<32xbf16> -> vector<16xf32>
        %unpack3A_508 = tpu.unpack_subelements %bitcast3A_506, 1 {pack_format = #tpu.pack_format<interleaved>} : vector<32xbf16> -> vector<16xf32>
        %bitcast3A_509 = vector.bitcast %gather3A_505 : vector<16xi32> to vector<32xbf16>
        %unpack3A_510 = tpu.unpack_subelements %bitcast3A_509, 0 {pack_format = #tpu.pack_format<interleaved>} : vector<32xbf16> -> vector<16xf32>
        %unpack3A_511 = tpu.unpack_subelements %bitcast3A_509, 1 {pack_format = #tpu.pack_format<interleaved>} : vector<32xbf16> -> vector<16xf32>
        %select_n3A_512 = arith.select %eq3A_117, %unpack3A_508, %unpack3A_507 : vector<16xi1>, vector<16xf32>
        %select_n3A_513 = arith.select %eq3A_123, %unpack3A_511, %unpack3A_510 : vector<16xi1>, vector<16xf32>
        %mul3A_514 = arith.mulf %select_n3A_512, %select_n3A_513 : vector<16xf32>
        %add3A_515 = arith.addf %add3A_497, %mul3A_514 : vector<16xf32>
        %add3A_516 = arith.constant 22 : i32
        %add3A_517 = vector.broadcast %add3A_516 : i32 to vector<16xi32>
        %add3A_518 = arith.addi %mul3A_107, %add3A_517 : vector<16xi32>
        %gather3A_519 = tpu.vector_load_idx %arg13[%add3A_98, %add3A_518] : memref<64x128xi32, #tpu.memory_space<vmem>>[vector<16xi32>, vector<16xi32>], vector<16xi32>,
        %add3A_520 = arith.constant 22 : i32
        %add3A_521 = vector.broadcast %add3A_520 : i32 to vector<16xi32>
        %add3A_522 = arith.addi %mul3A_113, %add3A_521 : vector<16xi32>
        %gather3A_523 = tpu.vector_load_idx %arg14[%add3A_98, %add3A_522] : memref<64x128xi32, #tpu.memory_space<vmem>>[vector<16xi32>, vector<16xi32>], vector<16xi32>,
        %bitcast3A_524 = vector.bitcast %gather3A_519 : vector<16xi32> to vector<32xbf16>
        %unpack3A_525 = tpu.unpack_subelements %bitcast3A_524, 0 {pack_format = #tpu.pack_format<interleaved>} : vector<32xbf16> -> vector<16xf32>
        %unpack3A_526 = tpu.unpack_subelements %bitcast3A_524, 1 {pack_format = #tpu.pack_format<interleaved>} : vector<32xbf16> -> vector<16xf32>
        %bitcast3A_527 = vector.bitcast %gather3A_523 : vector<16xi32> to vector<32xbf16>
        %unpack3A_528 = tpu.unpack_subelements %bitcast3A_527, 0 {pack_format = #tpu.pack_format<interleaved>} : vector<32xbf16> -> vector<16xf32>
        %unpack3A_529 = tpu.unpack_subelements %bitcast3A_527, 1 {pack_format = #tpu.pack_format<interleaved>} : vector<32xbf16> -> vector<16xf32>
        %select_n3A_530 = arith.select %eq3A_117, %unpack3A_526, %unpack3A_525 : vector<16xi1>, vector<16xf32>
        %select_n3A_531 = arith.select %eq3A_123, %unpack3A_529, %unpack3A_528 : vector<16xi1>, vector<16xf32>
        %mul3A_532 = arith.mulf %select_n3A_530, %select_n3A_531 : vector<16xf32>
        %add3A_533 = arith.addf %add3A_515, %mul3A_532 : vector<16xf32>
        %add3A_534 = arith.constant 23 : i32
        %add3A_535 = vector.broadcast %add3A_534 : i32 to vector<16xi32>
        %add3A_536 = arith.addi %mul3A_107, %add3A_535 : vector<16xi32>
        %gather3A_537 = tpu.vector_load_idx %arg13[%add3A_98, %add3A_536] : memref<64x128xi32, #tpu.memory_space<vmem>>[vector<16xi32>, vector<16xi32>], vector<16xi32>,
        %add3A_538 = arith.constant 23 : i32
        %add3A_539 = vector.broadcast %add3A_538 : i32 to vector<16xi32>
        %add3A_540 = arith.addi %mul3A_113, %add3A_539 : vector<16xi32>
        %gather3A_541 = tpu.vector_load_idx %arg14[%add3A_98, %add3A_540] : memref<64x128xi32, #tpu.memory_space<vmem>>[vector<16xi32>, vector<16xi32>], vector<16xi32>,
        %bitcast3A_542 = vector.bitcast %gather3A_537 : vector<16xi32> to vector<32xbf16>
        %unpack3A_543 = tpu.unpack_subelements %bitcast3A_542, 0 {pack_format = #tpu.pack_format<interleaved>} : vector<32xbf16> -> vector<16xf32>
        %unpack3A_544 = tpu.unpack_subelements %bitcast3A_542, 1 {pack_format = #tpu.pack_format<interleaved>} : vector<32xbf16> -> vector<16xf32>
        %bitcast3A_545 = vector.bitcast %gather3A_541 : vector<16xi32> to vector<32xbf16>
        %unpack3A_546 = tpu.unpack_subelements %bitcast3A_545, 0 {pack_format = #tpu.pack_format<interleaved>} : vector<32xbf16> -> vector<16xf32>
        %unpack3A_547 = tpu.unpack_subelements %bitcast3A_545, 1 {pack_format = #tpu.pack_format<interleaved>} : vector<32xbf16> -> vector<16xf32>
        %select_n3A_548 = arith.select %eq3A_117, %unpack3A_544, %unpack3A_543 : vector<16xi1>, vector<16xf32>
        %select_n3A_549 = arith.select %eq3A_123, %unpack3A_547, %unpack3A_546 : vector<16xi1>, vector<16xf32>
        %mul3A_550 = arith.mulf %select_n3A_548, %select_n3A_549 : vector<16xf32>
        %add3A_551 = arith.addf %add3A_533, %mul3A_550 : vector<16xf32>
        %add3A_552 = arith.constant 24 : i32
        %add3A_553 = vector.broadcast %add3A_552 : i32 to vector<16xi32>
        %add3A_554 = arith.addi %mul3A_107, %add3A_553 : vector<16xi32>
        %gather3A_555 = tpu.vector_load_idx %arg13[%add3A_98, %add3A_554] : memref<64x128xi32, #tpu.memory_space<vmem>>[vector<16xi32>, vector<16xi32>], vector<16xi32>,
        %add3A_556 = arith.constant 24 : i32
        %add3A_557 = vector.broadcast %add3A_556 : i32 to vector<16xi32>
        %add3A_558 = arith.addi %mul3A_113, %add3A_557 : vector<16xi32>
        %gather3A_559 = tpu.vector_load_idx %arg14[%add3A_98, %add3A_558] : memref<64x128xi32, #tpu.memory_space<vmem>>[vector<16xi32>, vector<16xi32>], vector<16xi32>,
        %bitcast3A_560 = vector.bitcast %gather3A_555 : vector<16xi32> to vector<32xbf16>
        %unpack3A_561 = tpu.unpack_subelements %bitcast3A_560, 0 {pack_format = #tpu.pack_format<interleaved>} : vector<32xbf16> -> vector<16xf32>
        %unpack3A_562 = tpu.unpack_subelements %bitcast3A_560, 1 {pack_format = #tpu.pack_format<interleaved>} : vector<32xbf16> -> vector<16xf32>
        %bitcast3A_563 = vector.bitcast %gather3A_559 : vector<16xi32> to vector<32xbf16>
        %unpack3A_564 = tpu.unpack_subelements %bitcast3A_563, 0 {pack_format = #tpu.pack_format<interleaved>} : vector<32xbf16> -> vector<16xf32>
        %unpack3A_565 = tpu.unpack_subelements %bitcast3A_563, 1 {pack_format = #tpu.pack_format<interleaved>} : vector<32xbf16> -> vector<16xf32>
        %select_n3A_566 = arith.select %eq3A_117, %unpack3A_562, %unpack3A_561 : vector<16xi1>, vector<16xf32>
        %select_n3A_567 = arith.select %eq3A_123, %unpack3A_565, %unpack3A_564 : vector<16xi1>, vector<16xf32>
        %mul3A_568 = arith.mulf %select_n3A_566, %select_n3A_567 : vector<16xf32>
        %add3A_569 = arith.addf %add3A_551, %mul3A_568 : vector<16xf32>
        %add3A_570 = arith.constant 25 : i32
        %add3A_571 = vector.broadcast %add3A_570 : i32 to vector<16xi32>
        %add3A_572 = arith.addi %mul3A_107, %add3A_571 : vector<16xi32>
        %gather3A_573 = tpu.vector_load_idx %arg13[%add3A_98, %add3A_572] : memref<64x128xi32, #tpu.memory_space<vmem>>[vector<16xi32>, vector<16xi32>], vector<16xi32>,
        %add3A_574 = arith.constant 25 : i32
        %add3A_575 = vector.broadcast %add3A_574 : i32 to vector<16xi32>
        %add3A_576 = arith.addi %mul3A_113, %add3A_575 : vector<16xi32>
        %gather3A_577 = tpu.vector_load_idx %arg14[%add3A_98, %add3A_576] : memref<64x128xi32, #tpu.memory_space<vmem>>[vector<16xi32>, vector<16xi32>], vector<16xi32>,
        %bitcast3A_578 = vector.bitcast %gather3A_573 : vector<16xi32> to vector<32xbf16>
        %unpack3A_579 = tpu.unpack_subelements %bitcast3A_578, 0 {pack_format = #tpu.pack_format<interleaved>} : vector<32xbf16> -> vector<16xf32>
        %unpack3A_580 = tpu.unpack_subelements %bitcast3A_578, 1 {pack_format = #tpu.pack_format<interleaved>} : vector<32xbf16> -> vector<16xf32>
        %bitcast3A_581 = vector.bitcast %gather3A_577 : vector<16xi32> to vector<32xbf16>
        %unpack3A_582 = tpu.unpack_subelements %bitcast3A_581, 0 {pack_format = #tpu.pack_format<interleaved>} : vector<32xbf16> -> vector<16xf32>
        %unpack3A_583 = tpu.unpack_subelements %bitcast3A_581, 1 {pack_format = #tpu.pack_format<interleaved>} : vector<32xbf16> -> vector<16xf32>
        %select_n3A_584 = arith.select %eq3A_117, %unpack3A_580, %unpack3A_579 : vector<16xi1>, vector<16xf32>
        %select_n3A_585 = arith.select %eq3A_123, %unpack3A_583, %unpack3A_582 : vector<16xi1>, vector<16xf32>
        %mul3A_586 = arith.mulf %select_n3A_584, %select_n3A_585 : vector<16xf32>
        %add3A_587 = arith.addf %add3A_569, %mul3A_586 : vector<16xf32>
        %add3A_588 = arith.constant 26 : i32
        %add3A_589 = vector.broadcast %add3A_588 : i32 to vector<16xi32>
        %add3A_590 = arith.addi %mul3A_107, %add3A_589 : vector<16xi32>
        %gather3A_591 = tpu.vector_load_idx %arg13[%add3A_98, %add3A_590] : memref<64x128xi32, #tpu.memory_space<vmem>>[vector<16xi32>, vector<16xi32>], vector<16xi32>,
        %add3A_592 = arith.constant 26 : i32
        %add3A_593 = vector.broadcast %add3A_592 : i32 to vector<16xi32>
        %add3A_594 = arith.addi %mul3A_113, %add3A_593 : vector<16xi32>
        %gather3A_595 = tpu.vector_load_idx %arg14[%add3A_98, %add3A_594] : memref<64x128xi32, #tpu.memory_space<vmem>>[vector<16xi32>, vector<16xi32>], vector<16xi32>,
        %bitcast3A_596 = vector.bitcast %gather3A_591 : vector<16xi32> to vector<32xbf16>
        %unpack3A_597 = tpu.unpack_subelements %bitcast3A_596, 0 {pack_format = #tpu.pack_format<interleaved>} : vector<32xbf16> -> vector<16xf32>
        %unpack3A_598 = tpu.unpack_subelements %bitcast3A_596, 1 {pack_format = #tpu.pack_format<interleaved>} : vector<32xbf16> -> vector<16xf32>
        %bitcast3A_599 = vector.bitcast %gather3A_595 : vector<16xi32> to vector<32xbf16>
        %unpack3A_600 = tpu.unpack_subelements %bitcast3A_599, 0 {pack_format = #tpu.pack_format<interleaved>} : vector<32xbf16> -> vector<16xf32>
        %unpack3A_601 = tpu.unpack_subelements %bitcast3A_599, 1 {pack_format = #tpu.pack_format<interleaved>} : vector<32xbf16> -> vector<16xf32>
        %select_n3A_602 = arith.select %eq3A_117, %unpack3A_598, %unpack3A_597 : vector<16xi1>, vector<16xf32>
        %select_n3A_603 = arith.select %eq3A_123, %unpack3A_601, %unpack3A_600 : vector<16xi1>, vector<16xf32>
        %mul3A_604 = arith.mulf %select_n3A_602, %select_n3A_603 : vector<16xf32>
        %add3A_605 = arith.addf %add3A_587, %mul3A_604 : vector<16xf32>
        %add3A_606 = arith.constant 27 : i32
        %add3A_607 = vector.broadcast %add3A_606 : i32 to vector<16xi32>
        %add3A_608 = arith.addi %mul3A_107, %add3A_607 : vector<16xi32>
        %gather3A_609 = tpu.vector_load_idx %arg13[%add3A_98, %add3A_608] : memref<64x128xi32, #tpu.memory_space<vmem>>[vector<16xi32>, vector<16xi32>], vector<16xi32>,
        %add3A_610 = arith.constant 27 : i32
        %add3A_611 = vector.broadcast %add3A_610 : i32 to vector<16xi32>
        %add3A_612 = arith.addi %mul3A_113, %add3A_611 : vector<16xi32>
        %gather3A_613 = tpu.vector_load_idx %arg14[%add3A_98, %add3A_612] : memref<64x128xi32, #tpu.memory_space<vmem>>[vector<16xi32>, vector<16xi32>], vector<16xi32>,
        %bitcast3A_614 = vector.bitcast %gather3A_609 : vector<16xi32> to vector<32xbf16>
        %unpack3A_615 = tpu.unpack_subelements %bitcast3A_614, 0 {pack_format = #tpu.pack_format<interleaved>} : vector<32xbf16> -> vector<16xf32>
        %unpack3A_616 = tpu.unpack_subelements %bitcast3A_614, 1 {pack_format = #tpu.pack_format<interleaved>} : vector<32xbf16> -> vector<16xf32>
        %bitcast3A_617 = vector.bitcast %gather3A_613 : vector<16xi32> to vector<32xbf16>
        %unpack3A_618 = tpu.unpack_subelements %bitcast3A_617, 0 {pack_format = #tpu.pack_format<interleaved>} : vector<32xbf16> -> vector<16xf32>
        %unpack3A_619 = tpu.unpack_subelements %bitcast3A_617, 1 {pack_format = #tpu.pack_format<interleaved>} : vector<32xbf16> -> vector<16xf32>
        %select_n3A_620 = arith.select %eq3A_117, %unpack3A_616, %unpack3A_615 : vector<16xi1>, vector<16xf32>
        %select_n3A_621 = arith.select %eq3A_123, %unpack3A_619, %unpack3A_618 : vector<16xi1>, vector<16xf32>
        %mul3A_622 = arith.mulf %select_n3A_620, %select_n3A_621 : vector<16xf32>
        %add3A_623 = arith.addf %add3A_605, %mul3A_622 : vector<16xf32>
        %add3A_624 = arith.constant 28 : i32
        %add3A_625 = vector.broadcast %add3A_624 : i32 to vector<16xi32>
        %add3A_626 = arith.addi %mul3A_107, %add3A_625 : vector<16xi32>
        %gather3A_627 = tpu.vector_load_idx %arg13[%add3A_98, %add3A_626] : memref<64x128xi32, #tpu.memory_space<vmem>>[vector<16xi32>, vector<16xi32>], vector<16xi32>,
        %add3A_628 = arith.constant 28 : i32
        %add3A_629 = vector.broadcast %add3A_628 : i32 to vector<16xi32>
        %add3A_630 = arith.addi %mul3A_113, %add3A_629 : vector<16xi32>
        %gather3A_631 = tpu.vector_load_idx %arg14[%add3A_98, %add3A_630] : memref<64x128xi32, #tpu.memory_space<vmem>>[vector<16xi32>, vector<16xi32>], vector<16xi32>,
        %bitcast3A_632 = vector.bitcast %gather3A_627 : vector<16xi32> to vector<32xbf16>
        %unpack3A_633 = tpu.unpack_subelements %bitcast3A_632, 0 {pack_format = #tpu.pack_format<interleaved>} : vector<32xbf16> -> vector<16xf32>
        %unpack3A_634 = tpu.unpack_subelements %bitcast3A_632, 1 {pack_format = #tpu.pack_format<interleaved>} : vector<32xbf16> -> vector<16xf32>
        %bitcast3A_635 = vector.bitcast %gather3A_631 : vector<16xi32> to vector<32xbf16>
        %unpack3A_636 = tpu.unpack_subelements %bitcast3A_635, 0 {pack_format = #tpu.pack_format<interleaved>} : vector<32xbf16> -> vector<16xf32>
        %unpack3A_637 = tpu.unpack_subelements %bitcast3A_635, 1 {pack_format = #tpu.pack_format<interleaved>} : vector<32xbf16> -> vector<16xf32>
        %select_n3A_638 = arith.select %eq3A_117, %unpack3A_634, %unpack3A_633 : vector<16xi1>, vector<16xf32>
        %select_n3A_639 = arith.select %eq3A_123, %unpack3A_637, %unpack3A_636 : vector<16xi1>, vector<16xf32>
        %mul3A_640 = arith.mulf %select_n3A_638, %select_n3A_639 : vector<16xf32>
        %add3A_641 = arith.addf %add3A_623, %mul3A_640 : vector<16xf32>
        %add3A_642 = arith.constant 29 : i32
        %add3A_643 = vector.broadcast %add3A_642 : i32 to vector<16xi32>
        %add3A_644 = arith.addi %mul3A_107, %add3A_643 : vector<16xi32>
        %gather3A_645 = tpu.vector_load_idx %arg13[%add3A_98, %add3A_644] : memref<64x128xi32, #tpu.memory_space<vmem>>[vector<16xi32>, vector<16xi32>], vector<16xi32>,
        %add3A_646 = arith.constant 29 : i32
        %add3A_647 = vector.broadcast %add3A_646 : i32 to vector<16xi32>
        %add3A_648 = arith.addi %mul3A_113, %add3A_647 : vector<16xi32>
        %gather3A_649 = tpu.vector_load_idx %arg14[%add3A_98, %add3A_648] : memref<64x128xi32, #tpu.memory_space<vmem>>[vector<16xi32>, vector<16xi32>], vector<16xi32>,
        %bitcast3A_650 = vector.bitcast %gather3A_645 : vector<16xi32> to vector<32xbf16>
        %unpack3A_651 = tpu.unpack_subelements %bitcast3A_650, 0 {pack_format = #tpu.pack_format<interleaved>} : vector<32xbf16> -> vector<16xf32>
        %unpack3A_652 = tpu.unpack_subelements %bitcast3A_650, 1 {pack_format = #tpu.pack_format<interleaved>} : vector<32xbf16> -> vector<16xf32>
        %bitcast3A_653 = vector.bitcast %gather3A_649 : vector<16xi32> to vector<32xbf16>
        %unpack3A_654 = tpu.unpack_subelements %bitcast3A_653, 0 {pack_format = #tpu.pack_format<interleaved>} : vector<32xbf16> -> vector<16xf32>
        %unpack3A_655 = tpu.unpack_subelements %bitcast3A_653, 1 {pack_format = #tpu.pack_format<interleaved>} : vector<32xbf16> -> vector<16xf32>
        %select_n3A_656 = arith.select %eq3A_117, %unpack3A_652, %unpack3A_651 : vector<16xi1>, vector<16xf32>
        %select_n3A_657 = arith.select %eq3A_123, %unpack3A_655, %unpack3A_654 : vector<16xi1>, vector<16xf32>
        %mul3A_658 = arith.mulf %select_n3A_656, %select_n3A_657 : vector<16xf32>
        %add3A_659 = arith.addf %add3A_641, %mul3A_658 : vector<16xf32>
        %add3A_660 = arith.constant 30 : i32
        %add3A_661 = vector.broadcast %add3A_660 : i32 to vector<16xi32>
        %add3A_662 = arith.addi %mul3A_107, %add3A_661 : vector<16xi32>
        %gather3A_663 = tpu.vector_load_idx %arg13[%add3A_98, %add3A_662] : memref<64x128xi32, #tpu.memory_space<vmem>>[vector<16xi32>, vector<16xi32>], vector<16xi32>,
        %add3A_664 = arith.constant 30 : i32
        %add3A_665 = vector.broadcast %add3A_664 : i32 to vector<16xi32>
        %add3A_666 = arith.addi %mul3A_113, %add3A_665 : vector<16xi32>
        %gather3A_667 = tpu.vector_load_idx %arg14[%add3A_98, %add3A_666] : memref<64x128xi32, #tpu.memory_space<vmem>>[vector<16xi32>, vector<16xi32>], vector<16xi32>,
        %bitcast3A_668 = vector.bitcast %gather3A_663 : vector<16xi32> to vector<32xbf16>
        %unpack3A_669 = tpu.unpack_subelements %bitcast3A_668, 0 {pack_format = #tpu.pack_format<interleaved>} : vector<32xbf16> -> vector<16xf32>
        %unpack3A_670 = tpu.unpack_subelements %bitcast3A_668, 1 {pack_format = #tpu.pack_format<interleaved>} : vector<32xbf16> -> vector<16xf32>
        %bitcast3A_671 = vector.bitcast %gather3A_667 : vector<16xi32> to vector<32xbf16>
        %unpack3A_672 = tpu.unpack_subelements %bitcast3A_671, 0 {pack_format = #tpu.pack_format<interleaved>} : vector<32xbf16> -> vector<16xf32>
        %unpack3A_673 = tpu.unpack_subelements %bitcast3A_671, 1 {pack_format = #tpu.pack_format<interleaved>} : vector<32xbf16> -> vector<16xf32>
        %select_n3A_674 = arith.select %eq3A_117, %unpack3A_670, %unpack3A_669 : vector<16xi1>, vector<16xf32>
        %select_n3A_675 = arith.select %eq3A_123, %unpack3A_673, %unpack3A_672 : vector<16xi1>, vector<16xf32>
        %mul3A_676 = arith.mulf %select_n3A_674, %select_n3A_675 : vector<16xf32>
        %add3A_677 = arith.addf %add3A_659, %mul3A_676 : vector<16xf32>
        %add3A_678 = arith.constant 31 : i32
        %add3A_679 = vector.broadcast %add3A_678 : i32 to vector<16xi32>
        %add3A_680 = arith.addi %mul3A_107, %add3A_679 : vector<16xi32>
        %gather3A_681 = tpu.vector_load_idx %arg13[%add3A_98, %add3A_680] : memref<64x128xi32, #tpu.memory_space<vmem>>[vector<16xi32>, vector<16xi32>], vector<16xi32>,
        %add3A_682 = arith.constant 31 : i32
        %add3A_683 = vector.broadcast %add3A_682 : i32 to vector<16xi32>
        %add3A_684 = arith.addi %mul3A_113, %add3A_683 : vector<16xi32>
        %gather3A_685 = tpu.vector_load_idx %arg14[%add3A_98, %add3A_684] : memref<64x128xi32, #tpu.memory_space<vmem>>[vector<16xi32>, vector<16xi32>], vector<16xi32>,
        %bitcast3A_686 = vector.bitcast %gather3A_681 : vector<16xi32> to vector<32xbf16>
        %unpack3A_687 = tpu.unpack_subelements %bitcast3A_686, 0 {pack_format = #tpu.pack_format<interleaved>} : vector<32xbf16> -> vector<16xf32>
        %unpack3A_688 = tpu.unpack_subelements %bitcast3A_686, 1 {pack_format = #tpu.pack_format<interleaved>} : vector<32xbf16> -> vector<16xf32>
        %bitcast3A_689 = vector.bitcast %gather3A_685 : vector<16xi32> to vector<32xbf16>
        %unpack3A_690 = tpu.unpack_subelements %bitcast3A_689, 0 {pack_format = #tpu.pack_format<interleaved>} : vector<32xbf16> -> vector<16xf32>
        %unpack3A_691 = tpu.unpack_subelements %bitcast3A_689, 1 {pack_format = #tpu.pack_format<interleaved>} : vector<32xbf16> -> vector<16xf32>
        %select_n3A_692 = arith.select %eq3A_117, %unpack3A_688, %unpack3A_687 : vector<16xi1>, vector<16xf32>
        %select_n3A_693 = arith.select %eq3A_123, %unpack3A_691, %unpack3A_690 : vector<16xi1>, vector<16xf32>
        %mul3A_694 = arith.mulf %select_n3A_692, %select_n3A_693 : vector<16xf32>
        %add3A_695 = arith.addf %add3A_677, %mul3A_694 : vector<16xf32>
        %add3A_696 = arith.constant 32 : i32
        %add3A_697 = vector.broadcast %add3A_696 : i32 to vector<16xi32>
        %add3A_698 = arith.addi %mul3A_107, %add3A_697 : vector<16xi32>
        %gather3A_699 = tpu.vector_load_idx %arg13[%add3A_98, %add3A_698] : memref<64x128xi32, #tpu.memory_space<vmem>>[vector<16xi32>, vector<16xi32>], vector<16xi32>,
        %add3A_700 = arith.constant 32 : i32
        %add3A_701 = vector.broadcast %add3A_700 : i32 to vector<16xi32>
        %add3A_702 = arith.addi %mul3A_113, %add3A_701 : vector<16xi32>
        %gather3A_703 = tpu.vector_load_idx %arg14[%add3A_98, %add3A_702] : memref<64x128xi32, #tpu.memory_space<vmem>>[vector<16xi32>, vector<16xi32>], vector<16xi32>,
        %bitcast3A_704 = vector.bitcast %gather3A_699 : vector<16xi32> to vector<32xbf16>
        %unpack3A_705 = tpu.unpack_subelements %bitcast3A_704, 0 {pack_format = #tpu.pack_format<interleaved>} : vector<32xbf16> -> vector<16xf32>
        %unpack3A_706 = tpu.unpack_subelements %bitcast3A_704, 1 {pack_format = #tpu.pack_format<interleaved>} : vector<32xbf16> -> vector<16xf32>
        %bitcast3A_707 = vector.bitcast %gather3A_703 : vector<16xi32> to vector<32xbf16>
        %unpack3A_708 = tpu.unpack_subelements %bitcast3A_707, 0 {pack_format = #tpu.pack_format<interleaved>} : vector<32xbf16> -> vector<16xf32>
        %unpack3A_709 = tpu.unpack_subelements %bitcast3A_707, 1 {pack_format = #tpu.pack_format<interleaved>} : vector<32xbf16> -> vector<16xf32>
        %select_n3A_710 = arith.select %eq3A_117, %unpack3A_706, %unpack3A_705 : vector<16xi1>, vector<16xf32>
        %select_n3A_711 = arith.select %eq3A_123, %unpack3A_709, %unpack3A_708 : vector<16xi1>, vector<16xf32>
        %mul3A_712 = arith.mulf %select_n3A_710, %select_n3A_711 : vector<16xf32>
        %add3A_713 = arith.addf %add3A_695, %mul3A_712 : vector<16xf32>
        %add3A_714 = arith.constant 33 : i32
        %add3A_715 = vector.broadcast %add3A_714 : i32 to vector<16xi32>
        %add3A_716 = arith.addi %mul3A_107, %add3A_715 : vector<16xi32>
        %gather3A_717 = tpu.vector_load_idx %arg13[%add3A_98, %add3A_716] : memref<64x128xi32, #tpu.memory_space<vmem>>[vector<16xi32>, vector<16xi32>], vector<16xi32>,
        %add3A_718 = arith.constant 33 : i32
        %add3A_719 = vector.broadcast %add3A_718 : i32 to vector<16xi32>
        %add3A_720 = arith.addi %mul3A_113, %add3A_719 : vector<16xi32>
        %gather3A_721 = tpu.vector_load_idx %arg14[%add3A_98, %add3A_720] : memref<64x128xi32, #tpu.memory_space<vmem>>[vector<16xi32>, vector<16xi32>], vector<16xi32>,
        %bitcast3A_722 = vector.bitcast %gather3A_717 : vector<16xi32> to vector<32xbf16>
        %unpack3A_723 = tpu.unpack_subelements %bitcast3A_722, 0 {pack_format = #tpu.pack_format<interleaved>} : vector<32xbf16> -> vector<16xf32>
        %unpack3A_724 = tpu.unpack_subelements %bitcast3A_722, 1 {pack_format = #tpu.pack_format<interleaved>} : vector<32xbf16> -> vector<16xf32>
        %bitcast3A_725 = vector.bitcast %gather3A_721 : vector<16xi32> to vector<32xbf16>
        %unpack3A_726 = tpu.unpack_subelements %bitcast3A_725, 0 {pack_format = #tpu.pack_format<interleaved>} : vector<32xbf16> -> vector<16xf32>
        %unpack3A_727 = tpu.unpack_subelements %bitcast3A_725, 1 {pack_format = #tpu.pack_format<interleaved>} : vector<32xbf16> -> vector<16xf32>
        %select_n3A_728 = arith.select %eq3A_117, %unpack3A_724, %unpack3A_723 : vector<16xi1>, vector<16xf32>
        %select_n3A_729 = arith.select %eq3A_123, %unpack3A_727, %unpack3A_726 : vector<16xi1>, vector<16xf32>
        %mul3A_730 = arith.mulf %select_n3A_728, %select_n3A_729 : vector<16xf32>
        %add3A_731 = arith.addf %add3A_713, %mul3A_730 : vector<16xf32>
        %add3A_732 = arith.constant 34 : i32
        %add3A_733 = vector.broadcast %add3A_732 : i32 to vector<16xi32>
        %add3A_734 = arith.addi %mul3A_107, %add3A_733 : vector<16xi32>
        %gather3A_735 = tpu.vector_load_idx %arg13[%add3A_98, %add3A_734] : memref<64x128xi32, #tpu.memory_space<vmem>>[vector<16xi32>, vector<16xi32>], vector<16xi32>,
        %add3A_736 = arith.constant 34 : i32
        %add3A_737 = vector.broadcast %add3A_736 : i32 to vector<16xi32>
        %add3A_738 = arith.addi %mul3A_113, %add3A_737 : vector<16xi32>
        %gather3A_739 = tpu.vector_load_idx %arg14[%add3A_98, %add3A_738] : memref<64x128xi32, #tpu.memory_space<vmem>>[vector<16xi32>, vector<16xi32>], vector<16xi32>,
        %bitcast3A_740 = vector.bitcast %gather3A_735 : vector<16xi32> to vector<32xbf16>
        %unpack3A_741 = tpu.unpack_subelements %bitcast3A_740, 0 {pack_format = #tpu.pack_format<interleaved>} : vector<32xbf16> -> vector<16xf32>
        %unpack3A_742 = tpu.unpack_subelements %bitcast3A_740, 1 {pack_format = #tpu.pack_format<interleaved>} : vector<32xbf16> -> vector<16xf32>
        %bitcast3A_743 = vector.bitcast %gather3A_739 : vector<16xi32> to vector<32xbf16>
        %unpack3A_744 = tpu.unpack_subelements %bitcast3A_743, 0 {pack_format = #tpu.pack_format<interleaved>} : vector<32xbf16> -> vector<16xf32>
        %unpack3A_745 = tpu.unpack_subelements %bitcast3A_743, 1 {pack_format = #tpu.pack_format<interleaved>} : vector<32xbf16> -> vector<16xf32>
        %select_n3A_746 = arith.select %eq3A_117, %unpack3A_742, %unpack3A_741 : vector<16xi1>, vector<16xf32>
        %select_n3A_747 = arith.select %eq3A_123, %unpack3A_745, %unpack3A_744 : vector<16xi1>, vector<16xf32>
        %mul3A_748 = arith.mulf %select_n3A_746, %select_n3A_747 : vector<16xf32>
        %add3A_749 = arith.addf %add3A_731, %mul3A_748 : vector<16xf32>
        %add3A_750 = arith.constant 35 : i32
        %add3A_751 = vector.broadcast %add3A_750 : i32 to vector<16xi32>
        %add3A_752 = arith.addi %mul3A_107, %add3A_751 : vector<16xi32>
        %gather3A_753 = tpu.vector_load_idx %arg13[%add3A_98, %add3A_752] : memref<64x128xi32, #tpu.memory_space<vmem>>[vector<16xi32>, vector<16xi32>], vector<16xi32>,
        %add3A_754 = arith.constant 35 : i32
        %add3A_755 = vector.broadcast %add3A_754 : i32 to vector<16xi32>
        %add3A_756 = arith.addi %mul3A_113, %add3A_755 : vector<16xi32>
        %gather3A_757 = tpu.vector_load_idx %arg14[%add3A_98, %add3A_756] : memref<64x128xi32, #tpu.memory_space<vmem>>[vector<16xi32>, vector<16xi32>], vector<16xi32>,
        %bitcast3A_758 = vector.bitcast %gather3A_753 : vector<16xi32> to vector<32xbf16>
        %unpack3A_759 = tpu.unpack_subelements %bitcast3A_758, 0 {pack_format = #tpu.pack_format<interleaved>} : vector<32xbf16> -> vector<16xf32>
        %unpack3A_760 = tpu.unpack_subelements %bitcast3A_758, 1 {pack_format = #tpu.pack_format<interleaved>} : vector<32xbf16> -> vector<16xf32>
        %bitcast3A_761 = vector.bitcast %gather3A_757 : vector<16xi32> to vector<32xbf16>
        %unpack3A_762 = tpu.unpack_subelements %bitcast3A_761, 0 {pack_format = #tpu.pack_format<interleaved>} : vector<32xbf16> -> vector<16xf32>
        %unpack3A_763 = tpu.unpack_subelements %bitcast3A_761, 1 {pack_format = #tpu.pack_format<interleaved>} : vector<32xbf16> -> vector<16xf32>
        %select_n3A_764 = arith.select %eq3A_117, %unpack3A_760, %unpack3A_759 : vector<16xi1>, vector<16xf32>
        %select_n3A_765 = arith.select %eq3A_123, %unpack3A_763, %unpack3A_762 : vector<16xi1>, vector<16xf32>
        %mul3A_766 = arith.mulf %select_n3A_764, %select_n3A_765 : vector<16xf32>
        %add3A_767 = arith.addf %add3A_749, %mul3A_766 : vector<16xf32>
        %add3A_768 = arith.constant 36 : i32
        %add3A_769 = vector.broadcast %add3A_768 : i32 to vector<16xi32>
        %add3A_770 = arith.addi %mul3A_107, %add3A_769 : vector<16xi32>
        %gather3A_771 = tpu.vector_load_idx %arg13[%add3A_98, %add3A_770] : memref<64x128xi32, #tpu.memory_space<vmem>>[vector<16xi32>, vector<16xi32>], vector<16xi32>,
        %add3A_772 = arith.constant 36 : i32
        %add3A_773 = vector.broadcast %add3A_772 : i32 to vector<16xi32>
        %add3A_774 = arith.addi %mul3A_113, %add3A_773 : vector<16xi32>
        %gather3A_775 = tpu.vector_load_idx %arg14[%add3A_98, %add3A_774] : memref<64x128xi32, #tpu.memory_space<vmem>>[vector<16xi32>, vector<16xi32>], vector<16xi32>,
        %bitcast3A_776 = vector.bitcast %gather3A_771 : vector<16xi32> to vector<32xbf16>
        %unpack3A_777 = tpu.unpack_subelements %bitcast3A_776, 0 {pack_format = #tpu.pack_format<interleaved>} : vector<32xbf16> -> vector<16xf32>
        %unpack3A_778 = tpu.unpack_subelements %bitcast3A_776, 1 {pack_format = #tpu.pack_format<interleaved>} : vector<32xbf16> -> vector<16xf32>
        %bitcast3A_779 = vector.bitcast %gather3A_775 : vector<16xi32> to vector<32xbf16>
        %unpack3A_780 = tpu.unpack_subelements %bitcast3A_779, 0 {pack_format = #tpu.pack_format<interleaved>} : vector<32xbf16> -> vector<16xf32>
        %unpack3A_781 = tpu.unpack_subelements %bitcast3A_779, 1 {pack_format = #tpu.pack_format<interleaved>} : vector<32xbf16> -> vector<16xf32>
        %select_n3A_782 = arith.select %eq3A_117, %unpack3A_778, %unpack3A_777 : vector<16xi1>, vector<16xf32>
        %select_n3A_783 = arith.select %eq3A_123, %unpack3A_781, %unpack3A_780 : vector<16xi1>, vector<16xf32>
        %mul3A_784 = arith.mulf %select_n3A_782, %select_n3A_783 : vector<16xf32>
        %add3A_785 = arith.addf %add3A_767, %mul3A_784 : vector<16xf32>
        %add3A_786 = arith.constant 37 : i32
        %add3A_787 = vector.broadcast %add3A_786 : i32 to vector<16xi32>
        %add3A_788 = arith.addi %mul3A_107, %add3A_787 : vector<16xi32>
        %gather3A_789 = tpu.vector_load_idx %arg13[%add3A_98, %add3A_788] : memref<64x128xi32, #tpu.memory_space<vmem>>[vector<16xi32>, vector<16xi32>], vector<16xi32>,
        %add3A_790 = arith.constant 37 : i32
        %add3A_791 = vector.broadcast %add3A_790 : i32 to vector<16xi32>
        %add3A_792 = arith.addi %mul3A_113, %add3A_791 : vector<16xi32>
        %gather3A_793 = tpu.vector_load_idx %arg14[%add3A_98, %add3A_792] : memref<64x128xi32, #tpu.memory_space<vmem>>[vector<16xi32>, vector<16xi32>], vector<16xi32>,
        %bitcast3A_794 = vector.bitcast %gather3A_789 : vector<16xi32> to vector<32xbf16>
        %unpack3A_795 = tpu.unpack_subelements %bitcast3A_794, 0 {pack_format = #tpu.pack_format<interleaved>} : vector<32xbf16> -> vector<16xf32>
        %unpack3A_796 = tpu.unpack_subelements %bitcast3A_794, 1 {pack_format = #tpu.pack_format<interleaved>} : vector<32xbf16> -> vector<16xf32>
        %bitcast3A_797 = vector.bitcast %gather3A_793 : vector<16xi32> to vector<32xbf16>
        %unpack3A_798 = tpu.unpack_subelements %bitcast3A_797, 0 {pack_format = #tpu.pack_format<interleaved>} : vector<32xbf16> -> vector<16xf32>
        %unpack3A_799 = tpu.unpack_subelements %bitcast3A_797, 1 {pack_format = #tpu.pack_format<interleaved>} : vector<32xbf16> -> vector<16xf32>
        %select_n3A_800 = arith.select %eq3A_117, %unpack3A_796, %unpack3A_795 : vector<16xi1>, vector<16xf32>
        %select_n3A_801 = arith.select %eq3A_123, %unpack3A_799, %unpack3A_798 : vector<16xi1>, vector<16xf32>
        %mul3A_802 = arith.mulf %select_n3A_800, %select_n3A_801 : vector<16xf32>
        %add3A_803 = arith.addf %add3A_785, %mul3A_802 : vector<16xf32>
        %add3A_804 = arith.constant 38 : i32
        %add3A_805 = vector.broadcast %add3A_804 : i32 to vector<16xi32>
        %add3A_806 = arith.addi %mul3A_107, %add3A_805 : vector<16xi32>
        %gather3A_807 = tpu.vector_load_idx %arg13[%add3A_98, %add3A_806] : memref<64x128xi32, #tpu.memory_space<vmem>>[vector<16xi32>, vector<16xi32>], vector<16xi32>,
        %add3A_808 = arith.constant 38 : i32
        %add3A_809 = vector.broadcast %add3A_808 : i32 to vector<16xi32>
        %add3A_810 = arith.addi %mul3A_113, %add3A_809 : vector<16xi32>
        %gather3A_811 = tpu.vector_load_idx %arg14[%add3A_98, %add3A_810] : memref<64x128xi32, #tpu.memory_space<vmem>>[vector<16xi32>, vector<16xi32>], vector<16xi32>,
        %bitcast3A_812 = vector.bitcast %gather3A_807 : vector<16xi32> to vector<32xbf16>
        %unpack3A_813 = tpu.unpack_subelements %bitcast3A_812, 0 {pack_format = #tpu.pack_format<interleaved>} : vector<32xbf16> -> vector<16xf32>
        %unpack3A_814 = tpu.unpack_subelements %bitcast3A_812, 1 {pack_format = #tpu.pack_format<interleaved>} : vector<32xbf16> -> vector<16xf32>
        %bitcast3A_815 = vector.bitcast %gather3A_811 : vector<16xi32> to vector<32xbf16>
        %unpack3A_816 = tpu.unpack_subelements %bitcast3A_815, 0 {pack_format = #tpu.pack_format<interleaved>} : vector<32xbf16> -> vector<16xf32>
        %unpack3A_817 = tpu.unpack_subelements %bitcast3A_815, 1 {pack_format = #tpu.pack_format<interleaved>} : vector<32xbf16> -> vector<16xf32>
        %select_n3A_818 = arith.select %eq3A_117, %unpack3A_814, %unpack3A_813 : vector<16xi1>, vector<16xf32>
        %select_n3A_819 = arith.select %eq3A_123, %unpack3A_817, %unpack3A_816 : vector<16xi1>, vector<16xf32>
        %mul3A_820 = arith.mulf %select_n3A_818, %select_n3A_819 : vector<16xf32>
        %add3A_821 = arith.addf %add3A_803, %mul3A_820 : vector<16xf32>
        %add3A_822 = arith.constant 39 : i32
        %add3A_823 = vector.broadcast %add3A_822 : i32 to vector<16xi32>
        %add3A_824 = arith.addi %mul3A_107, %add3A_823 : vector<16xi32>
        %gather3A_825 = tpu.vector_load_idx %arg13[%add3A_98, %add3A_824] : memref<64x128xi32, #tpu.memory_space<vmem>>[vector<16xi32>, vector<16xi32>], vector<16xi32>,
        %add3A_826 = arith.constant 39 : i32
        %add3A_827 = vector.broadcast %add3A_826 : i32 to vector<16xi32>
        %add3A_828 = arith.addi %mul3A_113, %add3A_827 : vector<16xi32>
        %gather3A_829 = tpu.vector_load_idx %arg14[%add3A_98, %add3A_828] : memref<64x128xi32, #tpu.memory_space<vmem>>[vector<16xi32>, vector<16xi32>], vector<16xi32>,
        %bitcast3A_830 = vector.bitcast %gather3A_825 : vector<16xi32> to vector<32xbf16>
        %unpack3A_831 = tpu.unpack_subelements %bitcast3A_830, 0 {pack_format = #tpu.pack_format<interleaved>} : vector<32xbf16> -> vector<16xf32>
        %unpack3A_832 = tpu.unpack_subelements %bitcast3A_830, 1 {pack_format = #tpu.pack_format<interleaved>} : vector<32xbf16> -> vector<16xf32>
        %bitcast3A_833 = vector.bitcast %gather3A_829 : vector<16xi32> to vector<32xbf16>
        %unpack3A_834 = tpu.unpack_subelements %bitcast3A_833, 0 {pack_format = #tpu.pack_format<interleaved>} : vector<32xbf16> -> vector<16xf32>
        %unpack3A_835 = tpu.unpack_subelements %bitcast3A_833, 1 {pack_format = #tpu.pack_format<interleaved>} : vector<32xbf16> -> vector<16xf32>
        %select_n3A_836 = arith.select %eq3A_117, %unpack3A_832, %unpack3A_831 : vector<16xi1>, vector<16xf32>
        %select_n3A_837 = arith.select %eq3A_123, %unpack3A_835, %unpack3A_834 : vector<16xi1>, vector<16xf32>
        %mul3A_838 = arith.mulf %select_n3A_836, %select_n3A_837 : vector<16xf32>
        %add3A_839 = arith.addf %add3A_821, %mul3A_838 : vector<16xf32>
        %add3A_840 = arith.constant 40 : i32
        %add3A_841 = vector.broadcast %add3A_840 : i32 to vector<16xi32>
        %add3A_842 = arith.addi %mul3A_107, %add3A_841 : vector<16xi32>
        %gather3A_843 = tpu.vector_load_idx %arg13[%add3A_98, %add3A_842] : memref<64x128xi32, #tpu.memory_space<vmem>>[vector<16xi32>, vector<16xi32>], vector<16xi32>,
        %add3A_844 = arith.constant 40 : i32
        %add3A_845 = vector.broadcast %add3A_844 : i32 to vector<16xi32>
        %add3A_846 = arith.addi %mul3A_113, %add3A_845 : vector<16xi32>
        %gather3A_847 = tpu.vector_load_idx %arg14[%add3A_98, %add3A_846] : memref<64x128xi32, #tpu.memory_space<vmem>>[vector<16xi32>, vector<16xi32>], vector<16xi32>,
        %bitcast3A_848 = vector.bitcast %gather3A_843 : vector<16xi32> to vector<32xbf16>
        %unpack3A_849 = tpu.unpack_subelements %bitcast3A_848, 0 {pack_format = #tpu.pack_format<interleaved>} : vector<32xbf16> -> vector<16xf32>
        %unpack3A_850 = tpu.unpack_subelements %bitcast3A_848, 1 {pack_format = #tpu.pack_format<interleaved>} : vector<32xbf16> -> vector<16xf32>
        %bitcast3A_851 = vector.bitcast %gather3A_847 : vector<16xi32> to vector<32xbf16>
        %unpack3A_852 = tpu.unpack_subelements %bitcast3A_851, 0 {pack_format = #tpu.pack_format<interleaved>} : vector<32xbf16> -> vector<16xf32>
        %unpack3A_853 = tpu.unpack_subelements %bitcast3A_851, 1 {pack_format = #tpu.pack_format<interleaved>} : vector<32xbf16> -> vector<16xf32>
        %select_n3A_854 = arith.select %eq3A_117, %unpack3A_850, %unpack3A_849 : vector<16xi1>, vector<16xf32>
        %select_n3A_855 = arith.select %eq3A_123, %unpack3A_853, %unpack3A_852 : vector<16xi1>, vector<16xf32>
        %mul3A_856 = arith.mulf %select_n3A_854, %select_n3A_855 : vector<16xf32>
        %add3A_857 = arith.addf %add3A_839, %mul3A_856 : vector<16xf32>
        %add3A_858 = arith.constant 41 : i32
        %add3A_859 = vector.broadcast %add3A_858 : i32 to vector<16xi32>
        %add3A_860 = arith.addi %mul3A_107, %add3A_859 : vector<16xi32>
        %gather3A_861 = tpu.vector_load_idx %arg13[%add3A_98, %add3A_860] : memref<64x128xi32, #tpu.memory_space<vmem>>[vector<16xi32>, vector<16xi32>], vector<16xi32>,
        %add3A_862 = arith.constant 41 : i32
        %add3A_863 = vector.broadcast %add3A_862 : i32 to vector<16xi32>
        %add3A_864 = arith.addi %mul3A_113, %add3A_863 : vector<16xi32>
        %gather3A_865 = tpu.vector_load_idx %arg14[%add3A_98, %add3A_864] : memref<64x128xi32, #tpu.memory_space<vmem>>[vector<16xi32>, vector<16xi32>], vector<16xi32>,
        %bitcast3A_866 = vector.bitcast %gather3A_861 : vector<16xi32> to vector<32xbf16>
        %unpack3A_867 = tpu.unpack_subelements %bitcast3A_866, 0 {pack_format = #tpu.pack_format<interleaved>} : vector<32xbf16> -> vector<16xf32>
        %unpack3A_868 = tpu.unpack_subelements %bitcast3A_866, 1 {pack_format = #tpu.pack_format<interleaved>} : vector<32xbf16> -> vector<16xf32>
        %bitcast3A_869 = vector.bitcast %gather3A_865 : vector<16xi32> to vector<32xbf16>
        %unpack3A_870 = tpu.unpack_subelements %bitcast3A_869, 0 {pack_format = #tpu.pack_format<interleaved>} : vector<32xbf16> -> vector<16xf32>
        %unpack3A_871 = tpu.unpack_subelements %bitcast3A_869, 1 {pack_format = #tpu.pack_format<interleaved>} : vector<32xbf16> -> vector<16xf32>
        %select_n3A_872 = arith.select %eq3A_117, %unpack3A_868, %unpack3A_867 : vector<16xi1>, vector<16xf32>
        %select_n3A_873 = arith.select %eq3A_123, %unpack3A_871, %unpack3A_870 : vector<16xi1>, vector<16xf32>
        %mul3A_874 = arith.mulf %select_n3A_872, %select_n3A_873 : vector<16xf32>
        %add3A_875 = arith.addf %add3A_857, %mul3A_874 : vector<16xf32>
        %add3A_876 = arith.constant 42 : i32
        %add3A_877 = vector.broadcast %add3A_876 : i32 to vector<16xi32>
        %add3A_878 = arith.addi %mul3A_107, %add3A_877 : vector<16xi32>
        %gather3A_879 = tpu.vector_load_idx %arg13[%add3A_98, %add3A_878] : memref<64x128xi32, #tpu.memory_space<vmem>>[vector<16xi32>, vector<16xi32>], vector<16xi32>,
        %add3A_880 = arith.constant 42 : i32
        %add3A_881 = vector.broadcast %add3A_880 : i32 to vector<16xi32>
        %add3A_882 = arith.addi %mul3A_113, %add3A_881 : vector<16xi32>
        %gather3A_883 = tpu.vector_load_idx %arg14[%add3A_98, %add3A_882] : memref<64x128xi32, #tpu.memory_space<vmem>>[vector<16xi32>, vector<16xi32>], vector<16xi32>,
        %bitcast3A_884 = vector.bitcast %gather3A_879 : vector<16xi32> to vector<32xbf16>
        %unpack3A_885 = tpu.unpack_subelements %bitcast3A_884, 0 {pack_format = #tpu.pack_format<interleaved>} : vector<32xbf16> -> vector<16xf32>
        %unpack3A_886 = tpu.unpack_subelements %bitcast3A_884, 1 {pack_format = #tpu.pack_format<interleaved>} : vector<32xbf16> -> vector<16xf32>
        %bitcast3A_887 = vector.bitcast %gather3A_883 : vector<16xi32> to vector<32xbf16>
        %unpack3A_888 = tpu.unpack_subelements %bitcast3A_887, 0 {pack_format = #tpu.pack_format<interleaved>} : vector<32xbf16> -> vector<16xf32>
        %unpack3A_889 = tpu.unpack_subelements %bitcast3A_887, 1 {pack_format = #tpu.pack_format<interleaved>} : vector<32xbf16> -> vector<16xf32>
        %select_n3A_890 = arith.select %eq3A_117, %unpack3A_886, %unpack3A_885 : vector<16xi1>, vector<16xf32>
        %select_n3A_891 = arith.select %eq3A_123, %unpack3A_889, %unpack3A_888 : vector<16xi1>, vector<16xf32>
        %mul3A_892 = arith.mulf %select_n3A_890, %select_n3A_891 : vector<16xf32>
        %add3A_893 = arith.addf %add3A_875, %mul3A_892 : vector<16xf32>
        %add3A_894 = arith.constant 43 : i32
        %add3A_895 = vector.broadcast %add3A_894 : i32 to vector<16xi32>
        %add3A_896 = arith.addi %mul3A_107, %add3A_895 : vector<16xi32>
        %gather3A_897 = tpu.vector_load_idx %arg13[%add3A_98, %add3A_896] : memref<64x128xi32, #tpu.memory_space<vmem>>[vector<16xi32>, vector<16xi32>], vector<16xi32>,
        %add3A_898 = arith.constant 43 : i32
        %add3A_899 = vector.broadcast %add3A_898 : i32 to vector<16xi32>
        %add3A_900 = arith.addi %mul3A_113, %add3A_899 : vector<16xi32>
        %gather3A_901 = tpu.vector_load_idx %arg14[%add3A_98, %add3A_900] : memref<64x128xi32, #tpu.memory_space<vmem>>[vector<16xi32>, vector<16xi32>], vector<16xi32>,
        %bitcast3A_902 = vector.bitcast %gather3A_897 : vector<16xi32> to vector<32xbf16>
        %unpack3A_903 = tpu.unpack_subelements %bitcast3A_902, 0 {pack_format = #tpu.pack_format<interleaved>} : vector<32xbf16> -> vector<16xf32>
        %unpack3A_904 = tpu.unpack_subelements %bitcast3A_902, 1 {pack_format = #tpu.pack_format<interleaved>} : vector<32xbf16> -> vector<16xf32>
        %bitcast3A_905 = vector.bitcast %gather3A_901 : vector<16xi32> to vector<32xbf16>
        %unpack3A_906 = tpu.unpack_subelements %bitcast3A_905, 0 {pack_format = #tpu.pack_format<interleaved>} : vector<32xbf16> -> vector<16xf32>
        %unpack3A_907 = tpu.unpack_subelements %bitcast3A_905, 1 {pack_format = #tpu.pack_format<interleaved>} : vector<32xbf16> -> vector<16xf32>
        %select_n3A_908 = arith.select %eq3A_117, %unpack3A_904, %unpack3A_903 : vector<16xi1>, vector<16xf32>
        %select_n3A_909 = arith.select %eq3A_123, %unpack3A_907, %unpack3A_906 : vector<16xi1>, vector<16xf32>
        %mul3A_910 = arith.mulf %select_n3A_908, %select_n3A_909 : vector<16xf32>
        %add3A_911 = arith.addf %add3A_893, %mul3A_910 : vector<16xf32>
        %add3A_912 = arith.constant 44 : i32
        %add3A_913 = vector.broadcast %add3A_912 : i32 to vector<16xi32>
        %add3A_914 = arith.addi %mul3A_107, %add3A_913 : vector<16xi32>
        %gather3A_915 = tpu.vector_load_idx %arg13[%add3A_98, %add3A_914] : memref<64x128xi32, #tpu.memory_space<vmem>>[vector<16xi32>, vector<16xi32>], vector<16xi32>,
        %add3A_916 = arith.constant 44 : i32
        %add3A_917 = vector.broadcast %add3A_916 : i32 to vector<16xi32>
        %add3A_918 = arith.addi %mul3A_113, %add3A_917 : vector<16xi32>
        %gather3A_919 = tpu.vector_load_idx %arg14[%add3A_98, %add3A_918] : memref<64x128xi32, #tpu.memory_space<vmem>>[vector<16xi32>, vector<16xi32>], vector<16xi32>,
        %bitcast3A_920 = vector.bitcast %gather3A_915 : vector<16xi32> to vector<32xbf16>
        %unpack3A_921 = tpu.unpack_subelements %bitcast3A_920, 0 {pack_format = #tpu.pack_format<interleaved>} : vector<32xbf16> -> vector<16xf32>
        %unpack3A_922 = tpu.unpack_subelements %bitcast3A_920, 1 {pack_format = #tpu.pack_format<interleaved>} : vector<32xbf16> -> vector<16xf32>
        %bitcast3A_923 = vector.bitcast %gather3A_919 : vector<16xi32> to vector<32xbf16>
        %unpack3A_924 = tpu.unpack_subelements %bitcast3A_923, 0 {pack_format = #tpu.pack_format<interleaved>} : vector<32xbf16> -> vector<16xf32>
        %unpack3A_925 = tpu.unpack_subelements %bitcast3A_923, 1 {pack_format = #tpu.pack_format<interleaved>} : vector<32xbf16> -> vector<16xf32>
        %select_n3A_926 = arith.select %eq3A_117, %unpack3A_922, %unpack3A_921 : vector<16xi1>, vector<16xf32>
        %select_n3A_927 = arith.select %eq3A_123, %unpack3A_925, %unpack3A_924 : vector<16xi1>, vector<16xf32>
        %mul3A_928 = arith.mulf %select_n3A_926, %select_n3A_927 : vector<16xf32>
        %add3A_929 = arith.addf %add3A_911, %mul3A_928 : vector<16xf32>
        %add3A_930 = arith.constant 45 : i32
        %add3A_931 = vector.broadcast %add3A_930 : i32 to vector<16xi32>
        %add3A_932 = arith.addi %mul3A_107, %add3A_931 : vector<16xi32>
        %gather3A_933 = tpu.vector_load_idx %arg13[%add3A_98, %add3A_932] : memref<64x128xi32, #tpu.memory_space<vmem>>[vector<16xi32>, vector<16xi32>], vector<16xi32>,
        %add3A_934 = arith.constant 45 : i32
        %add3A_935 = vector.broadcast %add3A_934 : i32 to vector<16xi32>
        %add3A_936 = arith.addi %mul3A_113, %add3A_935 : vector<16xi32>
        %gather3A_937 = tpu.vector_load_idx %arg14[%add3A_98, %add3A_936] : memref<64x128xi32, #tpu.memory_space<vmem>>[vector<16xi32>, vector<16xi32>], vector<16xi32>,
        %bitcast3A_938 = vector.bitcast %gather3A_933 : vector<16xi32> to vector<32xbf16>
        %unpack3A_939 = tpu.unpack_subelements %bitcast3A_938, 0 {pack_format = #tpu.pack_format<interleaved>} : vector<32xbf16> -> vector<16xf32>
        %unpack3A_940 = tpu.unpack_subelements %bitcast3A_938, 1 {pack_format = #tpu.pack_format<interleaved>} : vector<32xbf16> -> vector<16xf32>
        %bitcast3A_941 = vector.bitcast %gather3A_937 : vector<16xi32> to vector<32xbf16>
        %unpack3A_942 = tpu.unpack_subelements %bitcast3A_941, 0 {pack_format = #tpu.pack_format<interleaved>} : vector<32xbf16> -> vector<16xf32>
        %unpack3A_943 = tpu.unpack_subelements %bitcast3A_941, 1 {pack_format = #tpu.pack_format<interleaved>} : vector<32xbf16> -> vector<16xf32>
        %select_n3A_944 = arith.select %eq3A_117, %unpack3A_940, %unpack3A_939 : vector<16xi1>, vector<16xf32>
        %select_n3A_945 = arith.select %eq3A_123, %unpack3A_943, %unpack3A_942 : vector<16xi1>, vector<16xf32>
        %mul3A_946 = arith.mulf %select_n3A_944, %select_n3A_945 : vector<16xf32>
        %add3A_947 = arith.addf %add3A_929, %mul3A_946 : vector<16xf32>
        %add3A_948 = arith.constant 46 : i32
        %add3A_949 = vector.broadcast %add3A_948 : i32 to vector<16xi32>
        %add3A_950 = arith.addi %mul3A_107, %add3A_949 : vector<16xi32>
        %gather3A_951 = tpu.vector_load_idx %arg13[%add3A_98, %add3A_950] : memref<64x128xi32, #tpu.memory_space<vmem>>[vector<16xi32>, vector<16xi32>], vector<16xi32>,
        %add3A_952 = arith.constant 46 : i32
        %add3A_953 = vector.broadcast %add3A_952 : i32 to vector<16xi32>
        %add3A_954 = arith.addi %mul3A_113, %add3A_953 : vector<16xi32>
        %gather3A_955 = tpu.vector_load_idx %arg14[%add3A_98, %add3A_954] : memref<64x128xi32, #tpu.memory_space<vmem>>[vector<16xi32>, vector<16xi32>], vector<16xi32>,
        %bitcast3A_956 = vector.bitcast %gather3A_951 : vector<16xi32> to vector<32xbf16>
        %unpack3A_957 = tpu.unpack_subelements %bitcast3A_956, 0 {pack_format = #tpu.pack_format<interleaved>} : vector<32xbf16> -> vector<16xf32>
        %unpack3A_958 = tpu.unpack_subelements %bitcast3A_956, 1 {pack_format = #tpu.pack_format<interleaved>} : vector<32xbf16> -> vector<16xf32>
        %bitcast3A_959 = vector.bitcast %gather3A_955 : vector<16xi32> to vector<32xbf16>
        %unpack3A_960 = tpu.unpack_subelements %bitcast3A_959, 0 {pack_format = #tpu.pack_format<interleaved>} : vector<32xbf16> -> vector<16xf32>
        %unpack3A_961 = tpu.unpack_subelements %bitcast3A_959, 1 {pack_format = #tpu.pack_format<interleaved>} : vector<32xbf16> -> vector<16xf32>
        %select_n3A_962 = arith.select %eq3A_117, %unpack3A_958, %unpack3A_957 : vector<16xi1>, vector<16xf32>
        %select_n3A_963 = arith.select %eq3A_123, %unpack3A_961, %unpack3A_960 : vector<16xi1>, vector<16xf32>
        %mul3A_964 = arith.mulf %select_n3A_962, %select_n3A_963 : vector<16xf32>
        %add3A_965 = arith.addf %add3A_947, %mul3A_964 : vector<16xf32>
        %add3A_966 = arith.constant 47 : i32
        %add3A_967 = vector.broadcast %add3A_966 : i32 to vector<16xi32>
        %add3A_968 = arith.addi %mul3A_107, %add3A_967 : vector<16xi32>
        %gather3A_969 = tpu.vector_load_idx %arg13[%add3A_98, %add3A_968] : memref<64x128xi32, #tpu.memory_space<vmem>>[vector<16xi32>, vector<16xi32>], vector<16xi32>,
        %add3A_970 = arith.constant 47 : i32
        %add3A_971 = vector.broadcast %add3A_970 : i32 to vector<16xi32>
        %add3A_972 = arith.addi %mul3A_113, %add3A_971 : vector<16xi32>
        %gather3A_973 = tpu.vector_load_idx %arg14[%add3A_98, %add3A_972] : memref<64x128xi32, #tpu.memory_space<vmem>>[vector<16xi32>, vector<16xi32>], vector<16xi32>,
        %bitcast3A_974 = vector.bitcast %gather3A_969 : vector<16xi32> to vector<32xbf16>
        %unpack3A_975 = tpu.unpack_subelements %bitcast3A_974, 0 {pack_format = #tpu.pack_format<interleaved>} : vector<32xbf16> -> vector<16xf32>
        %unpack3A_976 = tpu.unpack_subelements %bitcast3A_974, 1 {pack_format = #tpu.pack_format<interleaved>} : vector<32xbf16> -> vector<16xf32>
        %bitcast3A_977 = vector.bitcast %gather3A_973 : vector<16xi32> to vector<32xbf16>
        %unpack3A_978 = tpu.unpack_subelements %bitcast3A_977, 0 {pack_format = #tpu.pack_format<interleaved>} : vector<32xbf16> -> vector<16xf32>
        %unpack3A_979 = tpu.unpack_subelements %bitcast3A_977, 1 {pack_format = #tpu.pack_format<interleaved>} : vector<32xbf16> -> vector<16xf32>
        %select_n3A_980 = arith.select %eq3A_117, %unpack3A_976, %unpack3A_975 : vector<16xi1>, vector<16xf32>
        %select_n3A_981 = arith.select %eq3A_123, %unpack3A_979, %unpack3A_978 : vector<16xi1>, vector<16xf32>
        %mul3A_982 = arith.mulf %select_n3A_980, %select_n3A_981 : vector<16xf32>
        %add3A_983 = arith.addf %add3A_965, %mul3A_982 : vector<16xf32>
        %add3A_984 = arith.constant 48 : i32
        %add3A_985 = vector.broadcast %add3A_984 : i32 to vector<16xi32>
        %add3A_986 = arith.addi %mul3A_107, %add3A_985 : vector<16xi32>
        %gather3A_987 = tpu.vector_load_idx %arg13[%add3A_98, %add3A_986] : memref<64x128xi32, #tpu.memory_space<vmem>>[vector<16xi32>, vector<16xi32>], vector<16xi32>,
        %add3A_988 = arith.constant 48 : i32
        %add3A_989 = vector.broadcast %add3A_988 : i32 to vector<16xi32>
        %add3A_990 = arith.addi %mul3A_113, %add3A_989 : vector<16xi32>
        %gather3A_991 = tpu.vector_load_idx %arg14[%add3A_98, %add3A_990] : memref<64x128xi32, #tpu.memory_space<vmem>>[vector<16xi32>, vector<16xi32>], vector<16xi32>,
        %bitcast3A_992 = vector.bitcast %gather3A_987 : vector<16xi32> to vector<32xbf16>
        %unpack3A_993 = tpu.unpack_subelements %bitcast3A_992, 0 {pack_format = #tpu.pack_format<interleaved>} : vector<32xbf16> -> vector<16xf32>
        %unpack3A_994 = tpu.unpack_subelements %bitcast3A_992, 1 {pack_format = #tpu.pack_format<interleaved>} : vector<32xbf16> -> vector<16xf32>
        %bitcast3A_995 = vector.bitcast %gather3A_991 : vector<16xi32> to vector<32xbf16>
        %unpack3A_996 = tpu.unpack_subelements %bitcast3A_995, 0 {pack_format = #tpu.pack_format<interleaved>} : vector<32xbf16> -> vector<16xf32>
        %unpack3A_997 = tpu.unpack_subelements %bitcast3A_995, 1 {pack_format = #tpu.pack_format<interleaved>} : vector<32xbf16> -> vector<16xf32>
        %select_n3A_998 = arith.select %eq3A_117, %unpack3A_994, %unpack3A_993 : vector<16xi1>, vector<16xf32>
        %select_n3A_999 = arith.select %eq3A_123, %unpack3A_997, %unpack3A_996 : vector<16xi1>, vector<16xf32>
        %mul3A_1000 = arith.mulf %select_n3A_998, %select_n3A_999 : vector<16xf32>
        %add3A_1001 = arith.addf %add3A_983, %mul3A_1000 : vector<16xf32>
        %add3A_1002 = arith.constant 49 : i32
        %add3A_1003 = vector.broadcast %add3A_1002 : i32 to vector<16xi32>
        %add3A_1004 = arith.addi %mul3A_107, %add3A_1003 : vector<16xi32>
        %gather3A_1005 = tpu.vector_load_idx %arg13[%add3A_98, %add3A_1004] : memref<64x128xi32, #tpu.memory_space<vmem>>[vector<16xi32>, vector<16xi32>], vector<16xi32>,
        %add3A_1006 = arith.constant 49 : i32
        %add3A_1007 = vector.broadcast %add3A_1006 : i32 to vector<16xi32>
        %add3A_1008 = arith.addi %mul3A_113, %add3A_1007 : vector<16xi32>
        %gather3A_1009 = tpu.vector_load_idx %arg14[%add3A_98, %add3A_1008] : memref<64x128xi32, #tpu.memory_space<vmem>>[vector<16xi32>, vector<16xi32>], vector<16xi32>,
        %bitcast3A_1010 = vector.bitcast %gather3A_1005 : vector<16xi32> to vector<32xbf16>
        %unpack3A_1011 = tpu.unpack_subelements %bitcast3A_1010, 0 {pack_format = #tpu.pack_format<interleaved>} : vector<32xbf16> -> vector<16xf32>
        %unpack3A_1012 = tpu.unpack_subelements %bitcast3A_1010, 1 {pack_format = #tpu.pack_format<interleaved>} : vector<32xbf16> -> vector<16xf32>
        %bitcast3A_1013 = vector.bitcast %gather3A_1009 : vector<16xi32> to vector<32xbf16>
        %unpack3A_1014 = tpu.unpack_subelements %bitcast3A_1013, 0 {pack_format = #tpu.pack_format<interleaved>} : vector<32xbf16> -> vector<16xf32>
        %unpack3A_1015 = tpu.unpack_subelements %bitcast3A_1013, 1 {pack_format = #tpu.pack_format<interleaved>} : vector<32xbf16> -> vector<16xf32>
        %select_n3A_1016 = arith.select %eq3A_117, %unpack3A_1012, %unpack3A_1011 : vector<16xi1>, vector<16xf32>
        %select_n3A_1017 = arith.select %eq3A_123, %unpack3A_1015, %unpack3A_1014 : vector<16xi1>, vector<16xf32>
        %mul3A_1018 = arith.mulf %select_n3A_1016, %select_n3A_1017 : vector<16xf32>
        %add3A_1019 = arith.addf %add3A_1001, %mul3A_1018 : vector<16xf32>
        %add3A_1020 = arith.constant 50 : i32
        %add3A_1021 = vector.broadcast %add3A_1020 : i32 to vector<16xi32>
        %add3A_1022 = arith.addi %mul3A_107, %add3A_1021 : vector<16xi32>
        %gather3A_1023 = tpu.vector_load_idx %arg13[%add3A_98, %add3A_1022] : memref<64x128xi32, #tpu.memory_space<vmem>>[vector<16xi32>, vector<16xi32>], vector<16xi32>,
        %add3A_1024 = arith.constant 50 : i32
        %add3A_1025 = vector.broadcast %add3A_1024 : i32 to vector<16xi32>
        %add3A_1026 = arith.addi %mul3A_113, %add3A_1025 : vector<16xi32>
        %gather3A_1027 = tpu.vector_load_idx %arg14[%add3A_98, %add3A_1026] : memref<64x128xi32, #tpu.memory_space<vmem>>[vector<16xi32>, vector<16xi32>], vector<16xi32>,
        %bitcast3A_1028 = vector.bitcast %gather3A_1023 : vector<16xi32> to vector<32xbf16>
        %unpack3A_1029 = tpu.unpack_subelements %bitcast3A_1028, 0 {pack_format = #tpu.pack_format<interleaved>} : vector<32xbf16> -> vector<16xf32>
        %unpack3A_1030 = tpu.unpack_subelements %bitcast3A_1028, 1 {pack_format = #tpu.pack_format<interleaved>} : vector<32xbf16> -> vector<16xf32>
        %bitcast3A_1031 = vector.bitcast %gather3A_1027 : vector<16xi32> to vector<32xbf16>
        %unpack3A_1032 = tpu.unpack_subelements %bitcast3A_1031, 0 {pack_format = #tpu.pack_format<interleaved>} : vector<32xbf16> -> vector<16xf32>
        %unpack3A_1033 = tpu.unpack_subelements %bitcast3A_1031, 1 {pack_format = #tpu.pack_format<interleaved>} : vector<32xbf16> -> vector<16xf32>
        %select_n3A_1034 = arith.select %eq3A_117, %unpack3A_1030, %unpack3A_1029 : vector<16xi1>, vector<16xf32>
        %select_n3A_1035 = arith.select %eq3A_123, %unpack3A_1033, %unpack3A_1032 : vector<16xi1>, vector<16xf32>
        %mul3A_1036 = arith.mulf %select_n3A_1034, %select_n3A_1035 : vector<16xf32>
        %add3A_1037 = arith.addf %add3A_1019, %mul3A_1036 : vector<16xf32>
        %add3A_1038 = arith.constant 51 : i32
        %add3A_1039 = vector.broadcast %add3A_1038 : i32 to vector<16xi32>
        %add3A_1040 = arith.addi %mul3A_107, %add3A_1039 : vector<16xi32>
        %gather3A_1041 = tpu.vector_load_idx %arg13[%add3A_98, %add3A_1040] : memref<64x128xi32, #tpu.memory_space<vmem>>[vector<16xi32>, vector<16xi32>], vector<16xi32>,
        %add3A_1042 = arith.constant 51 : i32
        %add3A_1043 = vector.broadcast %add3A_1042 : i32 to vector<16xi32>
        %add3A_1044 = arith.addi %mul3A_113, %add3A_1043 : vector<16xi32>
        %gather3A_1045 = tpu.vector_load_idx %arg14[%add3A_98, %add3A_1044] : memref<64x128xi32, #tpu.memory_space<vmem>>[vector<16xi32>, vector<16xi32>], vector<16xi32>,
        %bitcast3A_1046 = vector.bitcast %gather3A_1041 : vector<16xi32> to vector<32xbf16>
        %unpack3A_1047 = tpu.unpack_subelements %bitcast3A_1046, 0 {pack_format = #tpu.pack_format<interleaved>} : vector<32xbf16> -> vector<16xf32>
        %unpack3A_1048 = tpu.unpack_subelements %bitcast3A_1046, 1 {pack_format = #tpu.pack_format<interleaved>} : vector<32xbf16> -> vector<16xf32>
        %bitcast3A_1049 = vector.bitcast %gather3A_1045 : vector<16xi32> to vector<32xbf16>
        %unpack3A_1050 = tpu.unpack_subelements %bitcast3A_1049, 0 {pack_format = #tpu.pack_format<interleaved>} : vector<32xbf16> -> vector<16xf32>
        %unpack3A_1051 = tpu.unpack_subelements %bitcast3A_1049, 1 {pack_format = #tpu.pack_format<interleaved>} : vector<32xbf16> -> vector<16xf32>
        %select_n3A_1052 = arith.select %eq3A_117, %unpack3A_1048, %unpack3A_1047 : vector<16xi1>, vector<16xf32>
        %select_n3A_1053 = arith.select %eq3A_123, %unpack3A_1051, %unpack3A_1050 : vector<16xi1>, vector<16xf32>
        %mul3A_1054 = arith.mulf %select_n3A_1052, %select_n3A_1053 : vector<16xf32>
        %add3A_1055 = arith.addf %add3A_1037, %mul3A_1054 : vector<16xf32>
        %add3A_1056 = arith.constant 52 : i32
        %add3A_1057 = vector.broadcast %add3A_1056 : i32 to vector<16xi32>
        %add3A_1058 = arith.addi %mul3A_107, %add3A_1057 : vector<16xi32>
        %gather3A_1059 = tpu.vector_load_idx %arg13[%add3A_98, %add3A_1058] : memref<64x128xi32, #tpu.memory_space<vmem>>[vector<16xi32>, vector<16xi32>], vector<16xi32>,
        %add3A_1060 = arith.constant 52 : i32
        %add3A_1061 = vector.broadcast %add3A_1060 : i32 to vector<16xi32>
        %add3A_1062 = arith.addi %mul3A_113, %add3A_1061 : vector<16xi32>
        %gather3A_1063 = tpu.vector_load_idx %arg14[%add3A_98, %add3A_1062] : memref<64x128xi32, #tpu.memory_space<vmem>>[vector<16xi32>, vector<16xi32>], vector<16xi32>,
        %bitcast3A_1064 = vector.bitcast %gather3A_1059 : vector<16xi32> to vector<32xbf16>
        %unpack3A_1065 = tpu.unpack_subelements %bitcast3A_1064, 0 {pack_format = #tpu.pack_format<interleaved>} : vector<32xbf16> -> vector<16xf32>
        %unpack3A_1066 = tpu.unpack_subelements %bitcast3A_1064, 1 {pack_format = #tpu.pack_format<interleaved>} : vector<32xbf16> -> vector<16xf32>
        %bitcast3A_1067 = vector.bitcast %gather3A_1063 : vector<16xi32> to vector<32xbf16>
        %unpack3A_1068 = tpu.unpack_subelements %bitcast3A_1067, 0 {pack_format = #tpu.pack_format<interleaved>} : vector<32xbf16> -> vector<16xf32>
        %unpack3A_1069 = tpu.unpack_subelements %bitcast3A_1067, 1 {pack_format = #tpu.pack_format<interleaved>} : vector<32xbf16> -> vector<16xf32>
        %select_n3A_1070 = arith.select %eq3A_117, %unpack3A_1066, %unpack3A_1065 : vector<16xi1>, vector<16xf32>
        %select_n3A_1071 = arith.select %eq3A_123, %unpack3A_1069, %unpack3A_1068 : vector<16xi1>, vector<16xf32>
        %mul3A_1072 = arith.mulf %select_n3A_1070, %select_n3A_1071 : vector<16xf32>
        %add3A_1073 = arith.addf %add3A_1055, %mul3A_1072 : vector<16xf32>
        %add3A_1074 = arith.constant 53 : i32
        %add3A_1075 = vector.broadcast %add3A_1074 : i32 to vector<16xi32>
        %add3A_1076 = arith.addi %mul3A_107, %add3A_1075 : vector<16xi32>
        %gather3A_1077 = tpu.vector_load_idx %arg13[%add3A_98, %add3A_1076] : memref<64x128xi32, #tpu.memory_space<vmem>>[vector<16xi32>, vector<16xi32>], vector<16xi32>,
        %add3A_1078 = arith.constant 53 : i32
        %add3A_1079 = vector.broadcast %add3A_1078 : i32 to vector<16xi32>
        %add3A_1080 = arith.addi %mul3A_113, %add3A_1079 : vector<16xi32>
        %gather3A_1081 = tpu.vector_load_idx %arg14[%add3A_98, %add3A_1080] : memref<64x128xi32, #tpu.memory_space<vmem>>[vector<16xi32>, vector<16xi32>], vector<16xi32>,
        %bitcast3A_1082 = vector.bitcast %gather3A_1077 : vector<16xi32> to vector<32xbf16>
        %unpack3A_1083 = tpu.unpack_subelements %bitcast3A_1082, 0 {pack_format = #tpu.pack_format<interleaved>} : vector<32xbf16> -> vector<16xf32>
        %unpack3A_1084 = tpu.unpack_subelements %bitcast3A_1082, 1 {pack_format = #tpu.pack_format<interleaved>} : vector<32xbf16> -> vector<16xf32>
        %bitcast3A_1085 = vector.bitcast %gather3A_1081 : vector<16xi32> to vector<32xbf16>
        %unpack3A_1086 = tpu.unpack_subelements %bitcast3A_1085, 0 {pack_format = #tpu.pack_format<interleaved>} : vector<32xbf16> -> vector<16xf32>
        %unpack3A_1087 = tpu.unpack_subelements %bitcast3A_1085, 1 {pack_format = #tpu.pack_format<interleaved>} : vector<32xbf16> -> vector<16xf32>
        %select_n3A_1088 = arith.select %eq3A_117, %unpack3A_1084, %unpack3A_1083 : vector<16xi1>, vector<16xf32>
        %select_n3A_1089 = arith.select %eq3A_123, %unpack3A_1087, %unpack3A_1086 : vector<16xi1>, vector<16xf32>
        %mul3A_1090 = arith.mulf %select_n3A_1088, %select_n3A_1089 : vector<16xf32>
        %add3A_1091 = arith.addf %add3A_1073, %mul3A_1090 : vector<16xf32>
        %add3A_1092 = arith.constant 54 : i32
        %add3A_1093 = vector.broadcast %add3A_1092 : i32 to vector<16xi32>
        %add3A_1094 = arith.addi %mul3A_107, %add3A_1093 : vector<16xi32>
        %gather3A_1095 = tpu.vector_load_idx %arg13[%add3A_98, %add3A_1094] : memref<64x128xi32, #tpu.memory_space<vmem>>[vector<16xi32>, vector<16xi32>], vector<16xi32>,
        %add3A_1096 = arith.constant 54 : i32
        %add3A_1097 = vector.broadcast %add3A_1096 : i32 to vector<16xi32>
        %add3A_1098 = arith.addi %mul3A_113, %add3A_1097 : vector<16xi32>
        %gather3A_1099 = tpu.vector_load_idx %arg14[%add3A_98, %add3A_1098] : memref<64x128xi32, #tpu.memory_space<vmem>>[vector<16xi32>, vector<16xi32>], vector<16xi32>,
        %bitcast3A_1100 = vector.bitcast %gather3A_1095 : vector<16xi32> to vector<32xbf16>
        %unpack3A_1101 = tpu.unpack_subelements %bitcast3A_1100, 0 {pack_format = #tpu.pack_format<interleaved>} : vector<32xbf16> -> vector<16xf32>
        %unpack3A_1102 = tpu.unpack_subelements %bitcast3A_1100, 1 {pack_format = #tpu.pack_format<interleaved>} : vector<32xbf16> -> vector<16xf32>
        %bitcast3A_1103 = vector.bitcast %gather3A_1099 : vector<16xi32> to vector<32xbf16>
        %unpack3A_1104 = tpu.unpack_subelements %bitcast3A_1103, 0 {pack_format = #tpu.pack_format<interleaved>} : vector<32xbf16> -> vector<16xf32>
        %unpack3A_1105 = tpu.unpack_subelements %bitcast3A_1103, 1 {pack_format = #tpu.pack_format<interleaved>} : vector<32xbf16> -> vector<16xf32>
        %select_n3A_1106 = arith.select %eq3A_117, %unpack3A_1102, %unpack3A_1101 : vector<16xi1>, vector<16xf32>
        %select_n3A_1107 = arith.select %eq3A_123, %unpack3A_1105, %unpack3A_1104 : vector<16xi1>, vector<16xf32>
        %mul3A_1108 = arith.mulf %select_n3A_1106, %select_n3A_1107 : vector<16xf32>
        %add3A_1109 = arith.addf %add3A_1091, %mul3A_1108 : vector<16xf32>
        %add3A_1110 = arith.constant 55 : i32
        %add3A_1111 = vector.broadcast %add3A_1110 : i32 to vector<16xi32>
        %add3A_1112 = arith.addi %mul3A_107, %add3A_1111 : vector<16xi32>
        %gather3A_1113 = tpu.vector_load_idx %arg13[%add3A_98, %add3A_1112] : memref<64x128xi32, #tpu.memory_space<vmem>>[vector<16xi32>, vector<16xi32>], vector<16xi32>,
        %add3A_1114 = arith.constant 55 : i32
        %add3A_1115 = vector.broadcast %add3A_1114 : i32 to vector<16xi32>
        %add3A_1116 = arith.addi %mul3A_113, %add3A_1115 : vector<16xi32>
        %gather3A_1117 = tpu.vector_load_idx %arg14[%add3A_98, %add3A_1116] : memref<64x128xi32, #tpu.memory_space<vmem>>[vector<16xi32>, vector<16xi32>], vector<16xi32>,
        %bitcast3A_1118 = vector.bitcast %gather3A_1113 : vector<16xi32> to vector<32xbf16>
        %unpack3A_1119 = tpu.unpack_subelements %bitcast3A_1118, 0 {pack_format = #tpu.pack_format<interleaved>} : vector<32xbf16> -> vector<16xf32>
        %unpack3A_1120 = tpu.unpack_subelements %bitcast3A_1118, 1 {pack_format = #tpu.pack_format<interleaved>} : vector<32xbf16> -> vector<16xf32>
        %bitcast3A_1121 = vector.bitcast %gather3A_1117 : vector<16xi32> to vector<32xbf16>
        %unpack3A_1122 = tpu.unpack_subelements %bitcast3A_1121, 0 {pack_format = #tpu.pack_format<interleaved>} : vector<32xbf16> -> vector<16xf32>
        %unpack3A_1123 = tpu.unpack_subelements %bitcast3A_1121, 1 {pack_format = #tpu.pack_format<interleaved>} : vector<32xbf16> -> vector<16xf32>
        %select_n3A_1124 = arith.select %eq3A_117, %unpack3A_1120, %unpack3A_1119 : vector<16xi1>, vector<16xf32>
        %select_n3A_1125 = arith.select %eq3A_123, %unpack3A_1123, %unpack3A_1122 : vector<16xi1>, vector<16xf32>
        %mul3A_1126 = arith.mulf %select_n3A_1124, %select_n3A_1125 : vector<16xf32>
        %add3A_1127 = arith.addf %add3A_1109, %mul3A_1126 : vector<16xf32>
        %add3A_1128 = arith.constant 56 : i32
        %add3A_1129 = vector.broadcast %add3A_1128 : i32 to vector<16xi32>
        %add3A_1130 = arith.addi %mul3A_107, %add3A_1129 : vector<16xi32>
        %gather3A_1131 = tpu.vector_load_idx %arg13[%add3A_98, %add3A_1130] : memref<64x128xi32, #tpu.memory_space<vmem>>[vector<16xi32>, vector<16xi32>], vector<16xi32>,
        %add3A_1132 = arith.constant 56 : i32
        %add3A_1133 = vector.broadcast %add3A_1132 : i32 to vector<16xi32>
        %add3A_1134 = arith.addi %mul3A_113, %add3A_1133 : vector<16xi32>
        %gather3A_1135 = tpu.vector_load_idx %arg14[%add3A_98, %add3A_1134] : memref<64x128xi32, #tpu.memory_space<vmem>>[vector<16xi32>, vector<16xi32>], vector<16xi32>,
        %bitcast3A_1136 = vector.bitcast %gather3A_1131 : vector<16xi32> to vector<32xbf16>
        %unpack3A_1137 = tpu.unpack_subelements %bitcast3A_1136, 0 {pack_format = #tpu.pack_format<interleaved>} : vector<32xbf16> -> vector<16xf32>
        %unpack3A_1138 = tpu.unpack_subelements %bitcast3A_1136, 1 {pack_format = #tpu.pack_format<interleaved>} : vector<32xbf16> -> vector<16xf32>
        %bitcast3A_1139 = vector.bitcast %gather3A_1135 : vector<16xi32> to vector<32xbf16>
        %unpack3A_1140 = tpu.unpack_subelements %bitcast3A_1139, 0 {pack_format = #tpu.pack_format<interleaved>} : vector<32xbf16> -> vector<16xf32>
        %unpack3A_1141 = tpu.unpack_subelements %bitcast3A_1139, 1 {pack_format = #tpu.pack_format<interleaved>} : vector<32xbf16> -> vector<16xf32>
        %select_n3A_1142 = arith.select %eq3A_117, %unpack3A_1138, %unpack3A_1137 : vector<16xi1>, vector<16xf32>
        %select_n3A_1143 = arith.select %eq3A_123, %unpack3A_1141, %unpack3A_1140 : vector<16xi1>, vector<16xf32>
        %mul3A_1144 = arith.mulf %select_n3A_1142, %select_n3A_1143 : vector<16xf32>
        %add3A_1145 = arith.addf %add3A_1127, %mul3A_1144 : vector<16xf32>
        %add3A_1146 = arith.constant 57 : i32
        %add3A_1147 = vector.broadcast %add3A_1146 : i32 to vector<16xi32>
        %add3A_1148 = arith.addi %mul3A_107, %add3A_1147 : vector<16xi32>
        %gather3A_1149 = tpu.vector_load_idx %arg13[%add3A_98, %add3A_1148] : memref<64x128xi32, #tpu.memory_space<vmem>>[vector<16xi32>, vector<16xi32>], vector<16xi32>,
        %add3A_1150 = arith.constant 57 : i32
        %add3A_1151 = vector.broadcast %add3A_1150 : i32 to vector<16xi32>
        %add3A_1152 = arith.addi %mul3A_113, %add3A_1151 : vector<16xi32>
        %gather3A_1153 = tpu.vector_load_idx %arg14[%add3A_98, %add3A_1152] : memref<64x128xi32, #tpu.memory_space<vmem>>[vector<16xi32>, vector<16xi32>], vector<16xi32>,
        %bitcast3A_1154 = vector.bitcast %gather3A_1149 : vector<16xi32> to vector<32xbf16>
        %unpack3A_1155 = tpu.unpack_subelements %bitcast3A_1154, 0 {pack_format = #tpu.pack_format<interleaved>} : vector<32xbf16> -> vector<16xf32>
        %unpack3A_1156 = tpu.unpack_subelements %bitcast3A_1154, 1 {pack_format = #tpu.pack_format<interleaved>} : vector<32xbf16> -> vector<16xf32>
        %bitcast3A_1157 = vector.bitcast %gather3A_1153 : vector<16xi32> to vector<32xbf16>
        %unpack3A_1158 = tpu.unpack_subelements %bitcast3A_1157, 0 {pack_format = #tpu.pack_format<interleaved>} : vector<32xbf16> -> vector<16xf32>
        %unpack3A_1159 = tpu.unpack_subelements %bitcast3A_1157, 1 {pack_format = #tpu.pack_format<interleaved>} : vector<32xbf16> -> vector<16xf32>
        %select_n3A_1160 = arith.select %eq3A_117, %unpack3A_1156, %unpack3A_1155 : vector<16xi1>, vector<16xf32>
        %select_n3A_1161 = arith.select %eq3A_123, %unpack3A_1159, %unpack3A_1158 : vector<16xi1>, vector<16xf32>
        %mul3A_1162 = arith.mulf %select_n3A_1160, %select_n3A_1161 : vector<16xf32>
        %add3A_1163 = arith.addf %add3A_1145, %mul3A_1162 : vector<16xf32>
        %add3A_1164 = arith.constant 58 : i32
        %add3A_1165 = vector.broadcast %add3A_1164 : i32 to vector<16xi32>
        %add3A_1166 = arith.addi %mul3A_107, %add3A_1165 : vector<16xi32>
        %gather3A_1167 = tpu.vector_load_idx %arg13[%add3A_98, %add3A_1166] : memref<64x128xi32, #tpu.memory_space<vmem>>[vector<16xi32>, vector<16xi32>], vector<16xi32>,
        %add3A_1168 = arith.constant 58 : i32
        %add3A_1169 = vector.broadcast %add3A_1168 : i32 to vector<16xi32>
        %add3A_1170 = arith.addi %mul3A_113, %add3A_1169 : vector<16xi32>
        %gather3A_1171 = tpu.vector_load_idx %arg14[%add3A_98, %add3A_1170] : memref<64x128xi32, #tpu.memory_space<vmem>>[vector<16xi32>, vector<16xi32>], vector<16xi32>,
        %bitcast3A_1172 = vector.bitcast %gather3A_1167 : vector<16xi32> to vector<32xbf16>
        %unpack3A_1173 = tpu.unpack_subelements %bitcast3A_1172, 0 {pack_format = #tpu.pack_format<interleaved>} : vector<32xbf16> -> vector<16xf32>
        %unpack3A_1174 = tpu.unpack_subelements %bitcast3A_1172, 1 {pack_format = #tpu.pack_format<interleaved>} : vector<32xbf16> -> vector<16xf32>
        %bitcast3A_1175 = vector.bitcast %gather3A_1171 : vector<16xi32> to vector<32xbf16>
        %unpack3A_1176 = tpu.unpack_subelements %bitcast3A_1175, 0 {pack_format = #tpu.pack_format<interleaved>} : vector<32xbf16> -> vector<16xf32>
        %unpack3A_1177 = tpu.unpack_subelements %bitcast3A_1175, 1 {pack_format = #tpu.pack_format<interleaved>} : vector<32xbf16> -> vector<16xf32>
        %select_n3A_1178 = arith.select %eq3A_117, %unpack3A_1174, %unpack3A_1173 : vector<16xi1>, vector<16xf32>
        %select_n3A_1179 = arith.select %eq3A_123, %unpack3A_1177, %unpack3A_1176 : vector<16xi1>, vector<16xf32>
        %mul3A_1180 = arith.mulf %select_n3A_1178, %select_n3A_1179 : vector<16xf32>
        %add3A_1181 = arith.addf %add3A_1163, %mul3A_1180 : vector<16xf32>
        %add3A_1182 = arith.constant 59 : i32
        %add3A_1183 = vector.broadcast %add3A_1182 : i32 to vector<16xi32>
        %add3A_1184 = arith.addi %mul3A_107, %add3A_1183 : vector<16xi32>
        %gather3A_1185 = tpu.vector_load_idx %arg13[%add3A_98, %add3A_1184] : memref<64x128xi32, #tpu.memory_space<vmem>>[vector<16xi32>, vector<16xi32>], vector<16xi32>,
        %add3A_1186 = arith.constant 59 : i32
        %add3A_1187 = vector.broadcast %add3A_1186 : i32 to vector<16xi32>
        %add3A_1188 = arith.addi %mul3A_113, %add3A_1187 : vector<16xi32>
        %gather3A_1189 = tpu.vector_load_idx %arg14[%add3A_98, %add3A_1188] : memref<64x128xi32, #tpu.memory_space<vmem>>[vector<16xi32>, vector<16xi32>], vector<16xi32>,
        %bitcast3A_1190 = vector.bitcast %gather3A_1185 : vector<16xi32> to vector<32xbf16>
        %unpack3A_1191 = tpu.unpack_subelements %bitcast3A_1190, 0 {pack_format = #tpu.pack_format<interleaved>} : vector<32xbf16> -> vector<16xf32>
        %unpack3A_1192 = tpu.unpack_subelements %bitcast3A_1190, 1 {pack_format = #tpu.pack_format<interleaved>} : vector<32xbf16> -> vector<16xf32>
        %bitcast3A_1193 = vector.bitcast %gather3A_1189 : vector<16xi32> to vector<32xbf16>
        %unpack3A_1194 = tpu.unpack_subelements %bitcast3A_1193, 0 {pack_format = #tpu.pack_format<interleaved>} : vector<32xbf16> -> vector<16xf32>
        %unpack3A_1195 = tpu.unpack_subelements %bitcast3A_1193, 1 {pack_format = #tpu.pack_format<interleaved>} : vector<32xbf16> -> vector<16xf32>
        %select_n3A_1196 = arith.select %eq3A_117, %unpack3A_1192, %unpack3A_1191 : vector<16xi1>, vector<16xf32>
        %select_n3A_1197 = arith.select %eq3A_123, %unpack3A_1195, %unpack3A_1194 : vector<16xi1>, vector<16xf32>
        %mul3A_1198 = arith.mulf %select_n3A_1196, %select_n3A_1197 : vector<16xf32>
        %add3A_1199 = arith.addf %add3A_1181, %mul3A_1198 : vector<16xf32>
        %add3A_1200 = arith.constant 60 : i32
        %add3A_1201 = vector.broadcast %add3A_1200 : i32 to vector<16xi32>
        %add3A_1202 = arith.addi %mul3A_107, %add3A_1201 : vector<16xi32>
        %gather3A_1203 = tpu.vector_load_idx %arg13[%add3A_98, %add3A_1202] : memref<64x128xi32, #tpu.memory_space<vmem>>[vector<16xi32>, vector<16xi32>], vector<16xi32>,
        %add3A_1204 = arith.constant 60 : i32
        %add3A_1205 = vector.broadcast %add3A_1204 : i32 to vector<16xi32>
        %add3A_1206 = arith.addi %mul3A_113, %add3A_1205 : vector<16xi32>
        %gather3A_1207 = tpu.vector_load_idx %arg14[%add3A_98, %add3A_1206] : memref<64x128xi32, #tpu.memory_space<vmem>>[vector<16xi32>, vector<16xi32>], vector<16xi32>,
        %bitcast3A_1208 = vector.bitcast %gather3A_1203 : vector<16xi32> to vector<32xbf16>
        %unpack3A_1209 = tpu.unpack_subelements %bitcast3A_1208, 0 {pack_format = #tpu.pack_format<interleaved>} : vector<32xbf16> -> vector<16xf32>
        %unpack3A_1210 = tpu.unpack_subelements %bitcast3A_1208, 1 {pack_format = #tpu.pack_format<interleaved>} : vector<32xbf16> -> vector<16xf32>
        %bitcast3A_1211 = vector.bitcast %gather3A_1207 : vector<16xi32> to vector<32xbf16>
        %unpack3A_1212 = tpu.unpack_subelements %bitcast3A_1211, 0 {pack_format = #tpu.pack_format<interleaved>} : vector<32xbf16> -> vector<16xf32>
        %unpack3A_1213 = tpu.unpack_subelements %bitcast3A_1211, 1 {pack_format = #tpu.pack_format<interleaved>} : vector<32xbf16> -> vector<16xf32>
        %select_n3A_1214 = arith.select %eq3A_117, %unpack3A_1210, %unpack3A_1209 : vector<16xi1>, vector<16xf32>
        %select_n3A_1215 = arith.select %eq3A_123, %unpack3A_1213, %unpack3A_1212 : vector<16xi1>, vector<16xf32>
        %mul3A_1216 = arith.mulf %select_n3A_1214, %select_n3A_1215 : vector<16xf32>
        %add3A_1217 = arith.addf %add3A_1199, %mul3A_1216 : vector<16xf32>
        %add3A_1218 = arith.constant 61 : i32
        %add3A_1219 = vector.broadcast %add3A_1218 : i32 to vector<16xi32>
        %add3A_1220 = arith.addi %mul3A_107, %add3A_1219 : vector<16xi32>
        %gather3A_1221 = tpu.vector_load_idx %arg13[%add3A_98, %add3A_1220] : memref<64x128xi32, #tpu.memory_space<vmem>>[vector<16xi32>, vector<16xi32>], vector<16xi32>,
        %add3A_1222 = arith.constant 61 : i32
        %add3A_1223 = vector.broadcast %add3A_1222 : i32 to vector<16xi32>
        %add3A_1224 = arith.addi %mul3A_113, %add3A_1223 : vector<16xi32>
        %gather3A_1225 = tpu.vector_load_idx %arg14[%add3A_98, %add3A_1224] : memref<64x128xi32, #tpu.memory_space<vmem>>[vector<16xi32>, vector<16xi32>], vector<16xi32>,
        %bitcast3A_1226 = vector.bitcast %gather3A_1221 : vector<16xi32> to vector<32xbf16>
        %unpack3A_1227 = tpu.unpack_subelements %bitcast3A_1226, 0 {pack_format = #tpu.pack_format<interleaved>} : vector<32xbf16> -> vector<16xf32>
        %unpack3A_1228 = tpu.unpack_subelements %bitcast3A_1226, 1 {pack_format = #tpu.pack_format<interleaved>} : vector<32xbf16> -> vector<16xf32>
        %bitcast3A_1229 = vector.bitcast %gather3A_1225 : vector<16xi32> to vector<32xbf16>
        %unpack3A_1230 = tpu.unpack_subelements %bitcast3A_1229, 0 {pack_format = #tpu.pack_format<interleaved>} : vector<32xbf16> -> vector<16xf32>
        %unpack3A_1231 = tpu.unpack_subelements %bitcast3A_1229, 1 {pack_format = #tpu.pack_format<interleaved>} : vector<32xbf16> -> vector<16xf32>
        %select_n3A_1232 = arith.select %eq3A_117, %unpack3A_1228, %unpack3A_1227 : vector<16xi1>, vector<16xf32>
        %select_n3A_1233 = arith.select %eq3A_123, %unpack3A_1231, %unpack3A_1230 : vector<16xi1>, vector<16xf32>
        %mul3A_1234 = arith.mulf %select_n3A_1232, %select_n3A_1233 : vector<16xf32>
        %add3A_1235 = arith.addf %add3A_1217, %mul3A_1234 : vector<16xf32>
        %add3A_1236 = arith.constant 62 : i32
        %add3A_1237 = vector.broadcast %add3A_1236 : i32 to vector<16xi32>
        %add3A_1238 = arith.addi %mul3A_107, %add3A_1237 : vector<16xi32>
        %gather3A_1239 = tpu.vector_load_idx %arg13[%add3A_98, %add3A_1238] : memref<64x128xi32, #tpu.memory_space<vmem>>[vector<16xi32>, vector<16xi32>], vector<16xi32>,
        %add3A_1240 = arith.constant 62 : i32
        %add3A_1241 = vector.broadcast %add3A_1240 : i32 to vector<16xi32>
        %add3A_1242 = arith.addi %mul3A_113, %add3A_1241 : vector<16xi32>
        %gather3A_1243 = tpu.vector_load_idx %arg14[%add3A_98, %add3A_1242] : memref<64x128xi32, #tpu.memory_space<vmem>>[vector<16xi32>, vector<16xi32>], vector<16xi32>,
        %bitcast3A_1244 = vector.bitcast %gather3A_1239 : vector<16xi32> to vector<32xbf16>
        %unpack3A_1245 = tpu.unpack_subelements %bitcast3A_1244, 0 {pack_format = #tpu.pack_format<interleaved>} : vector<32xbf16> -> vector<16xf32>
        %unpack3A_1246 = tpu.unpack_subelements %bitcast3A_1244, 1 {pack_format = #tpu.pack_format<interleaved>} : vector<32xbf16> -> vector<16xf32>
        %bitcast3A_1247 = vector.bitcast %gather3A_1243 : vector<16xi32> to vector<32xbf16>
        %unpack3A_1248 = tpu.unpack_subelements %bitcast3A_1247, 0 {pack_format = #tpu.pack_format<interleaved>} : vector<32xbf16> -> vector<16xf32>
        %unpack3A_1249 = tpu.unpack_subelements %bitcast3A_1247, 1 {pack_format = #tpu.pack_format<interleaved>} : vector<32xbf16> -> vector<16xf32>
        %select_n3A_1250 = arith.select %eq3A_117, %unpack3A_1246, %unpack3A_1245 : vector<16xi1>, vector<16xf32>
        %select_n3A_1251 = arith.select %eq3A_123, %unpack3A_1249, %unpack3A_1248 : vector<16xi1>, vector<16xf32>
        %mul3A_1252 = arith.mulf %select_n3A_1250, %select_n3A_1251 : vector<16xf32>
        %add3A_1253 = arith.addf %add3A_1235, %mul3A_1252 : vector<16xf32>
        %add3A_1254 = arith.constant 63 : i32
        %add3A_1255 = vector.broadcast %add3A_1254 : i32 to vector<16xi32>
        %add3A_1256 = arith.addi %mul3A_107, %add3A_1255 : vector<16xi32>
        %gather3A_1257 = tpu.vector_load_idx %arg13[%add3A_98, %add3A_1256] : memref<64x128xi32, #tpu.memory_space<vmem>>[vector<16xi32>, vector<16xi32>], vector<16xi32>,
        %add3A_1258 = arith.constant 63 : i32
        %add3A_1259 = vector.broadcast %add3A_1258 : i32 to vector<16xi32>
        %add3A_1260 = arith.addi %mul3A_113, %add3A_1259 : vector<16xi32>
        %gather3A_1261 = tpu.vector_load_idx %arg14[%add3A_98, %add3A_1260] : memref<64x128xi32, #tpu.memory_space<vmem>>[vector<16xi32>, vector<16xi32>], vector<16xi32>,
        %bitcast3A_1262 = vector.bitcast %gather3A_1257 : vector<16xi32> to vector<32xbf16>
        %unpack3A_1263 = tpu.unpack_subelements %bitcast3A_1262, 0 {pack_format = #tpu.pack_format<interleaved>} : vector<32xbf16> -> vector<16xf32>
        %unpack3A_1264 = tpu.unpack_subelements %bitcast3A_1262, 1 {pack_format = #tpu.pack_format<interleaved>} : vector<32xbf16> -> vector<16xf32>
        %bitcast3A_1265 = vector.bitcast %gather3A_1261 : vector<16xi32> to vector<32xbf16>
        %unpack3A_1266 = tpu.unpack_subelements %bitcast3A_1265, 0 {pack_format = #tpu.pack_format<interleaved>} : vector<32xbf16> -> vector<16xf32>
        %unpack3A_1267 = tpu.unpack_subelements %bitcast3A_1265, 1 {pack_format = #tpu.pack_format<interleaved>} : vector<32xbf16> -> vector<16xf32>
        %select_n3A_1268 = arith.select %eq3A_117, %unpack3A_1264, %unpack3A_1263 : vector<16xi1>, vector<16xf32>
        %select_n3A_1269 = arith.select %eq3A_123, %unpack3A_1267, %unpack3A_1266 : vector<16xi1>, vector<16xf32>
        %mul3A_1270 = arith.mulf %select_n3A_1268, %select_n3A_1269 : vector<16xf32>
        %add3A_1271 = arith.addf %add3A_1253, %mul3A_1270 : vector<16xf32>
        %swap3A = arith.index_cast %add3A_90 : i32 to index
        %swap3A_1272 = tpu.vector_load %arg19[%swap3A] {strides = array<i32>} : memref<512xf32, #tpu.memory_space<vmem>>, vector<16xf32>,
        tpu.vector_store %arg19[%swap3A], %add3A_1271 {strides = array<i32>} : memref<512xf32, #tpu.memory_space<vmem>>, vector<16xf32>,
      }
      %scan3A_62 = arith.constant 4 : i32
      %add3A_63 = arith.constant 2 : i32
      %add3A_64 = arith.addi %mul3A_32, %add3A_63 : i32
      %lt3A = arith.constant 8 : i32
      %lt3A_65 = arith.cmpi slt, %add3A_64, %lt3A : i32
      %convert_element_type3A = arith.extui %lt3A_65 : i1 to i32
      %cond3A = arith.constant 0 : i32
      %cond3A_66 = arith.cmpi ne, %convert_element_type3A, %cond3A : i32
      scf.if %cond3A_66 {
        %add3A_85 = arith.constant 2 : i32
        %add3A_86 = arith.addi %mul3A_32, %add3A_85 : i32
        %mul3A_87 = arith.constant 64 : i32
        %mul3A_88 = arith.muli %add3A_86, %mul3A_87 : i32
        %dma_start3A_89 = tpu.memref_slice %arg11[%mul3A_88] : memref<512xi32, #tpu.memory_space<vmem>> -> memref<64xi32, #tpu.memory_space<vmem>>
        %dma_start3A_90 = arith.constant 0 : i32
        %dma_start3A_91 = arith.constant 0 : i32
        %dma_start3A_92 = tpu.memref_slice %arg4[%dma_start3A_90, %dma_start3A_91] : memref<262144x128xi32, #tpu.memory_space<hbm>> -> memref<262144x128xi32, #tpu.memory_space<hbm>>
        tpu.enqueue_indirect_dma source(%dma_start3A_92 : memref<262144x128xi32, #tpu.memory_space<hbm>>) target(%arg13 : memref<64x128xi32, #tpu.memory_space<vmem>>) offsets(%dma_start3A_89 : memref<64xi32, #tpu.memory_space<vmem>>) semaphore(%arg20 : memref<!tpu.dma_semaphore, #tpu.memory_space<semaphore_mem>>)
        %dma_start3A_93 = tpu.memref_slice %arg12[%mul3A_88] : memref<512xi32, #tpu.memory_space<vmem>> -> memref<64xi32, #tpu.memory_space<vmem>>
        %dma_start3A_94 = arith.constant 0 : i32
        %dma_start3A_95 = arith.constant 0 : i32
        %dma_start3A_96 = tpu.memref_slice %arg5[%dma_start3A_94, %dma_start3A_95] : memref<32768x128xi32, #tpu.memory_space<hbm>> -> memref<32768x128xi32, #tpu.memory_space<hbm>>
        tpu.enqueue_indirect_dma source(%dma_start3A_96 : memref<32768x128xi32, #tpu.memory_space<hbm>>) target(%arg14 : memref<64x128xi32, #tpu.memory_space<vmem>>) offsets(%dma_start3A_93 : memref<64xi32, #tpu.memory_space<vmem>>) semaphore(%arg20 : memref<!tpu.dma_semaphore, #tpu.memory_space<semaphore_mem>>)
      } else {
      }
      %dma_wait3A_67 = arith.constant 0 : i32
      %dma_wait3A_68 = arith.constant 0 : i32
      %dma_wait3A_69 = tpu.memref_slice %arg4[%dma_wait3A_67, %dma_wait3A_68] : memref<262144x128xi32, #tpu.memory_space<hbm>> -> memref<64x128xi32, #tpu.memory_space<hbm>>
      %dma_wait3A_70 = arith.constant 0 : i32
      %dma_wait3A_71 = arith.constant 0 : i32
      %dma_wait3A_72 = tpu.memref_slice %arg4[%dma_wait3A_70, %dma_wait3A_71] : memref<262144x128xi32, #tpu.memory_space<hbm>> -> memref<64x128xi32, #tpu.memory_space<hbm>>
      tpu.wait_dma2 semaphore(%arg21 : memref<!tpu.dma_semaphore, #tpu.memory_space<semaphore_mem>>) src(%dma_wait3A_72 : memref<64x128xi32, #tpu.memory_space<hbm>>) dst(%arg15 : memref<64x128xi32, #tpu.memory_space<vmem>>)
      %dma_wait3A_73 = arith.constant 0 : i32
      %dma_wait3A_74 = arith.constant 0 : i32
      %dma_wait3A_75 = tpu.memref_slice %arg5[%dma_wait3A_73, %dma_wait3A_74] : memref<32768x128xi32, #tpu.memory_space<hbm>> -> memref<64x128xi32, #tpu.memory_space<hbm>>
      %dma_wait3A_76 = arith.constant 0 : i32
      %dma_wait3A_77 = arith.constant 0 : i32
      %dma_wait3A_78 = tpu.memref_slice %arg5[%dma_wait3A_76, %dma_wait3A_77] : memref<32768x128xi32, #tpu.memory_space<hbm>> -> memref<64x128xi32, #tpu.memory_space<hbm>>
      tpu.wait_dma2 semaphore(%arg21 : memref<!tpu.dma_semaphore, #tpu.memory_space<semaphore_mem>>) src(%dma_wait3A_78 : memref<64x128xi32, #tpu.memory_space<hbm>>) dst(%arg16 : memref<64x128xi32, #tpu.memory_space<vmem>>)
      %scan3A_79 = arith.constant 0 : i32
      %scan3A_80 = arith.constant 0 : i32
      %scan3A_81 = arith.constant 4 : i32
      %scan3A_82 = arith.addi %scan3A_80, %scan3A_81 : i32
      %scan3A_83 = arith.constant 1 : i32
      scf.for %scan3A_85 = %scan3A_80 to %scan3A_82 step %scan3A_83  : i32 {
        %mul3A_86 = arith.constant 64 : i32
        %mul3A_87 = arith.muli %add3A_34, %mul3A_86 : i32
        %mul3A_88 = arith.constant 16 : i32
        %mul3A_89 = arith.muli %scan3A_85, %mul3A_88 : i32
        %add3A_90 = arith.addi %mul3A_87, %mul3A_89 : i32
        %get3A = arith.index_cast %add3A_90 : i32 to index
        %get3A_91 = tpu.vector_load %arg17[%get3A] {strides = array<i32>} : memref<512xf32, #tpu.memory_space<vmem>>, vector<16xf32>,
        %get3A_92 = arith.index_cast %add3A_90 : i32 to index
        %get3A_93 = tpu.vector_load %arg18[%get3A_92] {strides = array<i32>} : memref<512xf32, #tpu.memory_space<vmem>>, vector<16xf32>,
        %add3A_94 = arith.addf %get3A_91, %get3A_93 : vector<16xf32>
        %mul3A_95 = arith.constant 16 : i32
        %mul3A_96 = arith.muli %scan3A_85, %mul3A_95 : i32
        %add3A_97 = vector.broadcast %mul3A_96 : i32 to vector<16xi32>
        %add3A_98 = arith.addi %add3A_97, %iota3A : vector<16xi32>
        %get3A_99 = arith.index_cast %add3A_90 : i32 to index
        %get3A_100 = tpu.vector_load %arg9[%get3A_99] {strides = array<i32>} : memref<512xi32, #tpu.memory_space<vmem>>, vector<16xi32>,
        %get3A_101 = arith.index_cast %add3A_90 : i32 to index
        %get3A_102 = tpu.vector_load %arg10[%get3A_101] {strides = array<i32>} : memref<512xi32, #tpu.memory_space<vmem>>, vector<16xi32>,
        %shift_right_logical3A = arith.constant 19 : i32
        %shift_right_logical3A_103 = vector.broadcast %shift_right_logical3A : i32 to vector<16xi32>
        %shift_right_logical3A_104 = arith.shrui %get3A_100, %shift_right_logical3A_103 : vector<16xi32>
        %mul3A_105 = arith.constant 64 : i32
        %mul3A_106 = vector.broadcast %mul3A_105 : i32 to vector<16xi32>
        %mul3A_107 = arith.muli %shift_right_logical3A_104, %mul3A_106 : vector<16xi32>
        %shift_right_logical3A_108 = arith.constant 16 : i32
        %shift_right_logical3A_109 = vector.broadcast %shift_right_logical3A_108 : i32 to vector<16xi32>
        %shift_right_logical3A_110 = arith.shrui %get3A_102, %shift_right_logical3A_109 : vector<16xi32>
        %mul3A_111 = arith.constant 64 : i32
        %mul3A_112 = vector.broadcast %mul3A_111 : i32 to vector<16xi32>
        %mul3A_113 = arith.muli %shift_right_logical3A_110, %mul3A_112 : vector<16xi32>
        %and3A = arith.constant 1 : i32
        %and3A_114 = vector.broadcast %and3A : i32 to vector<16xi32>
        %and3A_115 = arith.andi %get3A_100, %and3A_114 : vector<16xi32>
        %eq3A = arith.constant 1 : i32
        %eq3A_116 = vector.broadcast %eq3A : i32 to vector<16xi32>
        %eq3A_117 = arith.cmpi eq, %and3A_115, %eq3A_116 : vector<16xi32>
        %and3A_118 = arith.constant 1 : i32
        %and3A_119 = vector.broadcast %and3A_118 : i32 to vector<16xi32>
        %and3A_120 = arith.andi %get3A_102, %and3A_119 : vector<16xi32>
        %eq3A_121 = arith.constant 1 : i32
        %eq3A_122 = vector.broadcast %eq3A_121 : i32 to vector<16xi32>
        %eq3A_123 = arith.cmpi eq, %and3A_120, %eq3A_122 : vector<16xi32>
        %add3A_124 = arith.constant 0 : i32
        %add3A_125 = vector.broadcast %add3A_124 : i32 to vector<16xi32>
        %add3A_126 = arith.addi %mul3A_107, %add3A_125 : vector<16xi32>
        %gather3A = tpu.vector_load_idx %arg15[%add3A_98, %add3A_126] : memref<64x128xi32, #tpu.memory_space<vmem>>[vector<16xi32>, vector<16xi32>], vector<16xi32>,
        %add3A_127 = arith.constant 0 : i32
        %add3A_128 = vector.broadcast %add3A_127 : i32 to vector<16xi32>
        %add3A_129 = arith.addi %mul3A_113, %add3A_128 : vector<16xi32>
        %gather3A_130 = tpu.vector_load_idx %arg16[%add3A_98, %add3A_129] : memref<64x128xi32, #tpu.memory_space<vmem>>[vector<16xi32>, vector<16xi32>], vector<16xi32>,
        %bitcast3A = vector.bitcast %gather3A : vector<16xi32> to vector<32xbf16>
        %unpack3A = tpu.unpack_subelements %bitcast3A, 0 {pack_format = #tpu.pack_format<interleaved>} : vector<32xbf16> -> vector<16xf32>
        %unpack3A_131 = tpu.unpack_subelements %bitcast3A, 1 {pack_format = #tpu.pack_format<interleaved>} : vector<32xbf16> -> vector<16xf32>
        %bitcast3A_132 = vector.bitcast %gather3A_130 : vector<16xi32> to vector<32xbf16>
        %unpack3A_133 = tpu.unpack_subelements %bitcast3A_132, 0 {pack_format = #tpu.pack_format<interleaved>} : vector<32xbf16> -> vector<16xf32>
        %unpack3A_134 = tpu.unpack_subelements %bitcast3A_132, 1 {pack_format = #tpu.pack_format<interleaved>} : vector<32xbf16> -> vector<16xf32>
        %select_n3A = arith.select %eq3A_117, %unpack3A_131, %unpack3A : vector<16xi1>, vector<16xf32>
        %select_n3A_135 = arith.select %eq3A_123, %unpack3A_134, %unpack3A_133 : vector<16xi1>, vector<16xf32>
        %mul3A_136 = arith.mulf %select_n3A, %select_n3A_135 : vector<16xf32>
        %add3A_137 = arith.addf %add3A_94, %mul3A_136 : vector<16xf32>
        %add3A_138 = arith.constant 1 : i32
        %add3A_139 = vector.broadcast %add3A_138 : i32 to vector<16xi32>
        %add3A_140 = arith.addi %mul3A_107, %add3A_139 : vector<16xi32>
        %gather3A_141 = tpu.vector_load_idx %arg15[%add3A_98, %add3A_140] : memref<64x128xi32, #tpu.memory_space<vmem>>[vector<16xi32>, vector<16xi32>], vector<16xi32>,
        %add3A_142 = arith.constant 1 : i32
        %add3A_143 = vector.broadcast %add3A_142 : i32 to vector<16xi32>
        %add3A_144 = arith.addi %mul3A_113, %add3A_143 : vector<16xi32>
        %gather3A_145 = tpu.vector_load_idx %arg16[%add3A_98, %add3A_144] : memref<64x128xi32, #tpu.memory_space<vmem>>[vector<16xi32>, vector<16xi32>], vector<16xi32>,
        %bitcast3A_146 = vector.bitcast %gather3A_141 : vector<16xi32> to vector<32xbf16>
        %unpack3A_147 = tpu.unpack_subelements %bitcast3A_146, 0 {pack_format = #tpu.pack_format<interleaved>} : vector<32xbf16> -> vector<16xf32>
        %unpack3A_148 = tpu.unpack_subelements %bitcast3A_146, 1 {pack_format = #tpu.pack_format<interleaved>} : vector<32xbf16> -> vector<16xf32>
        %bitcast3A_149 = vector.bitcast %gather3A_145 : vector<16xi32> to vector<32xbf16>
        %unpack3A_150 = tpu.unpack_subelements %bitcast3A_149, 0 {pack_format = #tpu.pack_format<interleaved>} : vector<32xbf16> -> vector<16xf32>
        %unpack3A_151 = tpu.unpack_subelements %bitcast3A_149, 1 {pack_format = #tpu.pack_format<interleaved>} : vector<32xbf16> -> vector<16xf32>
        %select_n3A_152 = arith.select %eq3A_117, %unpack3A_148, %unpack3A_147 : vector<16xi1>, vector<16xf32>
        %select_n3A_153 = arith.select %eq3A_123, %unpack3A_151, %unpack3A_150 : vector<16xi1>, vector<16xf32>
        %mul3A_154 = arith.mulf %select_n3A_152, %select_n3A_153 : vector<16xf32>
        %add3A_155 = arith.addf %add3A_137, %mul3A_154 : vector<16xf32>
        %add3A_156 = arith.constant 2 : i32
        %add3A_157 = vector.broadcast %add3A_156 : i32 to vector<16xi32>
        %add3A_158 = arith.addi %mul3A_107, %add3A_157 : vector<16xi32>
        %gather3A_159 = tpu.vector_load_idx %arg15[%add3A_98, %add3A_158] : memref<64x128xi32, #tpu.memory_space<vmem>>[vector<16xi32>, vector<16xi32>], vector<16xi32>,
        %add3A_160 = arith.constant 2 : i32
        %add3A_161 = vector.broadcast %add3A_160 : i32 to vector<16xi32>
        %add3A_162 = arith.addi %mul3A_113, %add3A_161 : vector<16xi32>
        %gather3A_163 = tpu.vector_load_idx %arg16[%add3A_98, %add3A_162] : memref<64x128xi32, #tpu.memory_space<vmem>>[vector<16xi32>, vector<16xi32>], vector<16xi32>,
        %bitcast3A_164 = vector.bitcast %gather3A_159 : vector<16xi32> to vector<32xbf16>
        %unpack3A_165 = tpu.unpack_subelements %bitcast3A_164, 0 {pack_format = #tpu.pack_format<interleaved>} : vector<32xbf16> -> vector<16xf32>
        %unpack3A_166 = tpu.unpack_subelements %bitcast3A_164, 1 {pack_format = #tpu.pack_format<interleaved>} : vector<32xbf16> -> vector<16xf32>
        %bitcast3A_167 = vector.bitcast %gather3A_163 : vector<16xi32> to vector<32xbf16>
        %unpack3A_168 = tpu.unpack_subelements %bitcast3A_167, 0 {pack_format = #tpu.pack_format<interleaved>} : vector<32xbf16> -> vector<16xf32>
        %unpack3A_169 = tpu.unpack_subelements %bitcast3A_167, 1 {pack_format = #tpu.pack_format<interleaved>} : vector<32xbf16> -> vector<16xf32>
        %select_n3A_170 = arith.select %eq3A_117, %unpack3A_166, %unpack3A_165 : vector<16xi1>, vector<16xf32>
        %select_n3A_171 = arith.select %eq3A_123, %unpack3A_169, %unpack3A_168 : vector<16xi1>, vector<16xf32>
        %mul3A_172 = arith.mulf %select_n3A_170, %select_n3A_171 : vector<16xf32>
        %add3A_173 = arith.addf %add3A_155, %mul3A_172 : vector<16xf32>
        %add3A_174 = arith.constant 3 : i32
        %add3A_175 = vector.broadcast %add3A_174 : i32 to vector<16xi32>
        %add3A_176 = arith.addi %mul3A_107, %add3A_175 : vector<16xi32>
        %gather3A_177 = tpu.vector_load_idx %arg15[%add3A_98, %add3A_176] : memref<64x128xi32, #tpu.memory_space<vmem>>[vector<16xi32>, vector<16xi32>], vector<16xi32>,
        %add3A_178 = arith.constant 3 : i32
        %add3A_179 = vector.broadcast %add3A_178 : i32 to vector<16xi32>
        %add3A_180 = arith.addi %mul3A_113, %add3A_179 : vector<16xi32>
        %gather3A_181 = tpu.vector_load_idx %arg16[%add3A_98, %add3A_180] : memref<64x128xi32, #tpu.memory_space<vmem>>[vector<16xi32>, vector<16xi32>], vector<16xi32>,
        %bitcast3A_182 = vector.bitcast %gather3A_177 : vector<16xi32> to vector<32xbf16>
        %unpack3A_183 = tpu.unpack_subelements %bitcast3A_182, 0 {pack_format = #tpu.pack_format<interleaved>} : vector<32xbf16> -> vector<16xf32>
        %unpack3A_184 = tpu.unpack_subelements %bitcast3A_182, 1 {pack_format = #tpu.pack_format<interleaved>} : vector<32xbf16> -> vector<16xf32>
        %bitcast3A_185 = vector.bitcast %gather3A_181 : vector<16xi32> to vector<32xbf16>
        %unpack3A_186 = tpu.unpack_subelements %bitcast3A_185, 0 {pack_format = #tpu.pack_format<interleaved>} : vector<32xbf16> -> vector<16xf32>
        %unpack3A_187 = tpu.unpack_subelements %bitcast3A_185, 1 {pack_format = #tpu.pack_format<interleaved>} : vector<32xbf16> -> vector<16xf32>
        %select_n3A_188 = arith.select %eq3A_117, %unpack3A_184, %unpack3A_183 : vector<16xi1>, vector<16xf32>
        %select_n3A_189 = arith.select %eq3A_123, %unpack3A_187, %unpack3A_186 : vector<16xi1>, vector<16xf32>
        %mul3A_190 = arith.mulf %select_n3A_188, %select_n3A_189 : vector<16xf32>
        %add3A_191 = arith.addf %add3A_173, %mul3A_190 : vector<16xf32>
        %add3A_192 = arith.constant 4 : i32
        %add3A_193 = vector.broadcast %add3A_192 : i32 to vector<16xi32>
        %add3A_194 = arith.addi %mul3A_107, %add3A_193 : vector<16xi32>
        %gather3A_195 = tpu.vector_load_idx %arg15[%add3A_98, %add3A_194] : memref<64x128xi32, #tpu.memory_space<vmem>>[vector<16xi32>, vector<16xi32>], vector<16xi32>,
        %add3A_196 = arith.constant 4 : i32
        %add3A_197 = vector.broadcast %add3A_196 : i32 to vector<16xi32>
        %add3A_198 = arith.addi %mul3A_113, %add3A_197 : vector<16xi32>
        %gather3A_199 = tpu.vector_load_idx %arg16[%add3A_98, %add3A_198] : memref<64x128xi32, #tpu.memory_space<vmem>>[vector<16xi32>, vector<16xi32>], vector<16xi32>,
        %bitcast3A_200 = vector.bitcast %gather3A_195 : vector<16xi32> to vector<32xbf16>
        %unpack3A_201 = tpu.unpack_subelements %bitcast3A_200, 0 {pack_format = #tpu.pack_format<interleaved>} : vector<32xbf16> -> vector<16xf32>
        %unpack3A_202 = tpu.unpack_subelements %bitcast3A_200, 1 {pack_format = #tpu.pack_format<interleaved>} : vector<32xbf16> -> vector<16xf32>
        %bitcast3A_203 = vector.bitcast %gather3A_199 : vector<16xi32> to vector<32xbf16>
        %unpack3A_204 = tpu.unpack_subelements %bitcast3A_203, 0 {pack_format = #tpu.pack_format<interleaved>} : vector<32xbf16> -> vector<16xf32>
        %unpack3A_205 = tpu.unpack_subelements %bitcast3A_203, 1 {pack_format = #tpu.pack_format<interleaved>} : vector<32xbf16> -> vector<16xf32>
        %select_n3A_206 = arith.select %eq3A_117, %unpack3A_202, %unpack3A_201 : vector<16xi1>, vector<16xf32>
        %select_n3A_207 = arith.select %eq3A_123, %unpack3A_205, %unpack3A_204 : vector<16xi1>, vector<16xf32>
        %mul3A_208 = arith.mulf %select_n3A_206, %select_n3A_207 : vector<16xf32>
        %add3A_209 = arith.addf %add3A_191, %mul3A_208 : vector<16xf32>
        %add3A_210 = arith.constant 5 : i32
        %add3A_211 = vector.broadcast %add3A_210 : i32 to vector<16xi32>
        %add3A_212 = arith.addi %mul3A_107, %add3A_211 : vector<16xi32>
        %gather3A_213 = tpu.vector_load_idx %arg15[%add3A_98, %add3A_212] : memref<64x128xi32, #tpu.memory_space<vmem>>[vector<16xi32>, vector<16xi32>], vector<16xi32>,
        %add3A_214 = arith.constant 5 : i32
        %add3A_215 = vector.broadcast %add3A_214 : i32 to vector<16xi32>
        %add3A_216 = arith.addi %mul3A_113, %add3A_215 : vector<16xi32>
        %gather3A_217 = tpu.vector_load_idx %arg16[%add3A_98, %add3A_216] : memref<64x128xi32, #tpu.memory_space<vmem>>[vector<16xi32>, vector<16xi32>], vector<16xi32>,
        %bitcast3A_218 = vector.bitcast %gather3A_213 : vector<16xi32> to vector<32xbf16>
        %unpack3A_219 = tpu.unpack_subelements %bitcast3A_218, 0 {pack_format = #tpu.pack_format<interleaved>} : vector<32xbf16> -> vector<16xf32>
        %unpack3A_220 = tpu.unpack_subelements %bitcast3A_218, 1 {pack_format = #tpu.pack_format<interleaved>} : vector<32xbf16> -> vector<16xf32>
        %bitcast3A_221 = vector.bitcast %gather3A_217 : vector<16xi32> to vector<32xbf16>
        %unpack3A_222 = tpu.unpack_subelements %bitcast3A_221, 0 {pack_format = #tpu.pack_format<interleaved>} : vector<32xbf16> -> vector<16xf32>
        %unpack3A_223 = tpu.unpack_subelements %bitcast3A_221, 1 {pack_format = #tpu.pack_format<interleaved>} : vector<32xbf16> -> vector<16xf32>
        %select_n3A_224 = arith.select %eq3A_117, %unpack3A_220, %unpack3A_219 : vector<16xi1>, vector<16xf32>
        %select_n3A_225 = arith.select %eq3A_123, %unpack3A_223, %unpack3A_222 : vector<16xi1>, vector<16xf32>
        %mul3A_226 = arith.mulf %select_n3A_224, %select_n3A_225 : vector<16xf32>
        %add3A_227 = arith.addf %add3A_209, %mul3A_226 : vector<16xf32>
        %add3A_228 = arith.constant 6 : i32
        %add3A_229 = vector.broadcast %add3A_228 : i32 to vector<16xi32>
        %add3A_230 = arith.addi %mul3A_107, %add3A_229 : vector<16xi32>
        %gather3A_231 = tpu.vector_load_idx %arg15[%add3A_98, %add3A_230] : memref<64x128xi32, #tpu.memory_space<vmem>>[vector<16xi32>, vector<16xi32>], vector<16xi32>,
        %add3A_232 = arith.constant 6 : i32
        %add3A_233 = vector.broadcast %add3A_232 : i32 to vector<16xi32>
        %add3A_234 = arith.addi %mul3A_113, %add3A_233 : vector<16xi32>
        %gather3A_235 = tpu.vector_load_idx %arg16[%add3A_98, %add3A_234] : memref<64x128xi32, #tpu.memory_space<vmem>>[vector<16xi32>, vector<16xi32>], vector<16xi32>,
        %bitcast3A_236 = vector.bitcast %gather3A_231 : vector<16xi32> to vector<32xbf16>
        %unpack3A_237 = tpu.unpack_subelements %bitcast3A_236, 0 {pack_format = #tpu.pack_format<interleaved>} : vector<32xbf16> -> vector<16xf32>
        %unpack3A_238 = tpu.unpack_subelements %bitcast3A_236, 1 {pack_format = #tpu.pack_format<interleaved>} : vector<32xbf16> -> vector<16xf32>
        %bitcast3A_239 = vector.bitcast %gather3A_235 : vector<16xi32> to vector<32xbf16>
        %unpack3A_240 = tpu.unpack_subelements %bitcast3A_239, 0 {pack_format = #tpu.pack_format<interleaved>} : vector<32xbf16> -> vector<16xf32>
        %unpack3A_241 = tpu.unpack_subelements %bitcast3A_239, 1 {pack_format = #tpu.pack_format<interleaved>} : vector<32xbf16> -> vector<16xf32>
        %select_n3A_242 = arith.select %eq3A_117, %unpack3A_238, %unpack3A_237 : vector<16xi1>, vector<16xf32>
        %select_n3A_243 = arith.select %eq3A_123, %unpack3A_241, %unpack3A_240 : vector<16xi1>, vector<16xf32>
        %mul3A_244 = arith.mulf %select_n3A_242, %select_n3A_243 : vector<16xf32>
        %add3A_245 = arith.addf %add3A_227, %mul3A_244 : vector<16xf32>
        %add3A_246 = arith.constant 7 : i32
        %add3A_247 = vector.broadcast %add3A_246 : i32 to vector<16xi32>
        %add3A_248 = arith.addi %mul3A_107, %add3A_247 : vector<16xi32>
        %gather3A_249 = tpu.vector_load_idx %arg15[%add3A_98, %add3A_248] : memref<64x128xi32, #tpu.memory_space<vmem>>[vector<16xi32>, vector<16xi32>], vector<16xi32>,
        %add3A_250 = arith.constant 7 : i32
        %add3A_251 = vector.broadcast %add3A_250 : i32 to vector<16xi32>
        %add3A_252 = arith.addi %mul3A_113, %add3A_251 : vector<16xi32>
        %gather3A_253 = tpu.vector_load_idx %arg16[%add3A_98, %add3A_252] : memref<64x128xi32, #tpu.memory_space<vmem>>[vector<16xi32>, vector<16xi32>], vector<16xi32>,
        %bitcast3A_254 = vector.bitcast %gather3A_249 : vector<16xi32> to vector<32xbf16>
        %unpack3A_255 = tpu.unpack_subelements %bitcast3A_254, 0 {pack_format = #tpu.pack_format<interleaved>} : vector<32xbf16> -> vector<16xf32>
        %unpack3A_256 = tpu.unpack_subelements %bitcast3A_254, 1 {pack_format = #tpu.pack_format<interleaved>} : vector<32xbf16> -> vector<16xf32>
        %bitcast3A_257 = vector.bitcast %gather3A_253 : vector<16xi32> to vector<32xbf16>
        %unpack3A_258 = tpu.unpack_subelements %bitcast3A_257, 0 {pack_format = #tpu.pack_format<interleaved>} : vector<32xbf16> -> vector<16xf32>
        %unpack3A_259 = tpu.unpack_subelements %bitcast3A_257, 1 {pack_format = #tpu.pack_format<interleaved>} : vector<32xbf16> -> vector<16xf32>
        %select_n3A_260 = arith.select %eq3A_117, %unpack3A_256, %unpack3A_255 : vector<16xi1>, vector<16xf32>
        %select_n3A_261 = arith.select %eq3A_123, %unpack3A_259, %unpack3A_258 : vector<16xi1>, vector<16xf32>
        %mul3A_262 = arith.mulf %select_n3A_260, %select_n3A_261 : vector<16xf32>
        %add3A_263 = arith.addf %add3A_245, %mul3A_262 : vector<16xf32>
        %add3A_264 = arith.constant 8 : i32
        %add3A_265 = vector.broadcast %add3A_264 : i32 to vector<16xi32>
        %add3A_266 = arith.addi %mul3A_107, %add3A_265 : vector<16xi32>
        %gather3A_267 = tpu.vector_load_idx %arg15[%add3A_98, %add3A_266] : memref<64x128xi32, #tpu.memory_space<vmem>>[vector<16xi32>, vector<16xi32>], vector<16xi32>,
        %add3A_268 = arith.constant 8 : i32
        %add3A_269 = vector.broadcast %add3A_268 : i32 to vector<16xi32>
        %add3A_270 = arith.addi %mul3A_113, %add3A_269 : vector<16xi32>
        %gather3A_271 = tpu.vector_load_idx %arg16[%add3A_98, %add3A_270] : memref<64x128xi32, #tpu.memory_space<vmem>>[vector<16xi32>, vector<16xi32>], vector<16xi32>,
        %bitcast3A_272 = vector.bitcast %gather3A_267 : vector<16xi32> to vector<32xbf16>
        %unpack3A_273 = tpu.unpack_subelements %bitcast3A_272, 0 {pack_format = #tpu.pack_format<interleaved>} : vector<32xbf16> -> vector<16xf32>
        %unpack3A_274 = tpu.unpack_subelements %bitcast3A_272, 1 {pack_format = #tpu.pack_format<interleaved>} : vector<32xbf16> -> vector<16xf32>
        %bitcast3A_275 = vector.bitcast %gather3A_271 : vector<16xi32> to vector<32xbf16>
        %unpack3A_276 = tpu.unpack_subelements %bitcast3A_275, 0 {pack_format = #tpu.pack_format<interleaved>} : vector<32xbf16> -> vector<16xf32>
        %unpack3A_277 = tpu.unpack_subelements %bitcast3A_275, 1 {pack_format = #tpu.pack_format<interleaved>} : vector<32xbf16> -> vector<16xf32>
        %select_n3A_278 = arith.select %eq3A_117, %unpack3A_274, %unpack3A_273 : vector<16xi1>, vector<16xf32>
        %select_n3A_279 = arith.select %eq3A_123, %unpack3A_277, %unpack3A_276 : vector<16xi1>, vector<16xf32>
        %mul3A_280 = arith.mulf %select_n3A_278, %select_n3A_279 : vector<16xf32>
        %add3A_281 = arith.addf %add3A_263, %mul3A_280 : vector<16xf32>
        %add3A_282 = arith.constant 9 : i32
        %add3A_283 = vector.broadcast %add3A_282 : i32 to vector<16xi32>
        %add3A_284 = arith.addi %mul3A_107, %add3A_283 : vector<16xi32>
        %gather3A_285 = tpu.vector_load_idx %arg15[%add3A_98, %add3A_284] : memref<64x128xi32, #tpu.memory_space<vmem>>[vector<16xi32>, vector<16xi32>], vector<16xi32>,
        %add3A_286 = arith.constant 9 : i32
        %add3A_287 = vector.broadcast %add3A_286 : i32 to vector<16xi32>
        %add3A_288 = arith.addi %mul3A_113, %add3A_287 : vector<16xi32>
        %gather3A_289 = tpu.vector_load_idx %arg16[%add3A_98, %add3A_288] : memref<64x128xi32, #tpu.memory_space<vmem>>[vector<16xi32>, vector<16xi32>], vector<16xi32>,
        %bitcast3A_290 = vector.bitcast %gather3A_285 : vector<16xi32> to vector<32xbf16>
        %unpack3A_291 = tpu.unpack_subelements %bitcast3A_290, 0 {pack_format = #tpu.pack_format<interleaved>} : vector<32xbf16> -> vector<16xf32>
        %unpack3A_292 = tpu.unpack_subelements %bitcast3A_290, 1 {pack_format = #tpu.pack_format<interleaved>} : vector<32xbf16> -> vector<16xf32>
        %bitcast3A_293 = vector.bitcast %gather3A_289 : vector<16xi32> to vector<32xbf16>
        %unpack3A_294 = tpu.unpack_subelements %bitcast3A_293, 0 {pack_format = #tpu.pack_format<interleaved>} : vector<32xbf16> -> vector<16xf32>
        %unpack3A_295 = tpu.unpack_subelements %bitcast3A_293, 1 {pack_format = #tpu.pack_format<interleaved>} : vector<32xbf16> -> vector<16xf32>
        %select_n3A_296 = arith.select %eq3A_117, %unpack3A_292, %unpack3A_291 : vector<16xi1>, vector<16xf32>
        %select_n3A_297 = arith.select %eq3A_123, %unpack3A_295, %unpack3A_294 : vector<16xi1>, vector<16xf32>
        %mul3A_298 = arith.mulf %select_n3A_296, %select_n3A_297 : vector<16xf32>
        %add3A_299 = arith.addf %add3A_281, %mul3A_298 : vector<16xf32>
        %add3A_300 = arith.constant 10 : i32
        %add3A_301 = vector.broadcast %add3A_300 : i32 to vector<16xi32>
        %add3A_302 = arith.addi %mul3A_107, %add3A_301 : vector<16xi32>
        %gather3A_303 = tpu.vector_load_idx %arg15[%add3A_98, %add3A_302] : memref<64x128xi32, #tpu.memory_space<vmem>>[vector<16xi32>, vector<16xi32>], vector<16xi32>,
        %add3A_304 = arith.constant 10 : i32
        %add3A_305 = vector.broadcast %add3A_304 : i32 to vector<16xi32>
        %add3A_306 = arith.addi %mul3A_113, %add3A_305 : vector<16xi32>
        %gather3A_307 = tpu.vector_load_idx %arg16[%add3A_98, %add3A_306] : memref<64x128xi32, #tpu.memory_space<vmem>>[vector<16xi32>, vector<16xi32>], vector<16xi32>,
        %bitcast3A_308 = vector.bitcast %gather3A_303 : vector<16xi32> to vector<32xbf16>
        %unpack3A_309 = tpu.unpack_subelements %bitcast3A_308, 0 {pack_format = #tpu.pack_format<interleaved>} : vector<32xbf16> -> vector<16xf32>
        %unpack3A_310 = tpu.unpack_subelements %bitcast3A_308, 1 {pack_format = #tpu.pack_format<interleaved>} : vector<32xbf16> -> vector<16xf32>
        %bitcast3A_311 = vector.bitcast %gather3A_307 : vector<16xi32> to vector<32xbf16>
        %unpack3A_312 = tpu.unpack_subelements %bitcast3A_311, 0 {pack_format = #tpu.pack_format<interleaved>} : vector<32xbf16> -> vector<16xf32>
        %unpack3A_313 = tpu.unpack_subelements %bitcast3A_311, 1 {pack_format = #tpu.pack_format<interleaved>} : vector<32xbf16> -> vector<16xf32>
        %select_n3A_314 = arith.select %eq3A_117, %unpack3A_310, %unpack3A_309 : vector<16xi1>, vector<16xf32>
        %select_n3A_315 = arith.select %eq3A_123, %unpack3A_313, %unpack3A_312 : vector<16xi1>, vector<16xf32>
        %mul3A_316 = arith.mulf %select_n3A_314, %select_n3A_315 : vector<16xf32>
        %add3A_317 = arith.addf %add3A_299, %mul3A_316 : vector<16xf32>
        %add3A_318 = arith.constant 11 : i32
        %add3A_319 = vector.broadcast %add3A_318 : i32 to vector<16xi32>
        %add3A_320 = arith.addi %mul3A_107, %add3A_319 : vector<16xi32>
        %gather3A_321 = tpu.vector_load_idx %arg15[%add3A_98, %add3A_320] : memref<64x128xi32, #tpu.memory_space<vmem>>[vector<16xi32>, vector<16xi32>], vector<16xi32>,
        %add3A_322 = arith.constant 11 : i32
        %add3A_323 = vector.broadcast %add3A_322 : i32 to vector<16xi32>
        %add3A_324 = arith.addi %mul3A_113, %add3A_323 : vector<16xi32>
        %gather3A_325 = tpu.vector_load_idx %arg16[%add3A_98, %add3A_324] : memref<64x128xi32, #tpu.memory_space<vmem>>[vector<16xi32>, vector<16xi32>], vector<16xi32>,
        %bitcast3A_326 = vector.bitcast %gather3A_321 : vector<16xi32> to vector<32xbf16>
        %unpack3A_327 = tpu.unpack_subelements %bitcast3A_326, 0 {pack_format = #tpu.pack_format<interleaved>} : vector<32xbf16> -> vector<16xf32>
        %unpack3A_328 = tpu.unpack_subelements %bitcast3A_326, 1 {pack_format = #tpu.pack_format<interleaved>} : vector<32xbf16> -> vector<16xf32>
        %bitcast3A_329 = vector.bitcast %gather3A_325 : vector<16xi32> to vector<32xbf16>
        %unpack3A_330 = tpu.unpack_subelements %bitcast3A_329, 0 {pack_format = #tpu.pack_format<interleaved>} : vector<32xbf16> -> vector<16xf32>
        %unpack3A_331 = tpu.unpack_subelements %bitcast3A_329, 1 {pack_format = #tpu.pack_format<interleaved>} : vector<32xbf16> -> vector<16xf32>
        %select_n3A_332 = arith.select %eq3A_117, %unpack3A_328, %unpack3A_327 : vector<16xi1>, vector<16xf32>
        %select_n3A_333 = arith.select %eq3A_123, %unpack3A_331, %unpack3A_330 : vector<16xi1>, vector<16xf32>
        %mul3A_334 = arith.mulf %select_n3A_332, %select_n3A_333 : vector<16xf32>
        %add3A_335 = arith.addf %add3A_317, %mul3A_334 : vector<16xf32>
        %add3A_336 = arith.constant 12 : i32
        %add3A_337 = vector.broadcast %add3A_336 : i32 to vector<16xi32>
        %add3A_338 = arith.addi %mul3A_107, %add3A_337 : vector<16xi32>
        %gather3A_339 = tpu.vector_load_idx %arg15[%add3A_98, %add3A_338] : memref<64x128xi32, #tpu.memory_space<vmem>>[vector<16xi32>, vector<16xi32>], vector<16xi32>,
        %add3A_340 = arith.constant 12 : i32
        %add3A_341 = vector.broadcast %add3A_340 : i32 to vector<16xi32>
        %add3A_342 = arith.addi %mul3A_113, %add3A_341 : vector<16xi32>
        %gather3A_343 = tpu.vector_load_idx %arg16[%add3A_98, %add3A_342] : memref<64x128xi32, #tpu.memory_space<vmem>>[vector<16xi32>, vector<16xi32>], vector<16xi32>,
        %bitcast3A_344 = vector.bitcast %gather3A_339 : vector<16xi32> to vector<32xbf16>
        %unpack3A_345 = tpu.unpack_subelements %bitcast3A_344, 0 {pack_format = #tpu.pack_format<interleaved>} : vector<32xbf16> -> vector<16xf32>
        %unpack3A_346 = tpu.unpack_subelements %bitcast3A_344, 1 {pack_format = #tpu.pack_format<interleaved>} : vector<32xbf16> -> vector<16xf32>
        %bitcast3A_347 = vector.bitcast %gather3A_343 : vector<16xi32> to vector<32xbf16>
        %unpack3A_348 = tpu.unpack_subelements %bitcast3A_347, 0 {pack_format = #tpu.pack_format<interleaved>} : vector<32xbf16> -> vector<16xf32>
        %unpack3A_349 = tpu.unpack_subelements %bitcast3A_347, 1 {pack_format = #tpu.pack_format<interleaved>} : vector<32xbf16> -> vector<16xf32>
        %select_n3A_350 = arith.select %eq3A_117, %unpack3A_346, %unpack3A_345 : vector<16xi1>, vector<16xf32>
        %select_n3A_351 = arith.select %eq3A_123, %unpack3A_349, %unpack3A_348 : vector<16xi1>, vector<16xf32>
        %mul3A_352 = arith.mulf %select_n3A_350, %select_n3A_351 : vector<16xf32>
        %add3A_353 = arith.addf %add3A_335, %mul3A_352 : vector<16xf32>
        %add3A_354 = arith.constant 13 : i32
        %add3A_355 = vector.broadcast %add3A_354 : i32 to vector<16xi32>
        %add3A_356 = arith.addi %mul3A_107, %add3A_355 : vector<16xi32>
        %gather3A_357 = tpu.vector_load_idx %arg15[%add3A_98, %add3A_356] : memref<64x128xi32, #tpu.memory_space<vmem>>[vector<16xi32>, vector<16xi32>], vector<16xi32>,
        %add3A_358 = arith.constant 13 : i32
        %add3A_359 = vector.broadcast %add3A_358 : i32 to vector<16xi32>
        %add3A_360 = arith.addi %mul3A_113, %add3A_359 : vector<16xi32>
        %gather3A_361 = tpu.vector_load_idx %arg16[%add3A_98, %add3A_360] : memref<64x128xi32, #tpu.memory_space<vmem>>[vector<16xi32>, vector<16xi32>], vector<16xi32>,
        %bitcast3A_362 = vector.bitcast %gather3A_357 : vector<16xi32> to vector<32xbf16>
        %unpack3A_363 = tpu.unpack_subelements %bitcast3A_362, 0 {pack_format = #tpu.pack_format<interleaved>} : vector<32xbf16> -> vector<16xf32>
        %unpack3A_364 = tpu.unpack_subelements %bitcast3A_362, 1 {pack_format = #tpu.pack_format<interleaved>} : vector<32xbf16> -> vector<16xf32>
        %bitcast3A_365 = vector.bitcast %gather3A_361 : vector<16xi32> to vector<32xbf16>
        %unpack3A_366 = tpu.unpack_subelements %bitcast3A_365, 0 {pack_format = #tpu.pack_format<interleaved>} : vector<32xbf16> -> vector<16xf32>
        %unpack3A_367 = tpu.unpack_subelements %bitcast3A_365, 1 {pack_format = #tpu.pack_format<interleaved>} : vector<32xbf16> -> vector<16xf32>
        %select_n3A_368 = arith.select %eq3A_117, %unpack3A_364, %unpack3A_363 : vector<16xi1>, vector<16xf32>
        %select_n3A_369 = arith.select %eq3A_123, %unpack3A_367, %unpack3A_366 : vector<16xi1>, vector<16xf32>
        %mul3A_370 = arith.mulf %select_n3A_368, %select_n3A_369 : vector<16xf32>
        %add3A_371 = arith.addf %add3A_353, %mul3A_370 : vector<16xf32>
        %add3A_372 = arith.constant 14 : i32
        %add3A_373 = vector.broadcast %add3A_372 : i32 to vector<16xi32>
        %add3A_374 = arith.addi %mul3A_107, %add3A_373 : vector<16xi32>
        %gather3A_375 = tpu.vector_load_idx %arg15[%add3A_98, %add3A_374] : memref<64x128xi32, #tpu.memory_space<vmem>>[vector<16xi32>, vector<16xi32>], vector<16xi32>,
        %add3A_376 = arith.constant 14 : i32
        %add3A_377 = vector.broadcast %add3A_376 : i32 to vector<16xi32>
        %add3A_378 = arith.addi %mul3A_113, %add3A_377 : vector<16xi32>
        %gather3A_379 = tpu.vector_load_idx %arg16[%add3A_98, %add3A_378] : memref<64x128xi32, #tpu.memory_space<vmem>>[vector<16xi32>, vector<16xi32>], vector<16xi32>,
        %bitcast3A_380 = vector.bitcast %gather3A_375 : vector<16xi32> to vector<32xbf16>
        %unpack3A_381 = tpu.unpack_subelements %bitcast3A_380, 0 {pack_format = #tpu.pack_format<interleaved>} : vector<32xbf16> -> vector<16xf32>
        %unpack3A_382 = tpu.unpack_subelements %bitcast3A_380, 1 {pack_format = #tpu.pack_format<interleaved>} : vector<32xbf16> -> vector<16xf32>
        %bitcast3A_383 = vector.bitcast %gather3A_379 : vector<16xi32> to vector<32xbf16>
        %unpack3A_384 = tpu.unpack_subelements %bitcast3A_383, 0 {pack_format = #tpu.pack_format<interleaved>} : vector<32xbf16> -> vector<16xf32>
        %unpack3A_385 = tpu.unpack_subelements %bitcast3A_383, 1 {pack_format = #tpu.pack_format<interleaved>} : vector<32xbf16> -> vector<16xf32>
        %select_n3A_386 = arith.select %eq3A_117, %unpack3A_382, %unpack3A_381 : vector<16xi1>, vector<16xf32>
        %select_n3A_387 = arith.select %eq3A_123, %unpack3A_385, %unpack3A_384 : vector<16xi1>, vector<16xf32>
        %mul3A_388 = arith.mulf %select_n3A_386, %select_n3A_387 : vector<16xf32>
        %add3A_389 = arith.addf %add3A_371, %mul3A_388 : vector<16xf32>
        %add3A_390 = arith.constant 15 : i32
        %add3A_391 = vector.broadcast %add3A_390 : i32 to vector<16xi32>
        %add3A_392 = arith.addi %mul3A_107, %add3A_391 : vector<16xi32>
        %gather3A_393 = tpu.vector_load_idx %arg15[%add3A_98, %add3A_392] : memref<64x128xi32, #tpu.memory_space<vmem>>[vector<16xi32>, vector<16xi32>], vector<16xi32>,
        %add3A_394 = arith.constant 15 : i32
        %add3A_395 = vector.broadcast %add3A_394 : i32 to vector<16xi32>
        %add3A_396 = arith.addi %mul3A_113, %add3A_395 : vector<16xi32>
        %gather3A_397 = tpu.vector_load_idx %arg16[%add3A_98, %add3A_396] : memref<64x128xi32, #tpu.memory_space<vmem>>[vector<16xi32>, vector<16xi32>], vector<16xi32>,
        %bitcast3A_398 = vector.bitcast %gather3A_393 : vector<16xi32> to vector<32xbf16>
        %unpack3A_399 = tpu.unpack_subelements %bitcast3A_398, 0 {pack_format = #tpu.pack_format<interleaved>} : vector<32xbf16> -> vector<16xf32>
        %unpack3A_400 = tpu.unpack_subelements %bitcast3A_398, 1 {pack_format = #tpu.pack_format<interleaved>} : vector<32xbf16> -> vector<16xf32>
        %bitcast3A_401 = vector.bitcast %gather3A_397 : vector<16xi32> to vector<32xbf16>
        %unpack3A_402 = tpu.unpack_subelements %bitcast3A_401, 0 {pack_format = #tpu.pack_format<interleaved>} : vector<32xbf16> -> vector<16xf32>
        %unpack3A_403 = tpu.unpack_subelements %bitcast3A_401, 1 {pack_format = #tpu.pack_format<interleaved>} : vector<32xbf16> -> vector<16xf32>
        %select_n3A_404 = arith.select %eq3A_117, %unpack3A_400, %unpack3A_399 : vector<16xi1>, vector<16xf32>
        %select_n3A_405 = arith.select %eq3A_123, %unpack3A_403, %unpack3A_402 : vector<16xi1>, vector<16xf32>
        %mul3A_406 = arith.mulf %select_n3A_404, %select_n3A_405 : vector<16xf32>
        %add3A_407 = arith.addf %add3A_389, %mul3A_406 : vector<16xf32>
        %add3A_408 = arith.constant 16 : i32
        %add3A_409 = vector.broadcast %add3A_408 : i32 to vector<16xi32>
        %add3A_410 = arith.addi %mul3A_107, %add3A_409 : vector<16xi32>
        %gather3A_411 = tpu.vector_load_idx %arg15[%add3A_98, %add3A_410] : memref<64x128xi32, #tpu.memory_space<vmem>>[vector<16xi32>, vector<16xi32>], vector<16xi32>,
        %add3A_412 = arith.constant 16 : i32
        %add3A_413 = vector.broadcast %add3A_412 : i32 to vector<16xi32>
        %add3A_414 = arith.addi %mul3A_113, %add3A_413 : vector<16xi32>
        %gather3A_415 = tpu.vector_load_idx %arg16[%add3A_98, %add3A_414] : memref<64x128xi32, #tpu.memory_space<vmem>>[vector<16xi32>, vector<16xi32>], vector<16xi32>,
        %bitcast3A_416 = vector.bitcast %gather3A_411 : vector<16xi32> to vector<32xbf16>
        %unpack3A_417 = tpu.unpack_subelements %bitcast3A_416, 0 {pack_format = #tpu.pack_format<interleaved>} : vector<32xbf16> -> vector<16xf32>
        %unpack3A_418 = tpu.unpack_subelements %bitcast3A_416, 1 {pack_format = #tpu.pack_format<interleaved>} : vector<32xbf16> -> vector<16xf32>
        %bitcast3A_419 = vector.bitcast %gather3A_415 : vector<16xi32> to vector<32xbf16>
        %unpack3A_420 = tpu.unpack_subelements %bitcast3A_419, 0 {pack_format = #tpu.pack_format<interleaved>} : vector<32xbf16> -> vector<16xf32>
        %unpack3A_421 = tpu.unpack_subelements %bitcast3A_419, 1 {pack_format = #tpu.pack_format<interleaved>} : vector<32xbf16> -> vector<16xf32>
        %select_n3A_422 = arith.select %eq3A_117, %unpack3A_418, %unpack3A_417 : vector<16xi1>, vector<16xf32>
        %select_n3A_423 = arith.select %eq3A_123, %unpack3A_421, %unpack3A_420 : vector<16xi1>, vector<16xf32>
        %mul3A_424 = arith.mulf %select_n3A_422, %select_n3A_423 : vector<16xf32>
        %add3A_425 = arith.addf %add3A_407, %mul3A_424 : vector<16xf32>
        %add3A_426 = arith.constant 17 : i32
        %add3A_427 = vector.broadcast %add3A_426 : i32 to vector<16xi32>
        %add3A_428 = arith.addi %mul3A_107, %add3A_427 : vector<16xi32>
        %gather3A_429 = tpu.vector_load_idx %arg15[%add3A_98, %add3A_428] : memref<64x128xi32, #tpu.memory_space<vmem>>[vector<16xi32>, vector<16xi32>], vector<16xi32>,
        %add3A_430 = arith.constant 17 : i32
        %add3A_431 = vector.broadcast %add3A_430 : i32 to vector<16xi32>
        %add3A_432 = arith.addi %mul3A_113, %add3A_431 : vector<16xi32>
        %gather3A_433 = tpu.vector_load_idx %arg16[%add3A_98, %add3A_432] : memref<64x128xi32, #tpu.memory_space<vmem>>[vector<16xi32>, vector<16xi32>], vector<16xi32>,
        %bitcast3A_434 = vector.bitcast %gather3A_429 : vector<16xi32> to vector<32xbf16>
        %unpack3A_435 = tpu.unpack_subelements %bitcast3A_434, 0 {pack_format = #tpu.pack_format<interleaved>} : vector<32xbf16> -> vector<16xf32>
        %unpack3A_436 = tpu.unpack_subelements %bitcast3A_434, 1 {pack_format = #tpu.pack_format<interleaved>} : vector<32xbf16> -> vector<16xf32>
        %bitcast3A_437 = vector.bitcast %gather3A_433 : vector<16xi32> to vector<32xbf16>
        %unpack3A_438 = tpu.unpack_subelements %bitcast3A_437, 0 {pack_format = #tpu.pack_format<interleaved>} : vector<32xbf16> -> vector<16xf32>
        %unpack3A_439 = tpu.unpack_subelements %bitcast3A_437, 1 {pack_format = #tpu.pack_format<interleaved>} : vector<32xbf16> -> vector<16xf32>
        %select_n3A_440 = arith.select %eq3A_117, %unpack3A_436, %unpack3A_435 : vector<16xi1>, vector<16xf32>
        %select_n3A_441 = arith.select %eq3A_123, %unpack3A_439, %unpack3A_438 : vector<16xi1>, vector<16xf32>
        %mul3A_442 = arith.mulf %select_n3A_440, %select_n3A_441 : vector<16xf32>
        %add3A_443 = arith.addf %add3A_425, %mul3A_442 : vector<16xf32>
        %add3A_444 = arith.constant 18 : i32
        %add3A_445 = vector.broadcast %add3A_444 : i32 to vector<16xi32>
        %add3A_446 = arith.addi %mul3A_107, %add3A_445 : vector<16xi32>
        %gather3A_447 = tpu.vector_load_idx %arg15[%add3A_98, %add3A_446] : memref<64x128xi32, #tpu.memory_space<vmem>>[vector<16xi32>, vector<16xi32>], vector<16xi32>,
        %add3A_448 = arith.constant 18 : i32
        %add3A_449 = vector.broadcast %add3A_448 : i32 to vector<16xi32>
        %add3A_450 = arith.addi %mul3A_113, %add3A_449 : vector<16xi32>
        %gather3A_451 = tpu.vector_load_idx %arg16[%add3A_98, %add3A_450] : memref<64x128xi32, #tpu.memory_space<vmem>>[vector<16xi32>, vector<16xi32>], vector<16xi32>,
        %bitcast3A_452 = vector.bitcast %gather3A_447 : vector<16xi32> to vector<32xbf16>
        %unpack3A_453 = tpu.unpack_subelements %bitcast3A_452, 0 {pack_format = #tpu.pack_format<interleaved>} : vector<32xbf16> -> vector<16xf32>
        %unpack3A_454 = tpu.unpack_subelements %bitcast3A_452, 1 {pack_format = #tpu.pack_format<interleaved>} : vector<32xbf16> -> vector<16xf32>
        %bitcast3A_455 = vector.bitcast %gather3A_451 : vector<16xi32> to vector<32xbf16>
        %unpack3A_456 = tpu.unpack_subelements %bitcast3A_455, 0 {pack_format = #tpu.pack_format<interleaved>} : vector<32xbf16> -> vector<16xf32>
        %unpack3A_457 = tpu.unpack_subelements %bitcast3A_455, 1 {pack_format = #tpu.pack_format<interleaved>} : vector<32xbf16> -> vector<16xf32>
        %select_n3A_458 = arith.select %eq3A_117, %unpack3A_454, %unpack3A_453 : vector<16xi1>, vector<16xf32>
        %select_n3A_459 = arith.select %eq3A_123, %unpack3A_457, %unpack3A_456 : vector<16xi1>, vector<16xf32>
        %mul3A_460 = arith.mulf %select_n3A_458, %select_n3A_459 : vector<16xf32>
        %add3A_461 = arith.addf %add3A_443, %mul3A_460 : vector<16xf32>
        %add3A_462 = arith.constant 19 : i32
        %add3A_463 = vector.broadcast %add3A_462 : i32 to vector<16xi32>
        %add3A_464 = arith.addi %mul3A_107, %add3A_463 : vector<16xi32>
        %gather3A_465 = tpu.vector_load_idx %arg15[%add3A_98, %add3A_464] : memref<64x128xi32, #tpu.memory_space<vmem>>[vector<16xi32>, vector<16xi32>], vector<16xi32>,
        %add3A_466 = arith.constant 19 : i32
        %add3A_467 = vector.broadcast %add3A_466 : i32 to vector<16xi32>
        %add3A_468 = arith.addi %mul3A_113, %add3A_467 : vector<16xi32>
        %gather3A_469 = tpu.vector_load_idx %arg16[%add3A_98, %add3A_468] : memref<64x128xi32, #tpu.memory_space<vmem>>[vector<16xi32>, vector<16xi32>], vector<16xi32>,
        %bitcast3A_470 = vector.bitcast %gather3A_465 : vector<16xi32> to vector<32xbf16>
        %unpack3A_471 = tpu.unpack_subelements %bitcast3A_470, 0 {pack_format = #tpu.pack_format<interleaved>} : vector<32xbf16> -> vector<16xf32>
        %unpack3A_472 = tpu.unpack_subelements %bitcast3A_470, 1 {pack_format = #tpu.pack_format<interleaved>} : vector<32xbf16> -> vector<16xf32>
        %bitcast3A_473 = vector.bitcast %gather3A_469 : vector<16xi32> to vector<32xbf16>
        %unpack3A_474 = tpu.unpack_subelements %bitcast3A_473, 0 {pack_format = #tpu.pack_format<interleaved>} : vector<32xbf16> -> vector<16xf32>
        %unpack3A_475 = tpu.unpack_subelements %bitcast3A_473, 1 {pack_format = #tpu.pack_format<interleaved>} : vector<32xbf16> -> vector<16xf32>
        %select_n3A_476 = arith.select %eq3A_117, %unpack3A_472, %unpack3A_471 : vector<16xi1>, vector<16xf32>
        %select_n3A_477 = arith.select %eq3A_123, %unpack3A_475, %unpack3A_474 : vector<16xi1>, vector<16xf32>
        %mul3A_478 = arith.mulf %select_n3A_476, %select_n3A_477 : vector<16xf32>
        %add3A_479 = arith.addf %add3A_461, %mul3A_478 : vector<16xf32>
        %add3A_480 = arith.constant 20 : i32
        %add3A_481 = vector.broadcast %add3A_480 : i32 to vector<16xi32>
        %add3A_482 = arith.addi %mul3A_107, %add3A_481 : vector<16xi32>
        %gather3A_483 = tpu.vector_load_idx %arg15[%add3A_98, %add3A_482] : memref<64x128xi32, #tpu.memory_space<vmem>>[vector<16xi32>, vector<16xi32>], vector<16xi32>,
        %add3A_484 = arith.constant 20 : i32
        %add3A_485 = vector.broadcast %add3A_484 : i32 to vector<16xi32>
        %add3A_486 = arith.addi %mul3A_113, %add3A_485 : vector<16xi32>
        %gather3A_487 = tpu.vector_load_idx %arg16[%add3A_98, %add3A_486] : memref<64x128xi32, #tpu.memory_space<vmem>>[vector<16xi32>, vector<16xi32>], vector<16xi32>,
        %bitcast3A_488 = vector.bitcast %gather3A_483 : vector<16xi32> to vector<32xbf16>
        %unpack3A_489 = tpu.unpack_subelements %bitcast3A_488, 0 {pack_format = #tpu.pack_format<interleaved>} : vector<32xbf16> -> vector<16xf32>
        %unpack3A_490 = tpu.unpack_subelements %bitcast3A_488, 1 {pack_format = #tpu.pack_format<interleaved>} : vector<32xbf16> -> vector<16xf32>
        %bitcast3A_491 = vector.bitcast %gather3A_487 : vector<16xi32> to vector<32xbf16>
        %unpack3A_492 = tpu.unpack_subelements %bitcast3A_491, 0 {pack_format = #tpu.pack_format<interleaved>} : vector<32xbf16> -> vector<16xf32>
        %unpack3A_493 = tpu.unpack_subelements %bitcast3A_491, 1 {pack_format = #tpu.pack_format<interleaved>} : vector<32xbf16> -> vector<16xf32>
        %select_n3A_494 = arith.select %eq3A_117, %unpack3A_490, %unpack3A_489 : vector<16xi1>, vector<16xf32>
        %select_n3A_495 = arith.select %eq3A_123, %unpack3A_493, %unpack3A_492 : vector<16xi1>, vector<16xf32>
        %mul3A_496 = arith.mulf %select_n3A_494, %select_n3A_495 : vector<16xf32>
        %add3A_497 = arith.addf %add3A_479, %mul3A_496 : vector<16xf32>
        %add3A_498 = arith.constant 21 : i32
        %add3A_499 = vector.broadcast %add3A_498 : i32 to vector<16xi32>
        %add3A_500 = arith.addi %mul3A_107, %add3A_499 : vector<16xi32>
        %gather3A_501 = tpu.vector_load_idx %arg15[%add3A_98, %add3A_500] : memref<64x128xi32, #tpu.memory_space<vmem>>[vector<16xi32>, vector<16xi32>], vector<16xi32>,
        %add3A_502 = arith.constant 21 : i32
        %add3A_503 = vector.broadcast %add3A_502 : i32 to vector<16xi32>
        %add3A_504 = arith.addi %mul3A_113, %add3A_503 : vector<16xi32>
        %gather3A_505 = tpu.vector_load_idx %arg16[%add3A_98, %add3A_504] : memref<64x128xi32, #tpu.memory_space<vmem>>[vector<16xi32>, vector<16xi32>], vector<16xi32>,
        %bitcast3A_506 = vector.bitcast %gather3A_501 : vector<16xi32> to vector<32xbf16>
        %unpack3A_507 = tpu.unpack_subelements %bitcast3A_506, 0 {pack_format = #tpu.pack_format<interleaved>} : vector<32xbf16> -> vector<16xf32>
        %unpack3A_508 = tpu.unpack_subelements %bitcast3A_506, 1 {pack_format = #tpu.pack_format<interleaved>} : vector<32xbf16> -> vector<16xf32>
        %bitcast3A_509 = vector.bitcast %gather3A_505 : vector<16xi32> to vector<32xbf16>
        %unpack3A_510 = tpu.unpack_subelements %bitcast3A_509, 0 {pack_format = #tpu.pack_format<interleaved>} : vector<32xbf16> -> vector<16xf32>
        %unpack3A_511 = tpu.unpack_subelements %bitcast3A_509, 1 {pack_format = #tpu.pack_format<interleaved>} : vector<32xbf16> -> vector<16xf32>
        %select_n3A_512 = arith.select %eq3A_117, %unpack3A_508, %unpack3A_507 : vector<16xi1>, vector<16xf32>
        %select_n3A_513 = arith.select %eq3A_123, %unpack3A_511, %unpack3A_510 : vector<16xi1>, vector<16xf32>
        %mul3A_514 = arith.mulf %select_n3A_512, %select_n3A_513 : vector<16xf32>
        %add3A_515 = arith.addf %add3A_497, %mul3A_514 : vector<16xf32>
        %add3A_516 = arith.constant 22 : i32
        %add3A_517 = vector.broadcast %add3A_516 : i32 to vector<16xi32>
        %add3A_518 = arith.addi %mul3A_107, %add3A_517 : vector<16xi32>
        %gather3A_519 = tpu.vector_load_idx %arg15[%add3A_98, %add3A_518] : memref<64x128xi32, #tpu.memory_space<vmem>>[vector<16xi32>, vector<16xi32>], vector<16xi32>,
        %add3A_520 = arith.constant 22 : i32
        %add3A_521 = vector.broadcast %add3A_520 : i32 to vector<16xi32>
        %add3A_522 = arith.addi %mul3A_113, %add3A_521 : vector<16xi32>
        %gather3A_523 = tpu.vector_load_idx %arg16[%add3A_98, %add3A_522] : memref<64x128xi32, #tpu.memory_space<vmem>>[vector<16xi32>, vector<16xi32>], vector<16xi32>,
        %bitcast3A_524 = vector.bitcast %gather3A_519 : vector<16xi32> to vector<32xbf16>
        %unpack3A_525 = tpu.unpack_subelements %bitcast3A_524, 0 {pack_format = #tpu.pack_format<interleaved>} : vector<32xbf16> -> vector<16xf32>
        %unpack3A_526 = tpu.unpack_subelements %bitcast3A_524, 1 {pack_format = #tpu.pack_format<interleaved>} : vector<32xbf16> -> vector<16xf32>
        %bitcast3A_527 = vector.bitcast %gather3A_523 : vector<16xi32> to vector<32xbf16>
        %unpack3A_528 = tpu.unpack_subelements %bitcast3A_527, 0 {pack_format = #tpu.pack_format<interleaved>} : vector<32xbf16> -> vector<16xf32>
        %unpack3A_529 = tpu.unpack_subelements %bitcast3A_527, 1 {pack_format = #tpu.pack_format<interleaved>} : vector<32xbf16> -> vector<16xf32>
        %select_n3A_530 = arith.select %eq3A_117, %unpack3A_526, %unpack3A_525 : vector<16xi1>, vector<16xf32>
        %select_n3A_531 = arith.select %eq3A_123, %unpack3A_529, %unpack3A_528 : vector<16xi1>, vector<16xf32>
        %mul3A_532 = arith.mulf %select_n3A_530, %select_n3A_531 : vector<16xf32>
        %add3A_533 = arith.addf %add3A_515, %mul3A_532 : vector<16xf32>
        %add3A_534 = arith.constant 23 : i32
        %add3A_535 = vector.broadcast %add3A_534 : i32 to vector<16xi32>
        %add3A_536 = arith.addi %mul3A_107, %add3A_535 : vector<16xi32>
        %gather3A_537 = tpu.vector_load_idx %arg15[%add3A_98, %add3A_536] : memref<64x128xi32, #tpu.memory_space<vmem>>[vector<16xi32>, vector<16xi32>], vector<16xi32>,
        %add3A_538 = arith.constant 23 : i32
        %add3A_539 = vector.broadcast %add3A_538 : i32 to vector<16xi32>
        %add3A_540 = arith.addi %mul3A_113, %add3A_539 : vector<16xi32>
        %gather3A_541 = tpu.vector_load_idx %arg16[%add3A_98, %add3A_540] : memref<64x128xi32, #tpu.memory_space<vmem>>[vector<16xi32>, vector<16xi32>], vector<16xi32>,
        %bitcast3A_542 = vector.bitcast %gather3A_537 : vector<16xi32> to vector<32xbf16>
        %unpack3A_543 = tpu.unpack_subelements %bitcast3A_542, 0 {pack_format = #tpu.pack_format<interleaved>} : vector<32xbf16> -> vector<16xf32>
        %unpack3A_544 = tpu.unpack_subelements %bitcast3A_542, 1 {pack_format = #tpu.pack_format<interleaved>} : vector<32xbf16> -> vector<16xf32>
        %bitcast3A_545 = vector.bitcast %gather3A_541 : vector<16xi32> to vector<32xbf16>
        %unpack3A_546 = tpu.unpack_subelements %bitcast3A_545, 0 {pack_format = #tpu.pack_format<interleaved>} : vector<32xbf16> -> vector<16xf32>
        %unpack3A_547 = tpu.unpack_subelements %bitcast3A_545, 1 {pack_format = #tpu.pack_format<interleaved>} : vector<32xbf16> -> vector<16xf32>
        %select_n3A_548 = arith.select %eq3A_117, %unpack3A_544, %unpack3A_543 : vector<16xi1>, vector<16xf32>
        %select_n3A_549 = arith.select %eq3A_123, %unpack3A_547, %unpack3A_546 : vector<16xi1>, vector<16xf32>
        %mul3A_550 = arith.mulf %select_n3A_548, %select_n3A_549 : vector<16xf32>
        %add3A_551 = arith.addf %add3A_533, %mul3A_550 : vector<16xf32>
        %add3A_552 = arith.constant 24 : i32
        %add3A_553 = vector.broadcast %add3A_552 : i32 to vector<16xi32>
        %add3A_554 = arith.addi %mul3A_107, %add3A_553 : vector<16xi32>
        %gather3A_555 = tpu.vector_load_idx %arg15[%add3A_98, %add3A_554] : memref<64x128xi32, #tpu.memory_space<vmem>>[vector<16xi32>, vector<16xi32>], vector<16xi32>,
        %add3A_556 = arith.constant 24 : i32
        %add3A_557 = vector.broadcast %add3A_556 : i32 to vector<16xi32>
        %add3A_558 = arith.addi %mul3A_113, %add3A_557 : vector<16xi32>
        %gather3A_559 = tpu.vector_load_idx %arg16[%add3A_98, %add3A_558] : memref<64x128xi32, #tpu.memory_space<vmem>>[vector<16xi32>, vector<16xi32>], vector<16xi32>,
        %bitcast3A_560 = vector.bitcast %gather3A_555 : vector<16xi32> to vector<32xbf16>
        %unpack3A_561 = tpu.unpack_subelements %bitcast3A_560, 0 {pack_format = #tpu.pack_format<interleaved>} : vector<32xbf16> -> vector<16xf32>
        %unpack3A_562 = tpu.unpack_subelements %bitcast3A_560, 1 {pack_format = #tpu.pack_format<interleaved>} : vector<32xbf16> -> vector<16xf32>
        %bitcast3A_563 = vector.bitcast %gather3A_559 : vector<16xi32> to vector<32xbf16>
        %unpack3A_564 = tpu.unpack_subelements %bitcast3A_563, 0 {pack_format = #tpu.pack_format<interleaved>} : vector<32xbf16> -> vector<16xf32>
        %unpack3A_565 = tpu.unpack_subelements %bitcast3A_563, 1 {pack_format = #tpu.pack_format<interleaved>} : vector<32xbf16> -> vector<16xf32>
        %select_n3A_566 = arith.select %eq3A_117, %unpack3A_562, %unpack3A_561 : vector<16xi1>, vector<16xf32>
        %select_n3A_567 = arith.select %eq3A_123, %unpack3A_565, %unpack3A_564 : vector<16xi1>, vector<16xf32>
        %mul3A_568 = arith.mulf %select_n3A_566, %select_n3A_567 : vector<16xf32>
        %add3A_569 = arith.addf %add3A_551, %mul3A_568 : vector<16xf32>
        %add3A_570 = arith.constant 25 : i32
        %add3A_571 = vector.broadcast %add3A_570 : i32 to vector<16xi32>
        %add3A_572 = arith.addi %mul3A_107, %add3A_571 : vector<16xi32>
        %gather3A_573 = tpu.vector_load_idx %arg15[%add3A_98, %add3A_572] : memref<64x128xi32, #tpu.memory_space<vmem>>[vector<16xi32>, vector<16xi32>], vector<16xi32>,
        %add3A_574 = arith.constant 25 : i32
        %add3A_575 = vector.broadcast %add3A_574 : i32 to vector<16xi32>
        %add3A_576 = arith.addi %mul3A_113, %add3A_575 : vector<16xi32>
        %gather3A_577 = tpu.vector_load_idx %arg16[%add3A_98, %add3A_576] : memref<64x128xi32, #tpu.memory_space<vmem>>[vector<16xi32>, vector<16xi32>], vector<16xi32>,
        %bitcast3A_578 = vector.bitcast %gather3A_573 : vector<16xi32> to vector<32xbf16>
        %unpack3A_579 = tpu.unpack_subelements %bitcast3A_578, 0 {pack_format = #tpu.pack_format<interleaved>} : vector<32xbf16> -> vector<16xf32>
        %unpack3A_580 = tpu.unpack_subelements %bitcast3A_578, 1 {pack_format = #tpu.pack_format<interleaved>} : vector<32xbf16> -> vector<16xf32>
        %bitcast3A_581 = vector.bitcast %gather3A_577 : vector<16xi32> to vector<32xbf16>
        %unpack3A_582 = tpu.unpack_subelements %bitcast3A_581, 0 {pack_format = #tpu.pack_format<interleaved>} : vector<32xbf16> -> vector<16xf32>
        %unpack3A_583 = tpu.unpack_subelements %bitcast3A_581, 1 {pack_format = #tpu.pack_format<interleaved>} : vector<32xbf16> -> vector<16xf32>
        %select_n3A_584 = arith.select %eq3A_117, %unpack3A_580, %unpack3A_579 : vector<16xi1>, vector<16xf32>
        %select_n3A_585 = arith.select %eq3A_123, %unpack3A_583, %unpack3A_582 : vector<16xi1>, vector<16xf32>
        %mul3A_586 = arith.mulf %select_n3A_584, %select_n3A_585 : vector<16xf32>
        %add3A_587 = arith.addf %add3A_569, %mul3A_586 : vector<16xf32>
        %add3A_588 = arith.constant 26 : i32
        %add3A_589 = vector.broadcast %add3A_588 : i32 to vector<16xi32>
        %add3A_590 = arith.addi %mul3A_107, %add3A_589 : vector<16xi32>
        %gather3A_591 = tpu.vector_load_idx %arg15[%add3A_98, %add3A_590] : memref<64x128xi32, #tpu.memory_space<vmem>>[vector<16xi32>, vector<16xi32>], vector<16xi32>,
        %add3A_592 = arith.constant 26 : i32
        %add3A_593 = vector.broadcast %add3A_592 : i32 to vector<16xi32>
        %add3A_594 = arith.addi %mul3A_113, %add3A_593 : vector<16xi32>
        %gather3A_595 = tpu.vector_load_idx %arg16[%add3A_98, %add3A_594] : memref<64x128xi32, #tpu.memory_space<vmem>>[vector<16xi32>, vector<16xi32>], vector<16xi32>,
        %bitcast3A_596 = vector.bitcast %gather3A_591 : vector<16xi32> to vector<32xbf16>
        %unpack3A_597 = tpu.unpack_subelements %bitcast3A_596, 0 {pack_format = #tpu.pack_format<interleaved>} : vector<32xbf16> -> vector<16xf32>
        %unpack3A_598 = tpu.unpack_subelements %bitcast3A_596, 1 {pack_format = #tpu.pack_format<interleaved>} : vector<32xbf16> -> vector<16xf32>
        %bitcast3A_599 = vector.bitcast %gather3A_595 : vector<16xi32> to vector<32xbf16>
        %unpack3A_600 = tpu.unpack_subelements %bitcast3A_599, 0 {pack_format = #tpu.pack_format<interleaved>} : vector<32xbf16> -> vector<16xf32>
        %unpack3A_601 = tpu.unpack_subelements %bitcast3A_599, 1 {pack_format = #tpu.pack_format<interleaved>} : vector<32xbf16> -> vector<16xf32>
        %select_n3A_602 = arith.select %eq3A_117, %unpack3A_598, %unpack3A_597 : vector<16xi1>, vector<16xf32>
        %select_n3A_603 = arith.select %eq3A_123, %unpack3A_601, %unpack3A_600 : vector<16xi1>, vector<16xf32>
        %mul3A_604 = arith.mulf %select_n3A_602, %select_n3A_603 : vector<16xf32>
        %add3A_605 = arith.addf %add3A_587, %mul3A_604 : vector<16xf32>
        %add3A_606 = arith.constant 27 : i32
        %add3A_607 = vector.broadcast %add3A_606 : i32 to vector<16xi32>
        %add3A_608 = arith.addi %mul3A_107, %add3A_607 : vector<16xi32>
        %gather3A_609 = tpu.vector_load_idx %arg15[%add3A_98, %add3A_608] : memref<64x128xi32, #tpu.memory_space<vmem>>[vector<16xi32>, vector<16xi32>], vector<16xi32>,
        %add3A_610 = arith.constant 27 : i32
        %add3A_611 = vector.broadcast %add3A_610 : i32 to vector<16xi32>
        %add3A_612 = arith.addi %mul3A_113, %add3A_611 : vector<16xi32>
        %gather3A_613 = tpu.vector_load_idx %arg16[%add3A_98, %add3A_612] : memref<64x128xi32, #tpu.memory_space<vmem>>[vector<16xi32>, vector<16xi32>], vector<16xi32>,
        %bitcast3A_614 = vector.bitcast %gather3A_609 : vector<16xi32> to vector<32xbf16>
        %unpack3A_615 = tpu.unpack_subelements %bitcast3A_614, 0 {pack_format = #tpu.pack_format<interleaved>} : vector<32xbf16> -> vector<16xf32>
        %unpack3A_616 = tpu.unpack_subelements %bitcast3A_614, 1 {pack_format = #tpu.pack_format<interleaved>} : vector<32xbf16> -> vector<16xf32>
        %bitcast3A_617 = vector.bitcast %gather3A_613 : vector<16xi32> to vector<32xbf16>
        %unpack3A_618 = tpu.unpack_subelements %bitcast3A_617, 0 {pack_format = #tpu.pack_format<interleaved>} : vector<32xbf16> -> vector<16xf32>
        %unpack3A_619 = tpu.unpack_subelements %bitcast3A_617, 1 {pack_format = #tpu.pack_format<interleaved>} : vector<32xbf16> -> vector<16xf32>
        %select_n3A_620 = arith.select %eq3A_117, %unpack3A_616, %unpack3A_615 : vector<16xi1>, vector<16xf32>
        %select_n3A_621 = arith.select %eq3A_123, %unpack3A_619, %unpack3A_618 : vector<16xi1>, vector<16xf32>
        %mul3A_622 = arith.mulf %select_n3A_620, %select_n3A_621 : vector<16xf32>
        %add3A_623 = arith.addf %add3A_605, %mul3A_622 : vector<16xf32>
        %add3A_624 = arith.constant 28 : i32
        %add3A_625 = vector.broadcast %add3A_624 : i32 to vector<16xi32>
        %add3A_626 = arith.addi %mul3A_107, %add3A_625 : vector<16xi32>
        %gather3A_627 = tpu.vector_load_idx %arg15[%add3A_98, %add3A_626] : memref<64x128xi32, #tpu.memory_space<vmem>>[vector<16xi32>, vector<16xi32>], vector<16xi32>,
        %add3A_628 = arith.constant 28 : i32
        %add3A_629 = vector.broadcast %add3A_628 : i32 to vector<16xi32>
        %add3A_630 = arith.addi %mul3A_113, %add3A_629 : vector<16xi32>
        %gather3A_631 = tpu.vector_load_idx %arg16[%add3A_98, %add3A_630] : memref<64x128xi32, #tpu.memory_space<vmem>>[vector<16xi32>, vector<16xi32>], vector<16xi32>,
        %bitcast3A_632 = vector.bitcast %gather3A_627 : vector<16xi32> to vector<32xbf16>
        %unpack3A_633 = tpu.unpack_subelements %bitcast3A_632, 0 {pack_format = #tpu.pack_format<interleaved>} : vector<32xbf16> -> vector<16xf32>
        %unpack3A_634 = tpu.unpack_subelements %bitcast3A_632, 1 {pack_format = #tpu.pack_format<interleaved>} : vector<32xbf16> -> vector<16xf32>
        %bitcast3A_635 = vector.bitcast %gather3A_631 : vector<16xi32> to vector<32xbf16>
        %unpack3A_636 = tpu.unpack_subelements %bitcast3A_635, 0 {pack_format = #tpu.pack_format<interleaved>} : vector<32xbf16> -> vector<16xf32>
        %unpack3A_637 = tpu.unpack_subelements %bitcast3A_635, 1 {pack_format = #tpu.pack_format<interleaved>} : vector<32xbf16> -> vector<16xf32>
        %select_n3A_638 = arith.select %eq3A_117, %unpack3A_634, %unpack3A_633 : vector<16xi1>, vector<16xf32>
        %select_n3A_639 = arith.select %eq3A_123, %unpack3A_637, %unpack3A_636 : vector<16xi1>, vector<16xf32>
        %mul3A_640 = arith.mulf %select_n3A_638, %select_n3A_639 : vector<16xf32>
        %add3A_641 = arith.addf %add3A_623, %mul3A_640 : vector<16xf32>
        %add3A_642 = arith.constant 29 : i32
        %add3A_643 = vector.broadcast %add3A_642 : i32 to vector<16xi32>
        %add3A_644 = arith.addi %mul3A_107, %add3A_643 : vector<16xi32>
        %gather3A_645 = tpu.vector_load_idx %arg15[%add3A_98, %add3A_644] : memref<64x128xi32, #tpu.memory_space<vmem>>[vector<16xi32>, vector<16xi32>], vector<16xi32>,
        %add3A_646 = arith.constant 29 : i32
        %add3A_647 = vector.broadcast %add3A_646 : i32 to vector<16xi32>
        %add3A_648 = arith.addi %mul3A_113, %add3A_647 : vector<16xi32>
        %gather3A_649 = tpu.vector_load_idx %arg16[%add3A_98, %add3A_648] : memref<64x128xi32, #tpu.memory_space<vmem>>[vector<16xi32>, vector<16xi32>], vector<16xi32>,
        %bitcast3A_650 = vector.bitcast %gather3A_645 : vector<16xi32> to vector<32xbf16>
        %unpack3A_651 = tpu.unpack_subelements %bitcast3A_650, 0 {pack_format = #tpu.pack_format<interleaved>} : vector<32xbf16> -> vector<16xf32>
        %unpack3A_652 = tpu.unpack_subelements %bitcast3A_650, 1 {pack_format = #tpu.pack_format<interleaved>} : vector<32xbf16> -> vector<16xf32>
        %bitcast3A_653 = vector.bitcast %gather3A_649 : vector<16xi32> to vector<32xbf16>
        %unpack3A_654 = tpu.unpack_subelements %bitcast3A_653, 0 {pack_format = #tpu.pack_format<interleaved>} : vector<32xbf16> -> vector<16xf32>
        %unpack3A_655 = tpu.unpack_subelements %bitcast3A_653, 1 {pack_format = #tpu.pack_format<interleaved>} : vector<32xbf16> -> vector<16xf32>
        %select_n3A_656 = arith.select %eq3A_117, %unpack3A_652, %unpack3A_651 : vector<16xi1>, vector<16xf32>
        %select_n3A_657 = arith.select %eq3A_123, %unpack3A_655, %unpack3A_654 : vector<16xi1>, vector<16xf32>
        %mul3A_658 = arith.mulf %select_n3A_656, %select_n3A_657 : vector<16xf32>
        %add3A_659 = arith.addf %add3A_641, %mul3A_658 : vector<16xf32>
        %add3A_660 = arith.constant 30 : i32
        %add3A_661 = vector.broadcast %add3A_660 : i32 to vector<16xi32>
        %add3A_662 = arith.addi %mul3A_107, %add3A_661 : vector<16xi32>
        %gather3A_663 = tpu.vector_load_idx %arg15[%add3A_98, %add3A_662] : memref<64x128xi32, #tpu.memory_space<vmem>>[vector<16xi32>, vector<16xi32>], vector<16xi32>,
        %add3A_664 = arith.constant 30 : i32
        %add3A_665 = vector.broadcast %add3A_664 : i32 to vector<16xi32>
        %add3A_666 = arith.addi %mul3A_113, %add3A_665 : vector<16xi32>
        %gather3A_667 = tpu.vector_load_idx %arg16[%add3A_98, %add3A_666] : memref<64x128xi32, #tpu.memory_space<vmem>>[vector<16xi32>, vector<16xi32>], vector<16xi32>,
        %bitcast3A_668 = vector.bitcast %gather3A_663 : vector<16xi32> to vector<32xbf16>
        %unpack3A_669 = tpu.unpack_subelements %bitcast3A_668, 0 {pack_format = #tpu.pack_format<interleaved>} : vector<32xbf16> -> vector<16xf32>
        %unpack3A_670 = tpu.unpack_subelements %bitcast3A_668, 1 {pack_format = #tpu.pack_format<interleaved>} : vector<32xbf16> -> vector<16xf32>
        %bitcast3A_671 = vector.bitcast %gather3A_667 : vector<16xi32> to vector<32xbf16>
        %unpack3A_672 = tpu.unpack_subelements %bitcast3A_671, 0 {pack_format = #tpu.pack_format<interleaved>} : vector<32xbf16> -> vector<16xf32>
        %unpack3A_673 = tpu.unpack_subelements %bitcast3A_671, 1 {pack_format = #tpu.pack_format<interleaved>} : vector<32xbf16> -> vector<16xf32>
        %select_n3A_674 = arith.select %eq3A_117, %unpack3A_670, %unpack3A_669 : vector<16xi1>, vector<16xf32>
        %select_n3A_675 = arith.select %eq3A_123, %unpack3A_673, %unpack3A_672 : vector<16xi1>, vector<16xf32>
        %mul3A_676 = arith.mulf %select_n3A_674, %select_n3A_675 : vector<16xf32>
        %add3A_677 = arith.addf %add3A_659, %mul3A_676 : vector<16xf32>
        %add3A_678 = arith.constant 31 : i32
        %add3A_679 = vector.broadcast %add3A_678 : i32 to vector<16xi32>
        %add3A_680 = arith.addi %mul3A_107, %add3A_679 : vector<16xi32>
        %gather3A_681 = tpu.vector_load_idx %arg15[%add3A_98, %add3A_680] : memref<64x128xi32, #tpu.memory_space<vmem>>[vector<16xi32>, vector<16xi32>], vector<16xi32>,
        %add3A_682 = arith.constant 31 : i32
        %add3A_683 = vector.broadcast %add3A_682 : i32 to vector<16xi32>
        %add3A_684 = arith.addi %mul3A_113, %add3A_683 : vector<16xi32>
        %gather3A_685 = tpu.vector_load_idx %arg16[%add3A_98, %add3A_684] : memref<64x128xi32, #tpu.memory_space<vmem>>[vector<16xi32>, vector<16xi32>], vector<16xi32>,
        %bitcast3A_686 = vector.bitcast %gather3A_681 : vector<16xi32> to vector<32xbf16>
        %unpack3A_687 = tpu.unpack_subelements %bitcast3A_686, 0 {pack_format = #tpu.pack_format<interleaved>} : vector<32xbf16> -> vector<16xf32>
        %unpack3A_688 = tpu.unpack_subelements %bitcast3A_686, 1 {pack_format = #tpu.pack_format<interleaved>} : vector<32xbf16> -> vector<16xf32>
        %bitcast3A_689 = vector.bitcast %gather3A_685 : vector<16xi32> to vector<32xbf16>
        %unpack3A_690 = tpu.unpack_subelements %bitcast3A_689, 0 {pack_format = #tpu.pack_format<interleaved>} : vector<32xbf16> -> vector<16xf32>
        %unpack3A_691 = tpu.unpack_subelements %bitcast3A_689, 1 {pack_format = #tpu.pack_format<interleaved>} : vector<32xbf16> -> vector<16xf32>
        %select_n3A_692 = arith.select %eq3A_117, %unpack3A_688, %unpack3A_687 : vector<16xi1>, vector<16xf32>
        %select_n3A_693 = arith.select %eq3A_123, %unpack3A_691, %unpack3A_690 : vector<16xi1>, vector<16xf32>
        %mul3A_694 = arith.mulf %select_n3A_692, %select_n3A_693 : vector<16xf32>
        %add3A_695 = arith.addf %add3A_677, %mul3A_694 : vector<16xf32>
        %add3A_696 = arith.constant 32 : i32
        %add3A_697 = vector.broadcast %add3A_696 : i32 to vector<16xi32>
        %add3A_698 = arith.addi %mul3A_107, %add3A_697 : vector<16xi32>
        %gather3A_699 = tpu.vector_load_idx %arg15[%add3A_98, %add3A_698] : memref<64x128xi32, #tpu.memory_space<vmem>>[vector<16xi32>, vector<16xi32>], vector<16xi32>,
        %add3A_700 = arith.constant 32 : i32
        %add3A_701 = vector.broadcast %add3A_700 : i32 to vector<16xi32>
        %add3A_702 = arith.addi %mul3A_113, %add3A_701 : vector<16xi32>
        %gather3A_703 = tpu.vector_load_idx %arg16[%add3A_98, %add3A_702] : memref<64x128xi32, #tpu.memory_space<vmem>>[vector<16xi32>, vector<16xi32>], vector<16xi32>,
        %bitcast3A_704 = vector.bitcast %gather3A_699 : vector<16xi32> to vector<32xbf16>
        %unpack3A_705 = tpu.unpack_subelements %bitcast3A_704, 0 {pack_format = #tpu.pack_format<interleaved>} : vector<32xbf16> -> vector<16xf32>
        %unpack3A_706 = tpu.unpack_subelements %bitcast3A_704, 1 {pack_format = #tpu.pack_format<interleaved>} : vector<32xbf16> -> vector<16xf32>
        %bitcast3A_707 = vector.bitcast %gather3A_703 : vector<16xi32> to vector<32xbf16>
        %unpack3A_708 = tpu.unpack_subelements %bitcast3A_707, 0 {pack_format = #tpu.pack_format<interleaved>} : vector<32xbf16> -> vector<16xf32>
        %unpack3A_709 = tpu.unpack_subelements %bitcast3A_707, 1 {pack_format = #tpu.pack_format<interleaved>} : vector<32xbf16> -> vector<16xf32>
        %select_n3A_710 = arith.select %eq3A_117, %unpack3A_706, %unpack3A_705 : vector<16xi1>, vector<16xf32>
        %select_n3A_711 = arith.select %eq3A_123, %unpack3A_709, %unpack3A_708 : vector<16xi1>, vector<16xf32>
        %mul3A_712 = arith.mulf %select_n3A_710, %select_n3A_711 : vector<16xf32>
        %add3A_713 = arith.addf %add3A_695, %mul3A_712 : vector<16xf32>
        %add3A_714 = arith.constant 33 : i32
        %add3A_715 = vector.broadcast %add3A_714 : i32 to vector<16xi32>
        %add3A_716 = arith.addi %mul3A_107, %add3A_715 : vector<16xi32>
        %gather3A_717 = tpu.vector_load_idx %arg15[%add3A_98, %add3A_716] : memref<64x128xi32, #tpu.memory_space<vmem>>[vector<16xi32>, vector<16xi32>], vector<16xi32>,
        %add3A_718 = arith.constant 33 : i32
        %add3A_719 = vector.broadcast %add3A_718 : i32 to vector<16xi32>
        %add3A_720 = arith.addi %mul3A_113, %add3A_719 : vector<16xi32>
        %gather3A_721 = tpu.vector_load_idx %arg16[%add3A_98, %add3A_720] : memref<64x128xi32, #tpu.memory_space<vmem>>[vector<16xi32>, vector<16xi32>], vector<16xi32>,
        %bitcast3A_722 = vector.bitcast %gather3A_717 : vector<16xi32> to vector<32xbf16>
        %unpack3A_723 = tpu.unpack_subelements %bitcast3A_722, 0 {pack_format = #tpu.pack_format<interleaved>} : vector<32xbf16> -> vector<16xf32>
        %unpack3A_724 = tpu.unpack_subelements %bitcast3A_722, 1 {pack_format = #tpu.pack_format<interleaved>} : vector<32xbf16> -> vector<16xf32>
        %bitcast3A_725 = vector.bitcast %gather3A_721 : vector<16xi32> to vector<32xbf16>
        %unpack3A_726 = tpu.unpack_subelements %bitcast3A_725, 0 {pack_format = #tpu.pack_format<interleaved>} : vector<32xbf16> -> vector<16xf32>
        %unpack3A_727 = tpu.unpack_subelements %bitcast3A_725, 1 {pack_format = #tpu.pack_format<interleaved>} : vector<32xbf16> -> vector<16xf32>
        %select_n3A_728 = arith.select %eq3A_117, %unpack3A_724, %unpack3A_723 : vector<16xi1>, vector<16xf32>
        %select_n3A_729 = arith.select %eq3A_123, %unpack3A_727, %unpack3A_726 : vector<16xi1>, vector<16xf32>
        %mul3A_730 = arith.mulf %select_n3A_728, %select_n3A_729 : vector<16xf32>
        %add3A_731 = arith.addf %add3A_713, %mul3A_730 : vector<16xf32>
        %add3A_732 = arith.constant 34 : i32
        %add3A_733 = vector.broadcast %add3A_732 : i32 to vector<16xi32>
        %add3A_734 = arith.addi %mul3A_107, %add3A_733 : vector<16xi32>
        %gather3A_735 = tpu.vector_load_idx %arg15[%add3A_98, %add3A_734] : memref<64x128xi32, #tpu.memory_space<vmem>>[vector<16xi32>, vector<16xi32>], vector<16xi32>,
        %add3A_736 = arith.constant 34 : i32
        %add3A_737 = vector.broadcast %add3A_736 : i32 to vector<16xi32>
        %add3A_738 = arith.addi %mul3A_113, %add3A_737 : vector<16xi32>
        %gather3A_739 = tpu.vector_load_idx %arg16[%add3A_98, %add3A_738] : memref<64x128xi32, #tpu.memory_space<vmem>>[vector<16xi32>, vector<16xi32>], vector<16xi32>,
        %bitcast3A_740 = vector.bitcast %gather3A_735 : vector<16xi32> to vector<32xbf16>
        %unpack3A_741 = tpu.unpack_subelements %bitcast3A_740, 0 {pack_format = #tpu.pack_format<interleaved>} : vector<32xbf16> -> vector<16xf32>
        %unpack3A_742 = tpu.unpack_subelements %bitcast3A_740, 1 {pack_format = #tpu.pack_format<interleaved>} : vector<32xbf16> -> vector<16xf32>
        %bitcast3A_743 = vector.bitcast %gather3A_739 : vector<16xi32> to vector<32xbf16>
        %unpack3A_744 = tpu.unpack_subelements %bitcast3A_743, 0 {pack_format = #tpu.pack_format<interleaved>} : vector<32xbf16> -> vector<16xf32>
        %unpack3A_745 = tpu.unpack_subelements %bitcast3A_743, 1 {pack_format = #tpu.pack_format<interleaved>} : vector<32xbf16> -> vector<16xf32>
        %select_n3A_746 = arith.select %eq3A_117, %unpack3A_742, %unpack3A_741 : vector<16xi1>, vector<16xf32>
        %select_n3A_747 = arith.select %eq3A_123, %unpack3A_745, %unpack3A_744 : vector<16xi1>, vector<16xf32>
        %mul3A_748 = arith.mulf %select_n3A_746, %select_n3A_747 : vector<16xf32>
        %add3A_749 = arith.addf %add3A_731, %mul3A_748 : vector<16xf32>
        %add3A_750 = arith.constant 35 : i32
        %add3A_751 = vector.broadcast %add3A_750 : i32 to vector<16xi32>
        %add3A_752 = arith.addi %mul3A_107, %add3A_751 : vector<16xi32>
        %gather3A_753 = tpu.vector_load_idx %arg15[%add3A_98, %add3A_752] : memref<64x128xi32, #tpu.memory_space<vmem>>[vector<16xi32>, vector<16xi32>], vector<16xi32>,
        %add3A_754 = arith.constant 35 : i32
        %add3A_755 = vector.broadcast %add3A_754 : i32 to vector<16xi32>
        %add3A_756 = arith.addi %mul3A_113, %add3A_755 : vector<16xi32>
        %gather3A_757 = tpu.vector_load_idx %arg16[%add3A_98, %add3A_756] : memref<64x128xi32, #tpu.memory_space<vmem>>[vector<16xi32>, vector<16xi32>], vector<16xi32>,
        %bitcast3A_758 = vector.bitcast %gather3A_753 : vector<16xi32> to vector<32xbf16>
        %unpack3A_759 = tpu.unpack_subelements %bitcast3A_758, 0 {pack_format = #tpu.pack_format<interleaved>} : vector<32xbf16> -> vector<16xf32>
        %unpack3A_760 = tpu.unpack_subelements %bitcast3A_758, 1 {pack_format = #tpu.pack_format<interleaved>} : vector<32xbf16> -> vector<16xf32>
        %bitcast3A_761 = vector.bitcast %gather3A_757 : vector<16xi32> to vector<32xbf16>
        %unpack3A_762 = tpu.unpack_subelements %bitcast3A_761, 0 {pack_format = #tpu.pack_format<interleaved>} : vector<32xbf16> -> vector<16xf32>
        %unpack3A_763 = tpu.unpack_subelements %bitcast3A_761, 1 {pack_format = #tpu.pack_format<interleaved>} : vector<32xbf16> -> vector<16xf32>
        %select_n3A_764 = arith.select %eq3A_117, %unpack3A_760, %unpack3A_759 : vector<16xi1>, vector<16xf32>
        %select_n3A_765 = arith.select %eq3A_123, %unpack3A_763, %unpack3A_762 : vector<16xi1>, vector<16xf32>
        %mul3A_766 = arith.mulf %select_n3A_764, %select_n3A_765 : vector<16xf32>
        %add3A_767 = arith.addf %add3A_749, %mul3A_766 : vector<16xf32>
        %add3A_768 = arith.constant 36 : i32
        %add3A_769 = vector.broadcast %add3A_768 : i32 to vector<16xi32>
        %add3A_770 = arith.addi %mul3A_107, %add3A_769 : vector<16xi32>
        %gather3A_771 = tpu.vector_load_idx %arg15[%add3A_98, %add3A_770] : memref<64x128xi32, #tpu.memory_space<vmem>>[vector<16xi32>, vector<16xi32>], vector<16xi32>,
        %add3A_772 = arith.constant 36 : i32
        %add3A_773 = vector.broadcast %add3A_772 : i32 to vector<16xi32>
        %add3A_774 = arith.addi %mul3A_113, %add3A_773 : vector<16xi32>
        %gather3A_775 = tpu.vector_load_idx %arg16[%add3A_98, %add3A_774] : memref<64x128xi32, #tpu.memory_space<vmem>>[vector<16xi32>, vector<16xi32>], vector<16xi32>,
        %bitcast3A_776 = vector.bitcast %gather3A_771 : vector<16xi32> to vector<32xbf16>
        %unpack3A_777 = tpu.unpack_subelements %bitcast3A_776, 0 {pack_format = #tpu.pack_format<interleaved>} : vector<32xbf16> -> vector<16xf32>
        %unpack3A_778 = tpu.unpack_subelements %bitcast3A_776, 1 {pack_format = #tpu.pack_format<interleaved>} : vector<32xbf16> -> vector<16xf32>
        %bitcast3A_779 = vector.bitcast %gather3A_775 : vector<16xi32> to vector<32xbf16>
        %unpack3A_780 = tpu.unpack_subelements %bitcast3A_779, 0 {pack_format = #tpu.pack_format<interleaved>} : vector<32xbf16> -> vector<16xf32>
        %unpack3A_781 = tpu.unpack_subelements %bitcast3A_779, 1 {pack_format = #tpu.pack_format<interleaved>} : vector<32xbf16> -> vector<16xf32>
        %select_n3A_782 = arith.select %eq3A_117, %unpack3A_778, %unpack3A_777 : vector<16xi1>, vector<16xf32>
        %select_n3A_783 = arith.select %eq3A_123, %unpack3A_781, %unpack3A_780 : vector<16xi1>, vector<16xf32>
        %mul3A_784 = arith.mulf %select_n3A_782, %select_n3A_783 : vector<16xf32>
        %add3A_785 = arith.addf %add3A_767, %mul3A_784 : vector<16xf32>
        %add3A_786 = arith.constant 37 : i32
        %add3A_787 = vector.broadcast %add3A_786 : i32 to vector<16xi32>
        %add3A_788 = arith.addi %mul3A_107, %add3A_787 : vector<16xi32>
        %gather3A_789 = tpu.vector_load_idx %arg15[%add3A_98, %add3A_788] : memref<64x128xi32, #tpu.memory_space<vmem>>[vector<16xi32>, vector<16xi32>], vector<16xi32>,
        %add3A_790 = arith.constant 37 : i32
        %add3A_791 = vector.broadcast %add3A_790 : i32 to vector<16xi32>
        %add3A_792 = arith.addi %mul3A_113, %add3A_791 : vector<16xi32>
        %gather3A_793 = tpu.vector_load_idx %arg16[%add3A_98, %add3A_792] : memref<64x128xi32, #tpu.memory_space<vmem>>[vector<16xi32>, vector<16xi32>], vector<16xi32>,
        %bitcast3A_794 = vector.bitcast %gather3A_789 : vector<16xi32> to vector<32xbf16>
        %unpack3A_795 = tpu.unpack_subelements %bitcast3A_794, 0 {pack_format = #tpu.pack_format<interleaved>} : vector<32xbf16> -> vector<16xf32>
        %unpack3A_796 = tpu.unpack_subelements %bitcast3A_794, 1 {pack_format = #tpu.pack_format<interleaved>} : vector<32xbf16> -> vector<16xf32>
        %bitcast3A_797 = vector.bitcast %gather3A_793 : vector<16xi32> to vector<32xbf16>
        %unpack3A_798 = tpu.unpack_subelements %bitcast3A_797, 0 {pack_format = #tpu.pack_format<interleaved>} : vector<32xbf16> -> vector<16xf32>
        %unpack3A_799 = tpu.unpack_subelements %bitcast3A_797, 1 {pack_format = #tpu.pack_format<interleaved>} : vector<32xbf16> -> vector<16xf32>
        %select_n3A_800 = arith.select %eq3A_117, %unpack3A_796, %unpack3A_795 : vector<16xi1>, vector<16xf32>
        %select_n3A_801 = arith.select %eq3A_123, %unpack3A_799, %unpack3A_798 : vector<16xi1>, vector<16xf32>
        %mul3A_802 = arith.mulf %select_n3A_800, %select_n3A_801 : vector<16xf32>
        %add3A_803 = arith.addf %add3A_785, %mul3A_802 : vector<16xf32>
        %add3A_804 = arith.constant 38 : i32
        %add3A_805 = vector.broadcast %add3A_804 : i32 to vector<16xi32>
        %add3A_806 = arith.addi %mul3A_107, %add3A_805 : vector<16xi32>
        %gather3A_807 = tpu.vector_load_idx %arg15[%add3A_98, %add3A_806] : memref<64x128xi32, #tpu.memory_space<vmem>>[vector<16xi32>, vector<16xi32>], vector<16xi32>,
        %add3A_808 = arith.constant 38 : i32
        %add3A_809 = vector.broadcast %add3A_808 : i32 to vector<16xi32>
        %add3A_810 = arith.addi %mul3A_113, %add3A_809 : vector<16xi32>
        %gather3A_811 = tpu.vector_load_idx %arg16[%add3A_98, %add3A_810] : memref<64x128xi32, #tpu.memory_space<vmem>>[vector<16xi32>, vector<16xi32>], vector<16xi32>,
        %bitcast3A_812 = vector.bitcast %gather3A_807 : vector<16xi32> to vector<32xbf16>
        %unpack3A_813 = tpu.unpack_subelements %bitcast3A_812, 0 {pack_format = #tpu.pack_format<interleaved>} : vector<32xbf16> -> vector<16xf32>
        %unpack3A_814 = tpu.unpack_subelements %bitcast3A_812, 1 {pack_format = #tpu.pack_format<interleaved>} : vector<32xbf16> -> vector<16xf32>
        %bitcast3A_815 = vector.bitcast %gather3A_811 : vector<16xi32> to vector<32xbf16>
        %unpack3A_816 = tpu.unpack_subelements %bitcast3A_815, 0 {pack_format = #tpu.pack_format<interleaved>} : vector<32xbf16> -> vector<16xf32>
        %unpack3A_817 = tpu.unpack_subelements %bitcast3A_815, 1 {pack_format = #tpu.pack_format<interleaved>} : vector<32xbf16> -> vector<16xf32>
        %select_n3A_818 = arith.select %eq3A_117, %unpack3A_814, %unpack3A_813 : vector<16xi1>, vector<16xf32>
        %select_n3A_819 = arith.select %eq3A_123, %unpack3A_817, %unpack3A_816 : vector<16xi1>, vector<16xf32>
        %mul3A_820 = arith.mulf %select_n3A_818, %select_n3A_819 : vector<16xf32>
        %add3A_821 = arith.addf %add3A_803, %mul3A_820 : vector<16xf32>
        %add3A_822 = arith.constant 39 : i32
        %add3A_823 = vector.broadcast %add3A_822 : i32 to vector<16xi32>
        %add3A_824 = arith.addi %mul3A_107, %add3A_823 : vector<16xi32>
        %gather3A_825 = tpu.vector_load_idx %arg15[%add3A_98, %add3A_824] : memref<64x128xi32, #tpu.memory_space<vmem>>[vector<16xi32>, vector<16xi32>], vector<16xi32>,
        %add3A_826 = arith.constant 39 : i32
        %add3A_827 = vector.broadcast %add3A_826 : i32 to vector<16xi32>
        %add3A_828 = arith.addi %mul3A_113, %add3A_827 : vector<16xi32>
        %gather3A_829 = tpu.vector_load_idx %arg16[%add3A_98, %add3A_828] : memref<64x128xi32, #tpu.memory_space<vmem>>[vector<16xi32>, vector<16xi32>], vector<16xi32>,
        %bitcast3A_830 = vector.bitcast %gather3A_825 : vector<16xi32> to vector<32xbf16>
        %unpack3A_831 = tpu.unpack_subelements %bitcast3A_830, 0 {pack_format = #tpu.pack_format<interleaved>} : vector<32xbf16> -> vector<16xf32>
        %unpack3A_832 = tpu.unpack_subelements %bitcast3A_830, 1 {pack_format = #tpu.pack_format<interleaved>} : vector<32xbf16> -> vector<16xf32>
        %bitcast3A_833 = vector.bitcast %gather3A_829 : vector<16xi32> to vector<32xbf16>
        %unpack3A_834 = tpu.unpack_subelements %bitcast3A_833, 0 {pack_format = #tpu.pack_format<interleaved>} : vector<32xbf16> -> vector<16xf32>
        %unpack3A_835 = tpu.unpack_subelements %bitcast3A_833, 1 {pack_format = #tpu.pack_format<interleaved>} : vector<32xbf16> -> vector<16xf32>
        %select_n3A_836 = arith.select %eq3A_117, %unpack3A_832, %unpack3A_831 : vector<16xi1>, vector<16xf32>
        %select_n3A_837 = arith.select %eq3A_123, %unpack3A_835, %unpack3A_834 : vector<16xi1>, vector<16xf32>
        %mul3A_838 = arith.mulf %select_n3A_836, %select_n3A_837 : vector<16xf32>
        %add3A_839 = arith.addf %add3A_821, %mul3A_838 : vector<16xf32>
        %add3A_840 = arith.constant 40 : i32
        %add3A_841 = vector.broadcast %add3A_840 : i32 to vector<16xi32>
        %add3A_842 = arith.addi %mul3A_107, %add3A_841 : vector<16xi32>
        %gather3A_843 = tpu.vector_load_idx %arg15[%add3A_98, %add3A_842] : memref<64x128xi32, #tpu.memory_space<vmem>>[vector<16xi32>, vector<16xi32>], vector<16xi32>,
        %add3A_844 = arith.constant 40 : i32
        %add3A_845 = vector.broadcast %add3A_844 : i32 to vector<16xi32>
        %add3A_846 = arith.addi %mul3A_113, %add3A_845 : vector<16xi32>
        %gather3A_847 = tpu.vector_load_idx %arg16[%add3A_98, %add3A_846] : memref<64x128xi32, #tpu.memory_space<vmem>>[vector<16xi32>, vector<16xi32>], vector<16xi32>,
        %bitcast3A_848 = vector.bitcast %gather3A_843 : vector<16xi32> to vector<32xbf16>
        %unpack3A_849 = tpu.unpack_subelements %bitcast3A_848, 0 {pack_format = #tpu.pack_format<interleaved>} : vector<32xbf16> -> vector<16xf32>
        %unpack3A_850 = tpu.unpack_subelements %bitcast3A_848, 1 {pack_format = #tpu.pack_format<interleaved>} : vector<32xbf16> -> vector<16xf32>
        %bitcast3A_851 = vector.bitcast %gather3A_847 : vector<16xi32> to vector<32xbf16>
        %unpack3A_852 = tpu.unpack_subelements %bitcast3A_851, 0 {pack_format = #tpu.pack_format<interleaved>} : vector<32xbf16> -> vector<16xf32>
        %unpack3A_853 = tpu.unpack_subelements %bitcast3A_851, 1 {pack_format = #tpu.pack_format<interleaved>} : vector<32xbf16> -> vector<16xf32>
        %select_n3A_854 = arith.select %eq3A_117, %unpack3A_850, %unpack3A_849 : vector<16xi1>, vector<16xf32>
        %select_n3A_855 = arith.select %eq3A_123, %unpack3A_853, %unpack3A_852 : vector<16xi1>, vector<16xf32>
        %mul3A_856 = arith.mulf %select_n3A_854, %select_n3A_855 : vector<16xf32>
        %add3A_857 = arith.addf %add3A_839, %mul3A_856 : vector<16xf32>
        %add3A_858 = arith.constant 41 : i32
        %add3A_859 = vector.broadcast %add3A_858 : i32 to vector<16xi32>
        %add3A_860 = arith.addi %mul3A_107, %add3A_859 : vector<16xi32>
        %gather3A_861 = tpu.vector_load_idx %arg15[%add3A_98, %add3A_860] : memref<64x128xi32, #tpu.memory_space<vmem>>[vector<16xi32>, vector<16xi32>], vector<16xi32>,
        %add3A_862 = arith.constant 41 : i32
        %add3A_863 = vector.broadcast %add3A_862 : i32 to vector<16xi32>
        %add3A_864 = arith.addi %mul3A_113, %add3A_863 : vector<16xi32>
        %gather3A_865 = tpu.vector_load_idx %arg16[%add3A_98, %add3A_864] : memref<64x128xi32, #tpu.memory_space<vmem>>[vector<16xi32>, vector<16xi32>], vector<16xi32>,
        %bitcast3A_866 = vector.bitcast %gather3A_861 : vector<16xi32> to vector<32xbf16>
        %unpack3A_867 = tpu.unpack_subelements %bitcast3A_866, 0 {pack_format = #tpu.pack_format<interleaved>} : vector<32xbf16> -> vector<16xf32>
        %unpack3A_868 = tpu.unpack_subelements %bitcast3A_866, 1 {pack_format = #tpu.pack_format<interleaved>} : vector<32xbf16> -> vector<16xf32>
        %bitcast3A_869 = vector.bitcast %gather3A_865 : vector<16xi32> to vector<32xbf16>
        %unpack3A_870 = tpu.unpack_subelements %bitcast3A_869, 0 {pack_format = #tpu.pack_format<interleaved>} : vector<32xbf16> -> vector<16xf32>
        %unpack3A_871 = tpu.unpack_subelements %bitcast3A_869, 1 {pack_format = #tpu.pack_format<interleaved>} : vector<32xbf16> -> vector<16xf32>
        %select_n3A_872 = arith.select %eq3A_117, %unpack3A_868, %unpack3A_867 : vector<16xi1>, vector<16xf32>
        %select_n3A_873 = arith.select %eq3A_123, %unpack3A_871, %unpack3A_870 : vector<16xi1>, vector<16xf32>
        %mul3A_874 = arith.mulf %select_n3A_872, %select_n3A_873 : vector<16xf32>
        %add3A_875 = arith.addf %add3A_857, %mul3A_874 : vector<16xf32>
        %add3A_876 = arith.constant 42 : i32
        %add3A_877 = vector.broadcast %add3A_876 : i32 to vector<16xi32>
        %add3A_878 = arith.addi %mul3A_107, %add3A_877 : vector<16xi32>
        %gather3A_879 = tpu.vector_load_idx %arg15[%add3A_98, %add3A_878] : memref<64x128xi32, #tpu.memory_space<vmem>>[vector<16xi32>, vector<16xi32>], vector<16xi32>,
        %add3A_880 = arith.constant 42 : i32
        %add3A_881 = vector.broadcast %add3A_880 : i32 to vector<16xi32>
        %add3A_882 = arith.addi %mul3A_113, %add3A_881 : vector<16xi32>
        %gather3A_883 = tpu.vector_load_idx %arg16[%add3A_98, %add3A_882] : memref<64x128xi32, #tpu.memory_space<vmem>>[vector<16xi32>, vector<16xi32>], vector<16xi32>,
        %bitcast3A_884 = vector.bitcast %gather3A_879 : vector<16xi32> to vector<32xbf16>
        %unpack3A_885 = tpu.unpack_subelements %bitcast3A_884, 0 {pack_format = #tpu.pack_format<interleaved>} : vector<32xbf16> -> vector<16xf32>
        %unpack3A_886 = tpu.unpack_subelements %bitcast3A_884, 1 {pack_format = #tpu.pack_format<interleaved>} : vector<32xbf16> -> vector<16xf32>
        %bitcast3A_887 = vector.bitcast %gather3A_883 : vector<16xi32> to vector<32xbf16>
        %unpack3A_888 = tpu.unpack_subelements %bitcast3A_887, 0 {pack_format = #tpu.pack_format<interleaved>} : vector<32xbf16> -> vector<16xf32>
        %unpack3A_889 = tpu.unpack_subelements %bitcast3A_887, 1 {pack_format = #tpu.pack_format<interleaved>} : vector<32xbf16> -> vector<16xf32>
        %select_n3A_890 = arith.select %eq3A_117, %unpack3A_886, %unpack3A_885 : vector<16xi1>, vector<16xf32>
        %select_n3A_891 = arith.select %eq3A_123, %unpack3A_889, %unpack3A_888 : vector<16xi1>, vector<16xf32>
        %mul3A_892 = arith.mulf %select_n3A_890, %select_n3A_891 : vector<16xf32>
        %add3A_893 = arith.addf %add3A_875, %mul3A_892 : vector<16xf32>
        %add3A_894 = arith.constant 43 : i32
        %add3A_895 = vector.broadcast %add3A_894 : i32 to vector<16xi32>
        %add3A_896 = arith.addi %mul3A_107, %add3A_895 : vector<16xi32>
        %gather3A_897 = tpu.vector_load_idx %arg15[%add3A_98, %add3A_896] : memref<64x128xi32, #tpu.memory_space<vmem>>[vector<16xi32>, vector<16xi32>], vector<16xi32>,
        %add3A_898 = arith.constant 43 : i32
        %add3A_899 = vector.broadcast %add3A_898 : i32 to vector<16xi32>
        %add3A_900 = arith.addi %mul3A_113, %add3A_899 : vector<16xi32>
        %gather3A_901 = tpu.vector_load_idx %arg16[%add3A_98, %add3A_900] : memref<64x128xi32, #tpu.memory_space<vmem>>[vector<16xi32>, vector<16xi32>], vector<16xi32>,
        %bitcast3A_902 = vector.bitcast %gather3A_897 : vector<16xi32> to vector<32xbf16>
        %unpack3A_903 = tpu.unpack_subelements %bitcast3A_902, 0 {pack_format = #tpu.pack_format<interleaved>} : vector<32xbf16> -> vector<16xf32>
        %unpack3A_904 = tpu.unpack_subelements %bitcast3A_902, 1 {pack_format = #tpu.pack_format<interleaved>} : vector<32xbf16> -> vector<16xf32>
        %bitcast3A_905 = vector.bitcast %gather3A_901 : vector<16xi32> to vector<32xbf16>
        %unpack3A_906 = tpu.unpack_subelements %bitcast3A_905, 0 {pack_format = #tpu.pack_format<interleaved>} : vector<32xbf16> -> vector<16xf32>
        %unpack3A_907 = tpu.unpack_subelements %bitcast3A_905, 1 {pack_format = #tpu.pack_format<interleaved>} : vector<32xbf16> -> vector<16xf32>
        %select_n3A_908 = arith.select %eq3A_117, %unpack3A_904, %unpack3A_903 : vector<16xi1>, vector<16xf32>
        %select_n3A_909 = arith.select %eq3A_123, %unpack3A_907, %unpack3A_906 : vector<16xi1>, vector<16xf32>
        %mul3A_910 = arith.mulf %select_n3A_908, %select_n3A_909 : vector<16xf32>
        %add3A_911 = arith.addf %add3A_893, %mul3A_910 : vector<16xf32>
        %add3A_912 = arith.constant 44 : i32
        %add3A_913 = vector.broadcast %add3A_912 : i32 to vector<16xi32>
        %add3A_914 = arith.addi %mul3A_107, %add3A_913 : vector<16xi32>
        %gather3A_915 = tpu.vector_load_idx %arg15[%add3A_98, %add3A_914] : memref<64x128xi32, #tpu.memory_space<vmem>>[vector<16xi32>, vector<16xi32>], vector<16xi32>,
        %add3A_916 = arith.constant 44 : i32
        %add3A_917 = vector.broadcast %add3A_916 : i32 to vector<16xi32>
        %add3A_918 = arith.addi %mul3A_113, %add3A_917 : vector<16xi32>
        %gather3A_919 = tpu.vector_load_idx %arg16[%add3A_98, %add3A_918] : memref<64x128xi32, #tpu.memory_space<vmem>>[vector<16xi32>, vector<16xi32>], vector<16xi32>,
        %bitcast3A_920 = vector.bitcast %gather3A_915 : vector<16xi32> to vector<32xbf16>
        %unpack3A_921 = tpu.unpack_subelements %bitcast3A_920, 0 {pack_format = #tpu.pack_format<interleaved>} : vector<32xbf16> -> vector<16xf32>
        %unpack3A_922 = tpu.unpack_subelements %bitcast3A_920, 1 {pack_format = #tpu.pack_format<interleaved>} : vector<32xbf16> -> vector<16xf32>
        %bitcast3A_923 = vector.bitcast %gather3A_919 : vector<16xi32> to vector<32xbf16>
        %unpack3A_924 = tpu.unpack_subelements %bitcast3A_923, 0 {pack_format = #tpu.pack_format<interleaved>} : vector<32xbf16> -> vector<16xf32>
        %unpack3A_925 = tpu.unpack_subelements %bitcast3A_923, 1 {pack_format = #tpu.pack_format<interleaved>} : vector<32xbf16> -> vector<16xf32>
        %select_n3A_926 = arith.select %eq3A_117, %unpack3A_922, %unpack3A_921 : vector<16xi1>, vector<16xf32>
        %select_n3A_927 = arith.select %eq3A_123, %unpack3A_925, %unpack3A_924 : vector<16xi1>, vector<16xf32>
        %mul3A_928 = arith.mulf %select_n3A_926, %select_n3A_927 : vector<16xf32>
        %add3A_929 = arith.addf %add3A_911, %mul3A_928 : vector<16xf32>
        %add3A_930 = arith.constant 45 : i32
        %add3A_931 = vector.broadcast %add3A_930 : i32 to vector<16xi32>
        %add3A_932 = arith.addi %mul3A_107, %add3A_931 : vector<16xi32>
        %gather3A_933 = tpu.vector_load_idx %arg15[%add3A_98, %add3A_932] : memref<64x128xi32, #tpu.memory_space<vmem>>[vector<16xi32>, vector<16xi32>], vector<16xi32>,
        %add3A_934 = arith.constant 45 : i32
        %add3A_935 = vector.broadcast %add3A_934 : i32 to vector<16xi32>
        %add3A_936 = arith.addi %mul3A_113, %add3A_935 : vector<16xi32>
        %gather3A_937 = tpu.vector_load_idx %arg16[%add3A_98, %add3A_936] : memref<64x128xi32, #tpu.memory_space<vmem>>[vector<16xi32>, vector<16xi32>], vector<16xi32>,
        %bitcast3A_938 = vector.bitcast %gather3A_933 : vector<16xi32> to vector<32xbf16>
        %unpack3A_939 = tpu.unpack_subelements %bitcast3A_938, 0 {pack_format = #tpu.pack_format<interleaved>} : vector<32xbf16> -> vector<16xf32>
        %unpack3A_940 = tpu.unpack_subelements %bitcast3A_938, 1 {pack_format = #tpu.pack_format<interleaved>} : vector<32xbf16> -> vector<16xf32>
        %bitcast3A_941 = vector.bitcast %gather3A_937 : vector<16xi32> to vector<32xbf16>
        %unpack3A_942 = tpu.unpack_subelements %bitcast3A_941, 0 {pack_format = #tpu.pack_format<interleaved>} : vector<32xbf16> -> vector<16xf32>
        %unpack3A_943 = tpu.unpack_subelements %bitcast3A_941, 1 {pack_format = #tpu.pack_format<interleaved>} : vector<32xbf16> -> vector<16xf32>
        %select_n3A_944 = arith.select %eq3A_117, %unpack3A_940, %unpack3A_939 : vector<16xi1>, vector<16xf32>
        %select_n3A_945 = arith.select %eq3A_123, %unpack3A_943, %unpack3A_942 : vector<16xi1>, vector<16xf32>
        %mul3A_946 = arith.mulf %select_n3A_944, %select_n3A_945 : vector<16xf32>
        %add3A_947 = arith.addf %add3A_929, %mul3A_946 : vector<16xf32>
        %add3A_948 = arith.constant 46 : i32
        %add3A_949 = vector.broadcast %add3A_948 : i32 to vector<16xi32>
        %add3A_950 = arith.addi %mul3A_107, %add3A_949 : vector<16xi32>
        %gather3A_951 = tpu.vector_load_idx %arg15[%add3A_98, %add3A_950] : memref<64x128xi32, #tpu.memory_space<vmem>>[vector<16xi32>, vector<16xi32>], vector<16xi32>,
        %add3A_952 = arith.constant 46 : i32
        %add3A_953 = vector.broadcast %add3A_952 : i32 to vector<16xi32>
        %add3A_954 = arith.addi %mul3A_113, %add3A_953 : vector<16xi32>
        %gather3A_955 = tpu.vector_load_idx %arg16[%add3A_98, %add3A_954] : memref<64x128xi32, #tpu.memory_space<vmem>>[vector<16xi32>, vector<16xi32>], vector<16xi32>,
        %bitcast3A_956 = vector.bitcast %gather3A_951 : vector<16xi32> to vector<32xbf16>
        %unpack3A_957 = tpu.unpack_subelements %bitcast3A_956, 0 {pack_format = #tpu.pack_format<interleaved>} : vector<32xbf16> -> vector<16xf32>
        %unpack3A_958 = tpu.unpack_subelements %bitcast3A_956, 1 {pack_format = #tpu.pack_format<interleaved>} : vector<32xbf16> -> vector<16xf32>
        %bitcast3A_959 = vector.bitcast %gather3A_955 : vector<16xi32> to vector<32xbf16>
        %unpack3A_960 = tpu.unpack_subelements %bitcast3A_959, 0 {pack_format = #tpu.pack_format<interleaved>} : vector<32xbf16> -> vector<16xf32>
        %unpack3A_961 = tpu.unpack_subelements %bitcast3A_959, 1 {pack_format = #tpu.pack_format<interleaved>} : vector<32xbf16> -> vector<16xf32>
        %select_n3A_962 = arith.select %eq3A_117, %unpack3A_958, %unpack3A_957 : vector<16xi1>, vector<16xf32>
        %select_n3A_963 = arith.select %eq3A_123, %unpack3A_961, %unpack3A_960 : vector<16xi1>, vector<16xf32>
        %mul3A_964 = arith.mulf %select_n3A_962, %select_n3A_963 : vector<16xf32>
        %add3A_965 = arith.addf %add3A_947, %mul3A_964 : vector<16xf32>
        %add3A_966 = arith.constant 47 : i32
        %add3A_967 = vector.broadcast %add3A_966 : i32 to vector<16xi32>
        %add3A_968 = arith.addi %mul3A_107, %add3A_967 : vector<16xi32>
        %gather3A_969 = tpu.vector_load_idx %arg15[%add3A_98, %add3A_968] : memref<64x128xi32, #tpu.memory_space<vmem>>[vector<16xi32>, vector<16xi32>], vector<16xi32>,
        %add3A_970 = arith.constant 47 : i32
        %add3A_971 = vector.broadcast %add3A_970 : i32 to vector<16xi32>
        %add3A_972 = arith.addi %mul3A_113, %add3A_971 : vector<16xi32>
        %gather3A_973 = tpu.vector_load_idx %arg16[%add3A_98, %add3A_972] : memref<64x128xi32, #tpu.memory_space<vmem>>[vector<16xi32>, vector<16xi32>], vector<16xi32>,
        %bitcast3A_974 = vector.bitcast %gather3A_969 : vector<16xi32> to vector<32xbf16>
        %unpack3A_975 = tpu.unpack_subelements %bitcast3A_974, 0 {pack_format = #tpu.pack_format<interleaved>} : vector<32xbf16> -> vector<16xf32>
        %unpack3A_976 = tpu.unpack_subelements %bitcast3A_974, 1 {pack_format = #tpu.pack_format<interleaved>} : vector<32xbf16> -> vector<16xf32>
        %bitcast3A_977 = vector.bitcast %gather3A_973 : vector<16xi32> to vector<32xbf16>
        %unpack3A_978 = tpu.unpack_subelements %bitcast3A_977, 0 {pack_format = #tpu.pack_format<interleaved>} : vector<32xbf16> -> vector<16xf32>
        %unpack3A_979 = tpu.unpack_subelements %bitcast3A_977, 1 {pack_format = #tpu.pack_format<interleaved>} : vector<32xbf16> -> vector<16xf32>
        %select_n3A_980 = arith.select %eq3A_117, %unpack3A_976, %unpack3A_975 : vector<16xi1>, vector<16xf32>
        %select_n3A_981 = arith.select %eq3A_123, %unpack3A_979, %unpack3A_978 : vector<16xi1>, vector<16xf32>
        %mul3A_982 = arith.mulf %select_n3A_980, %select_n3A_981 : vector<16xf32>
        %add3A_983 = arith.addf %add3A_965, %mul3A_982 : vector<16xf32>
        %add3A_984 = arith.constant 48 : i32
        %add3A_985 = vector.broadcast %add3A_984 : i32 to vector<16xi32>
        %add3A_986 = arith.addi %mul3A_107, %add3A_985 : vector<16xi32>
        %gather3A_987 = tpu.vector_load_idx %arg15[%add3A_98, %add3A_986] : memref<64x128xi32, #tpu.memory_space<vmem>>[vector<16xi32>, vector<16xi32>], vector<16xi32>,
        %add3A_988 = arith.constant 48 : i32
        %add3A_989 = vector.broadcast %add3A_988 : i32 to vector<16xi32>
        %add3A_990 = arith.addi %mul3A_113, %add3A_989 : vector<16xi32>
        %gather3A_991 = tpu.vector_load_idx %arg16[%add3A_98, %add3A_990] : memref<64x128xi32, #tpu.memory_space<vmem>>[vector<16xi32>, vector<16xi32>], vector<16xi32>,
        %bitcast3A_992 = vector.bitcast %gather3A_987 : vector<16xi32> to vector<32xbf16>
        %unpack3A_993 = tpu.unpack_subelements %bitcast3A_992, 0 {pack_format = #tpu.pack_format<interleaved>} : vector<32xbf16> -> vector<16xf32>
        %unpack3A_994 = tpu.unpack_subelements %bitcast3A_992, 1 {pack_format = #tpu.pack_format<interleaved>} : vector<32xbf16> -> vector<16xf32>
        %bitcast3A_995 = vector.bitcast %gather3A_991 : vector<16xi32> to vector<32xbf16>
        %unpack3A_996 = tpu.unpack_subelements %bitcast3A_995, 0 {pack_format = #tpu.pack_format<interleaved>} : vector<32xbf16> -> vector<16xf32>
        %unpack3A_997 = tpu.unpack_subelements %bitcast3A_995, 1 {pack_format = #tpu.pack_format<interleaved>} : vector<32xbf16> -> vector<16xf32>
        %select_n3A_998 = arith.select %eq3A_117, %unpack3A_994, %unpack3A_993 : vector<16xi1>, vector<16xf32>
        %select_n3A_999 = arith.select %eq3A_123, %unpack3A_997, %unpack3A_996 : vector<16xi1>, vector<16xf32>
        %mul3A_1000 = arith.mulf %select_n3A_998, %select_n3A_999 : vector<16xf32>
        %add3A_1001 = arith.addf %add3A_983, %mul3A_1000 : vector<16xf32>
        %add3A_1002 = arith.constant 49 : i32
        %add3A_1003 = vector.broadcast %add3A_1002 : i32 to vector<16xi32>
        %add3A_1004 = arith.addi %mul3A_107, %add3A_1003 : vector<16xi32>
        %gather3A_1005 = tpu.vector_load_idx %arg15[%add3A_98, %add3A_1004] : memref<64x128xi32, #tpu.memory_space<vmem>>[vector<16xi32>, vector<16xi32>], vector<16xi32>,
        %add3A_1006 = arith.constant 49 : i32
        %add3A_1007 = vector.broadcast %add3A_1006 : i32 to vector<16xi32>
        %add3A_1008 = arith.addi %mul3A_113, %add3A_1007 : vector<16xi32>
        %gather3A_1009 = tpu.vector_load_idx %arg16[%add3A_98, %add3A_1008] : memref<64x128xi32, #tpu.memory_space<vmem>>[vector<16xi32>, vector<16xi32>], vector<16xi32>,
        %bitcast3A_1010 = vector.bitcast %gather3A_1005 : vector<16xi32> to vector<32xbf16>
        %unpack3A_1011 = tpu.unpack_subelements %bitcast3A_1010, 0 {pack_format = #tpu.pack_format<interleaved>} : vector<32xbf16> -> vector<16xf32>
        %unpack3A_1012 = tpu.unpack_subelements %bitcast3A_1010, 1 {pack_format = #tpu.pack_format<interleaved>} : vector<32xbf16> -> vector<16xf32>
        %bitcast3A_1013 = vector.bitcast %gather3A_1009 : vector<16xi32> to vector<32xbf16>
        %unpack3A_1014 = tpu.unpack_subelements %bitcast3A_1013, 0 {pack_format = #tpu.pack_format<interleaved>} : vector<32xbf16> -> vector<16xf32>
        %unpack3A_1015 = tpu.unpack_subelements %bitcast3A_1013, 1 {pack_format = #tpu.pack_format<interleaved>} : vector<32xbf16> -> vector<16xf32>
        %select_n3A_1016 = arith.select %eq3A_117, %unpack3A_1012, %unpack3A_1011 : vector<16xi1>, vector<16xf32>
        %select_n3A_1017 = arith.select %eq3A_123, %unpack3A_1015, %unpack3A_1014 : vector<16xi1>, vector<16xf32>
        %mul3A_1018 = arith.mulf %select_n3A_1016, %select_n3A_1017 : vector<16xf32>
        %add3A_1019 = arith.addf %add3A_1001, %mul3A_1018 : vector<16xf32>
        %add3A_1020 = arith.constant 50 : i32
        %add3A_1021 = vector.broadcast %add3A_1020 : i32 to vector<16xi32>
        %add3A_1022 = arith.addi %mul3A_107, %add3A_1021 : vector<16xi32>
        %gather3A_1023 = tpu.vector_load_idx %arg15[%add3A_98, %add3A_1022] : memref<64x128xi32, #tpu.memory_space<vmem>>[vector<16xi32>, vector<16xi32>], vector<16xi32>,
        %add3A_1024 = arith.constant 50 : i32
        %add3A_1025 = vector.broadcast %add3A_1024 : i32 to vector<16xi32>
        %add3A_1026 = arith.addi %mul3A_113, %add3A_1025 : vector<16xi32>
        %gather3A_1027 = tpu.vector_load_idx %arg16[%add3A_98, %add3A_1026] : memref<64x128xi32, #tpu.memory_space<vmem>>[vector<16xi32>, vector<16xi32>], vector<16xi32>,
        %bitcast3A_1028 = vector.bitcast %gather3A_1023 : vector<16xi32> to vector<32xbf16>
        %unpack3A_1029 = tpu.unpack_subelements %bitcast3A_1028, 0 {pack_format = #tpu.pack_format<interleaved>} : vector<32xbf16> -> vector<16xf32>
        %unpack3A_1030 = tpu.unpack_subelements %bitcast3A_1028, 1 {pack_format = #tpu.pack_format<interleaved>} : vector<32xbf16> -> vector<16xf32>
        %bitcast3A_1031 = vector.bitcast %gather3A_1027 : vector<16xi32> to vector<32xbf16>
        %unpack3A_1032 = tpu.unpack_subelements %bitcast3A_1031, 0 {pack_format = #tpu.pack_format<interleaved>} : vector<32xbf16> -> vector<16xf32>
        %unpack3A_1033 = tpu.unpack_subelements %bitcast3A_1031, 1 {pack_format = #tpu.pack_format<interleaved>} : vector<32xbf16> -> vector<16xf32>
        %select_n3A_1034 = arith.select %eq3A_117, %unpack3A_1030, %unpack3A_1029 : vector<16xi1>, vector<16xf32>
        %select_n3A_1035 = arith.select %eq3A_123, %unpack3A_1033, %unpack3A_1032 : vector<16xi1>, vector<16xf32>
        %mul3A_1036 = arith.mulf %select_n3A_1034, %select_n3A_1035 : vector<16xf32>
        %add3A_1037 = arith.addf %add3A_1019, %mul3A_1036 : vector<16xf32>
        %add3A_1038 = arith.constant 51 : i32
        %add3A_1039 = vector.broadcast %add3A_1038 : i32 to vector<16xi32>
        %add3A_1040 = arith.addi %mul3A_107, %add3A_1039 : vector<16xi32>
        %gather3A_1041 = tpu.vector_load_idx %arg15[%add3A_98, %add3A_1040] : memref<64x128xi32, #tpu.memory_space<vmem>>[vector<16xi32>, vector<16xi32>], vector<16xi32>,
        %add3A_1042 = arith.constant 51 : i32
        %add3A_1043 = vector.broadcast %add3A_1042 : i32 to vector<16xi32>
        %add3A_1044 = arith.addi %mul3A_113, %add3A_1043 : vector<16xi32>
        %gather3A_1045 = tpu.vector_load_idx %arg16[%add3A_98, %add3A_1044] : memref<64x128xi32, #tpu.memory_space<vmem>>[vector<16xi32>, vector<16xi32>], vector<16xi32>,
        %bitcast3A_1046 = vector.bitcast %gather3A_1041 : vector<16xi32> to vector<32xbf16>
        %unpack3A_1047 = tpu.unpack_subelements %bitcast3A_1046, 0 {pack_format = #tpu.pack_format<interleaved>} : vector<32xbf16> -> vector<16xf32>
        %unpack3A_1048 = tpu.unpack_subelements %bitcast3A_1046, 1 {pack_format = #tpu.pack_format<interleaved>} : vector<32xbf16> -> vector<16xf32>
        %bitcast3A_1049 = vector.bitcast %gather3A_1045 : vector<16xi32> to vector<32xbf16>
        %unpack3A_1050 = tpu.unpack_subelements %bitcast3A_1049, 0 {pack_format = #tpu.pack_format<interleaved>} : vector<32xbf16> -> vector<16xf32>
        %unpack3A_1051 = tpu.unpack_subelements %bitcast3A_1049, 1 {pack_format = #tpu.pack_format<interleaved>} : vector<32xbf16> -> vector<16xf32>
        %select_n3A_1052 = arith.select %eq3A_117, %unpack3A_1048, %unpack3A_1047 : vector<16xi1>, vector<16xf32>
        %select_n3A_1053 = arith.select %eq3A_123, %unpack3A_1051, %unpack3A_1050 : vector<16xi1>, vector<16xf32>
        %mul3A_1054 = arith.mulf %select_n3A_1052, %select_n3A_1053 : vector<16xf32>
        %add3A_1055 = arith.addf %add3A_1037, %mul3A_1054 : vector<16xf32>
        %add3A_1056 = arith.constant 52 : i32
        %add3A_1057 = vector.broadcast %add3A_1056 : i32 to vector<16xi32>
        %add3A_1058 = arith.addi %mul3A_107, %add3A_1057 : vector<16xi32>
        %gather3A_1059 = tpu.vector_load_idx %arg15[%add3A_98, %add3A_1058] : memref<64x128xi32, #tpu.memory_space<vmem>>[vector<16xi32>, vector<16xi32>], vector<16xi32>,
        %add3A_1060 = arith.constant 52 : i32
        %add3A_1061 = vector.broadcast %add3A_1060 : i32 to vector<16xi32>
        %add3A_1062 = arith.addi %mul3A_113, %add3A_1061 : vector<16xi32>
        %gather3A_1063 = tpu.vector_load_idx %arg16[%add3A_98, %add3A_1062] : memref<64x128xi32, #tpu.memory_space<vmem>>[vector<16xi32>, vector<16xi32>], vector<16xi32>,
        %bitcast3A_1064 = vector.bitcast %gather3A_1059 : vector<16xi32> to vector<32xbf16>
        %unpack3A_1065 = tpu.unpack_subelements %bitcast3A_1064, 0 {pack_format = #tpu.pack_format<interleaved>} : vector<32xbf16> -> vector<16xf32>
        %unpack3A_1066 = tpu.unpack_subelements %bitcast3A_1064, 1 {pack_format = #tpu.pack_format<interleaved>} : vector<32xbf16> -> vector<16xf32>
        %bitcast3A_1067 = vector.bitcast %gather3A_1063 : vector<16xi32> to vector<32xbf16>
        %unpack3A_1068 = tpu.unpack_subelements %bitcast3A_1067, 0 {pack_format = #tpu.pack_format<interleaved>} : vector<32xbf16> -> vector<16xf32>
        %unpack3A_1069 = tpu.unpack_subelements %bitcast3A_1067, 1 {pack_format = #tpu.pack_format<interleaved>} : vector<32xbf16> -> vector<16xf32>
        %select_n3A_1070 = arith.select %eq3A_117, %unpack3A_1066, %unpack3A_1065 : vector<16xi1>, vector<16xf32>
        %select_n3A_1071 = arith.select %eq3A_123, %unpack3A_1069, %unpack3A_1068 : vector<16xi1>, vector<16xf32>
        %mul3A_1072 = arith.mulf %select_n3A_1070, %select_n3A_1071 : vector<16xf32>
        %add3A_1073 = arith.addf %add3A_1055, %mul3A_1072 : vector<16xf32>
        %add3A_1074 = arith.constant 53 : i32
        %add3A_1075 = vector.broadcast %add3A_1074 : i32 to vector<16xi32>
        %add3A_1076 = arith.addi %mul3A_107, %add3A_1075 : vector<16xi32>
        %gather3A_1077 = tpu.vector_load_idx %arg15[%add3A_98, %add3A_1076] : memref<64x128xi32, #tpu.memory_space<vmem>>[vector<16xi32>, vector<16xi32>], vector<16xi32>,
        %add3A_1078 = arith.constant 53 : i32
        %add3A_1079 = vector.broadcast %add3A_1078 : i32 to vector<16xi32>
        %add3A_1080 = arith.addi %mul3A_113, %add3A_1079 : vector<16xi32>
        %gather3A_1081 = tpu.vector_load_idx %arg16[%add3A_98, %add3A_1080] : memref<64x128xi32, #tpu.memory_space<vmem>>[vector<16xi32>, vector<16xi32>], vector<16xi32>,
        %bitcast3A_1082 = vector.bitcast %gather3A_1077 : vector<16xi32> to vector<32xbf16>
        %unpack3A_1083 = tpu.unpack_subelements %bitcast3A_1082, 0 {pack_format = #tpu.pack_format<interleaved>} : vector<32xbf16> -> vector<16xf32>
        %unpack3A_1084 = tpu.unpack_subelements %bitcast3A_1082, 1 {pack_format = #tpu.pack_format<interleaved>} : vector<32xbf16> -> vector<16xf32>
        %bitcast3A_1085 = vector.bitcast %gather3A_1081 : vector<16xi32> to vector<32xbf16>
        %unpack3A_1086 = tpu.unpack_subelements %bitcast3A_1085, 0 {pack_format = #tpu.pack_format<interleaved>} : vector<32xbf16> -> vector<16xf32>
        %unpack3A_1087 = tpu.unpack_subelements %bitcast3A_1085, 1 {pack_format = #tpu.pack_format<interleaved>} : vector<32xbf16> -> vector<16xf32>
        %select_n3A_1088 = arith.select %eq3A_117, %unpack3A_1084, %unpack3A_1083 : vector<16xi1>, vector<16xf32>
        %select_n3A_1089 = arith.select %eq3A_123, %unpack3A_1087, %unpack3A_1086 : vector<16xi1>, vector<16xf32>
        %mul3A_1090 = arith.mulf %select_n3A_1088, %select_n3A_1089 : vector<16xf32>
        %add3A_1091 = arith.addf %add3A_1073, %mul3A_1090 : vector<16xf32>
        %add3A_1092 = arith.constant 54 : i32
        %add3A_1093 = vector.broadcast %add3A_1092 : i32 to vector<16xi32>
        %add3A_1094 = arith.addi %mul3A_107, %add3A_1093 : vector<16xi32>
        %gather3A_1095 = tpu.vector_load_idx %arg15[%add3A_98, %add3A_1094] : memref<64x128xi32, #tpu.memory_space<vmem>>[vector<16xi32>, vector<16xi32>], vector<16xi32>,
        %add3A_1096 = arith.constant 54 : i32
        %add3A_1097 = vector.broadcast %add3A_1096 : i32 to vector<16xi32>
        %add3A_1098 = arith.addi %mul3A_113, %add3A_1097 : vector<16xi32>
        %gather3A_1099 = tpu.vector_load_idx %arg16[%add3A_98, %add3A_1098] : memref<64x128xi32, #tpu.memory_space<vmem>>[vector<16xi32>, vector<16xi32>], vector<16xi32>,
        %bitcast3A_1100 = vector.bitcast %gather3A_1095 : vector<16xi32> to vector<32xbf16>
        %unpack3A_1101 = tpu.unpack_subelements %bitcast3A_1100, 0 {pack_format = #tpu.pack_format<interleaved>} : vector<32xbf16> -> vector<16xf32>
        %unpack3A_1102 = tpu.unpack_subelements %bitcast3A_1100, 1 {pack_format = #tpu.pack_format<interleaved>} : vector<32xbf16> -> vector<16xf32>
        %bitcast3A_1103 = vector.bitcast %gather3A_1099 : vector<16xi32> to vector<32xbf16>
        %unpack3A_1104 = tpu.unpack_subelements %bitcast3A_1103, 0 {pack_format = #tpu.pack_format<interleaved>} : vector<32xbf16> -> vector<16xf32>
        %unpack3A_1105 = tpu.unpack_subelements %bitcast3A_1103, 1 {pack_format = #tpu.pack_format<interleaved>} : vector<32xbf16> -> vector<16xf32>
        %select_n3A_1106 = arith.select %eq3A_117, %unpack3A_1102, %unpack3A_1101 : vector<16xi1>, vector<16xf32>
        %select_n3A_1107 = arith.select %eq3A_123, %unpack3A_1105, %unpack3A_1104 : vector<16xi1>, vector<16xf32>
        %mul3A_1108 = arith.mulf %select_n3A_1106, %select_n3A_1107 : vector<16xf32>
        %add3A_1109 = arith.addf %add3A_1091, %mul3A_1108 : vector<16xf32>
        %add3A_1110 = arith.constant 55 : i32
        %add3A_1111 = vector.broadcast %add3A_1110 : i32 to vector<16xi32>
        %add3A_1112 = arith.addi %mul3A_107, %add3A_1111 : vector<16xi32>
        %gather3A_1113 = tpu.vector_load_idx %arg15[%add3A_98, %add3A_1112] : memref<64x128xi32, #tpu.memory_space<vmem>>[vector<16xi32>, vector<16xi32>], vector<16xi32>,
        %add3A_1114 = arith.constant 55 : i32
        %add3A_1115 = vector.broadcast %add3A_1114 : i32 to vector<16xi32>
        %add3A_1116 = arith.addi %mul3A_113, %add3A_1115 : vector<16xi32>
        %gather3A_1117 = tpu.vector_load_idx %arg16[%add3A_98, %add3A_1116] : memref<64x128xi32, #tpu.memory_space<vmem>>[vector<16xi32>, vector<16xi32>], vector<16xi32>,
        %bitcast3A_1118 = vector.bitcast %gather3A_1113 : vector<16xi32> to vector<32xbf16>
        %unpack3A_1119 = tpu.unpack_subelements %bitcast3A_1118, 0 {pack_format = #tpu.pack_format<interleaved>} : vector<32xbf16> -> vector<16xf32>
        %unpack3A_1120 = tpu.unpack_subelements %bitcast3A_1118, 1 {pack_format = #tpu.pack_format<interleaved>} : vector<32xbf16> -> vector<16xf32>
        %bitcast3A_1121 = vector.bitcast %gather3A_1117 : vector<16xi32> to vector<32xbf16>
        %unpack3A_1122 = tpu.unpack_subelements %bitcast3A_1121, 0 {pack_format = #tpu.pack_format<interleaved>} : vector<32xbf16> -> vector<16xf32>
        %unpack3A_1123 = tpu.unpack_subelements %bitcast3A_1121, 1 {pack_format = #tpu.pack_format<interleaved>} : vector<32xbf16> -> vector<16xf32>
        %select_n3A_1124 = arith.select %eq3A_117, %unpack3A_1120, %unpack3A_1119 : vector<16xi1>, vector<16xf32>
        %select_n3A_1125 = arith.select %eq3A_123, %unpack3A_1123, %unpack3A_1122 : vector<16xi1>, vector<16xf32>
        %mul3A_1126 = arith.mulf %select_n3A_1124, %select_n3A_1125 : vector<16xf32>
        %add3A_1127 = arith.addf %add3A_1109, %mul3A_1126 : vector<16xf32>
        %add3A_1128 = arith.constant 56 : i32
        %add3A_1129 = vector.broadcast %add3A_1128 : i32 to vector<16xi32>
        %add3A_1130 = arith.addi %mul3A_107, %add3A_1129 : vector<16xi32>
        %gather3A_1131 = tpu.vector_load_idx %arg15[%add3A_98, %add3A_1130] : memref<64x128xi32, #tpu.memory_space<vmem>>[vector<16xi32>, vector<16xi32>], vector<16xi32>,
        %add3A_1132 = arith.constant 56 : i32
        %add3A_1133 = vector.broadcast %add3A_1132 : i32 to vector<16xi32>
        %add3A_1134 = arith.addi %mul3A_113, %add3A_1133 : vector<16xi32>
        %gather3A_1135 = tpu.vector_load_idx %arg16[%add3A_98, %add3A_1134] : memref<64x128xi32, #tpu.memory_space<vmem>>[vector<16xi32>, vector<16xi32>], vector<16xi32>,
        %bitcast3A_1136 = vector.bitcast %gather3A_1131 : vector<16xi32> to vector<32xbf16>
        %unpack3A_1137 = tpu.unpack_subelements %bitcast3A_1136, 0 {pack_format = #tpu.pack_format<interleaved>} : vector<32xbf16> -> vector<16xf32>
        %unpack3A_1138 = tpu.unpack_subelements %bitcast3A_1136, 1 {pack_format = #tpu.pack_format<interleaved>} : vector<32xbf16> -> vector<16xf32>
        %bitcast3A_1139 = vector.bitcast %gather3A_1135 : vector<16xi32> to vector<32xbf16>
        %unpack3A_1140 = tpu.unpack_subelements %bitcast3A_1139, 0 {pack_format = #tpu.pack_format<interleaved>} : vector<32xbf16> -> vector<16xf32>
        %unpack3A_1141 = tpu.unpack_subelements %bitcast3A_1139, 1 {pack_format = #tpu.pack_format<interleaved>} : vector<32xbf16> -> vector<16xf32>
        %select_n3A_1142 = arith.select %eq3A_117, %unpack3A_1138, %unpack3A_1137 : vector<16xi1>, vector<16xf32>
        %select_n3A_1143 = arith.select %eq3A_123, %unpack3A_1141, %unpack3A_1140 : vector<16xi1>, vector<16xf32>
        %mul3A_1144 = arith.mulf %select_n3A_1142, %select_n3A_1143 : vector<16xf32>
        %add3A_1145 = arith.addf %add3A_1127, %mul3A_1144 : vector<16xf32>
        %add3A_1146 = arith.constant 57 : i32
        %add3A_1147 = vector.broadcast %add3A_1146 : i32 to vector<16xi32>
        %add3A_1148 = arith.addi %mul3A_107, %add3A_1147 : vector<16xi32>
        %gather3A_1149 = tpu.vector_load_idx %arg15[%add3A_98, %add3A_1148] : memref<64x128xi32, #tpu.memory_space<vmem>>[vector<16xi32>, vector<16xi32>], vector<16xi32>,
        %add3A_1150 = arith.constant 57 : i32
        %add3A_1151 = vector.broadcast %add3A_1150 : i32 to vector<16xi32>
        %add3A_1152 = arith.addi %mul3A_113, %add3A_1151 : vector<16xi32>
        %gather3A_1153 = tpu.vector_load_idx %arg16[%add3A_98, %add3A_1152] : memref<64x128xi32, #tpu.memory_space<vmem>>[vector<16xi32>, vector<16xi32>], vector<16xi32>,
        %bitcast3A_1154 = vector.bitcast %gather3A_1149 : vector<16xi32> to vector<32xbf16>
        %unpack3A_1155 = tpu.unpack_subelements %bitcast3A_1154, 0 {pack_format = #tpu.pack_format<interleaved>} : vector<32xbf16> -> vector<16xf32>
        %unpack3A_1156 = tpu.unpack_subelements %bitcast3A_1154, 1 {pack_format = #tpu.pack_format<interleaved>} : vector<32xbf16> -> vector<16xf32>
        %bitcast3A_1157 = vector.bitcast %gather3A_1153 : vector<16xi32> to vector<32xbf16>
        %unpack3A_1158 = tpu.unpack_subelements %bitcast3A_1157, 0 {pack_format = #tpu.pack_format<interleaved>} : vector<32xbf16> -> vector<16xf32>
        %unpack3A_1159 = tpu.unpack_subelements %bitcast3A_1157, 1 {pack_format = #tpu.pack_format<interleaved>} : vector<32xbf16> -> vector<16xf32>
        %select_n3A_1160 = arith.select %eq3A_117, %unpack3A_1156, %unpack3A_1155 : vector<16xi1>, vector<16xf32>
        %select_n3A_1161 = arith.select %eq3A_123, %unpack3A_1159, %unpack3A_1158 : vector<16xi1>, vector<16xf32>
        %mul3A_1162 = arith.mulf %select_n3A_1160, %select_n3A_1161 : vector<16xf32>
        %add3A_1163 = arith.addf %add3A_1145, %mul3A_1162 : vector<16xf32>
        %add3A_1164 = arith.constant 58 : i32
        %add3A_1165 = vector.broadcast %add3A_1164 : i32 to vector<16xi32>
        %add3A_1166 = arith.addi %mul3A_107, %add3A_1165 : vector<16xi32>
        %gather3A_1167 = tpu.vector_load_idx %arg15[%add3A_98, %add3A_1166] : memref<64x128xi32, #tpu.memory_space<vmem>>[vector<16xi32>, vector<16xi32>], vector<16xi32>,
        %add3A_1168 = arith.constant 58 : i32
        %add3A_1169 = vector.broadcast %add3A_1168 : i32 to vector<16xi32>
        %add3A_1170 = arith.addi %mul3A_113, %add3A_1169 : vector<16xi32>
        %gather3A_1171 = tpu.vector_load_idx %arg16[%add3A_98, %add3A_1170] : memref<64x128xi32, #tpu.memory_space<vmem>>[vector<16xi32>, vector<16xi32>], vector<16xi32>,
        %bitcast3A_1172 = vector.bitcast %gather3A_1167 : vector<16xi32> to vector<32xbf16>
        %unpack3A_1173 = tpu.unpack_subelements %bitcast3A_1172, 0 {pack_format = #tpu.pack_format<interleaved>} : vector<32xbf16> -> vector<16xf32>
        %unpack3A_1174 = tpu.unpack_subelements %bitcast3A_1172, 1 {pack_format = #tpu.pack_format<interleaved>} : vector<32xbf16> -> vector<16xf32>
        %bitcast3A_1175 = vector.bitcast %gather3A_1171 : vector<16xi32> to vector<32xbf16>
        %unpack3A_1176 = tpu.unpack_subelements %bitcast3A_1175, 0 {pack_format = #tpu.pack_format<interleaved>} : vector<32xbf16> -> vector<16xf32>
        %unpack3A_1177 = tpu.unpack_subelements %bitcast3A_1175, 1 {pack_format = #tpu.pack_format<interleaved>} : vector<32xbf16> -> vector<16xf32>
        %select_n3A_1178 = arith.select %eq3A_117, %unpack3A_1174, %unpack3A_1173 : vector<16xi1>, vector<16xf32>
        %select_n3A_1179 = arith.select %eq3A_123, %unpack3A_1177, %unpack3A_1176 : vector<16xi1>, vector<16xf32>
        %mul3A_1180 = arith.mulf %select_n3A_1178, %select_n3A_1179 : vector<16xf32>
        %add3A_1181 = arith.addf %add3A_1163, %mul3A_1180 : vector<16xf32>
        %add3A_1182 = arith.constant 59 : i32
        %add3A_1183 = vector.broadcast %add3A_1182 : i32 to vector<16xi32>
        %add3A_1184 = arith.addi %mul3A_107, %add3A_1183 : vector<16xi32>
        %gather3A_1185 = tpu.vector_load_idx %arg15[%add3A_98, %add3A_1184] : memref<64x128xi32, #tpu.memory_space<vmem>>[vector<16xi32>, vector<16xi32>], vector<16xi32>,
        %add3A_1186 = arith.constant 59 : i32
        %add3A_1187 = vector.broadcast %add3A_1186 : i32 to vector<16xi32>
        %add3A_1188 = arith.addi %mul3A_113, %add3A_1187 : vector<16xi32>
        %gather3A_1189 = tpu.vector_load_idx %arg16[%add3A_98, %add3A_1188] : memref<64x128xi32, #tpu.memory_space<vmem>>[vector<16xi32>, vector<16xi32>], vector<16xi32>,
        %bitcast3A_1190 = vector.bitcast %gather3A_1185 : vector<16xi32> to vector<32xbf16>
        %unpack3A_1191 = tpu.unpack_subelements %bitcast3A_1190, 0 {pack_format = #tpu.pack_format<interleaved>} : vector<32xbf16> -> vector<16xf32>
        %unpack3A_1192 = tpu.unpack_subelements %bitcast3A_1190, 1 {pack_format = #tpu.pack_format<interleaved>} : vector<32xbf16> -> vector<16xf32>
        %bitcast3A_1193 = vector.bitcast %gather3A_1189 : vector<16xi32> to vector<32xbf16>
        %unpack3A_1194 = tpu.unpack_subelements %bitcast3A_1193, 0 {pack_format = #tpu.pack_format<interleaved>} : vector<32xbf16> -> vector<16xf32>
        %unpack3A_1195 = tpu.unpack_subelements %bitcast3A_1193, 1 {pack_format = #tpu.pack_format<interleaved>} : vector<32xbf16> -> vector<16xf32>
        %select_n3A_1196 = arith.select %eq3A_117, %unpack3A_1192, %unpack3A_1191 : vector<16xi1>, vector<16xf32>
        %select_n3A_1197 = arith.select %eq3A_123, %unpack3A_1195, %unpack3A_1194 : vector<16xi1>, vector<16xf32>
        %mul3A_1198 = arith.mulf %select_n3A_1196, %select_n3A_1197 : vector<16xf32>
        %add3A_1199 = arith.addf %add3A_1181, %mul3A_1198 : vector<16xf32>
        %add3A_1200 = arith.constant 60 : i32
        %add3A_1201 = vector.broadcast %add3A_1200 : i32 to vector<16xi32>
        %add3A_1202 = arith.addi %mul3A_107, %add3A_1201 : vector<16xi32>
        %gather3A_1203 = tpu.vector_load_idx %arg15[%add3A_98, %add3A_1202] : memref<64x128xi32, #tpu.memory_space<vmem>>[vector<16xi32>, vector<16xi32>], vector<16xi32>,
        %add3A_1204 = arith.constant 60 : i32
        %add3A_1205 = vector.broadcast %add3A_1204 : i32 to vector<16xi32>
        %add3A_1206 = arith.addi %mul3A_113, %add3A_1205 : vector<16xi32>
        %gather3A_1207 = tpu.vector_load_idx %arg16[%add3A_98, %add3A_1206] : memref<64x128xi32, #tpu.memory_space<vmem>>[vector<16xi32>, vector<16xi32>], vector<16xi32>,
        %bitcast3A_1208 = vector.bitcast %gather3A_1203 : vector<16xi32> to vector<32xbf16>
        %unpack3A_1209 = tpu.unpack_subelements %bitcast3A_1208, 0 {pack_format = #tpu.pack_format<interleaved>} : vector<32xbf16> -> vector<16xf32>
        %unpack3A_1210 = tpu.unpack_subelements %bitcast3A_1208, 1 {pack_format = #tpu.pack_format<interleaved>} : vector<32xbf16> -> vector<16xf32>
        %bitcast3A_1211 = vector.bitcast %gather3A_1207 : vector<16xi32> to vector<32xbf16>
        %unpack3A_1212 = tpu.unpack_subelements %bitcast3A_1211, 0 {pack_format = #tpu.pack_format<interleaved>} : vector<32xbf16> -> vector<16xf32>
        %unpack3A_1213 = tpu.unpack_subelements %bitcast3A_1211, 1 {pack_format = #tpu.pack_format<interleaved>} : vector<32xbf16> -> vector<16xf32>
        %select_n3A_1214 = arith.select %eq3A_117, %unpack3A_1210, %unpack3A_1209 : vector<16xi1>, vector<16xf32>
        %select_n3A_1215 = arith.select %eq3A_123, %unpack3A_1213, %unpack3A_1212 : vector<16xi1>, vector<16xf32>
        %mul3A_1216 = arith.mulf %select_n3A_1214, %select_n3A_1215 : vector<16xf32>
        %add3A_1217 = arith.addf %add3A_1199, %mul3A_1216 : vector<16xf32>
        %add3A_1218 = arith.constant 61 : i32
        %add3A_1219 = vector.broadcast %add3A_1218 : i32 to vector<16xi32>
        %add3A_1220 = arith.addi %mul3A_107, %add3A_1219 : vector<16xi32>
        %gather3A_1221 = tpu.vector_load_idx %arg15[%add3A_98, %add3A_1220] : memref<64x128xi32, #tpu.memory_space<vmem>>[vector<16xi32>, vector<16xi32>], vector<16xi32>,
        %add3A_1222 = arith.constant 61 : i32
        %add3A_1223 = vector.broadcast %add3A_1222 : i32 to vector<16xi32>
        %add3A_1224 = arith.addi %mul3A_113, %add3A_1223 : vector<16xi32>
        %gather3A_1225 = tpu.vector_load_idx %arg16[%add3A_98, %add3A_1224] : memref<64x128xi32, #tpu.memory_space<vmem>>[vector<16xi32>, vector<16xi32>], vector<16xi32>,
        %bitcast3A_1226 = vector.bitcast %gather3A_1221 : vector<16xi32> to vector<32xbf16>
        %unpack3A_1227 = tpu.unpack_subelements %bitcast3A_1226, 0 {pack_format = #tpu.pack_format<interleaved>} : vector<32xbf16> -> vector<16xf32>
        %unpack3A_1228 = tpu.unpack_subelements %bitcast3A_1226, 1 {pack_format = #tpu.pack_format<interleaved>} : vector<32xbf16> -> vector<16xf32>
        %bitcast3A_1229 = vector.bitcast %gather3A_1225 : vector<16xi32> to vector<32xbf16>
        %unpack3A_1230 = tpu.unpack_subelements %bitcast3A_1229, 0 {pack_format = #tpu.pack_format<interleaved>} : vector<32xbf16> -> vector<16xf32>
        %unpack3A_1231 = tpu.unpack_subelements %bitcast3A_1229, 1 {pack_format = #tpu.pack_format<interleaved>} : vector<32xbf16> -> vector<16xf32>
        %select_n3A_1232 = arith.select %eq3A_117, %unpack3A_1228, %unpack3A_1227 : vector<16xi1>, vector<16xf32>
        %select_n3A_1233 = arith.select %eq3A_123, %unpack3A_1231, %unpack3A_1230 : vector<16xi1>, vector<16xf32>
        %mul3A_1234 = arith.mulf %select_n3A_1232, %select_n3A_1233 : vector<16xf32>
        %add3A_1235 = arith.addf %add3A_1217, %mul3A_1234 : vector<16xf32>
        %add3A_1236 = arith.constant 62 : i32
        %add3A_1237 = vector.broadcast %add3A_1236 : i32 to vector<16xi32>
        %add3A_1238 = arith.addi %mul3A_107, %add3A_1237 : vector<16xi32>
        %gather3A_1239 = tpu.vector_load_idx %arg15[%add3A_98, %add3A_1238] : memref<64x128xi32, #tpu.memory_space<vmem>>[vector<16xi32>, vector<16xi32>], vector<16xi32>,
        %add3A_1240 = arith.constant 62 : i32
        %add3A_1241 = vector.broadcast %add3A_1240 : i32 to vector<16xi32>
        %add3A_1242 = arith.addi %mul3A_113, %add3A_1241 : vector<16xi32>
        %gather3A_1243 = tpu.vector_load_idx %arg16[%add3A_98, %add3A_1242] : memref<64x128xi32, #tpu.memory_space<vmem>>[vector<16xi32>, vector<16xi32>], vector<16xi32>,
        %bitcast3A_1244 = vector.bitcast %gather3A_1239 : vector<16xi32> to vector<32xbf16>
        %unpack3A_1245 = tpu.unpack_subelements %bitcast3A_1244, 0 {pack_format = #tpu.pack_format<interleaved>} : vector<32xbf16> -> vector<16xf32>
        %unpack3A_1246 = tpu.unpack_subelements %bitcast3A_1244, 1 {pack_format = #tpu.pack_format<interleaved>} : vector<32xbf16> -> vector<16xf32>
        %bitcast3A_1247 = vector.bitcast %gather3A_1243 : vector<16xi32> to vector<32xbf16>
        %unpack3A_1248 = tpu.unpack_subelements %bitcast3A_1247, 0 {pack_format = #tpu.pack_format<interleaved>} : vector<32xbf16> -> vector<16xf32>
        %unpack3A_1249 = tpu.unpack_subelements %bitcast3A_1247, 1 {pack_format = #tpu.pack_format<interleaved>} : vector<32xbf16> -> vector<16xf32>
        %select_n3A_1250 = arith.select %eq3A_117, %unpack3A_1246, %unpack3A_1245 : vector<16xi1>, vector<16xf32>
        %select_n3A_1251 = arith.select %eq3A_123, %unpack3A_1249, %unpack3A_1248 : vector<16xi1>, vector<16xf32>
        %mul3A_1252 = arith.mulf %select_n3A_1250, %select_n3A_1251 : vector<16xf32>
        %add3A_1253 = arith.addf %add3A_1235, %mul3A_1252 : vector<16xf32>
        %add3A_1254 = arith.constant 63 : i32
        %add3A_1255 = vector.broadcast %add3A_1254 : i32 to vector<16xi32>
        %add3A_1256 = arith.addi %mul3A_107, %add3A_1255 : vector<16xi32>
        %gather3A_1257 = tpu.vector_load_idx %arg15[%add3A_98, %add3A_1256] : memref<64x128xi32, #tpu.memory_space<vmem>>[vector<16xi32>, vector<16xi32>], vector<16xi32>,
        %add3A_1258 = arith.constant 63 : i32
        %add3A_1259 = vector.broadcast %add3A_1258 : i32 to vector<16xi32>
        %add3A_1260 = arith.addi %mul3A_113, %add3A_1259 : vector<16xi32>
        %gather3A_1261 = tpu.vector_load_idx %arg16[%add3A_98, %add3A_1260] : memref<64x128xi32, #tpu.memory_space<vmem>>[vector<16xi32>, vector<16xi32>], vector<16xi32>,
        %bitcast3A_1262 = vector.bitcast %gather3A_1257 : vector<16xi32> to vector<32xbf16>
        %unpack3A_1263 = tpu.unpack_subelements %bitcast3A_1262, 0 {pack_format = #tpu.pack_format<interleaved>} : vector<32xbf16> -> vector<16xf32>
        %unpack3A_1264 = tpu.unpack_subelements %bitcast3A_1262, 1 {pack_format = #tpu.pack_format<interleaved>} : vector<32xbf16> -> vector<16xf32>
        %bitcast3A_1265 = vector.bitcast %gather3A_1261 : vector<16xi32> to vector<32xbf16>
        %unpack3A_1266 = tpu.unpack_subelements %bitcast3A_1265, 0 {pack_format = #tpu.pack_format<interleaved>} : vector<32xbf16> -> vector<16xf32>
        %unpack3A_1267 = tpu.unpack_subelements %bitcast3A_1265, 1 {pack_format = #tpu.pack_format<interleaved>} : vector<32xbf16> -> vector<16xf32>
        %select_n3A_1268 = arith.select %eq3A_117, %unpack3A_1264, %unpack3A_1263 : vector<16xi1>, vector<16xf32>
        %select_n3A_1269 = arith.select %eq3A_123, %unpack3A_1267, %unpack3A_1266 : vector<16xi1>, vector<16xf32>
        %mul3A_1270 = arith.mulf %select_n3A_1268, %select_n3A_1269 : vector<16xf32>
        %add3A_1271 = arith.addf %add3A_1253, %mul3A_1270 : vector<16xf32>
        %swap3A = arith.index_cast %add3A_90 : i32 to index
        %swap3A_1272 = tpu.vector_load %arg19[%swap3A] {strides = array<i32>} : memref<512xf32, #tpu.memory_space<vmem>>, vector<16xf32>,
        tpu.vector_store %arg19[%swap3A], %add3A_1271 {strides = array<i32>} : memref<512xf32, #tpu.memory_space<vmem>>, vector<16xf32>,
      }
      %scan3A_84 = arith.constant 4 : i32
    }
    %scan3A_29 = arith.constant 4 : i32
    "tpu.region"() ({
      %run_scoped3A = tpu.sem_alloc : memref<!tpu.dma_semaphore, #tpu.memory_space<semaphore_mem>>
      %dma_start3A_30 = tpu.memref_slice %arg8[%mul3A_2] : memref<16384xf32, #tpu.memory_space<hbm>> -> memref<512xf32, #tpu.memory_space<hbm>>
      %dma_start3A_31 = tpu.memref_slice %arg8[%mul3A_2] : memref<16384xf32, #tpu.memory_space<hbm>> -> memref<512xf32, #tpu.memory_space<hbm>>
      tpu.enqueue_dma source(%arg19 : memref<512xf32, #tpu.memory_space<vmem>>) target(%dma_start3A_31 : memref<512xf32, #tpu.memory_space<hbm>>) target_semaphore(%run_scoped3A : memref<!tpu.dma_semaphore, #tpu.memory_space<semaphore_mem>>)
      %dma_wait3A_32 = tpu.memref_slice %arg8[%mul3A_2] : memref<16384xf32, #tpu.memory_space<hbm>> -> memref<512xf32, #tpu.memory_space<hbm>>
      %dma_wait3A_33 = tpu.memref_slice %arg8[%mul3A_2] : memref<16384xf32, #tpu.memory_space<hbm>> -> memref<512xf32, #tpu.memory_space<hbm>>
      tpu.wait_dma2 semaphore(%run_scoped3A : memref<!tpu.dma_semaphore, #tpu.memory_space<semaphore_mem>>) src(%arg19 : memref<512xf32, #tpu.memory_space<vmem>>) dst(%dma_wait3A_33 : memref<512xf32, #tpu.memory_space<hbm>>)
      tpu.yield
    }) : () -> ()
    return
  }
}

module attributes {stable_mosaic.version = 14 : i64} {
  func.func @_bias_body(%arg0: i32, %arg1: memref<1x65536xf32, #tpu.memory_space<vmem>>, %arg2: memref<65536xf32, #tpu.memory_space<vmem>>) attributes {dimension_semantics = [#tpu.dimension_semantics<arbitrary>], iteration_bounds = array<i64: 16>, scalar_prefetch = 0 : i64, scratch_operands = 0 : i64, tpu.core_type = #tpu.core_type<tc>, window_params = [{transform_indices = @transform_0, window_bounds = array<i64: 1, 65536>}, {transform_indices = @transform_1, window_bounds = array<i64: 65536>}]} {
    %get3A = arith.constant 0 : index
    %get3A_0 = arith.constant 0 : index
    %get3A_1 = vector.load %arg1[%get3A, %get3A_0] : memref<1x65536xf32, #tpu.memory_space<vmem>>, vector<1x65536xf32>
    %reshape3A = vector.shape_cast %get3A_1 : vector<1x65536xf32> to vector<65536xf32>
    %swap3A = arith.constant 0 : index
    %swap3A_2 = vector.load %arg2[%swap3A] : memref<65536xf32, #tpu.memory_space<vmem>>, vector<65536xf32>
    tpu.vector_store %arg2[%swap3A], %reshape3A {strides = array<i32>} : memref<65536xf32, #tpu.memory_space<vmem>>, vector<65536xf32>,
    return
  }
  func.func @transform_0(%arg0: i32) -> (i32, i32) {
    %c0_i32 = arith.constant 0 : i32
    %c0_i32_0 = arith.constant 0 : i32
    return %c0_i32, %arg0 : i32, i32
  }
  func.func @transform_1(%arg0: i32) -> i32 {
    %c0_i32 = arith.constant 0 : i32
    return %arg0 : i32
  }
}

module attributes {stable_mosaic.version = 14 : i64} {
  func.func @_padt_body(%arg0: i32, %arg1: memref<64x16384xf32, #tpu.memory_space<vmem>>, %arg2: memref<64x16384xf32, #tpu.memory_space<vmem>>, %arg3: memref<8192x128xi32, #tpu.memory_space<vmem>>) attributes {dimension_semantics = [#tpu.dimension_semantics<arbitrary>], iteration_bounds = array<i64: 4>, scalar_prefetch = 0 : i64, scratch_operands = 0 : i64, tpu.core_type = #tpu.core_type<tc>, window_params = [{transform_indices = @transform_0, window_bounds = array<i64: 64, 16384>}, {transform_indices = @transform_1, window_bounds = array<i64: 64, 16384>}, {transform_indices = @transform_2, window_bounds = array<i64: 8192, 128>}]} {
    %iota3A = tpu.iota {dimensions = array<i32: 0>} : vector<64x64xi32>
    %iota3A_0 = tpu.iota {dimensions = array<i32: 1>} : vector<64x64xi32>
    %add3A = arith.constant 0 : i32
    %add3A_1 = vector.broadcast %add3A : i32 to vector<64x64xi32>
    %add3A_2 = arith.addi %iota3A, %add3A_1 : vector<64x64xi32>
    %eq3A = arith.cmpi eq, %add3A_2, %iota3A_0 : vector<64x64xi32>
    %convert_element_type3A = arith.extui %eq3A : vector<64x64xi1> to vector<64x64xi32>
    %convert_element_type3A_3 = arith.sitofp %convert_element_type3A : vector<64x64xi32> to vector<64x64xf32>
    %convert_element_type3A_4 = arith.truncf %convert_element_type3A_3 : vector<64x64xf32> to vector<64x64xbf16>
    %get3A = arith.constant 0 : index
    %get3A_5 = arith.constant 0 : index
    %get3A_6 = vector.load %arg1[%get3A, %get3A_5] : memref<64x16384xf32, #tpu.memory_space<vmem>>, vector<64x16384xf32>
    %convert_element_type3A_7 = arith.truncf %get3A_6 : vector<64x16384xf32> to vector<64x16384xbf16>
    %dot_general3A = arith.constant dense<0.000000e+00> : vector<16384x64xf32>
    %dot_general3A_8 = tpu.matmul %convert_element_type3A_7, %convert_element_type3A_4, %dot_general3A {dimension_numbers = #tpu.dot_dimension_numbers<[0], [0], [1], [1], [0, 1, 1, 1], [], []>, transpose_lhs_hint = false} : vector<64x16384xbf16>, vector<64x64xbf16>, vector<16384x64xf32> -> vector<16384x64xf32>
    %convert_element_type3A_9 = arith.truncf %dot_general3A_8 : vector<16384x64xf32> to vector<16384x64xbf16>
    %bitcast3A = tpu.bitcast %convert_element_type3A_9 : vector<16384x64xbf16> -> vector<8192x64xi32>
    %swap3A = arith.constant 0 : index
    %swap3A_10 = arith.constant 0 : index
    %swap3A_11 = vector.load %arg3[%swap3A, %swap3A_10] : memref<8192x128xi32, #tpu.memory_space<vmem>>, vector<8192x64xi32>
    tpu.vector_store %arg3[%swap3A, %swap3A_10], %bitcast3A {strides = array<i32>} : memref<8192x128xi32, #tpu.memory_space<vmem>>, vector<8192x64xi32>,
    %get3A_12 = arith.constant 0 : index
    %get3A_13 = arith.constant 0 : index
    %get3A_14 = vector.load %arg2[%get3A_12, %get3A_13] : memref<64x16384xf32, #tpu.memory_space<vmem>>, vector<64x16384xf32>
    %convert_element_type3A_15 = arith.truncf %get3A_14 : vector<64x16384xf32> to vector<64x16384xbf16>
    %dot_general3A_16 = arith.constant dense<0.000000e+00> : vector<16384x64xf32>
    %dot_general3A_17 = tpu.matmul %convert_element_type3A_15, %convert_element_type3A_4, %dot_general3A_16 {dimension_numbers = #tpu.dot_dimension_numbers<[0], [0], [1], [1], [0, 1, 1, 1], [], []>, transpose_lhs_hint = false} : vector<64x16384xbf16>, vector<64x64xbf16>, vector<16384x64xf32> -> vector<16384x64xf32>
    %convert_element_type3A_18 = arith.truncf %dot_general3A_17 : vector<16384x64xf32> to vector<16384x64xbf16>
    %bitcast3A_19 = tpu.bitcast %convert_element_type3A_18 : vector<16384x64xbf16> -> vector<8192x64xi32>
    %swap3A_20 = arith.constant 0 : index
    %swap3A_21 = arith.constant 64 : index
    %swap3A_22 = vector.load %arg3[%swap3A_20, %swap3A_21] : memref<8192x128xi32, #tpu.memory_space<vmem>>, vector<8192x64xi32>
    tpu.vector_store %arg3[%swap3A_20, %swap3A_21], %bitcast3A_19 {strides = array<i32>} : memref<8192x128xi32, #tpu.memory_space<vmem>>, vector<8192x64xi32>,
    return
  }
  func.func @transform_0(%arg0: i32) -> (i32, i32) {
    %c0_i32 = arith.constant 0 : i32
    %c0_i32_0 = arith.constant 0 : i32
    return %c0_i32, %arg0 : i32, i32
  }
  func.func @transform_1(%arg0: i32) -> (i32, i32) {
    %add3A = arith.constant 4 : i32
    %add3A_0 = arith.addi %arg0, %add3A : i32
    %min3A = arith.constant 6 : i32
    %min3A_1 = arith.minsi %add3A_0, %min3A : i32
    %c0_i32 = arith.constant 0 : i32
    %c0_i32_2 = arith.constant 0 : i32
    return %c0_i32, %min3A_1 : i32, i32
  }
  func.func @transform_2(%arg0: i32) -> (i32, i32) {
    %c0_i32 = arith.constant 0 : i32
    %c0_i32_0 = arith.constant 0 : i32
    return %arg0, %c0_i32 : i32, i32
  }
}

module attributes {stable_mosaic.version = 14 : i64} {
  func.func @_bias_body(%arg0: i32, %arg1: memref<1x65536xf32, #tpu.memory_space<vmem>>, %arg2: memref<65536xf32, #tpu.memory_space<vmem>>) attributes {dimension_semantics = [#tpu.dimension_semantics<arbitrary>], iteration_bounds = array<i64: 2>, scalar_prefetch = 0 : i64, scratch_operands = 0 : i64, tpu.core_type = #tpu.core_type<tc>, window_params = [{transform_indices = @transform_0, window_bounds = array<i64: 1, 65536>}, {transform_indices = @transform_1, window_bounds = array<i64: 65536>}]} {
    %get3A = arith.constant 0 : index
    %get3A_0 = arith.constant 0 : index
    %get3A_1 = vector.load %arg1[%get3A, %get3A_0] : memref<1x65536xf32, #tpu.memory_space<vmem>>, vector<1x65536xf32>
    %reshape3A = vector.shape_cast %get3A_1 : vector<1x65536xf32> to vector<65536xf32>
    %swap3A = arith.constant 0 : index
    %swap3A_2 = vector.load %arg2[%swap3A] : memref<65536xf32, #tpu.memory_space<vmem>>, vector<65536xf32>
    tpu.vector_store %arg2[%swap3A], %reshape3A {strides = array<i32>} : memref<65536xf32, #tpu.memory_space<vmem>>, vector<65536xf32>,
    return
  }
  func.func @transform_0(%arg0: i32) -> (i32, i32) {
    %c0_i32 = arith.constant 0 : i32
    %c0_i32_0 = arith.constant 0 : i32
    return %c0_i32, %arg0 : i32, i32
  }
  func.func @transform_1(%arg0: i32) -> i32 {
    %c0_i32 = arith.constant 0 : i32
    return %arg0 : i32
  }
}

module attributes {stable_mosaic.version = 14 : i64} {
  func.func @_padt_body(%arg0: i32, %arg1: memref<64x16384xf32, #tpu.memory_space<vmem>>, %arg2: memref<64x16384xf32, #tpu.memory_space<vmem>>, %arg3: memref<8192x128xi32, #tpu.memory_space<vmem>>) attributes {dimension_semantics = [#tpu.dimension_semantics<arbitrary>], iteration_bounds = array<i64: 32>, scalar_prefetch = 0 : i64, scratch_operands = 0 : i64, tpu.core_type = #tpu.core_type<tc>, window_params = [{transform_indices = @transform_0, window_bounds = array<i64: 64, 16384>}, {transform_indices = @transform_1, window_bounds = array<i64: 64, 16384>}, {transform_indices = @transform_2, window_bounds = array<i64: 8192, 128>}]} {
    %iota3A = tpu.iota {dimensions = array<i32: 0>} : vector<64x64xi32>
    %iota3A_0 = tpu.iota {dimensions = array<i32: 1>} : vector<64x64xi32>
    %add3A = arith.constant 0 : i32
    %add3A_1 = vector.broadcast %add3A : i32 to vector<64x64xi32>
    %add3A_2 = arith.addi %iota3A, %add3A_1 : vector<64x64xi32>
    %eq3A = arith.cmpi eq, %add3A_2, %iota3A_0 : vector<64x64xi32>
    %convert_element_type3A = arith.extui %eq3A : vector<64x64xi1> to vector<64x64xi32>
    %convert_element_type3A_3 = arith.sitofp %convert_element_type3A : vector<64x64xi32> to vector<64x64xf32>
    %convert_element_type3A_4 = arith.truncf %convert_element_type3A_3 : vector<64x64xf32> to vector<64x64xbf16>
    %get3A = arith.constant 0 : index
    %get3A_5 = arith.constant 0 : index
    %get3A_6 = vector.load %arg1[%get3A, %get3A_5] : memref<64x16384xf32, #tpu.memory_space<vmem>>, vector<64x16384xf32>
    %convert_element_type3A_7 = arith.truncf %get3A_6 : vector<64x16384xf32> to vector<64x16384xbf16>
    %dot_general3A = arith.constant dense<0.000000e+00> : vector<16384x64xf32>
    %dot_general3A_8 = tpu.matmul %convert_element_type3A_7, %convert_element_type3A_4, %dot_general3A {dimension_numbers = #tpu.dot_dimension_numbers<[0], [0], [1], [1], [0, 1, 1, 1], [], []>, transpose_lhs_hint = false} : vector<64x16384xbf16>, vector<64x64xbf16>, vector<16384x64xf32> -> vector<16384x64xf32>
    %convert_element_type3A_9 = arith.truncf %dot_general3A_8 : vector<16384x64xf32> to vector<16384x64xbf16>
    %bitcast3A = tpu.bitcast %convert_element_type3A_9 : vector<16384x64xbf16> -> vector<8192x64xi32>
    %swap3A = arith.constant 0 : index
    %swap3A_10 = arith.constant 0 : index
    %swap3A_11 = vector.load %arg3[%swap3A, %swap3A_10] : memref<8192x128xi32, #tpu.memory_space<vmem>>, vector<8192x64xi32>
    tpu.vector_store %arg3[%swap3A, %swap3A_10], %bitcast3A {strides = array<i32>} : memref<8192x128xi32, #tpu.memory_space<vmem>>, vector<8192x64xi32>,
    %get3A_12 = arith.constant 0 : index
    %get3A_13 = arith.constant 0 : index
    %get3A_14 = vector.load %arg2[%get3A_12, %get3A_13] : memref<64x16384xf32, #tpu.memory_space<vmem>>, vector<64x16384xf32>
    %convert_element_type3A_15 = arith.truncf %get3A_14 : vector<64x16384xf32> to vector<64x16384xbf16>
    %dot_general3A_16 = arith.constant dense<0.000000e+00> : vector<16384x64xf32>
    %dot_general3A_17 = tpu.matmul %convert_element_type3A_15, %convert_element_type3A_4, %dot_general3A_16 {dimension_numbers = #tpu.dot_dimension_numbers<[0], [0], [1], [1], [0, 1, 1, 1], [], []>, transpose_lhs_hint = false} : vector<64x16384xbf16>, vector<64x64xbf16>, vector<16384x64xf32> -> vector<16384x64xf32>
    %convert_element_type3A_18 = arith.truncf %dot_general3A_17 : vector<16384x64xf32> to vector<16384x64xbf16>
    %bitcast3A_19 = tpu.bitcast %convert_element_type3A_18 : vector<16384x64xbf16> -> vector<8192x64xi32>
    %swap3A_20 = arith.constant 0 : index
    %swap3A_21 = arith.constant 64 : index
    %swap3A_22 = vector.load %arg3[%swap3A_20, %swap3A_21] : memref<8192x128xi32, #tpu.memory_space<vmem>>, vector<8192x64xi32>
    tpu.vector_store %arg3[%swap3A_20, %swap3A_21], %bitcast3A_19 {strides = array<i32>} : memref<8192x128xi32, #tpu.memory_space<vmem>>, vector<8192x64xi32>,
    return
  }
  func.func @transform_0(%arg0: i32) -> (i32, i32) {
    %c0_i32 = arith.constant 0 : i32
    %c0_i32_0 = arith.constant 0 : i32
    return %c0_i32, %arg0 : i32, i32
  }
  func.func @transform_1(%arg0: i32) -> (i32, i32) {
    %add3A = arith.constant 32 : i32
    %add3A_0 = arith.addi %arg0, %add3A : i32
    %min3A = arith.constant 61 : i32
    %min3A_1 = arith.minsi %add3A_0, %min3A : i32
    %c0_i32 = arith.constant 0 : i32
    %c0_i32_2 = arith.constant 0 : i32
    return %c0_i32, %min3A_1 : i32, i32
  }
  func.func @transform_2(%arg0: i32) -> (i32, i32) {
    %c0_i32 = arith.constant 0 : i32
    %c0_i32_0 = arith.constant 0 : i32
    return %arg0, %c0_i32 : i32, i32
  }
}

</mosaic_0001>

<sc_bundles>
// kernel: _mf.7.cloned.1.call-start
scs
__scs_entry_jumppad:
0x0: {  	(pc) =	sbr.rel $0x88, $3  }
0x1: {  	(tag) =	ssettag $0x0;
	lr =	simm.s32 $0x1  }
0x2: {  	[smem:$0x3F9B] =	sst lr;
	_ =	strace $0xD0000000  }
0x3: {  	_ = 	snop  }
0x4: {  	_ = 	snop  }
0x5: {  	_ = 	snop  }
0x6: {  	_ = 	snop  }
0x7: {  	_ = 	snop  }
__scs_overlays_trampoline_lowered:
0x8: {  	[smem:$0x3FAA] =	sst s0  }
0x9: {  	[smem:$0x3FAB] =	sst s1  }
0xa: {  	[smem:$0x3FAC] =	sst s2  }
0xb: {  	[smem:$0x3FAD] =	sst s3  }
0xc: {  	[smem:$0x3FAE] =	sst s4  }
0xd: {  	[smem:$0x3FAF] =	sst s5  }
0xe: {  	[smem:$0x3FB0] =	sst s6  }
0xf: {  	[smem:$0x3FB1] =	sst s7  }
0x10: {  	[smem:$0x3FB2] =	sst s8  }
0x11: {  	[smem:$0x3FB3] =	sst s9;
	s0 =	simm.s32 @!p0 $0x0  }
0x12: {  	s1 =	sld [smem:$0x3F99];
	s0 =	simm.s32 @p0 $0x1  }
0x13: {  	[smem:$0x3FB4] =	sst s0;
	s0 =	simm.s32 @!p1 $0x0  }
0x14: {  	s2 =	sld [smem:$0x3F98];
	s0 =	simm.s32 @p1 $0x1  }
0x15: {  	[smem:$0x3FB5] =	sst s0;
	s0 =	simm.s32 @!p2 $0x0  }
0x16: {  	s3 =	sld [smem:$0x3FDB];
	s0 =	simm.s32 @p2 $0x1  }
0x17: {  	s4 =	simm.s32 $0x1BF5;
	[smem:$0x3FB7] =	sst s0  }
0x18: {  	s0 =	sld [smem:$0x3F9A];
	_ =	swait.ge [sflag:s4], $0x0  }
0x19: {  	s7 =	sld [smem:$0x3F9B]  }
0x1a: {  	s8 =	sadd.s32 $0xFFFFE003, lr  }
0x1b: {  	s9 =	sadd.s32 $0xFFFFFEF7, lr;
	s5 =	simm.s32 $0xFFFFFFFF;
	p2 =	slt.u32 s8, $0xFFFFF086  }
0x1c: {  	p1 =	slt.u32 s9, $0xF7A;
	s5 =	simm.s32 @!p2 $0x0  }
0x1d: {  	s5 =	simm.s32 @p1 $0x1;
	p0 =	seq.s32 s7, s2  }
0x1e: {  	s7 =	smul.u32 @!p0 $0xF7A, s2;
	p2 =	seq.s32 @!p0 s5, $0x0  }
0x1f: {  	s9 =	smul.u32 $0xF7A, s1;
	s8 =	simm.s32 @!p0 $0x1BF5;
	p2 =	por !p2, p0  }
0x20: {  	[sflag:s8] =	ssyncset.s32 @!p0 $0xFFFFF086;
	s6 =	sadd.s32 @!p0 s3, s7;
	s7 =	simm.s32 @!p0 $0x108  }
0x21: {  	s3 =	sadd.s32 s3, s9;
	s6 =	sadd.s32 @!p0 $0x88, s6;
	s7 =	simm.s32 @p2 $0x1082  }
0x22: {  	[simem:s7], [sflag:s8] =	dma.local @!p0 [hbm:s6], $0xF7A  }
0x23: {  	s9 =	sor.u32 $0xD0000000, s2;
	s6 =	simm.s32 $0x108;
	_ =	swait.ge @!p0 [sflag:s8], $0x0  }
0x24: {  	s3 =	sadd.s32 $0x88, s3;
	s6 =	simm.s32 @!p1 $0x1082;
	[sflag:s4] =	ssyncset.s32 $0xFFFFF086  }
0x25: {  	[simem:s6], [sflag:s4] =	dma.local [hbm:s3], $0xF7A  }
0x26: {  	[smem:$0x3F9B] =	sst s1;
	(tag) =	ssettag s2;
	_ =	strace s9  }
0x27: {  	s1 =	sld [smem:$0x3FAB]  }
0x28: {  	s2 =	sld [smem:$0x3FAC]  }
0x29: {  	s4 =	sld [smem:$0x3FAE]  }
0x2a: {  	p0 =	seq.s32 s5, $0x0;
	s5 =	sld [smem:$0x3FAF]  }
0x2b: {  	s6 =	sld [smem:$0x3FB0]  }
0x2c: {  	s7 =	sld [smem:$0x3FB1]  }
0x2d: {  	s3 =	simm.s32 $0x108;
	s8 =	sld [smem:$0x3FB2]  }
0x2e: {  	s3 =	simm.s32 @!p0 $0x1082;
	s9 =	sld [smem:$0x3FB3]  }
0x2f: {  	lr =	sadd.s32 s0, s3;
	s0 =	sld [smem:$0x3FAA]  }
0x30: {  	s3 =	sld [smem:$0x3FAD]  }
0x31: {  	[smem:$0x3FB6] =	sst s10  }
0x32: {  	s10 =	sld [smem:$0x3FB4];
	_ =	sdelay $0x3  }
0x33: {  	p0 =	seq.s32 s10, $0x1;
	s10 =	sld [smem:$0x3FB6];
	_ =	sdelay $0x3  }
0x34: {  	[smem:$0x3FB6] =	sst s10  }
0x35: {  	s10 =	sld [smem:$0x3FB5];
	_ =	sdelay $0x3  }
0x36: {  	p1 =	seq.s32 s10, $0x1;
	s10 =	sld [smem:$0x3FB6];
	_ =	sdelay $0x3  }
0x37: {  	[smem:$0x3FB6] =	sst s10  }
0x38: {  	s10 =	sld [smem:$0x3FB7]  }
0x39: {  	_ = 	snop;
	(pc) =	sbr.ind lr, $3  }
0x3a: {  	_ = 	snop  }
0x3b: {  	_ = 	snop  }
0x3c: {  	p2 =	seq.s32 s10, $0x1;
	s10 =	sld [smem:$0x3FB6]  }
0x3d: {  	_ =	shalt  }
0x3e: {  	_ =	shalt  }
0x3f: {  	_ =	shalt  }
0x40: {  	_ =	shalt  }
0x41: {  	_ =	shalt  }
0x42: {  	_ =	shalt  }
0x43: {  	_ =	shalt  }
0x44: {  	_ =	shalt  }
0x45: {  	_ =	shalt  }
0x46: {  	_ =	shalt  }
0x47: {  	_ =	shalt  }
0x48: {  	_ =	shalt  }
0x49: {  	_ =	shalt  }
0x4a: {  	_ =	shalt  }
0x4b: {  	_ =	shalt  }
0x4c: {  	_ =	shalt  }
0x4d: {  	_ =	shalt  }
0x4e: {  	_ =	shalt  }
0x4f: {  	_ =	shalt  }
0x50: {  	_ =	shalt  }
0x51: {  	_ =	shalt  }
0x52: {  	_ =	shalt  }
0x53: {  	_ =	shalt  }
0x54: {  	_ =	shalt  }
0x55: {  	_ =	shalt  }
0x56: {  	_ =	shalt  }
0x57: {  	_ =	shalt  }
0x58: {  	_ =	shalt  }
0x59: {  	_ =	shalt  }
0x5a: {  	_ =	shalt  }
0x5b: {  	_ =	shalt  }
0x5c: {  	_ =	shalt  }
0x5d: {  	_ =	shalt  }
0x5e: {  	_ =	shalt  }
0x5f: {  	_ =	shalt  }
0x60: {  	_ =	shalt  }
0x61: {  	_ =	shalt  }
0x62: {  	_ =	shalt  }
0x63: {  	_ =	shalt  }
0x64: {  	_ =	shalt  }
0x65: {  	_ =	shalt  }
0x66: {  	_ =	shalt  }
0x67: {  	_ =	shalt  }
0x68: {  	_ =	shalt  }
0x69: {  	_ =	shalt  }
0x6a: {  	_ =	shalt  }
0x6b: {  	_ =	shalt  }
0x6c: {  	_ =	shalt  }
0x6d: {  	_ =	shalt  }
0x6e: {  	_ =	shalt  }
0x6f: {  	_ =	shalt  }
0x70: {  	_ =	shalt  }
0x71: {  	_ =	shalt  }
0x72: {  	_ =	shalt  }
0x73: {  	_ =	shalt  }
0x74: {  	_ =	shalt  }
0x75: {  	_ =	shalt  }
0x76: {  	_ =	shalt  }
0x77: {  	_ =	shalt  }
0x78: {  	_ =	shalt  }
0x79: {  	_ =	shalt  }
0x7a: {  	_ =	shalt  }
0x7b: {  	_ =	shalt  }
0x7c: {  	_ =	shalt  }
0x7d: {  	_ =	shalt  }
0x7e: {  	_ =	shalt  }
0x7f: {  	_ =	shalt  }
0x80: {  	_ =	shalt  }
0x81: {  	_ =	shalt  }
0x82: {  	_ =	shalt  }
0x83: {  	_ =	shalt  }
0x84: {  	_ =	shalt  }
0x85: {  	_ =	shalt  }
0x86: {  	_ =	shalt  }
0x87: {  	_ =	shalt  }
.Lfunc_end0:
.L_simem_size_0:
called_computation_lowered:
.L_overlay_start_0:
0x88: {  	s2 =	sld [smem:$0x3FD9]  }
0x89: {  	s3 =	sld [smem:$0x3FFE];
	_ =	sdelay $0x1  }
0x8a: {  	s1 =	srdreg.scid  }
0x8b: {  	s0 =	sand.u32 $0x1, s1  }
0x8c: {  	s17 =	sshll.u32 s0, $0xA;
	s2 =	sadd.s32 s3, s2  }
0x8d: {  	s2 =	sadd.s32 s2, s17  }
0x8e: {  	[smem:$0x3FC2] =	sst s2  }
0x8f: {  	_ = 	snop  }
0x90: {  	s2 =	sld [smem:$0x3FC9]  }
0x91: {  	s18 =	sld [smem:$0x3FC8]  }
0x92: {  	s4 =	sld [smem:$0x3FD0];
	(tm) =	ssettm $0x1  }
0x93: {  	s5 =	sld [smem:$0x3FFB];
	_ =	sdelay $0x3  }
0x94: {  	_ =	strace s5  }
0x95: {  	s5 =	sld [smem:$0x3FFC];
	_ =	sdelay $0x3  }
0x96: {  	_ =	strace s5  }
0x97: {  	s5 =	sld [smem:$0x3FFD];
	_ =	sdelay $0x3  }
0x98: {  	_ =	strace s5  }
0x99: {  	_ =	strace $0x8FFFFFFF  }
0x9a: {  	s19 =	sld [smem:$0x3FDB];
	_ =	sdelay $0x1  }
0x9b: {  	s6 =	simm.s32 $_scs_section_size  }
0x9c: {  	s7 =	simm.s32 $_size__tile_overlayer_lowered;
	s8 =	simm.s32 $_tile_overlayer_lowered  }
0x9d: {  	s22 =	simm.s32 $0x1BFF;
	s21 =	sshll.u32 s8, $0x1;
	s5 =	sadd.s32 s6, s19  }
0x9e: {  	s9 =	simm.s32 $0x0;
	s20 =	sshll.u32 s7, $0x1;
	s7 =	sadd.s32 s21, s5  }
0x9f: {  	[timem:s9], [sflag:s22] =	dma.local [hbm:s7], s20  }
0xa0: {  	_ =	swait.ge [sflag:s22], s20  }
0xa1: {  	s6 =	ssub.s32 $0x0, s20;
	[sflag:s22] =	ssyncset.done $0x0  }
0xa2: {  	[sflag:s22] =	ssyncadd.s32 s6;
	_ =	sdelay $0x1  }
0xa3: {  	s23 =	simm.s32 $0x1B8B  }
0xa4: {  	_ =	swait.ge [sflag:s23], $0x1  }
0xa5: {  	[sflag:s23] =	ssyncset.done $0x0  }
0xa6: {  	s25 =	simm.s32 $0x1B8E;
	s24 =	sld [smem:$0x3FFE];
	[sflag:s23] =	ssyncadd.s32 $0xFFFFFFFF  }
0xa7: {  	s26 =	simm.s32 $execute0_lowered;
	[smem:$0x3FD2] =	sst s25  }
0xa8: {  	s7 =	sshll.u32 s26, $0x1;
	_ =	strace $0x80000046;
	[dreg:$0x1] =	wrdreg $0xFFFFFFFF  }
0xa9: {  	s28 =	simm.s32 $_size_execute0_lowered;
	s5 =	sadd.s32 s5, s7;
	[dreg:$0x0] =	wrdreg $0x0  }
0xaa: {  	s7 =	sshll.u32 s28, $0x1;
	[dreg:$0x2] =	wrdreg s5  }
0xab: {  	[dreg:$0x3] =	wrdreg s7  }
0xac: {  	[dreg:$0x4] =	wrdreg $0xC0  }
0xad: {  	_ =	task [dreg:s9], $0x5FFFF  }
0xae: {  	[dreg:$0x1] =	wrdreg $0xFFFFFFFF  }
0xaf: {  	[dreg:$0x0] =	wrdreg $0x60  }
0xb0: {  	[dreg:$0x2] =	wrdreg s2  }
0xb1: {  	[dreg:$0x3] =	wrdreg s18  }
0xb2: {  	[dreg:$0x4] =	wrdreg s24  }
0xb3: {  	[dreg:$0x5] =	wrdreg s4  }
0xb4: {  	[dreg:$0x6] =	wrdreg $0x9  }
0xb5: {  	_ =	task.clear_ibuf [dreg:s9], $0x7FFFF;
	_ =	strace $0x90000046  }
0xb6: {  	s29 =	simm.s32 $0x9;
	_ =	strace $0x80000048  }
0xb7: {  	_ =	swait.ge [sflag:s29], $0x1  }
0xb8: {  	[sflag:s29] =	ssyncadd.s32 $0xFFFFFFFF  }
0xb9: {  	_ =	strace $0x90000048  }
0xba: {  	_ =	sfence  }
0xbb: {  	s30 =	sld [smem:$0x0];
	_ =	sdelay $0x2  }
0xbc: {  	s31 =	sshll.u32 s1, $0xD;
	s1 =	sshrl.u32 s1, $0x2  }
0xbd: {  	s3 =	sand.u32 $0x4000, s31;
	s1 =	sadd.s32 s1, s30  }
0xbe: {  	s0 =	sor.u32 s3, s0;
	s1 =	sshll.u32 s1, $0x11  }
0xbf: {  	s0 =	sor.u32 s1, s0  }
0xc0: {  	s0 =	sadd.s32 $0x8F2B, s0  }
0xc1: {  	[sflag:s0] =	ssyncadd.remote.s32 $0x1  }
0xc2: {  	_ =	sfence.sel $0xFFFF  }
0xc3: {  	[dreg:$0x0] =	wrdreg $0xFFFFFFFF;
	(pc) =	sbr.abs _section_cstart, $3  }
0xc4: {  	[dreg:$0x1] =	wrdreg $0xFFFFFFFF  }
0xc5: {  	_ =	task.clear_ibuf [dreg:s9], $0x2FFFF;
	_ =	strace $0x9FFFFFFF  }
0xc6: {  	(tm) =	ssettm $0x7FFFFFFF  }
0xc7: {  	_ =	shalt  }
tec
execute0_lowered:
.L_overlay_start_1:
0x0: {  	(tag) =	ssettag $0x1  }
0x1: {  	s0 =	rddreg [dreg:$0x0]  }
0x2: {  	s2 =	rddreg [dreg:$0x1]  }
0x3: {  	s5 =	rddreg [dreg:$0x2]  }
0x4: {  	s6 =	rddreg [dreg:$0x3]  }
0x5: {  	s1 =	simm.s32 $0x0;
	s7 =	srdreg.scid;
	s9 =	stileid.u32  }
0x6: {  	s11 =	simm.s32 $0x4;
	s16 =	simm.s32 $0x800;
	s18 =	simm.s32 $0x2800  }
0x7: {  	s19 =	simm.s32 $0x3;
	s20 =	simm.s32 $0x40;
	s21 =	simm.s32 $0x4800  }
0x8: {  	[smem:$0x7FF] =	sst s1;
	s3 =	sadd.s32 $0xA2800, s5;
	s4 =	sadd.s32 $0x22800, s5  }
0x9: {  	s8 =	sadd.s32 $0x3E00, s5;
	s7 =	sand.u32 $0x1, s7;
	s9 =	sshll.u32 s9, $0x7  }
0xa: {  	s5 =	sadd.s32 $0xC00, s5;
	s26 =	ssub.s32 $0x2, s7;
	s7 =	sshll.u32 s7, $0x6  }
0xb: {  	_ =	strace $0x80000047;
	[dreg:$0x5] =	wrdreg s8;
	s7 =	sor.u32 s7, s9  }
0xc: {  	s22 =	simm.s32 $0x6800;
	[dreg:$0x6] =	wrdreg s5;
	s0 =	sadd.s32 s0, s7  }
0xd: {  	s28 =	sshrl.u32 s26, $0x1;
	s29 =	sadd.s32 s2, s7;
	[dreg:$0x7] =	wrdreg s0  }
0xe: {  	s5 =	ssub.s32 s26, s28;
	s30 =	sadd.s32 s6, s7;
	[dreg:$0x8] =	wrdreg s29  }
0xf: {  	s23 =	simm.s32 $0x1;
	v0 =	vlaneseq.u32;
	[dreg:$0x9] =	wrdreg s30;
	s31 =	smax.u32 s5, $0x1  }
0x10: {  	s24 =	simm.s32 $0x2;
	v0 =	vmul.u32 $0x80, v0;
	s26 =	simm.s32 $0x0;
	[dreg:$0xa] =	wrdreg s31  }
.LBB2_1:
0x11: {  	s0 =	rddreg [dreg:$0x7]  }
0x12: {  	[tilespmem:s1], [sflag:$0x4] =	stream.linear.gather [hbm4b:s0+s1], $0x200, $0x38;
	[tilespmem:$0x8E00] =	vst v63  }
0x13: {  	_ =	swait.ge [sflag:s11], $0x200  }
0x14: {  	[sflag:s11] =	ssyncset.done $0x0  }
0x15: {  	s2 =	simm.s32 $0x200;
	s28 =	rddreg [dreg:$0x8];
	[sflag:s11] =	ssyncadd.s32 $0xFFFFFE00  }
0x16: {  	[tilespmem:s2], [sflag:$0x4] =	stream.linear.gather [hbm4b:s28+s1], $0x200, $0x38;
	[tilespmem:$0x8E00] =	vst v63  }
0x17: {  	_ =	swait.ge [sflag:s11], $0x200  }
0x18: {  	[sflag:s11] =	ssyncset.done $0x0  }
0x19: {  	s5 =	simm.s32 $0x8800;
	s29 =	rddreg [dreg:$0x5];
	[sflag:s11] =	ssyncadd.s32 $0xFFFFFE00  }
0x1a: {  	[tilespmem:s5], [sflag:$0x3] =	stream.indirect.gather [hbm4b:s29+s2], $0x1, s1, s2, $0xb8;
	[tilespmem:$0x8E00] =	vst v63  }
0x1b: {  	s31 =	simm.s32 $0x8A00;
	s0 =	simm.s32 $0x0;
	s30 =	rddreg [dreg:$0x6]  }
0x1c: {  	[tilespmem:s31], [sflag:$0x3] =	stream.indirect.gather [hbm4b:s30+s2], $0x1, s2, s2, $0xb8;
	[tilespmem:$0x8E00] =	vst v63  }
0x1d: {  	v1 =	vld [tilespmem:s0+$0x200]  }
0x1e: {  	v2 =	vld [tilespmem:s0+$0x0]  }
0x1f: {  	s2 =	simm.s32 $0x40  }
.LBB2_2:
0x20: {  	p0 =	sne.s32 s2, $0x7C0  }
.Ltmp0:
0x21: {  	_ = 	snop;
	(pc) =	sbr.rel @p0 .LBB2_2-.Ltmp0, $4  }
0x22: {  	s5 =	sshra.s32 s2, $0x2;
	v3 =	vshrl.u32 v1, $0x1  }
0x23: {  	v1 =	vld [tilespmem:s5+$0x200];
	v4 =	vshrl.u32 v2, $0x1;
	v3 =	vand.u32 $0x7FFF, v3  }
0x24: {  	v2 =	vld [tilespmem:s5+$0x0];
	v4 =	vand.u32 $0x3FFFF, v4;
	[tilespmem:s0+$0x600] =	vst v3  }
0x25: {  	s2 =	sadd.s32 $0x40, s2;
	[tilespmem:s0+$0x400] =	vst v4;
	s0 =	smov.u32 s5  }
0x26: {  	_ =	sdelay $0x1  }
0x27: {  	v1 =	vshrl.u32 v1, $0x1  }
0x28: {  	v2 =	vshrl.u32 v2, $0x1;
	v1 =	vand.u32 $0x7FFF, v1  }
0x29: {  	v2 =	vand.u32 $0x3FFFF, v2;
	[tilespmem:s0+$0x600] =	vst v1  }
0x2a: {  	s28 =	simm.s32 $0x40;
	s30 =	simm.s32 $0x400;
	[tilespmem:s0+$0x400] =	vst v2  }
0x2b: {  	[tilespmem:s16], [sflag:$0x1] =	stream.indirect.gather [hbm4b:s3+s28], $0x80, s30, s28, $0xb8;
	[tilespmem:$0x8E00] =	vst v63  }
0x2c: {  	s31 =	simm.s32 $0x600  }
0x2d: {  	[tilespmem:s18], [sflag:$0x1] =	stream.indirect.gather [hbm4b:s4+s28], $0x80, s31, s28, $0xb8;
	[tilespmem:$0x8E00] =	vst v63  }
0x2e: {  	_ =	swait.ge [sflag:s19], $0x200  }
0x2f: {  	s8 =	simm.s32 $0x0;
	s10 =	simm.s32 $0x8C00;
	[sflag:s19] =	ssyncset.done $0x0  }
0x30: {  	s9 =	simm.s32 $0x200;
	s7 =	simm.s32 $0x8A00;
	[sflag:s19] =	ssyncadd.s32 $0xFFFFFE00  }
0x31: {  	s6 =	simm.s32 $0x8800;
	s13 =	simm.s32 $0x8C40;
	_ =	swait.ge [sflag:s19], $0x200  }
0x32: {  	s14 =	simm.s32 $0x240;
	s15 =	simm.s32 $0x8A40;
	[sflag:s19] =	ssyncset.done $0x0  }
0x33: {  	s17 =	simm.s32 $0x8840;
	s25 =	simm.s32 $0x0;
	[sflag:s19] =	ssyncadd.s32 $0xFFFFFE00  }
.LBB2_4:
0x34: {  	s5 =	sshll.u32 s25, $0x7  }
0x35: {  	s0 =	sadd.s32 $0x440, s5  }
0x36: {  	[tilespmem:s21], [sflag:$0x2] =	stream.indirect.gather [hbm4b:s3+s20], $0x80, s0, s20, $0xb8;
	[tilespmem:$0x8E00] =	vst v63  }
0x37: {  	s12 =	sadd.s32 $0x640, s5  }
0x38: {  	[tilespmem:s22], [sflag:$0x2] =	stream.indirect.gather [hbm4b:s4+s20], $0x80, s12, s20, $0xb8;
	[tilespmem:$0x8E00] =	vst v63  }
0x39: {  	_ =	swait.ge [sflag:s23], $0x2000  }
0x3a: {  	[sflag:s23] =	ssyncset.done $0x0  }
0x3b: {  	[sflag:s23] =	ssyncadd.s32 $0xFFFFE000  }
0x3c: {  	s2 =	smov.u32 s6;
	s29 =	smov.u32 s8;
	_ =	swait.ge [sflag:s23], $0x2000  }
0x3d: {  	s31 =	smov.u32 s9;
	s30 =	smov.u32 s10;
	[sflag:s23] =	ssyncset.done $0x0  }
0x3e: {  	s0 =	smov.u32 s7;
	s12 =	simm.s32 $0x0;
	[sflag:s23] =	ssyncadd.s32 $0xFFFFE000  }
.LBB2_5:
0x3f: {  	v3 =	vld [tilespmem:s29+$0x0]  }
0x40: {  	v4 =	vld [tilespmem:s31+$0x0];
	_ =	sdelay $0x2  }
0x41: {  	v1 =	vmov s12  }
0x42: {  	v1 =	vshll.u32 v1, $0x7;
	v2 =	vshrl.u32 v3, $0xD  }
0x43: {  	v1 =	vor.u32 v0, v1;
	v5 =	vshrl.u32 v4, $0xA;
	v2 =	vand.u32 $0x7FFC0, v2  }
0x44: {  	v5 =	vand.u32 $0x3FFFC0, v5;
	v2 =	vadd.s32 v1, v2  }
0x45: {  	v1 =	vadd.s32 v1, v5  }
0x46: {  	v51 =	vor.u32 $0x1, v2  }
0x47: {  	v6 =	vld [tilespmem:s2+$0x0];
	v7 =	vor.u32 $0x1, v1  }
0x48: {  	v10 =	vld [tilespmem:s0+$0x0];
	v11 =	vor.u32 $0x2, v2  }
0x49: {  	v53 =	vor.u32 $0x2, v1;
	v8 =	vld.idx.msk [tilespmem:v2+s16+$0x0], $0xffff  }
0x4a: {  	v13 =	vor.u32 $0x3, v2;
	v9 =	vld.idx.msk [tilespmem:v1+s18+$0x0], $0xffff  }
0x4b: {  	v55 =	vor.u32 $0x3, v1;
	v5 =	vld.idx.msk [tilespmem:v51+s16+$0x0], $0xffff  }
0x4c: {  	v3 =	vand.u32 $0x1, v3;
	v17 =	vor.u32 $0x5, v2;
	v52 =	vld.idx.msk [tilespmem:v7+s18+$0x0], $0xffff  }
0x4d: {  	vm0 =	veq.s32 v3, $0x0;
	v3 =	vand.u32 $0x1, v4;
	v21 =	vor.u32 $0x6, v2;
	v57 =	vld.idx.msk [tilespmem:v11+s16+$0x0], $0xffff  }
0x4e: {  	v6 =	vadd.f32 v10, v6;
	vm1 =	veq.s32 v3, $0x0;
	v30 =	vor.u32 $0x7, v2;
	v7 =	vld.idx.msk [tilespmem:v53+s18+$0x0], $0xffff  }
0x4f: {  	v60 =	vor.u32 $0x4, v2;
	v62 =	vor.u32 $0x4, v1;
	v18 =	vor.u32 $0x5, v1;
	v59 =	vld.idx.msk [tilespmem:v13+s16+$0x0], $0xffff  }
0x50: {  	v23 =	vor.u32 $0x6, v1;
	v32 =	vor.u32 $0x7, v1;
	v35 =	vor.u32 $0x8, v2;
	v61 =	vld.idx.msk [tilespmem:v55+s18+$0x0], $0xffff  }
0x51: {  	v37 =	vor.u32 $0x8, v1;
	v45 =	vor.u32 $0x9, v2;
	v46 =	vor.u32 $0x9, v1;
	v25 =	vld.idx.msk [tilespmem:v17+s16+$0x0], $0xffff  }
0x52: {  	v49 =	vor.u32 $0xA, v2;
	v29 =	vld.idx.msk [tilespmem:v21+s16+$0x0], $0xffff;
	v51 =	vor.u32 $0xA, v1;
	v17 =	vor.u32 $0xC, v1  }
0x53: {  	v40 =	vld.idx.msk [tilespmem:v30+s16+$0x0], $0xffff;
	v21 =	vor.u32 $0xD, v1;
	v30 =	vor.u32 $0xE, v1;
	v3 =	vunpack.i.u.bf16.f32 v8  }
0x54: {  	v26 =	vld.idx.msk [tilespmem:v18+s18+$0x0], $0xffff;
	v8 =	vunpack.i.l.bf16.f32 v8;
	v12 =	vunpack.i.u.bf16.f32 v9;
	v9 =	vunpack.i.l.bf16.f32 v9  }
0x55: {  	v44 =	vld.idx.msk [tilespmem:v35+s16+$0x0], $0xffff;
	v35 =	vor.u32 $0xF, v1;
	v3 =	vsel vm0, v8, v3;
	v54 =	vsel vm1, v9, v12  }
0x56: {  	v56 =	vunpack.i.u.bf16.f32 v5;
	v5 =	vunpack.i.l.bf16.f32 v5;
	v58 =	vunpack.i.u.bf16.f32 v52  }
0x57: {  	v4 =	vunpack.i.l.bf16.f32 v52;
	v63 =	vunpack.i.u.bf16.f32 v57;
	v10 =	vunpack.i.l.bf16.f32 v57  }
0x58: {  	v16 =	vunpack.i.u.bf16.f32 v7;
	v7 =	vunpack.i.l.bf16.f32 v7;
	v19 =	vunpack.i.u.bf16.f32 v59  }
0x59: {  	v20 =	vunpack.i.u.bf16.f32 v61;
	v8 =	vunpack.i.l.bf16.f32 v61;
	v33 =	vunpack.i.u.bf16.f32 v25  }
0x5a: {  	v34 =	vunpack.i.u.bf16.f32 v26;
	v39 =	vunpack.i.u.bf16.f32 v29;
	v41 =	vunpack.i.l.bf16.f32 v29  }
0x5b: {  	v47 =	vunpack.i.u.bf16.f32 v40;
	v52 =	vunpack.i.u.bf16.f32 v44;
	v29 =	vor.u32 $0xE, v2  }
0x5c: {  	v9 =	vld.idx.msk [tilespmem:v62+s18+$0x0], $0xffff;
	v3 =	vmul.f32 v54, v3;
	v5 =	vsel vm0, v5, v56;
	v4 =	vsel vm1, v4, v58  }
0x5d: {  	v7 =	vsel vm1, v7, v16;
	v22 =	vsel vm1, v8, v20;
	v54 =	vor.u32 $0xB, v2  }
0x5e: {  	v8 =	vld.idx.msk [tilespmem:v23+s18+$0x0], $0xffff;
	v56 =	vor.u32 $0xB, v1;
	v4 =	vmul.f32 v4, v5;
	v5 =	vunpack.i.l.bf16.f32 v59  }
0x5f: {  	v58 =	vld.idx.msk [tilespmem:v49+s16+$0x0], $0xffff;
	v20 =	vor.u32 $0xD, v2;
	v3 =	vadd.f32 v3, v6;
	v5 =	vsel vm0, v5, v19  }
0x60: {  	v49 =	vor.u32 $0x11, v1;
	v59 =	vld.idx.msk [tilespmem:v51+s18+$0x0], $0xffff;
	v24 =	vmul.f32 v22, v5;
	v5 =	vunpack.i.l.bf16.f32 v25  }
0x61: {  	v6 =	vld.idx.msk [tilespmem:v60+s16+$0x0], $0xffff;
	v3 =	vadd.f32 v4, v3;
	v4 =	vsel vm0, v10, v63;
	v28 =	vunpack.i.u.bf16.f32 v9  }
0x62: {  	v9 =	vunpack.i.l.bf16.f32 v9;
	v5 =	vsel vm0, v5, v33;
	v63 =	vor.u32 $0xC, v2  }
0x63: {  	v33 =	vor.u32 $0xF, v2;
	v4 =	vmul.f32 v7, v4;
	v31 =	vsel vm1, v9, v28  }
0x64: {  	v7 =	vunpack.i.l.bf16.f32 v26;
	v42 =	vunpack.i.u.bf16.f32 v8;
	v8 =	vunpack.i.l.bf16.f32 v8  }
0x65: {  	v10 =	vld.idx.msk [tilespmem:v46+s18+$0x0], $0xffff;
	v18 =	vunpack.i.u.bf16.f32 v58;
	v36 =	vsel vm1, v7, v34;
	v8 =	vsel vm1, v8, v42  }
0x66: {  	v9 =	vld.idx.msk [tilespmem:v32+s18+$0x0], $0xffff;
	v19 =	vunpack.i.u.bf16.f32 v59;
	v3 =	vadd.f32 v4, v3;
	v27 =	vunpack.i.u.bf16.f32 v6  }
0x67: {  	v62 =	vld.idx.msk [tilespmem:v54+s16+$0x0], $0xffff;
	v6 =	vunpack.i.l.bf16.f32 v6;
	v38 =	vmul.f32 v36, v5;
	v5 =	vsel vm0, v41, v39  }
0x68: {  	v28 =	vld.idx.msk [tilespmem:v20+s16+$0x0], $0xffff;
	v4 =	vsel vm0, v6, v27;
	v43 =	vmul.f32 v8, v5;
	v6 =	vunpack.i.l.bf16.f32 v40  }
0x69: {  	v5 =	vunpack.i.l.bf16.f32 v44;
	v40 =	vor.u32 $0x10, v1;
	v3 =	vadd.f32 v24, v3  }
0x6a: {  	v7 =	vld.idx.msk [tilespmem:v37+s18+$0x0], $0xffff;
	v4 =	vmul.f32 v31, v4;
	v5 =	vsel vm0, v5, v52;
	v61 =	vunpack.i.u.bf16.f32 v10  }
0x6b: {  	v10 =	vunpack.i.l.bf16.f32 v10;
	v42 =	vld.idx.msk [tilespmem:v33+s16+$0x0], $0xffff;
	v52 =	vor.u32 $0x12, v2;
	v33 =	vor.u32 $0x16, v1  }
0x6c: {  	v48 =	vunpack.i.u.bf16.f32 v9;
	v9 =	vunpack.i.l.bf16.f32 v9;
	v16 =	vsel vm1, v10, v61  }
0x6d: {  	v23 =	vunpack.i.u.bf16.f32 v62;
	v25 =	vunpack.i.l.bf16.f32 v62;
	v36 =	vunpack.i.u.bf16.f32 v28  }
0x6e: {  	v8 =	vld.idx.msk [tilespmem:v45+s16+$0x0], $0xffff;
	v61 =	vor.u32 $0x13, v2;
	v62 =	vor.u32 $0x13, v1;
	v3 =	vadd.f32 v4, v3  }
0x6f: {  	v4 =	vsel vm0, v6, v47;
	v50 =	vsel vm1, v9, v48;
	v53 =	vunpack.i.u.bf16.f32 v7  }
0x70: {  	v24 =	vld.idx.msk [tilespmem:v63+s16+$0x0], $0xffff;
	v7 =	vunpack.i.l.bf16.f32 v7;
	v6 =	vunpack.i.l.bf16.f32 v59;
	v47 =	vor.u32 $0x11, v2  }
0x71: {  	v9 =	vld.idx.msk [tilespmem:v17+s18+$0x0], $0xffff;
	v17 =	vor.u32 $0x14, v2;
	v4 =	vmul.f32 v50, v4;
	v55 =	vsel vm1, v7, v53  }
0x72: {  	v10 =	vld.idx.msk [tilespmem:v30+s18+$0x0], $0xffff;
	v6 =	vsel vm1, v6, v19;
	v53 =	vor.u32 $0x12, v1;
	v19 =	vor.u32 $0x14, v1  }
0x73: {  	v3 =	vadd.f32 v38, v3;
	v57 =	vmul.f32 v55, v5;
	v60 =	vunpack.i.u.bf16.f32 v8  }
0x74: {  	v8 =	vunpack.i.l.bf16.f32 v8;
	v5 =	vunpack.i.l.bf16.f32 v58;
	v38 =	vor.u32 $0x10, v2  }
0x75: {  	v7 =	vld.idx.msk [tilespmem:v56+s18+$0x0], $0xffff;
	v5 =	vsel vm0, v5, v18;
	v31 =	vunpack.i.u.bf16.f32 v24;
	v50 =	vunpack.i.u.bf16.f32 v42  }
0x76: {  	v3 =	vadd.f32 v43, v3;
	v22 =	vmul.f32 v6, v5;
	v5 =	vsel vm0, v25, v23  }
0x77: {  	v6 =	vunpack.i.l.bf16.f32 v24;
	v45 =	vunpack.i.u.bf16.f32 v10;
	v10 =	vunpack.i.l.bf16.f32 v10  }
0x78: {  	v43 =	vld.idx.msk [tilespmem:v35+s18+$0x0], $0xffff;
	v24 =	vor.u32 $0x15, v1;
	v32 =	vunpack.i.u.bf16.f32 v9;
	v9 =	vunpack.i.l.bf16.f32 v9  }
0x79: {  	v48 =	vsel vm1, v10, v45;
	v56 =	vld.idx.msk [tilespmem:v47+s16+$0x0], $0xffff;
	v45 =	vor.u32 $0x18, v2;
	v3 =	vadd.f32 v4, v3  }
0x7a: {  	v10 =	vld.idx.msk [tilespmem:v62+s18+$0x0], $0xffff;
	v4 =	vsel vm0, v8, v60;
	v26 =	vunpack.i.u.bf16.f32 v7;
	v7 =	vunpack.i.l.bf16.f32 v7  }
0x7b: {  	v8 =	vld.idx.msk [tilespmem:v21+s18+$0x0], $0xffff;
	v34 =	vsel vm1, v9, v32;
	v4 =	vmul.f32 v16, v4;
	v7 =	vsel vm1, v7, v26  }
0x7c: {  	v9 =	vld.idx.msk [tilespmem:v49+s18+$0x0], $0xffff;
	v3 =	vadd.f32 v57, v3;
	v27 =	vmul.f32 v7, v5;
	v5 =	vunpack.i.l.bf16.f32 v28  }
0x7d: {  	v49 =	vor.u32 $0x19, v2;
	v26 =	vld.idx.msk [tilespmem:v17+s16+$0x0], $0xffff;
	v17 =	vor.u32 $0x1B, v1;
	v5 =	vsel vm0, v5, v36  }
0x7e: {  	v60 =	vld.idx.msk [tilespmem:v52+s16+$0x0], $0xffff;
	v51 =	vunpack.i.u.bf16.f32 v43;
	v36 =	vor.u32 $0x17, v2;
	v3 =	vadd.f32 v4, v3  }
0x7f: {  	v46 =	vld.idx.msk [tilespmem:v38+s16+$0x0], $0xffff;
	v4 =	vsel vm0, v6, v31;
	v6 =	vunpack.i.l.bf16.f32 v43;
	v63 =	vunpack.i.u.bf16.f32 v56  }
0x80: {  	v7 =	vld.idx.msk [tilespmem:v29+s16+$0x0], $0xffff;
	v29 =	vunpack.i.u.bf16.f32 v10;
	v10 =	vunpack.i.l.bf16.f32 v10;
	v31 =	vor.u32 $0x16, v2  }
0x81: {  	v4 =	vmul.f32 v34, v4;
	v37 =	vunpack.i.u.bf16.f32 v8;
	v8 =	vunpack.i.l.bf16.f32 v8  }
0x82: {  	v6 =	vsel vm1, v6, v51;
	v16 =	vunpack.i.u.bf16.f32 v9;
	v9 =	vunpack.i.l.bf16.f32 v9  }
0x83: {  	v20 =	vunpack.i.u.bf16.f32 v60;
	v32 =	vsel vm1, v10, v29;
	v51 =	vor.u32 $0x19, v1  }
0x84: {  	v29 =	vor.u32 $0x1D, v2;
	v3 =	vadd.f32 v22, v3;
	v39 =	vsel vm1, v8, v37  }
0x85: {  	v55 =	vunpack.i.u.bf16.f32 v46;
	v57 =	vunpack.i.l.bf16.f32 v46;
	v18 =	vsel vm1, v9, v16  }
0x86: {  	v8 =	vld.idx.msk [tilespmem:v40+s18+$0x0], $0xffff;
	v22 =	vor.u32 $0x15, v2;
	v34 =	vunpack.i.u.bf16.f32 v26;
	v37 =	vor.u32 $0x17, v1  }
0x87: {  	v9 =	vld.idx.msk [tilespmem:v33+s18+$0x0], $0xffff;
	v46 =	vor.u32 $0x18, v1;
	v41 =	vmul.f32 v39, v5;
	v5 =	vunpack.i.l.bf16.f32 v42  }
0x88: {  	v33 =	vor.u32 $0x1E, v2;
	v3 =	vadd.f32 v27, v3;
	v5 =	vsel vm0, v5, v50  }
0x89: {  	v44 =	vunpack.i.u.bf16.f32 v7;
	v7 =	vunpack.i.l.bf16.f32 v7;
	v27 =	vld.idx.msk [tilespmem:v19+s18+$0x0], $0xffff;
	v54 =	vmul.f32 v6, v5  }
0x8a: {  	v5 =	vsel vm0, v57, v55;
	v40 =	vld.idx.msk [tilespmem:v31+s16+$0x0], $0xffff;
	v3 =	vadd.f32 v4, v3;
	v4 =	vsel vm0, v7, v44  }
0x8b: {  	v6 =	vunpack.i.l.bf16.f32 v56;
	v56 =	vor.u32 $0x1A, v1;
	v7 =	vld.idx.msk [tilespmem:v53+s18+$0x0], $0xffff;
	v4 =	vmul.f32 v48, v4  }
0x8c: {  	v44 =	vld.idx.msk [tilespmem:v36+s16+$0x0], $0xffff;
	v58 =	vunpack.i.u.bf16.f32 v8;
	v8 =	vunpack.i.l.bf16.f32 v8;
	v48 =	vunpack.i.u.bf16.f32 v9  }
0x8d: {  	v9 =	vunpack.i.l.bf16.f32 v9;
	v3 =	vadd.f32 v41, v3;
	v8 =	vsel vm1, v8, v58;
	v58 =	vld.idx.msk [tilespmem:v49+s16+$0x0], $0xffff  }
0x8e: {  	v50 =	vsel vm1, v9, v48;
	v9 =	vld.idx.msk [tilespmem:v17+s18+$0x0], $0xffff;
	v49 =	vor.u32 $0x20, v1;
	v17 =	vor.u32 $0x23, v2  }
0x8f: {  	v59 =	vmul.f32 v8, v5;
	v5 =	vunpack.i.l.bf16.f32 v60;
	v35 =	vunpack.i.u.bf16.f32 v27  }
0x90: {  	v30 =	vld.idx.msk [tilespmem:v22+s16+$0x0], $0xffff;
	v3 =	vadd.f32 v4, v3;
	v4 =	vsel vm0, v6, v63;
	v5 =	vsel vm0, v5, v20  }
0x91: {  	v10 =	vld.idx.msk [tilespmem:v46+s18+$0x0], $0xffff;
	v6 =	vunpack.i.l.bf16.f32 v27;
	v47 =	vunpack.i.u.bf16.f32 v40;
	v63 =	vor.u32 $0x1B, v2  }
0x92: {  	v20 =	vor.u32 $0x1C, v2;
	v4 =	vmul.f32 v18, v4;
	v21 =	vunpack.i.u.bf16.f32 v7  }
0x93: {  	v7 =	vunpack.i.l.bf16.f32 v7;
	v6 =	vsel vm1, v6, v35;
	v52 =	vunpack.i.u.bf16.f32 v44  }
0x94: {  	v8 =	vld.idx.msk [tilespmem:v61+s16+$0x0], $0xffff;
	v35 =	vor.u32 $0x1E, v1;
	v3 =	vadd.f32 v54, v3;
	v23 =	vsel vm1, v7, v21  }
0x95: {  	v39 =	vunpack.i.u.bf16.f32 v30;
	v41 =	vunpack.i.l.bf16.f32 v30;
	v54 =	vor.u32 $0x1A, v2  }
0x96: {  	v61 =	vunpack.i.u.bf16.f32 v10;
	v10 =	vunpack.i.l.bf16.f32 v10;
	v21 =	vor.u32 $0x1C, v1  }
0x97: {  	v7 =	vld.idx.msk [tilespmem:v24+s18+$0x0], $0xffff;
	v30 =	vor.u32 $0x1D, v1;
	v25 =	vmul.f32 v23, v5;
	v5 =	vunpack.i.l.bf16.f32 v26  }
0x98: {  	v16 =	vsel vm1, v10, v61;
	v18 =	vunpack.i.u.bf16.f32 v58;
	v61 =	vor.u32 $0x22, v2  }
0x99: {  	v3 =	vadd.f32 v59, v3;
	v28 =	vunpack.i.u.bf16.f32 v8;
	v5 =	vsel vm0, v5, v34  }
0x9a: {  	v8 =	vunpack.i.l.bf16.f32 v8;
	v59 =	vld.idx.msk [tilespmem:v51+s18+$0x0], $0xffff;
	v38 =	vmul.f32 v6, v5;
	v5 =	vsel vm0, v41, v39  }
0x9b: {  	v6 =	vunpack.i.l.bf16.f32 v40;
	v24 =	vld.idx.msk [tilespmem:v63+s16+$0x0], $0xffff;
	v3 =	vadd.f32 v4, v3;
	v4 =	vsel vm0, v8, v28  }
0x9c: {  	v40 =	vor.u32 $0x1F, v1;
	v8 =	vld.idx.msk [tilespmem:v37+s18+$0x0], $0xffff;
	v4 =	vmul.f32 v32, v4;
	v42 =	vunpack.i.u.bf16.f32 v7  }
0x9d: {  	v28 =	vld.idx.msk [tilespmem:v20+s16+$0x0], $0xffff;
	v7 =	vunpack.i.l.bf16.f32 v7;
	v32 =	vunpack.i.u.bf16.f32 v9;
	v9 =	vunpack.i.l.bf16.f32 v9  }
0x9e: {  	v3 =	vadd.f32 v25, v3;
	v7 =	vsel vm1, v7, v42;
	v34 =	vsel vm1, v9, v32;
	v42 =	vld.idx.msk [tilespmem:v33+s16+$0x0], $0xffff  }
0x9f: {  	v9 =	vld.idx.msk [tilespmem:v49+s18+$0x0], $0xffff;
	v33 =	vor.u32 $0x25, v1;
	v49 =	vor.u32 $0x28, v2;
	v43 =	vmul.f32 v7, v5  }
0xa0: {  	v62 =	vld.idx.msk [tilespmem:v54+s16+$0x0], $0xffff;
	v5 =	vunpack.i.l.bf16.f32 v44;
	v19 =	vunpack.i.u.bf16.f32 v59;
	v3 =	vadd.f32 v4, v3  }
0xa1: {  	v10 =	vld.idx.msk [tilespmem:v30+s18+$0x0], $0xffff;
	v4 =	vsel vm0, v6, v47;
	v5 =	vsel vm0, v5, v52;
	v6 =	vunpack.i.l.bf16.f32 v59  }
0xa2: {  	v31 =	vunpack.i.u.bf16.f32 v24;
	v47 =	vor.u32 $0x20, v2;
	v52 =	vor.u32 $0x21, v2  }
0xa3: {  	v4 =	vmul.f32 v50, v4;
	v53 =	vunpack.i.u.bf16.f32 v8;
	v8 =	vunpack.i.l.bf16.f32 v8  }
0xa4: {  	v6 =	vsel vm1, v6, v19;
	v36 =	vunpack.i.u.bf16.f32 v28;
	v19 =	vor.u32 $0x23, v1  }
0xa5: {  	v7 =	vld.idx.msk [tilespmem:v45+s16+$0x0], $0xffff;
	v3 =	vadd.f32 v38, v3;
	v55 =	vsel vm1, v8, v53;
	v23 =	vunpack.i.u.bf16.f32 v62  }
0xa6: {  	v25 =	vunpack.i.l.bf16.f32 v62;
	v38 =	vor.u32 $0x1F, v2;
	v45 =	vunpack.i.u.bf16.f32 v10  }
0xa7: {  	v10 =	vunpack.i.l.bf16.f32 v10;
	v53 =	vor.u32 $0x21, v1;
	v62 =	vor.u32 $0x22, v1  }
0xa8: {  	v8 =	vld.idx.msk [tilespmem:v56+s18+$0x0], $0xffff;
	v57 =	vmul.f32 v55, v5;
	v5 =	vunpack.i.l.bf16.f32 v58;
	v48 =	vsel vm1, v10, v45  }
0xa9: {  	v50 =	vunpack.i.u.bf16.f32 v42;
	v45 =	vor.u32 $0x27, v2;
	v3 =	vadd.f32 v43, v3  }
0xaa: {  	v60 =	vunpack.i.u.bf16.f32 v7;
	v7 =	vunpack.i.l.bf16.f32 v7;
	v5 =	vsel vm0, v5, v18  }
0xab: {  	v43 =	vld.idx.msk [tilespmem:v35+s18+$0x0], $0xffff;
	v22 =	vmul.f32 v6, v5;
	v5 =	vsel vm0, v25, v23;
	v6 =	vunpack.i.l.bf16.f32 v24  }
0xac: {  	v56 =	vld.idx.msk [tilespmem:v47+s16+$0x0], $0xffff;
	v24 =	vor.u32 $0x24, v1;
	v3 =	vadd.f32 v4, v3;
	v4 =	vsel vm0, v7, v60  }
0xad: {  	v7 =	vld.idx.msk [tilespmem:v21+s18+$0x0], $0xffff;
	v4 =	vmul.f32 v16, v4;
	v26 =	vunpack.i.u.bf16.f32 v8;
	v8 =	vunpack.i.l.bf16.f32 v8  }
0xae: {  	v60 =	vld.idx.msk [tilespmem:v52+s16+$0x0], $0xffff;
	v16 =	vunpack.i.u.bf16.f32 v9;
	v9 =	vunpack.i.l.bf16.f32 v9;
	v3 =	vadd.f32 v57, v3  }
0xaf: {  	v8 =	vsel vm1, v8, v26;
	v18 =	vsel vm1, v9, v16;
	v26 =	vld.idx.msk [tilespmem:v17+s16+$0x0], $0xffff;
	v17 =	vor.u32 $0x2A, v1  }
0xb0: {  	v9 =	vld.idx.msk [tilespmem:v33+s18+$0x0], $0xffff;
	v33 =	vor.u32 $0x2D, v2;
	v27 =	vmul.f32 v8, v5;
	v5 =	vunpack.i.l.bf16.f32 v28  }
0xb1: {  	v46 =	vld.idx.msk [tilespmem:v38+s16+$0x0], $0xffff;
	v51 =	vunpack.i.u.bf16.f32 v43;
	v3 =	vadd.f32 v4, v3;
	v4 =	vsel vm0, v6, v31  }
0xb2: {  	v10 =	vld.idx.msk [tilespmem:v62+s18+$0x0], $0xffff;
	v5 =	vsel vm0, v5, v36;
	v6 =	vunpack.i.l.bf16.f32 v43;
	v63 =	vunpack.i.u.bf16.f32 v56  }
0xb3: {  	v31 =	vor.u32 $0x25, v2;
	v36 =	vor.u32 $0x26, v2;
	v4 =	vmul.f32 v34, v4  }
0xb4: {  	v37 =	vunpack.i.u.bf16.f32 v7;
	v7 =	vunpack.i.l.bf16.f32 v7;
	v6 =	vsel vm1, v6, v51  }
0xb5: {  	v20 =	vunpack.i.u.bf16.f32 v60;
	v51 =	vor.u32 $0x28, v1;
	v3 =	vadd.f32 v22, v3  }
0xb6: {  	v8 =	vld.idx.msk [tilespmem:v29+s16+$0x0], $0xffff;
	v39 =	vsel vm1, v7, v37;
	v55 =	vunpack.i.u.bf16.f32 v46;
	v57 =	vunpack.i.l.bf16.f32 v46  }
0xb7: {  	v22 =	vor.u32 $0x24, v2;
	v29 =	vunpack.i.u.bf16.f32 v10;
	v10 =	vunpack.i.l.bf16.f32 v10  }
0xb8: {  	v37 =	vor.u32 $0x26, v1;
	v46 =	vor.u32 $0x27, v1;
	v41 =	vmul.f32 v39, v5  }
0xb9: {  	v7 =	vld.idx.msk [tilespmem:v40+s18+$0x0], $0xffff;
	v5 =	vunpack.i.l.bf16.f32 v42;
	v32 =	vsel vm1, v10, v29;
	v34 =	vunpack.i.u.bf16.f32 v26  }
0xba: {  	v29 =	vor.u32 $0x2C, v2;
	v3 =	vadd.f32 v27, v3;
	v5 =	vsel vm0, v5, v50  }
0xbb: {  	v44 =	vunpack.i.u.bf16.f32 v8;
	v8 =	vunpack.i.l.bf16.f32 v8;
	v27 =	vld.idx.msk [tilespmem:v19+s18+$0x0], $0xffff;
	v54 =	vmul.f32 v6, v5  }
0xbc: {  	v5 =	vsel vm0, v57, v55;
	v40 =	vld.idx.msk [tilespmem:v31+s16+$0x0], $0xffff;
	v3 =	vadd.f32 v4, v3;
	v4 =	vsel vm0, v8, v44  }
0xbd: {  	v6 =	vunpack.i.l.bf16.f32 v56;
	v56 =	vor.u32 $0x29, v1;
	v8 =	vld.idx.msk [tilespmem:v53+s18+$0x0], $0xffff;
	v4 =	vmul.f32 v48, v4  }
0xbe: {  	v44 =	vld.idx.msk [tilespmem:v36+s16+$0x0], $0xffff;
	v58 =	vunpack.i.u.bf16.f32 v7;
	v7 =	vunpack.i.l.bf16.f32 v7;
	v48 =	vunpack.i.u.bf16.f32 v9  }
0xbf: {  	v9 =	vunpack.i.l.bf16.f32 v9;
	v3 =	vadd.f32 v41, v3;
	v7 =	vsel vm1, v7, v58;
	v58 =	vld.idx.msk [tilespmem:v49+s16+$0x0], $0xffff  }
0xc0: {  	v50 =	vsel vm1, v9, v48;
	v9 =	vld.idx.msk [tilespmem:v17+s18+$0x0], $0xffff;
	v49 =	vor.u32 $0x2F, v1;
	v17 =	vor.u32 $0x32, v2  }
0xc1: {  	v59 =	vmul.f32 v7, v5;
	v5 =	vunpack.i.l.bf16.f32 v60;
	v35 =	vunpack.i.u.bf16.f32 v27  }
0xc2: {  	v30 =	vld.idx.msk [tilespmem:v22+s16+$0x0], $0xffff;
	v3 =	vadd.f32 v4, v3;
	v4 =	vsel vm0, v6, v63;
	v5 =	vsel vm0, v5, v20  }
0xc3: {  	v10 =	vld.idx.msk [tilespmem:v46+s18+$0x0], $0xffff;
	v6 =	vunpack.i.l.bf16.f32 v27;
	v47 =	vunpack.i.u.bf16.f32 v40;
	v63 =	vor.u32 $0x2A, v2  }
0xc4: {  	v20 =	vor.u32 $0x2B, v2;
	v4 =	vmul.f32 v18, v4;
	v21 =	vunpack.i.u.bf16.f32 v8  }
0xc5: {  	v8 =	vunpack.i.l.bf16.f32 v8;
	v6 =	vsel vm1, v6, v35;
	v52 =	vunpack.i.u.bf16.f32 v44  }
0xc6: {  	v7 =	vld.idx.msk [tilespmem:v61+s16+$0x0], $0xffff;
	v35 =	vor.u32 $0x2D, v1;
	v3 =	vadd.f32 v54, v3;
	v23 =	vsel vm1, v8, v21  }
0xc7: {  	v39 =	vunpack.i.u.bf16.f32 v30;
	v41 =	vunpack.i.l.bf16.f32 v30;
	v54 =	vor.u32 $0x29, v2  }
0xc8: {  	v61 =	vunpack.i.u.bf16.f32 v10;
	v10 =	vunpack.i.l.bf16.f32 v10;
	v21 =	vor.u32 $0x2B, v1  }
0xc9: {  	v8 =	vld.idx.msk [tilespmem:v24+s18+$0x0], $0xffff;
	v30 =	vor.u32 $0x2C, v1;
	v25 =	vmul.f32 v23, v5;
	v5 =	vunpack.i.l.bf16.f32 v26  }
0xca: {  	v16 =	vsel vm1, v10, v61;
	v18 =	vunpack.i.u.bf16.f32 v58;
	v61 =	vor.u32 $0x31, v2  }
0xcb: {  	v3 =	vadd.f32 v59, v3;
	v28 =	vunpack.i.u.bf16.f32 v7;
	v5 =	vsel vm0, v5, v34  }
0xcc: {  	v7 =	vunpack.i.l.bf16.f32 v7;
	v59 =	vld.idx.msk [tilespmem:v51+s18+$0x0], $0xffff;
	v38 =	vmul.f32 v6, v5;
	v5 =	vsel vm0, v41, v39  }
0xcd: {  	v6 =	vunpack.i.l.bf16.f32 v40;
	v24 =	vld.idx.msk [tilespmem:v63+s16+$0x0], $0xffff;
	v3 =	vadd.f32 v4, v3;
	v4 =	vsel vm0, v7, v28  }
0xce: {  	v40 =	vor.u32 $0x2E, v1;
	v7 =	vld.idx.msk [tilespmem:v37+s18+$0x0], $0xffff;
	v4 =	vmul.f32 v32, v4;
	v42 =	vunpack.i.u.bf16.f32 v8  }
0xcf: {  	v28 =	vld.idx.msk [tilespmem:v20+s16+$0x0], $0xffff;
	v8 =	vunpack.i.l.bf16.f32 v8;
	v32 =	vunpack.i.u.bf16.f32 v9;
	v9 =	vunpack.i.l.bf16.f32 v9  }
0xd0: {  	v3 =	vadd.f32 v25, v3;
	v8 =	vsel vm1, v8, v42;
	v34 =	vsel vm1, v9, v32;
	v42 =	vld.idx.msk [tilespmem:v33+s16+$0x0], $0xffff  }
0xd1: {  	v9 =	vld.idx.msk [tilespmem:v49+s18+$0x0], $0xffff;
	v33 =	vor.u32 $0x34, v1;
	v49 =	vor.u32 $0x37, v2;
	v43 =	vmul.f32 v8, v5  }
0xd2: {  	v62 =	vld.idx.msk [tilespmem:v54+s16+$0x0], $0xffff;
	v5 =	vunpack.i.l.bf16.f32 v44;
	v19 =	vunpack.i.u.bf16.f32 v59;
	v3 =	vadd.f32 v4, v3  }
0xd3: {  	v10 =	vld.idx.msk [tilespmem:v30+s18+$0x0], $0xffff;
	v4 =	vsel vm0, v6, v47;
	v5 =	vsel vm0, v5, v52;
	v6 =	vunpack.i.l.bf16.f32 v59  }
0xd4: {  	v31 =	vunpack.i.u.bf16.f32 v24;
	v47 =	vor.u32 $0x2F, v2;
	v52 =	vor.u32 $0x30, v2  }
0xd5: {  	v4 =	vmul.f32 v50, v4;
	v53 =	vunpack.i.u.bf16.f32 v7;
	v7 =	vunpack.i.l.bf16.f32 v7  }
0xd6: {  	v6 =	vsel vm1, v6, v19;
	v36 =	vunpack.i.u.bf16.f32 v28;
	v19 =	vor.u32 $0x32, v1  }
0xd7: {  	v8 =	vld.idx.msk [tilespmem:v45+s16+$0x0], $0xffff;
	v3 =	vadd.f32 v38, v3;
	v55 =	vsel vm1, v7, v53;
	v23 =	vunpack.i.u.bf16.f32 v62  }
0xd8: {  	v25 =	vunpack.i.l.bf16.f32 v62;
	v38 =	vor.u32 $0x2E, v2;
	v45 =	vunpack.i.u.bf16.f32 v10  }
0xd9: {  	v10 =	vunpack.i.l.bf16.f32 v10;
	v53 =	vor.u32 $0x30, v1;
	v62 =	vor.u32 $0x31, v1  }
0xda: {  	v7 =	vld.idx.msk [tilespmem:v56+s18+$0x0], $0xffff;
	v57 =	vmul.f32 v55, v5;
	v5 =	vunpack.i.l.bf16.f32 v58;
	v48 =	vsel vm1, v10, v45  }
0xdb: {  	v50 =	vunpack.i.u.bf16.f32 v42;
	v45 =	vor.u32 $0x36, v2;
	v3 =	vadd.f32 v43, v3  }
0xdc: {  	v60 =	vunpack.i.u.bf16.f32 v8;
	v8 =	vunpack.i.l.bf16.f32 v8;
	v5 =	vsel vm0, v5, v18  }
0xdd: {  	v43 =	vld.idx.msk [tilespmem:v35+s18+$0x0], $0xffff;
	v22 =	vmul.f32 v6, v5;
	v5 =	vsel vm0, v25, v23;
	v6 =	vunpack.i.l.bf16.f32 v24  }
0xde: {  	v24 =	vor.u32 $0x33, v1;
	v3 =	vadd.f32 v4, v3;
	v4 =	vsel vm0, v8, v60  }
0xdf: {  	v56 =	vld.idx.msk [tilespmem:v47+s16+$0x0], $0xffff;
	v4 =	vmul.f32 v16, v4;
	v26 =	vunpack.i.u.bf16.f32 v7;
	v7 =	vunpack.i.l.bf16.f32 v7  }
0xe0: {  	v8 =	vld.idx.msk [tilespmem:v21+s18+$0x0], $0xffff;
	v16 =	vunpack.i.u.bf16.f32 v9;
	v9 =	vunpack.i.l.bf16.f32 v9;
	v3 =	vadd.f32 v57, v3  }
0xe1: {  	v60 =	vld.idx.msk [tilespmem:v52+s16+$0x0], $0xffff;
	v7 =	vsel vm1, v7, v26;
	v18 =	vsel vm1, v9, v16;
	v16 =	vor.u32 $0x39, v1  }
0xe2: {  	v27 =	vmul.f32 v7, v5;
	v5 =	vunpack.i.l.bf16.f32 v28;
	v51 =	vunpack.i.u.bf16.f32 v43  }
0xe3: {  	v46 =	vld.idx.msk [tilespmem:v38+s16+$0x0], $0xffff;
	v3 =	vadd.f32 v4, v3;
	v4 =	vsel vm0, v6, v31;
	v5 =	vsel vm0, v5, v36  }
0xe4: {  	v10 =	vld.idx.msk [tilespmem:v62+s18+$0x0], $0xffff;
	v6 =	vunpack.i.l.bf16.f32 v43;
	v63 =	vunpack.i.u.bf16.f32 v56;
	v31 =	vor.u32 $0x34, v2  }
0xe5: {  	v36 =	vor.u32 $0x35, v2;
	v4 =	vmul.f32 v34, v4;
	v37 =	vunpack.i.u.bf16.f32 v8  }
0xe6: {  	v26 =	vld.idx.msk [tilespmem:v17+s16+$0x0], $0xffff;
	v8 =	vunpack.i.l.bf16.f32 v8;
	v6 =	vsel vm1, v6, v51;
	v20 =	vunpack.i.u.bf16.f32 v60  }
0xe7: {  	v7 =	vld.idx.msk [tilespmem:v29+s16+$0x0], $0xffff;
	v51 =	vor.u32 $0x37, v1;
	v3 =	vadd.f32 v22, v3;
	v39 =	vsel vm1, v8, v37  }
0xe8: {  	v55 =	vunpack.i.u.bf16.f32 v46;
	v57 =	vunpack.i.l.bf16.f32 v46;
	v22 =	vor.u32 $0x33, v2  }
0xe9: {  	v29 =	vunpack.i.u.bf16.f32 v10;
	v10 =	vunpack.i.l.bf16.f32 v10;
	v37 =	vor.u32 $0x35, v1  }
0xea: {  	v9 =	vld.idx.msk [tilespmem:v33+s18+$0x0], $0xffff;
	v46 =	vor.u32 $0x36, v1;
	v41 =	vmul.f32 v39, v5;
	v5 =	vunpack.i.l.bf16.f32 v42  }
0xeb: {  	v8 =	vld.idx.msk [tilespmem:v40+s18+$0x0], $0xffff;
	v32 =	vsel vm1, v10, v29;
	v34 =	vunpack.i.u.bf16.f32 v26;
	v29 =	vor.u32 $0x3B, v1  }
0xec: {  	v3 =	vadd.f32 v27, v3;
	v44 =	vunpack.i.u.bf16.f32 v7;
	v5 =	vsel vm0, v5, v50  }
0xed: {  	v7 =	vunpack.i.l.bf16.f32 v7;
	v27 =	vld.idx.msk [tilespmem:v19+s18+$0x0], $0xffff;
	v19 =	vor.u32 $0x3A, v2;
	v54 =	vmul.f32 v6, v5  }
0xee: {  	v5 =	vsel vm0, v57, v55;
	v3 =	vadd.f32 v4, v3;
	v4 =	vsel vm0, v7, v44  }
0xef: {  	v6 =	vunpack.i.l.bf16.f32 v56;
	v40 =	vld.idx.msk [tilespmem:v31+s16+$0x0], $0xffff;
	v56 =	vor.u32 $0x38, v1;
	v4 =	vmul.f32 v48, v4  }
0xf0: {  	v58 =	vunpack.i.u.bf16.f32 v8;
	v8 =	vunpack.i.l.bf16.f32 v8;
	v48 =	vunpack.i.u.bf16.f32 v9  }
0xf1: {  	v7 =	vld.idx.msk [tilespmem:v53+s18+$0x0], $0xffff;
	v9 =	vunpack.i.l.bf16.f32 v9;
	v3 =	vadd.f32 v41, v3;
	v8 =	vsel vm1, v8, v58  }
0xf2: {  	v44 =	vld.idx.msk [tilespmem:v36+s16+$0x0], $0xffff;
	v50 =	vsel vm1, v9, v48;
	v59 =	vmul.f32 v8, v5;
	v5 =	vunpack.i.l.bf16.f32 v60  }
0xf3: {  	v30 =	vld.idx.msk [tilespmem:v22+s16+$0x0], $0xffff;
	v35 =	vunpack.i.u.bf16.f32 v27;
	v3 =	vadd.f32 v4, v3;
	v4 =	vsel vm0, v6, v63  }
0xf4: {  	v10 =	vld.idx.msk [tilespmem:v46+s18+$0x0], $0xffff;
	v5 =	vsel vm0, v5, v20;
	v6 =	vunpack.i.l.bf16.f32 v27;
	v47 =	vunpack.i.u.bf16.f32 v40  }
0xf5: {  	v58 =	vld.idx.msk [tilespmem:v49+s16+$0x0], $0xffff;
	v63 =	vor.u32 $0x39, v2;
	v20 =	vor.u32 $0x3A, v1;
	v4 =	vmul.f32 v18, v4  }
0xf6: {  	v9 =	vld.idx.msk [tilespmem:v16+s18+$0x0], $0xffff;
	v21 =	vunpack.i.u.bf16.f32 v7;
	v7 =	vunpack.i.l.bf16.f32 v7;
	v6 =	vsel vm1, v6, v35  }
0xf7: {  	v8 =	vld.idx.msk [tilespmem:v61+s16+$0x0], $0xffff;
	v52 =	vunpack.i.u.bf16.f32 v44;
	v3 =	vadd.f32 v54, v3;
	v23 =	vsel vm1, v7, v21  }
0xf8: {  	v39 =	vunpack.i.u.bf16.f32 v30;
	v41 =	vunpack.i.l.bf16.f32 v30;
	v54 =	vor.u32 $0x38, v2  }
0xf9: {  	v27 =	vld.idx.msk [tilespmem:v19+s16+$0x0], $0xffff;
	v61 =	vunpack.i.u.bf16.f32 v10;
	v10 =	vunpack.i.l.bf16.f32 v10;
	v25 =	vmul.f32 v23, v5  }
0xfa: {  	v5 =	vunpack.i.l.bf16.f32 v26;
	v15 =	vsel vm1, v10, v61;
	v17 =	vunpack.i.u.bf16.f32 v58  }
0xfb: {  	v31 =	vunpack.i.u.bf16.f32 v9;
	v9 =	vunpack.i.l.bf16.f32 v9;
	v3 =	vadd.f32 v59, v3  }
0xfc: {  	v7 =	vld.idx.msk [tilespmem:v24+s18+$0x0], $0xffff;
	v28 =	vunpack.i.u.bf16.f32 v8;
	v8 =	vunpack.i.l.bf16.f32 v8;
	v5 =	vsel vm0, v5, v34  }
0xfd: {  	v10 =	vld.idx.msk [tilespmem:v29+s18+$0x0], $0xffff;
	v33 =	vsel vm1, v9, v31;
	v34 =	vor.u32 $0x3C, v1;
	v38 =	vmul.f32 v6, v5  }
0xfe: {  	v5 =	vsel vm0, v41, v39;
	v6 =	vunpack.i.l.bf16.f32 v40;
	v35 =	vunpack.i.u.bf16.f32 v27  }
0xff: {  	v59 =	vld.idx.msk [tilespmem:v51+s18+$0x0], $0xffff;
	v39 =	vor.u32 $0x3D, v1;
	v3 =	vadd.f32 v4, v3;
	v4 =	vsel vm0, v8, v28  }
0x100: {  	v8 =	vld.idx.msk [tilespmem:v37+s18+$0x0], $0xffff;
	v28 =	vor.u32 $0x3B, v2;
	v37 =	vor.u32 $0x3D, v2;
	v4 =	vmul.f32 v32, v4  }
0x101: {  	v23 =	vld.idx.msk [tilespmem:v63+s16+$0x0], $0xffff;
	v42 =	vunpack.i.u.bf16.f32 v7;
	v7 =	vunpack.i.l.bf16.f32 v7;
	v32 =	vor.u32 $0x3C, v2  }
0x102: {  	v3 =	vadd.f32 v25, v3;
	v7 =	vsel vm1, v7, v42;
	v46 =	vunpack.i.u.bf16.f32 v10  }
0x103: {  	v62 =	vld.idx.msk [tilespmem:v54+s16+$0x0], $0xffff;
	v10 =	vunpack.i.l.bf16.f32 v10;
	v43 =	vmul.f32 v7, v5;
	v5 =	vunpack.i.l.bf16.f32 v44  }
0x104: {  	v7 =	vld.idx.msk [tilespmem:v45+s16+$0x0], $0xffff;
	v18 =	vunpack.i.u.bf16.f32 v59;
	v45 =	vor.u32 $0x3E, v1;
	v1 =	vor.u32 $0x3F, v1  }
0x105: {  	v3 =	vadd.f32 v4, v3;
	v4 =	vsel vm0, v6, v47;
	v5 =	vsel vm0, v5, v52  }
0x106: {  	v6 =	vunpack.i.l.bf16.f32 v59;
	v30 =	vunpack.i.u.bf16.f32 v23;
	v47 =	vsel vm1, v10, v46  }
0x107: {  	v42 =	vld.idx.msk [tilespmem:v34+s18+$0x0], $0xffff;
	v4 =	vmul.f32 v50, v4;
	v53 =	vunpack.i.u.bf16.f32 v8;
	v8 =	vunpack.i.l.bf16.f32 v8  }
0x108: {  	v6 =	vsel vm1, v6, v18;
	v3 =	vadd.f32 v38, v3;
	v55 =	vsel vm1, v8, v53  }
0x109: {  	v13 =	vld.idx.msk [tilespmem:v37+s16+$0x0], $0xffff;
	v22 =	vunpack.i.u.bf16.f32 v62;
	v24 =	vunpack.i.l.bf16.f32 v62;
	v57 =	vmul.f32 v55, v5  }
0x10a: {  	v8 =	vld.idx.msk [tilespmem:v56+s18+$0x0], $0xffff;
	v5 =	vunpack.i.l.bf16.f32 v58;
	v3 =	vadd.f32 v43, v3;
	v60 =	vunpack.i.u.bf16.f32 v7  }
0x10b: {  	v7 =	vunpack.i.l.bf16.f32 v7;
	v5 =	vsel vm0, v5, v17;
	v43 =	vor.u32 $0x3E, v2  }
0x10c: {  	v41 =	vld.idx.msk [tilespmem:v32+s16+$0x0], $0xffff;
	v2 =	vor.u32 $0x3F, v2;
	v49 =	vunpack.i.u.bf16.f32 v42;
	v3 =	vadd.f32 v4, v3  }
0x10d: {  	v50 =	vld.idx.msk [tilespmem:v45+s18+$0x0], $0xffff;
	v21 =	vmul.f32 v6, v5;
	v5 =	vsel vm0, v24, v22;
	v4 =	vsel vm0, v7, v60  }
0x10e: {  	v6 =	vunpack.i.l.bf16.f32 v23;
	v7 =	vld.idx.msk [tilespmem:v20+s18+$0x0], $0xffff;
	v4 =	vmul.f32 v15, v4;
	v3 =	vadd.f32 v57, v3  }
0x10f: {  	v52 =	vunpack.i.u.bf16.f32 v13;
	v25 =	vunpack.i.u.bf16.f32 v8;
	v8 =	vunpack.i.l.bf16.f32 v8  }
0x110: {  	v1 =	vld.idx.msk [tilespmem:v1+s18+$0x0], $0xffff;
	v53 =	vunpack.i.l.bf16.f32 v13;
	v8 =	vsel vm1, v8, v25;
	v3 =	vadd.f32 v4, v3  }
0x111: {  	v48 =	vunpack.i.u.bf16.f32 v41;
	v26 =	vmul.f32 v8, v5;
	v5 =	vunpack.i.l.bf16.f32 v27;
	v8 =	vld.idx.msk [tilespmem:v28+s16+$0x0], $0xffff  }
0x112: {  	v59 =	vunpack.i.u.bf16.f32 v50;
	v4 =	vsel vm0, v6, v30;
	v3 =	vadd.f32 v21, v3  }
0x113: {  	v5 =	vsel vm0, v5, v35;
	v36 =	vunpack.i.u.bf16.f32 v7;
	v7 =	vunpack.i.l.bf16.f32 v7  }
0x114: {  	v9 =	vld.idx.msk [tilespmem:v43+s16+$0x0], $0xffff;
	v4 =	vmul.f32 v33, v4;
	v38 =	vsel vm1, v7, v36;
	v3 =	vadd.f32 v26, v3  }
0x115: {  	v63 =	vunpack.i.u.bf16.f32 v1;
	v6 =	vunpack.i.l.bf16.f32 v42;
	v7 =	vld.idx.msk [tilespmem:v39+s18+$0x0], $0xffff;
	v40 =	vmul.f32 v38, v5  }
0x116: {  	v44 =	vunpack.i.u.bf16.f32 v8;
	v8 =	vunpack.i.l.bf16.f32 v8;
	v3 =	vadd.f32 v4, v3  }
0x117: {  	v6 =	vsel vm1, v6, v49;
	v5 =	vunpack.i.l.bf16.f32 v41;
	v4 =	vsel vm0, v8, v44  }
0x118: {  	v2 =	vld.idx.msk [tilespmem:v2+s16+$0x0], $0xffff;
	v5 =	vsel vm0, v5, v48;
	v4 =	vmul.f32 v47, v4;
	v3 =	vadd.f32 v40, v3  }
0x119: {  	v1 =	vunpack.i.l.bf16.f32 v1;
	v57 =	vunpack.i.u.bf16.f32 v9;
	v51 =	vmul.f32 v6, v5  }
0x11a: {  	v54 =	vunpack.i.u.bf16.f32 v7;
	v7 =	vunpack.i.l.bf16.f32 v7;
	v3 =	vadd.f32 v4, v3  }
0x11b: {  	v58 =	vunpack.i.l.bf16.f32 v9;
	v5 =	vsel vm0, v53, v52;
	v55 =	vsel vm1, v7, v54  }
0x11c: {  	v8 =	vunpack.i.l.bf16.f32 v50;
	v56 =	vmul.f32 v55, v5;
	v3 =	vadd.f32 v51, v3  }
0x11d: {  	v62 =	vunpack.i.u.bf16.f32 v2;
	v60 =	vsel vm1, v8, v59;
	v5 =	vsel vm0, v58, v57  }
0x11e: {  	v2 =	vunpack.i.l.bf16.f32 v2;
	v61 =	vmul.f32 v60, v5;
	v3 =	vadd.f32 v56, v3  }
0x11f: {  	p0 =	sne.s32 s12, $0x30;
	v1 =	vsel vm1, v1, v63;
	v2 =	vsel vm0, v2, v62  }
.Ltmp1:
0x120: {  	v1 =	vmul.f32 v1, v2;
	v3 =	vadd.f32 v61, v3;
	(pc) =	sbr.rel @p0 .LBB2_5-.Ltmp1, $4  }
0x121: {  	_ = 	snop  }
0x122: {  	v1 =	vadd.f32 v1, v3  }
0x123: {  	s31 =	sadd.s32 $0x10, s31;
	s29 =	sadd.s32 $0x10, s29;
	s0 =	sadd.s32 $0x10, s0  }
0x124: {  	s2 =	sadd.s32 $0x10, s2;
	s12 =	sadd.s32 $0x10, s12;
	[tilespmem:s30+$0x0] =	vst v1;
	s30 =	sadd.s32 $0x10, s30  }
0x125: {  	p0 =	seq.s32 s25, $0x3  }
0x126: {  	s0 =	sadd.s32 @!p0 $0x480, s5;
	s2 =	simm.s32 @!p0 $0x40;
	s12 =	simm.s32 @!p0 $0x800  }
0x127: {  	[tilespmem:s12], [sflag:$0x1] =	stream.indirect.gather @!p0 [hbm4b:s3+s2], $0x80, s0, s2, $0xb8;
	[tilespmem:$0x8E00] =	vst v63  }
0x128: {  	s0 =	sadd.s32 @!p0 $0x680, s5;
	s5 =	simm.s32 @!p0 $0x2800  }
0x129: {  	[tilespmem:s5], [sflag:$0x1] =	stream.indirect.gather @!p0 [hbm4b:s4+s2], $0x80, s0, s2, $0xb8;
	[tilespmem:$0x8E00] =	vst v63  }
0x12a: {  	_ =	swait.ge [sflag:s24], $0x2000  }
0x12b: {  	[sflag:s24] =	ssyncset.done $0x0  }
0x12c: {  	v3 =	vmov s28;
	[sflag:s24] =	ssyncadd.s32 $0xFFFFE000  }
0x12d: {  	v4 =	vmov s14;
	_ =	swait.ge [sflag:s24], $0x2000  }
0x12e: {  	[sflag:s24] =	ssyncset.done $0x0  }
0x12f: {  	v1 =	vmov s17;
	v2 =	vmov s15;
	v5 =	vmov s13;
	s0 =	simm.s32 $0x0;
	s2 =	simm.s32 $0x0;
	[sflag:s24] =	ssyncadd.s32 $0xFFFFE000  }
.LBB2_7:
0x130: {  	s5 =	sshra.s32 s2, $0x2  }
0x131: {  	v8 =	vld.idx.msk [tilespmem:v3+s5+$0x0 ss:$0x1], $0xffff  }
0x132: {  	v9 =	vld.idx.msk [tilespmem:v4+s5+$0x0 ss:$0x1], $0xffff;
	_ =	sdelay $0x2  }
0x133: {  	v6 =	vmov s0  }
0x134: {  	v6 =	vshll.u32 v6, $0x7;
	v7 =	vshrl.u32 v8, $0xD  }
0x135: {  	v6 =	vor.u32 v0, v6;
	v10 =	vshrl.u32 v9, $0xA;
	v7 =	vand.u32 $0x7FFC0, v7  }
0x136: {  	v10 =	vand.u32 $0x3FFFC0, v10;
	v7 =	vadd.s32 v6, v7  }
0x137: {  	v6 =	vadd.s32 v6, v10  }
0x138: {  	v56 =	vor.u32 $0x1, v7  }
0x139: {  	v11 =	vld.idx.msk [tilespmem:v1+s5+$0x0 ss:$0x1], $0xffff;
	v12 =	vor.u32 $0x1, v6  }
0x13a: {  	v15 =	vld.idx.msk [tilespmem:v2+s5+$0x0 ss:$0x1], $0xffff;
	v16 =	vor.u32 $0x2, v7  }
0x13b: {  	v59 =	vor.u32 $0x2, v6;
	v13 =	vld.idx.msk [tilespmem:v7+s21+$0x0], $0xffff  }
0x13c: {  	v18 =	vor.u32 $0x3, v7;
	v14 =	vld.idx.msk [tilespmem:v6+s22+$0x0], $0xffff  }
0x13d: {  	v62 =	vor.u32 $0x3, v6;
	v10 =	vld.idx.msk [tilespmem:v56+s21+$0x0], $0xffff  }
0x13e: {  	v28 =	vor.u32 $0x5, v7;
	v58 =	vld.idx.msk [tilespmem:v12+s22+$0x0], $0xffff  }
0x13f: {  	v29 =	vor.u32 $0x5, v6;
	v20 =	vld.idx.msk [tilespmem:v16+s21+$0x0], $0xffff  }
0x140: {  	v8 =	vand.u32 $0x1, v8;
	v57 =	vand.u32 $0x1, v9;
	v46 =	vor.u32 $0x8, v7;
	v12 =	vld.idx.msk [tilespmem:v59+s22+$0x0], $0xffff  }
0x141: {  	v11 =	vadd.f32 v15, v11;
	vm0 =	veq.s32 v8, $0x0;
	v32 =	vor.u32 $0x6, v7;
	v22 =	vld.idx.msk [tilespmem:v18+s21+$0x0], $0xffff  }
0x142: {  	vm1 =	veq.s32 v57, $0x0;
	v23 =	vor.u32 $0x4, v7;
	v41 =	vor.u32 $0x7, v7;
	v24 =	vld.idx.msk [tilespmem:v62+s22+$0x0], $0xffff  }
0x143: {  	v25 =	vor.u32 $0x4, v6;
	v34 =	vor.u32 $0x6, v6;
	v43 =	vor.u32 $0x7, v6;
	v36 =	vld.idx.msk [tilespmem:v28+s21+$0x0], $0xffff  }
0x144: {  	v48 =	vor.u32 $0x8, v6;
	v57 =	vor.u32 $0x9, v6;
	v37 =	vld.idx.msk [tilespmem:v29+s22+$0x0], $0xffff;
	v56 =	vor.u32 $0x9, v7  }
0x145: {  	v55 =	vld.idx.msk [tilespmem:v46+s21+$0x0], $0xffff;
	v62 =	vor.u32 $0xA, v6;
	v46 =	vor.u32 $0xE, v6;
	v60 =	vunpack.i.u.bf16.f32 v13  }
0x146: {  	v40 =	vld.idx.msk [tilespmem:v32+s21+$0x0], $0xffff;
	v13 =	vunpack.i.l.bf16.f32 v13;
	v17 =	vunpack.i.u.bf16.f32 v14;
	v14 =	vunpack.i.l.bf16.f32 v14  }
0x147: {  	v51 =	vld.idx.msk [tilespmem:v41+s21+$0x0], $0xffff;
	v8 =	vsel vm0, v13, v60;
	v61 =	vsel vm1, v14, v17;
	v63 =	vunpack.i.u.bf16.f32 v10  }
0x148: {  	v10 =	vunpack.i.l.bf16.f32 v10;
	v21 =	vunpack.i.u.bf16.f32 v58;
	v9 =	vunpack.i.l.bf16.f32 v58  }
0x149: {  	v26 =	vunpack.i.u.bf16.f32 v20;
	v15 =	vunpack.i.l.bf16.f32 v20;
	v27 =	vunpack.i.u.bf16.f32 v12  }
0x14a: {  	v12 =	vunpack.i.l.bf16.f32 v12;
	v30 =	vunpack.i.u.bf16.f32 v22;
	v31 =	vunpack.i.u.bf16.f32 v24  }
0x14b: {  	v13 =	vunpack.i.l.bf16.f32 v24;
	v44 =	vunpack.i.u.bf16.f32 v36;
	v45 =	vunpack.i.u.bf16.f32 v37  }
0x14c: {  	v50 =	vunpack.i.u.bf16.f32 v40;
	v52 =	vunpack.i.l.bf16.f32 v40;
	v58 =	vunpack.i.u.bf16.f32 v51  }
0x14d: {  	v60 =	vor.u32 $0xA, v7;
	v24 =	vor.u32 $0xB, v6;
	v8 =	vmul.f32 v61, v8  }
0x14e: {  	v14 =	vld.idx.msk [tilespmem:v25+s22+$0x0], $0xffff;
	v10 =	vsel vm0, v10, v63;
	v9 =	vsel vm1, v9, v21;
	v12 =	vsel vm1, v12, v27  }
0x14f: {  	v33 =	vsel vm1, v13, v31;
	v9 =	vmul.f32 v9, v10;
	v10 =	vunpack.i.l.bf16.f32 v22  }
0x150: {  	v13 =	vld.idx.msk [tilespmem:v34+s22+$0x0], $0xffff;
	v63 =	vunpack.i.u.bf16.f32 v55;
	v31 =	vor.u32 $0xC, v7;
	v10 =	vsel vm0, v10, v30  }
0x151: {  	v22 =	vor.u32 $0xB, v7;
	v8 =	vadd.f32 v8, v11;
	v35 =	vmul.f32 v33, v10  }
0x152: {  	v10 =	vunpack.i.l.bf16.f32 v36;
	v33 =	vor.u32 $0xC, v6;
	v36 =	vor.u32 $0xD, v7  }
0x153: {  	v11 =	vld.idx.msk [tilespmem:v23+s21+$0x0], $0xffff;
	v8 =	vadd.f32 v9, v8;
	v9 =	vsel vm0, v15, v26;
	v39 =	vunpack.i.u.bf16.f32 v14  }
0x154: {  	v27 =	vld.idx.msk [tilespmem:v62+s22+$0x0], $0xffff;
	v14 =	vunpack.i.l.bf16.f32 v14;
	v10 =	vsel vm0, v10, v44;
	v9 =	vmul.f32 v12, v9  }
0x155: {  	v15 =	vld.idx.msk [tilespmem:v57+s22+$0x0], $0xffff;
	v42 =	vsel vm1, v14, v39;
	v12 =	vunpack.i.l.bf16.f32 v37;
	v53 =	vunpack.i.u.bf16.f32 v13  }
0x156: {  	v26 =	vld.idx.msk [tilespmem:v60+s21+$0x0], $0xffff;
	v13 =	vunpack.i.l.bf16.f32 v13;
	v37 =	vor.u32 $0xD, v6;
	v47 =	vsel vm1, v12, v45  }
0x157: {  	v13 =	vsel vm1, v13, v53;
	v30 =	vld.idx.msk [tilespmem:v22+s21+$0x0], $0xffff;
	v45 =	vor.u32 $0xE, v7;
	v22 =	vor.u32 $0x11, v6  }
0x158: {  	v14 =	vld.idx.msk [tilespmem:v43+s22+$0x0], $0xffff;
	v8 =	vadd.f32 v9, v8;
	v38 =	vunpack.i.u.bf16.f32 v11;
	v11 =	vunpack.i.l.bf16.f32 v11  }
0x159: {  	v40 =	vld.idx.msk [tilespmem:v31+s21+$0x0], $0xffff;
	v49 =	vmul.f32 v47, v10;
	v10 =	vsel vm0, v52, v50;
	v9 =	vsel vm0, v11, v38  }
0x15a: {  	v12 =	vld.idx.msk [tilespmem:v48+s22+$0x0], $0xffff;
	v54 =	vmul.f32 v13, v10;
	v11 =	vunpack.i.l.bf16.f32 v51;
	v10 =	vunpack.i.l.bf16.f32 v55  }
0x15b: {  	v13 =	vld.idx.msk [tilespmem:v56+s21+$0x0], $0xffff;
	v51 =	vor.u32 $0xF, v6;
	v56 =	vor.u32 $0x10, v6;
	v8 =	vadd.f32 v35, v8  }
0x15c: {  	v9 =	vmul.f32 v42, v9;
	v10 =	vsel vm0, v10, v63;
	v29 =	vunpack.i.u.bf16.f32 v15  }
0x15d: {  	v15 =	vunpack.i.l.bf16.f32 v15;
	v34 =	vunpack.i.u.bf16.f32 v26;
	v35 =	vunpack.i.u.bf16.f32 v27  }
0x15e: {  	v63 =	vor.u32 $0x11, v7;
	v59 =	vunpack.i.u.bf16.f32 v14;
	v14 =	vunpack.i.l.bf16.f32 v14  }
0x15f: {  	v32 =	vsel vm1, v15, v29;
	v47 =	vunpack.i.u.bf16.f32 v40;
	v8 =	vadd.f32 v9, v8  }
0x160: {  	v44 =	vld.idx.msk [tilespmem:v36+s21+$0x0], $0xffff;
	v9 =	vsel vm0, v11, v58;
	v61 =	vsel vm1, v14, v59;
	v21 =	vunpack.i.u.bf16.f32 v12  }
0x161: {  	v12 =	vunpack.i.l.bf16.f32 v12;
	v11 =	vunpack.i.l.bf16.f32 v27;
	v39 =	vunpack.i.u.bf16.f32 v30  }
0x162: {  	v41 =	vunpack.i.l.bf16.f32 v30;
	v9 =	vmul.f32 v61, v9;
	v23 =	vsel vm1, v12, v21  }
0x163: {  	v15 =	vld.idx.msk [tilespmem:v46+s22+$0x0], $0xffff;
	v11 =	vsel vm1, v11, v35;
	v35 =	vor.u32 $0x13, v6;
	v8 =	vadd.f32 v49, v8  }
0x164: {  	v14 =	vld.idx.msk [tilespmem:v33+s22+$0x0], $0xffff;
	v25 =	vmul.f32 v23, v10;
	v28 =	vunpack.i.u.bf16.f32 v13;
	v13 =	vunpack.i.l.bf16.f32 v13  }
0x165: {  	v10 =	vunpack.i.l.bf16.f32 v26;
	v49 =	vor.u32 $0xF, v7;
	v52 =	vunpack.i.u.bf16.f32 v44  }
0x166: {  	v12 =	vld.idx.msk [tilespmem:v24+s22+$0x0], $0xffff;
	v26 =	vor.u32 $0x12, v6;
	v10 =	vsel vm0, v10, v34;
	v34 =	vor.u32 $0x13, v7  }
0x167: {  	v8 =	vadd.f32 v54, v8;
	v38 =	vmul.f32 v11, v10;
	v10 =	vsel vm0, v41, v39  }
0x168: {  	v59 =	vld.idx.msk [tilespmem:v51+s22+$0x0], $0xffff;
	v11 =	vunpack.i.l.bf16.f32 v40;
	v54 =	vor.u32 $0x10, v7;
	v61 =	vunpack.i.u.bf16.f32 v15  }
0x169: {  	v29 =	vld.idx.msk [tilespmem:v63+s21+$0x0], $0xffff;
	v15 =	vunpack.i.l.bf16.f32 v15;
	v40 =	vor.u32 $0x14, v6;
	v48 =	vunpack.i.u.bf16.f32 v14  }
0x16a: {  	v14 =	vunpack.i.l.bf16.f32 v14;
	v8 =	vadd.f32 v9, v8;
	v9 =	vsel vm0, v13, v28;
	v13 =	vld.idx.msk [tilespmem:v37+s22+$0x0], $0xffff  }
0x16b: {  	v21 =	vsel vm1, v15, v61;
	v42 =	vunpack.i.u.bf16.f32 v12;
	v50 =	vsel vm1, v14, v48;
	v14 =	vld.idx.msk [tilespmem:v22+s22+$0x0], $0xffff  }
0x16c: {  	v12 =	vunpack.i.l.bf16.f32 v12;
	v15 =	vld.idx.msk [tilespmem:v35+s22+$0x0], $0xffff;
	v22 =	vor.u32 $0x18, v7;
	v9 =	vmul.f32 v32, v9  }
0x16d: {  	v12 =	vsel vm1, v12, v42;
	v58 =	vld.idx.msk [tilespmem:v49+s21+$0x0], $0xffff;
	v24 =	vunpack.i.u.bf16.f32 v59;
	v8 =	vadd.f32 v25, v8  }
0x16e: {  	v43 =	vmul.f32 v12, v10;
	v10 =	vunpack.i.l.bf16.f32 v44;
	v12 =	vld.idx.msk [tilespmem:v45+s21+$0x0], $0xffff;
	v25 =	vor.u32 $0x12, v7  }
0x16f: {  	v36 =	vunpack.i.u.bf16.f32 v29;
	v45 =	vor.u32 $0x15, v6;
	v10 =	vsel vm0, v10, v52;
	v62 =	vld.idx.msk [tilespmem:v54+s21+$0x0], $0xffff  }
0x170: {  	v48 =	vld.idx.msk [tilespmem:v40+s22+$0x0], $0xffff;
	v52 =	vor.u32 $0x16, v7;
	v54 =	vor.u32 $0x16, v6;
	v40 =	vor.u32 $0x1B, v7  }
0x171: {  	v8 =	vadd.f32 v9, v8;
	v9 =	vsel vm0, v11, v47;
	v11 =	vunpack.i.l.bf16.f32 v59  }
0x172: {  	v9 =	vmul.f32 v50, v9;
	v53 =	vunpack.i.u.bf16.f32 v13;
	v13 =	vunpack.i.l.bf16.f32 v13  }
0x173: {  	v11 =	vsel vm1, v11, v24;
	v37 =	vunpack.i.u.bf16.f32 v14;
	v14 =	vunpack.i.l.bf16.f32 v14  }
0x174: {  	v50 =	vunpack.i.u.bf16.f32 v15;
	v15 =	vunpack.i.l.bf16.f32 v15;
	v8 =	vadd.f32 v38, v8  }
0x175: {  	v55 =	vsel vm1, v13, v53;
	v23 =	vunpack.i.u.bf16.f32 v58;
	v38 =	vor.u32 $0x14, v7  }
0x176: {  	v39 =	vsel vm1, v14, v37;
	v53 =	vsel vm1, v15, v50;
	v57 =	vmul.f32 v55, v10  }
0x177: {  	v60 =	vunpack.i.u.bf16.f32 v12;
	v12 =	vunpack.i.l.bf16.f32 v12;
	v10 =	vunpack.i.l.bf16.f32 v58  }
0x178: {  	v13 =	vld.idx.msk [tilespmem:v56+s22+$0x0], $0xffff;
	v58 =	vor.u32 $0x17, v6;
	v8 =	vadd.f32 v43, v8;
	v10 =	vsel vm0, v10, v23  }
0x179: {  	v33 =	vld.idx.msk [tilespmem:v25+s21+$0x0], $0xffff;
	v28 =	vunpack.i.u.bf16.f32 v62;
	v30 =	vunpack.i.l.bf16.f32 v62;
	v43 =	vor.u32 $0x15, v7  }
0x17a: {  	v56 =	vunpack.i.u.bf16.f32 v48;
	v14 =	vld.idx.msk [tilespmem:v54+s22+$0x0], $0xffff;
	v23 =	vor.u32 $0x18, v6;
	v54 =	vor.u32 $0x1D, v7  }
0x17b: {  	v61 =	vld.idx.msk [tilespmem:v52+s21+$0x0], $0xffff;
	v27 =	vmul.f32 v11, v10;
	v10 =	vsel vm0, v30, v28;
	v11 =	vunpack.i.l.bf16.f32 v29  }
0x17c: {  	v28 =	vor.u32 $0x19, v6;
	v8 =	vadd.f32 v9, v8;
	v9 =	vsel vm0, v12, v60  }
0x17d: {  	v12 =	vld.idx.msk [tilespmem:v26+s22+$0x0], $0xffff;
	v26 =	vor.u32 $0x19, v7;
	v31 =	vunpack.i.u.bf16.f32 v13;
	v13 =	vunpack.i.l.bf16.f32 v13  }
0x17e: {  	v9 =	vmul.f32 v21, v9;
	v8 =	vadd.f32 v57, v8;
	v13 =	vsel vm1, v13, v31  }
0x17f: {  	v41 =	vunpack.i.u.bf16.f32 v33;
	v57 =	vor.u32 $0x17, v7;
	v31 =	vor.u32 $0x1A, v7  }
0x180: {  	v47 =	vld.idx.msk [tilespmem:v38+s21+$0x0], $0xffff;
	v32 =	vmul.f32 v13, v10;
	v10 =	vunpack.i.l.bf16.f32 v33;
	v24 =	vunpack.i.u.bf16.f32 v61  }
0x181: {  	v25 =	vunpack.i.u.bf16.f32 v14;
	v14 =	vunpack.i.l.bf16.f32 v14;
	v33 =	vor.u32 $0x1A, v6  }
0x182: {  	v13 =	vld.idx.msk [tilespmem:v34+s21+$0x0], $0xffff;
	v8 =	vadd.f32 v9, v8;
	v9 =	vsel vm0, v11, v36;
	v10 =	vsel vm0, v10, v41  }
0x183: {  	v51 =	vld.idx.msk [tilespmem:v43+s21+$0x0], $0xffff;
	v11 =	vunpack.i.l.bf16.f32 v48;
	v9 =	vmul.f32 v39, v9;
	v42 =	vunpack.i.u.bf16.f32 v12  }
0x184: {  	v15 =	vld.idx.msk [tilespmem:v23+s22+$0x0], $0xffff;
	v12 =	vunpack.i.l.bf16.f32 v12;
	v11 =	vsel vm1, v11, v56;
	v8 =	vadd.f32 v27, v8  }
0x185: {  	v36 =	vld.idx.msk [tilespmem:v28+s22+$0x0], $0xffff;
	v44 =	vsel vm1, v12, v42;
	v55 =	vunpack.i.u.bf16.f32 v47;
	v27 =	vsel vm1, v14, v25  }
0x186: {  	v12 =	vld.idx.msk [tilespmem:v45+s22+$0x0], $0xffff;
	v42 =	vor.u32 $0x1B, v6;
	v45 =	vor.u32 $0x1C, v7;
	v46 =	vmul.f32 v44, v10  }
0x187: {  	v10 =	vunpack.i.l.bf16.f32 v47;
	v39 =	vld.idx.msk [tilespmem:v31+s21+$0x0], $0xffff;
	v31 =	vor.u32 $0x20, v6;
	v8 =	vadd.f32 v32, v8  }
0x188: {  	v35 =	vld.idx.msk [tilespmem:v26+s21+$0x0], $0xffff;
	v49 =	vunpack.i.u.bf16.f32 v13;
	v13 =	vunpack.i.l.bf16.f32 v13;
	v10 =	vsel vm0, v10, v55  }
0x189: {  	v60 =	vunpack.i.u.bf16.f32 v51;
	v62 =	vunpack.i.l.bf16.f32 v51;
	v38 =	vunpack.i.u.bf16.f32 v15  }
0x18a: {  	v21 =	vld.idx.msk [tilespmem:v57+s21+$0x0], $0xffff;
	v15 =	vunpack.i.l.bf16.f32 v15;
	v55 =	vor.u32 $0x1D, v6;
	v59 =	vmul.f32 v11, v10  }
0x18b: {  	v10 =	vsel vm0, v62, v60;
	v11 =	vunpack.i.l.bf16.f32 v61;
	v41 =	vsel vm1, v15, v38  }
0x18c: {  	v44 =	vunpack.i.u.bf16.f32 v36;
	v60 =	vor.u32 $0x1E, v6;
	v8 =	vadd.f32 v9, v8  }
0x18d: {  	v9 =	vsel vm0, v13, v49;
	v13 =	vld.idx.msk [tilespmem:v58+s22+$0x0], $0xffff;
	v43 =	vunpack.i.u.bf16.f32 v35;
	v58 =	vor.u32 $0x1E, v7  }
0x18e: {  	v9 =	vmul.f32 v53, v9;
	v63 =	vunpack.i.u.bf16.f32 v12;
	v12 =	vunpack.i.l.bf16.f32 v12  }
0x18f: {  	v49 =	vld.idx.msk [tilespmem:v40+s21+$0x0], $0xffff;
	v8 =	vadd.f32 v46, v8;
	v12 =	vsel vm1, v12, v63;
	v29 =	vunpack.i.u.bf16.f32 v21  }
0x190: {  	v14 =	vld.idx.msk [tilespmem:v42+s22+$0x0], $0xffff;
	v46 =	vor.u32 $0x1C, v6;
	v48 =	vunpack.i.u.bf16.f32 v39;
	v50 =	vunpack.i.l.bf16.f32 v39  }
0x191: {  	v53 =	vld.idx.msk [tilespmem:v45+s21+$0x0], $0xffff;
	v63 =	vor.u32 $0x1F, v7;
	v20 =	vmul.f32 v12, v10;
	v10 =	vunpack.i.l.bf16.f32 v21  }
0x192: {  	v12 =	vld.idx.msk [tilespmem:v22+s21+$0x0], $0xffff;
	v22 =	vor.u32 $0x1F, v6;
	v8 =	vadd.f32 v9, v8;
	v9 =	vsel vm0, v11, v24  }
0x193: {  	v10 =	vsel vm0, v10, v29;
	v11 =	vunpack.i.l.bf16.f32 v36;
	v29 =	vor.u32 $0x20, v7  }
0x194: {  	v9 =	vmul.f32 v27, v9;
	v30 =	vunpack.i.u.bf16.f32 v13;
	v13 =	vunpack.i.l.bf16.f32 v13  }
0x195: {  	v15 =	vld.idx.msk [tilespmem:v55+s22+$0x0], $0xffff;
	v11 =	vsel vm1, v11, v44;
	v56 =	vunpack.i.u.bf16.f32 v49;
	v44 =	vor.u32 $0x22, v6  }
0x196: {  	v8 =	vadd.f32 v59, v8;
	v32 =	vsel vm1, v13, v30;
	v57 =	vunpack.i.u.bf16.f32 v14  }
0x197: {  	v25 =	vld.idx.msk [tilespmem:v60+s22+$0x0], $0xffff;
	v14 =	vunpack.i.l.bf16.f32 v14;
	v61 =	vunpack.i.u.bf16.f32 v53;
	v34 =	vmul.f32 v32, v10  }
0x198: {  	v24 =	vld.idx.msk [tilespmem:v58+s21+$0x0], $0xffff;
	v10 =	vunpack.i.l.bf16.f32 v35;
	v59 =	vsel vm1, v14, v57;
	v35 =	vor.u32 $0x21, v6  }
0x199: {  	v28 =	vld.idx.msk [tilespmem:v63+s21+$0x0], $0xffff;
	v63 =	vor.u32 $0x25, v6;
	v8 =	vadd.f32 v20, v8;
	v37 =	vunpack.i.u.bf16.f32 v12  }
0x19a: {  	v13 =	vld.idx.msk [tilespmem:v33+s22+$0x0], $0xffff;
	v12 =	vunpack.i.l.bf16.f32 v12;
	v10 =	vsel vm0, v10, v43;
	v27 =	vunpack.i.u.bf16.f32 v15  }
0x19b: {  	v15 =	vunpack.i.l.bf16.f32 v15;
	v43 =	vor.u32 $0x22, v7;
	v20 =	vor.u32 $0x2C, v7  }
0x19c: {  	v14 =	vld.idx.msk [tilespmem:v31+s22+$0x0], $0xffff;
	v47 =	vmul.f32 v11, v10;
	v10 =	vsel vm0, v50, v48;
	v11 =	vunpack.i.l.bf16.f32 v49  }
0x19d: {  	v30 =	vsel vm1, v15, v27;
	v33 =	vunpack.i.u.bf16.f32 v25;
	v49 =	vor.u32 $0x23, v6  }
0x19e: {  	v8 =	vadd.f32 v9, v8;
	v9 =	vsel vm0, v12, v37;
	v32 =	vunpack.i.u.bf16.f32 v24  }
0x19f: {  	v9 =	vmul.f32 v41, v9;
	v51 =	vunpack.i.u.bf16.f32 v13;
	v13 =	vunpack.i.l.bf16.f32 v13  }
0x1a0: {  	v38 =	vld.idx.msk [tilespmem:v29+s21+$0x0], $0xffff;
	v8 =	vadd.f32 v34, v8;
	v13 =	vsel vm1, v13, v51;
	v34 =	vor.u32 $0x21, v7  }
0x1a1: {  	v12 =	vld.idx.msk [tilespmem:v46+s22+$0x0], $0xffff;
	v37 =	vunpack.i.u.bf16.f32 v28;
	v39 =	vunpack.i.l.bf16.f32 v28;
	v46 =	vunpack.i.u.bf16.f32 v14  }
0x1a2: {  	v15 =	vld.idx.msk [tilespmem:v44+s22+$0x0], $0xffff;
	v14 =	vunpack.i.l.bf16.f32 v14;
	v52 =	vmul.f32 v13, v10;
	v10 =	vunpack.i.l.bf16.f32 v53  }
0x1a3: {  	v13 =	vld.idx.msk [tilespmem:v54+s21+$0x0], $0xffff;
	v48 =	vsel vm1, v14, v46;
	v54 =	vor.u32 $0x24, v6;
	v8 =	vadd.f32 v9, v8  }
0x1a4: {  	v9 =	vsel vm0, v11, v56;
	v10 =	vsel vm0, v10, v61;
	v11 =	vunpack.i.l.bf16.f32 v25  }
0x1a5: {  	v45 =	vunpack.i.u.bf16.f32 v38;
	v61 =	vor.u32 $0x25, v7;
	v9 =	vmul.f32 v59, v9  }
0x1a6: {  	v62 =	vunpack.i.u.bf16.f32 v12;
	v12 =	vunpack.i.l.bf16.f32 v12;
	v11 =	vsel vm1, v11, v33  }
0x1a7: {  	v59 =	vunpack.i.u.bf16.f32 v15;
	v15 =	vunpack.i.l.bf16.f32 v15;
	v33 =	vor.u32 $0x27, v6  }
0x1a8: {  	v57 =	vld.idx.msk [tilespmem:v49+s22+$0x0], $0xffff;
	v8 =	vadd.f32 v47, v8;
	v21 =	vsel vm1, v12, v62;
	v47 =	vor.u32 $0x23, v7  }
0x1a9: {  	v14 =	vld.idx.msk [tilespmem:v63+s22+$0x0], $0xffff;
	v62 =	vsel vm1, v15, v59;
	v23 =	vmul.f32 v21, v10;
	v10 =	vunpack.i.l.bf16.f32 v24  }
0x1aa: {  	v12 =	vld.idx.msk [tilespmem:v22+s22+$0x0], $0xffff;
	v24 =	vor.u32 $0x26, v6;
	v8 =	vadd.f32 v52, v8;
	v26 =	vunpack.i.u.bf16.f32 v13  }
0x1ab: {  	v13 =	vunpack.i.l.bf16.f32 v13;
	v10 =	vsel vm0, v10, v32;
	v52 =	vor.u32 $0x24, v7  }
0x1ac: {  	v42 =	vld.idx.msk [tilespmem:v34+s21+$0x0], $0xffff;
	v32 =	vor.u32 $0x27, v7;
	v36 =	vmul.f32 v11, v10;
	v10 =	vsel vm0, v39, v37  }
0x1ad: {  	v11 =	vunpack.i.l.bf16.f32 v38;
	v22 =	vunpack.i.u.bf16.f32 v57;
	v38 =	vor.u32 $0x28, v6  }
0x1ae: {  	v8 =	vadd.f32 v9, v8;
	v9 =	vsel vm0, v13, v26;
	v13 =	vld.idx.msk [tilespmem:v35+s22+$0x0], $0xffff;
	v35 =	vunpack.i.u.bf16.f32 v14  }
0x1af: {  	v27 =	vld.idx.msk [tilespmem:v61+s21+$0x0], $0xffff;
	v14 =	vunpack.i.l.bf16.f32 v14;
	v9 =	vmul.f32 v30, v9;
	v40 =	vunpack.i.u.bf16.f32 v12  }
0x1b0: {  	v15 =	vld.idx.msk [tilespmem:v33+s22+$0x0], $0xffff;
	v12 =	vunpack.i.l.bf16.f32 v12;
	v37 =	vsel vm1, v14, v35;
	v8 =	vadd.f32 v23, v8  }
0x1b1: {  	v56 =	vld.idx.msk [tilespmem:v47+s21+$0x0], $0xffff;
	v12 =	vsel vm1, v12, v40;
	v50 =	vunpack.i.u.bf16.f32 v42;
	v23 =	vor.u32 $0x26, v7  }
0x1b2: {  	v41 =	vmul.f32 v12, v10;
	v10 =	vunpack.i.l.bf16.f32 v42;
	v12 =	vld.idx.msk [tilespmem:v43+s21+$0x0], $0xffff;
	v43 =	vor.u32 $0x29, v6  }
0x1b3: {  	v60 =	vld.idx.msk [tilespmem:v52+s21+$0x0], $0xffff;
	v52 =	vor.u32 $0x2A, v6;
	v8 =	vadd.f32 v9, v8;
	v9 =	vsel vm0, v11, v45  }
0x1b4: {  	v10 =	vsel vm0, v10, v50;
	v11 =	vunpack.i.l.bf16.f32 v57;
	v34 =	vunpack.i.u.bf16.f32 v27  }
0x1b5: {  	v46 =	vld.idx.msk [tilespmem:v38+s22+$0x0], $0xffff;
	v50 =	vor.u32 $0x2A, v7;
	v38 =	vor.u32 $0x2F, v7;
	v9 =	vmul.f32 v48, v9  }
0x1b6: {  	v51 =	vunpack.i.u.bf16.f32 v13;
	v13 =	vunpack.i.l.bf16.f32 v13;
	v11 =	vsel vm1, v11, v22  }
0x1b7: {  	v48 =	vunpack.i.u.bf16.f32 v15;
	v15 =	vunpack.i.l.bf16.f32 v15;
	v8 =	vadd.f32 v36, v8  }
0x1b8: {  	v53 =	vsel vm1, v13, v51;
	v21 =	vunpack.i.u.bf16.f32 v56;
	v36 =	vor.u32 $0x28, v7  }
0x1b9: {  	v51 =	vsel vm1, v15, v48;
	v55 =	vmul.f32 v53, v10;
	v10 =	vunpack.i.l.bf16.f32 v56  }
0x1ba: {  	v56 =	vor.u32 $0x2B, v6;
	v8 =	vadd.f32 v41, v8;
	v58 =	vunpack.i.u.bf16.f32 v12  }
0x1bb: {  	v13 =	vld.idx.msk [tilespmem:v54+s22+$0x0], $0xffff;
	v12 =	vunpack.i.l.bf16.f32 v12;
	v10 =	vsel vm0, v10, v21;
	v26 =	vunpack.i.u.bf16.f32 v60  }
0x1bc: {  	v31 =	vld.idx.msk [tilespmem:v23+s21+$0x0], $0xffff;
	v28 =	vunpack.i.l.bf16.f32 v60;
	v41 =	vor.u32 $0x29, v7;
	v21 =	vor.u32 $0x2C, v6  }
0x1bd: {  	v14 =	vld.idx.msk [tilespmem:v52+s22+$0x0], $0xffff;
	v52 =	vor.u32 $0x31, v7;
	v25 =	vmul.f32 v11, v10;
	v10 =	vsel vm0, v28, v26  }
0x1be: {  	v11 =	vunpack.i.l.bf16.f32 v27;
	v54 =	vunpack.i.u.bf16.f32 v46;
	v26 =	vor.u32 $0x2D, v6  }
0x1bf: {  	v8 =	vadd.f32 v9, v8;
	v9 =	vsel vm0, v12, v58;
	v12 =	vld.idx.msk [tilespmem:v24+s22+$0x0], $0xffff;
	v24 =	vor.u32 $0x2D, v7  }
0x1c0: {  	v59 =	vld.idx.msk [tilespmem:v50+s21+$0x0], $0xffff;
	v9 =	vmul.f32 v62, v9;
	v29 =	vunpack.i.u.bf16.f32 v13;
	v13 =	vunpack.i.l.bf16.f32 v13  }
0x1c1: {  	v8 =	vadd.f32 v55, v8;
	v13 =	vsel vm1, v13, v29;
	v39 =	vunpack.i.u.bf16.f32 v31  }
0x1c2: {  	v55 =	vor.u32 $0x2B, v7;
	v29 =	vor.u32 $0x2E, v7;
	v30 =	vmul.f32 v13, v10  }
0x1c3: {  	v45 =	vld.idx.msk [tilespmem:v36+s21+$0x0], $0xffff;
	v10 =	vunpack.i.l.bf16.f32 v31;
	v23 =	vunpack.i.u.bf16.f32 v14;
	v14 =	vunpack.i.l.bf16.f32 v14  }
0x1c4: {  	v13 =	vld.idx.msk [tilespmem:v32+s21+$0x0], $0xffff;
	v31 =	vor.u32 $0x2E, v6;
	v8 =	vadd.f32 v9, v8;
	v9 =	vsel vm0, v11, v34  }
0x1c5: {  	v49 =	vld.idx.msk [tilespmem:v41+s21+$0x0], $0xffff;
	v10 =	vsel vm0, v10, v39;
	v11 =	vunpack.i.l.bf16.f32 v46;
	v22 =	vunpack.i.u.bf16.f32 v59  }
0x1c6: {  	v34 =	vld.idx.msk [tilespmem:v26+s22+$0x0], $0xffff;
	v26 =	vor.u32 $0x34, v7;
	v9 =	vmul.f32 v37, v9;
	v40 =	vunpack.i.u.bf16.f32 v12  }
0x1c7: {  	v15 =	vld.idx.msk [tilespmem:v21+s22+$0x0], $0xffff;
	v12 =	vunpack.i.l.bf16.f32 v12;
	v11 =	vsel vm1, v11, v54;
	v8 =	vadd.f32 v25, v8  }
0x1c8: {  	v42 =	vsel vm1, v12, v40;
	v53 =	vunpack.i.u.bf16.f32 v45;
	v25 =	vsel vm1, v14, v23  }
0x1c9: {  	v12 =	vld.idx.msk [tilespmem:v43+s22+$0x0], $0xffff;
	v40 =	vor.u32 $0x2F, v6;
	v43 =	vor.u32 $0x30, v7;
	v44 =	vmul.f32 v42, v10  }
0x1ca: {  	v10 =	vunpack.i.l.bf16.f32 v45;
	v8 =	vadd.f32 v30, v8;
	v47 =	vunpack.i.u.bf16.f32 v13  }
0x1cb: {  	v33 =	vld.idx.msk [tilespmem:v24+s21+$0x0], $0xffff;
	v13 =	vunpack.i.l.bf16.f32 v13;
	v10 =	vsel vm0, v10, v53;
	v58 =	vunpack.i.u.bf16.f32 v49  }
0x1cc: {  	v60 =	vunpack.i.l.bf16.f32 v49;
	v36 =	vunpack.i.u.bf16.f32 v15;
	v15 =	vunpack.i.l.bf16.f32 v15  }
0x1cd: {  	v63 =	vld.idx.msk [tilespmem:v55+s21+$0x0], $0xffff;
	v53 =	vor.u32 $0x31, v6;
	v57 =	vmul.f32 v11, v10;
	v10 =	vsel vm0, v60, v58  }
0x1ce: {  	v37 =	vld.idx.msk [tilespmem:v29+s21+$0x0], $0xffff;
	v11 =	vunpack.i.l.bf16.f32 v59;
	v39 =	vsel vm1, v15, v36;
	v42 =	vunpack.i.u.bf16.f32 v34  }
0x1cf: {  	v58 =	vor.u32 $0x32, v6;
	v8 =	vadd.f32 v9, v8;
	v9 =	vsel vm0, v13, v47  }
0x1d0: {  	v13 =	vld.idx.msk [tilespmem:v56+s22+$0x0], $0xffff;
	v41 =	vunpack.i.u.bf16.f32 v33;
	v56 =	vor.u32 $0x32, v7;
	v9 =	vmul.f32 v51, v9  }
0x1d1: {  	v61 =	vunpack.i.u.bf16.f32 v12;
	v12 =	vunpack.i.l.bf16.f32 v12;
	v14 =	vld.idx.msk [tilespmem:v40+s22+$0x0], $0xffff;
	v40 =	vor.u32 $0x36, v7  }
0x1d2: {  	v8 =	vadd.f32 v44, v8;
	v12 =	vsel vm1, v12, v61;
	v27 =	vunpack.i.u.bf16.f32 v63  }
0x1d3: {  	v47 =	vld.idx.msk [tilespmem:v38+s21+$0x0], $0xffff;
	v44 =	vor.u32 $0x30, v6;
	v46 =	vunpack.i.u.bf16.f32 v37;
	v48 =	vunpack.i.l.bf16.f32 v37  }
0x1d4: {  	v61 =	vor.u32 $0x33, v7;
	v62 =	vmul.f32 v12, v10;
	v10 =	vunpack.i.l.bf16.f32 v63  }
0x1d5: {  	v51 =	vld.idx.msk [tilespmem:v43+s21+$0x0], $0xffff;
	v63 =	vor.u32 $0x33, v6;
	v8 =	vadd.f32 v9, v8;
	v9 =	vsel vm0, v11, v22  }
0x1d6: {  	v10 =	vsel vm0, v10, v27;
	v11 =	vunpack.i.l.bf16.f32 v34;
	v22 =	vld.idx.msk [tilespmem:v58+s22+$0x0], $0xffff;
	v58 =	vor.u32 $0x39, v7  }
0x1d7: {  	v12 =	vld.idx.msk [tilespmem:v20+s21+$0x0], $0xffff;
	v9 =	vmul.f32 v25, v9;
	v28 =	vunpack.i.u.bf16.f32 v13;
	v13 =	vunpack.i.l.bf16.f32 v13  }
0x1d8: {  	v15 =	vld.idx.msk [tilespmem:v53+s22+$0x0], $0xffff;
	v11 =	vsel vm1, v11, v42;
	v54 =	vunpack.i.u.bf16.f32 v47;
	v8 =	vadd.f32 v57, v8  }
0x1d9: {  	v30 =	vsel vm1, v13, v28;
	v55 =	vunpack.i.u.bf16.f32 v14;
	v14 =	vunpack.i.l.bf16.f32 v14  }
0x1da: {  	v13 =	vld.idx.msk [tilespmem:v31+s22+$0x0], $0xffff;
	v59 =	vunpack.i.u.bf16.f32 v51;
	v28 =	vor.u32 $0x34, v6;
	v31 =	vor.u32 $0x35, v7  }
0x1db: {  	v32 =	vmul.f32 v30, v10;
	v10 =	vunpack.i.l.bf16.f32 v33;
	v57 =	vsel vm1, v14, v55  }
0x1dc: {  	v21 =	vld.idx.msk [tilespmem:v56+s21+$0x0], $0xffff;
	v8 =	vadd.f32 v62, v8;
	v35 =	vunpack.i.u.bf16.f32 v12;
	v12 =	vunpack.i.l.bf16.f32 v12  }
0x1dd: {  	v10 =	vsel vm0, v10, v41;
	v24 =	vunpack.i.u.bf16.f32 v15;
	v15 =	vunpack.i.l.bf16.f32 v15  }
0x1de: {  	v41 =	vor.u32 $0x36, v6;
	v45 =	vmul.f32 v11, v10;
	v10 =	vsel vm0, v48, v46  }
0x1df: {  	v25 =	vld.idx.msk [tilespmem:v61+s21+$0x0], $0xffff;
	v11 =	vunpack.i.l.bf16.f32 v47;
	v27 =	vsel vm1, v15, v24;
	v30 =	vunpack.i.u.bf16.f32 v22  }
0x1e0: {  	v46 =	vor.u32 $0x37, v6;
	v8 =	vadd.f32 v9, v8;
	v9 =	vsel vm0, v12, v35  }
0x1e1: {  	v12 =	vld.idx.msk [tilespmem:v44+s22+$0x0], $0xffff;
	v29 =	vunpack.i.u.bf16.f32 v21;
	v44 =	vor.u32 $0x37, v7;
	v9 =	vmul.f32 v39, v9  }
0x1e2: {  	v49 =	vunpack.i.u.bf16.f32 v13;
	v13 =	vunpack.i.l.bf16.f32 v13;
	v14 =	vld.idx.msk [tilespmem:v28+s22+$0x0], $0xffff;
	v28 =	vor.u32 $0x3B, v7  }
0x1e3: {  	v35 =	vld.idx.msk [tilespmem:v26+s21+$0x0], $0xffff;
	v8 =	vadd.f32 v32, v8;
	v13 =	vsel vm1, v13, v49;
	v32 =	vor.u32 $0x35, v6  }
0x1e4: {  	v34 =	vunpack.i.u.bf16.f32 v25;
	v36 =	vunpack.i.l.bf16.f32 v25;
	v49 =	vor.u32 $0x38, v7  }
0x1e5: {  	v39 =	vld.idx.msk [tilespmem:v31+s21+$0x0], $0xffff;
	v50 =	vmul.f32 v13, v10;
	v10 =	vunpack.i.l.bf16.f32 v51;
	v51 =	vor.u32 $0x38, v6  }
0x1e6: {  	v8 =	vadd.f32 v9, v8;
	v9 =	vsel vm0, v11, v54;
	v10 =	vsel vm0, v10, v59  }
0x1e7: {  	v11 =	vunpack.i.l.bf16.f32 v22;
	v9 =	vmul.f32 v57, v9;
	v60 =	vunpack.i.u.bf16.f32 v12  }
0x1e8: {  	v13 =	vld.idx.msk [tilespmem:v52+s21+$0x0], $0xffff;
	v12 =	vunpack.i.l.bf16.f32 v12;
	v11 =	vsel vm1, v11, v30;
	v42 =	vunpack.i.u.bf16.f32 v35  }
0x1e9: {  	v15 =	vld.idx.msk [tilespmem:v41+s22+$0x0], $0xffff;
	v8 =	vadd.f32 v45, v8;
	v62 =	vsel vm1, v12, v60;
	v43 =	vunpack.i.u.bf16.f32 v14  }
0x1ea: {  	v54 =	vld.idx.msk [tilespmem:v46+s22+$0x0], $0xffff;
	v14 =	vunpack.i.l.bf16.f32 v14;
	v47 =	vunpack.i.u.bf16.f32 v39;
	v60 =	vor.u32 $0x39, v6  }
0x1eb: {  	v12 =	vld.idx.msk [tilespmem:v63+s22+$0x0], $0xffff;
	v63 =	vor.u32 $0x3A, v7;
	v20 =	vmul.f32 v62, v10;
	v10 =	vunpack.i.l.bf16.f32 v21  }
0x1ec: {  	v53 =	vld.idx.msk [tilespmem:v44+s21+$0x0], $0xffff;
	v45 =	vsel vm1, v14, v43;
	v43 =	vor.u32 $0x3E, v7;
	v8 =	vadd.f32 v50, v8  }
0x1ed: {  	v23 =	vunpack.i.u.bf16.f32 v13;
	v13 =	vunpack.i.l.bf16.f32 v13;
	v10 =	vsel vm0, v10, v29  }
0x1ee: {  	v56 =	vunpack.i.u.bf16.f32 v15;
	v15 =	vunpack.i.l.bf16.f32 v15;
	v29 =	vor.u32 $0x3B, v6  }
0x1ef: {  	v57 =	vld.idx.msk [tilespmem:v49+s21+$0x0], $0xffff;
	v33 =	vmul.f32 v11, v10;
	v10 =	vsel vm0, v36, v34;
	v11 =	vunpack.i.l.bf16.f32 v35  }
0x1f0: {  	v59 =	vsel vm1, v15, v56;
	v62 =	vunpack.i.u.bf16.f32 v54;
	v34 =	vor.u32 $0x3C, v6  }
0x1f1: {  	v8 =	vadd.f32 v9, v8;
	v9 =	vsel vm0, v13, v23;
	v61 =	vunpack.i.u.bf16.f32 v53  }
0x1f2: {  	v13 =	vld.idx.msk [tilespmem:v32+s22+$0x0], $0xffff;
	v32 =	vor.u32 $0x3C, v7;
	v37 =	vunpack.i.u.bf16.f32 v12;
	v12 =	vunpack.i.l.bf16.f32 v12  }
0x1f3: {  	v9 =	vmul.f32 v27, v9;
	v8 =	vadd.f32 v20, v8;
	v12 =	vsel vm1, v12, v37  }
0x1f4: {  	v23 =	vld.idx.msk [tilespmem:v58+s21+$0x0], $0xffff;
	v20 =	vor.u32 $0x3A, v6;
	v22 =	vunpack.i.u.bf16.f32 v57;
	v24 =	vunpack.i.l.bf16.f32 v57  }
0x1f5: {  	v14 =	vld.idx.msk [tilespmem:v60+s22+$0x0], $0xffff;
	v37 =	vor.u32 $0x3D, v7;
	v7 =	vor.u32 $0x3F, v7;
	v38 =	vmul.f32 v12, v10  }
0x1f6: {  	v27 =	vld.idx.msk [tilespmem:v63+s21+$0x0], $0xffff;
	v10 =	vunpack.i.l.bf16.f32 v39;
	v39 =	vor.u32 $0x3D, v6;
	v8 =	vadd.f32 v9, v8  }
0x1f7: {  	v9 =	vsel vm0, v11, v42;
	v10 =	vsel vm0, v10, v47;
	v11 =	vunpack.i.l.bf16.f32 v54  }
0x1f8: {  	v12 =	vld.idx.msk [tilespmem:v40+s21+$0x0], $0xffff;
	v9 =	vmul.f32 v45, v9;
	v48 =	vunpack.i.u.bf16.f32 v13;
	v13 =	vunpack.i.l.bf16.f32 v13  }
0x1f9: {  	v15 =	vld.idx.msk [tilespmem:v29+s22+$0x0], $0xffff;
	v11 =	vsel vm1, v11, v62;
	v30 =	vunpack.i.u.bf16.f32 v23;
	v45 =	vor.u32 $0x3E, v6  }
0x1fa: {  	v6 =	vor.u32 $0x3F, v6;
	v8 =	vadd.f32 v33, v8;
	v50 =	vsel vm1, v13, v48  }
0x1fb: {  	v42 =	vld.idx.msk [tilespmem:v34+s22+$0x0], $0xffff;
	v31 =	vunpack.i.u.bf16.f32 v14;
	v14 =	vunpack.i.l.bf16.f32 v14;
	v35 =	vunpack.i.u.bf16.f32 v27  }
0x1fc: {  	v41 =	vld.idx.msk [tilespmem:v32+s21+$0x0], $0xffff;
	v52 =	vmul.f32 v50, v10;
	v10 =	vunpack.i.l.bf16.f32 v53;
	v33 =	vsel vm1, v14, v31  }
0x1fd: {  	v13 =	vld.idx.msk [tilespmem:v51+s22+$0x0], $0xffff;
	v8 =	vadd.f32 v38, v8;
	v55 =	vunpack.i.u.bf16.f32 v12;
	v12 =	vunpack.i.l.bf16.f32 v12  }
0x1fe: {  	v18 =	vld.idx.msk [tilespmem:v37+s21+$0x0], $0xffff;
	v10 =	vsel vm0, v10, v61;
	v46 =	vunpack.i.u.bf16.f32 v15;
	v15 =	vunpack.i.l.bf16.f32 v15  }
0x1ff: {  	v14 =	vld.idx.msk [tilespmem:v43+s21+$0x0], $0xffff;
	v21 =	vmul.f32 v11, v10;
	v10 =	vsel vm0, v24, v22;
	v8 =	vadd.f32 v9, v8  }
0x200: {  	v11 =	vunpack.i.l.bf16.f32 v23;
	v47 =	vsel vm1, v15, v46;
	v9 =	vsel vm0, v12, v55  }
0x201: {  	v49 =	vunpack.i.u.bf16.f32 v42;
	v12 =	vld.idx.msk [tilespmem:v20+s22+$0x0], $0xffff;
	v9 =	vmul.f32 v59, v9;
	v8 =	vadd.f32 v52, v8  }
0x202: {  	v48 =	vunpack.i.u.bf16.f32 v41;
	v25 =	vunpack.i.u.bf16.f32 v13;
	v13 =	vunpack.i.l.bf16.f32 v13  }
0x203: {  	v13 =	vsel vm1, v13, v25;
	v52 =	vunpack.i.u.bf16.f32 v18;
	v8 =	vadd.f32 v9, v8  }
0x204: {  	v53 =	vunpack.i.l.bf16.f32 v18;
	v57 =	vunpack.i.u.bf16.f32 v14;
	v26 =	vmul.f32 v13, v10;
	v13 =	vld.idx.msk [tilespmem:v28+s21+$0x0], $0xffff  }
0x205: {  	v10 =	vunpack.i.l.bf16.f32 v27;
	v9 =	vsel vm0, v11, v30;
	v8 =	vadd.f32 v21, v8  }
0x206: {  	v10 =	vsel vm0, v10, v35;
	v36 =	vunpack.i.u.bf16.f32 v12;
	v12 =	vunpack.i.l.bf16.f32 v12  }
0x207: {  	v7 =	vld.idx.msk [tilespmem:v7+s21+$0x0], $0xffff;
	v9 =	vmul.f32 v33, v9;
	v38 =	vsel vm1, v12, v36;
	v8 =	vadd.f32 v26, v8  }
0x208: {  	v58 =	vunpack.i.l.bf16.f32 v14;
	v11 =	vunpack.i.l.bf16.f32 v42;
	v12 =	vld.idx.msk [tilespmem:v39+s22+$0x0], $0xffff;
	v40 =	vmul.f32 v38, v10  }
0x209: {  	v50 =	vld.idx.msk [tilespmem:v45+s22+$0x0], $0xffff;
	v44 =	vunpack.i.u.bf16.f32 v13;
	v13 =	vunpack.i.l.bf16.f32 v13;
	v8 =	vadd.f32 v9, v8  }
0x20a: {  	v11 =	vsel vm1, v11, v49;
	v10 =	vunpack.i.l.bf16.f32 v41;
	v9 =	vsel vm0, v13, v44  }
0x20b: {  	v6 =	vld.idx.msk [tilespmem:v6+s22+$0x0], $0xffff;
	v10 =	vsel vm0, v10, v48;
	v9 =	vmul.f32 v47, v9;
	v8 =	vadd.f32 v40, v8  }
0x20c: {  	v62 =	vunpack.i.u.bf16.f32 v7;
	v7 =	vunpack.i.l.bf16.f32 v7;
	v51 =	vmul.f32 v11, v10  }
0x20d: {  	v54 =	vunpack.i.u.bf16.f32 v12;
	v12 =	vunpack.i.l.bf16.f32 v12;
	v8 =	vadd.f32 v9, v8  }
0x20e: {  	v59 =	vunpack.i.u.bf16.f32 v50;
	v10 =	vsel vm0, v53, v52;
	v55 =	vsel vm1, v12, v54  }
0x20f: {  	v13 =	vunpack.i.l.bf16.f32 v50;
	v56 =	vmul.f32 v55, v10;
	v8 =	vadd.f32 v51, v8  }
0x210: {  	v63 =	vunpack.i.u.bf16.f32 v6;
	v60 =	vsel vm1, v13, v59;
	v10 =	vsel vm0, v58, v57  }
0x211: {  	v6 =	vunpack.i.l.bf16.f32 v6;
	v61 =	vmul.f32 v60, v10;
	v8 =	vadd.f32 v56, v8  }
0x212: {  	p0 =	sne.s32 s2, $0xC0;
	v7 =	vsel vm0, v7, v62;
	v6 =	vsel vm1, v6, v63  }
.Ltmp2:
0x213: {  	v6 =	vmul.f32 v6, v7;
	v8 =	vadd.f32 v61, v8;
	(pc) =	sbr.rel @p0 .LBB2_7-.Ltmp2, $3  }
0x214: {  	_ = 	snop  }
0x215: {  	v6 =	vadd.f32 v6, v8;
	_ =	sdelay $0x1  }
0x216: {  	s0 =	sadd.s32 $0x10, s0;
	s2 =	sadd.s32 $0x40, s2;
	[tilespmem:v5+s5+$0x0 ss:$0x1] =	vst.idx.msk $0xffff, v6  }
0x217: {  	s25 =	sadd.s32 $0x1, s25  }
0x218: {  	p0 =	sne.s32 s25, $0x4  }
.Ltmp3:
0x219: {  	_ = 	snop;
	(pc) =	sbr.rel @p0 .LBB2_4-.Ltmp3, $4  }
0x21a: {  	s10 =	sadd.s32 $0x80, s10  }
0x21b: {  	s9 =	sadd.s32 $0x80, s9;
	s8 =	sadd.s32 $0x80, s8;
	s7 =	sadd.s32 $0x80, s7  }
0x21c: {  	s6 =	sadd.s32 $0x80, s6;
	s13 =	sadd.s32 $0x80, s13;
	s14 =	sadd.s32 $0x80, s14  }
0x21d: {  	s28 =	sadd.s32 $0x80, s28;
	s15 =	sadd.s32 $0x80, s15;
	s17 =	sadd.s32 $0x80, s17  }
0x21e: {  	s0 =	rddreg [dreg:$0x9];
	s2 =	simm.s32 $0x8C00  }
0x21f: {  	[hbm4b:s0+s1] =	stream.linear.scatter [tilespmem:s2], [sflag:$0x4], $0x200, $0x38;
	[tilespmem:$0x8E00] =	vst v63  }
0x220: {  	_ =	swait.ge [sflag:s11], $0x200  }
0x221: {  	s26 =	sadd.s32 $0x1, s26;
	s31 =	rddreg [dreg:$0xa]  }
0x222: {  	p0 =	sne.s32 s26, s31  }
.Ltmp4:
0x223: {  	_ = 	snop;
	(pc) =	sbr.rel @p0 .LBB2_1-.Ltmp4, $3  }
0x224: {  	_ =	sdelay $0x1  }
0x225: {  	[sflag:s11] =	ssyncset.done $0x0  }
0x226: {  	[sflag:s11] =	ssyncadd.s32 $0xFFFFFE00  }
0x227: {  	_ =	sfence.sel $0x180000  }
0x228: {  	[bflag:$0x0] =	sbarrier.arrive $0xFFFF  }
0x229: {  	_ =	strace $0x90000047  }
0x22a: {  	s0 =	stileid.u32;
	[bflag:$0x2] =	sbarrier.arrive $0xFFFF  }
0x22b: {  	p0 =	sne.s32 s0, $0x0;
	s0 =	rddreg [dreg:$0x4]  }
0x22c: {  	s0 =	sadd.s32 @!p0 $0x100000, s0  }
0x22d: {  	[sflag:s0] =	ssyncadd.tile.s32 @!p0 $0x1;
	_ =	shalt  }
.Lfunc_end2:
_tile_overlayer_lowered:
.L_overlay_start_2:
0x22e: {  	(tag) =	ssettag $0x2  }
0x22f: {  	s0 =	rddreg [dreg:$0x0];
	s2 =	stileid.u32  }
0x230: {  	s1 =	rddreg [dreg:$0x1];
	p0 =	sne.s32 s2, $0x0  }
0x231: {  	s3 =	rddreg [dreg:$0x2];
	[bflag:$0x3] =	sbarrier.arrive $0xFFFF;
	s2 =	simm.s32 @!p0 $0x1C04  }
0x232: {  	[timem:s3], [sflag:s2] =	dma.local @!p0 [hbm:s0], s1  }
0x233: {  	s0 =	simm.s32 @!p0 $0x4  }
0x234: {  	_ =	swait.ge @!p0 [sflag:s0], s1  }
0x235: {  	s1 =	ssub.s32 @!p0 $0x0, s1;
	[sflag:s0] =	ssyncset.done @!p0 $0x0  }
0x236: {  	[sflag:s0] =	ssyncadd.s32 @!p0 s1  }
0x237: {  	[bflag:$0x3] =	sbarrier.arrive $0xFFFF  }
0x238: {  	_ =	shalt  }

</sc_bundles>
